<compile_context>
chip_gen: v7x
topology: tpu7x:2x2x1
jax: 0.10.2.dev20260603
libtpu: 0.0.44.dev20260713+nightly
codegen_flags: <defaults>
</compile_context>

<pallas_src>
import functools

import jax
import jax.numpy as jnp
from jax import lax
from jax.experimental import pallas as pl
from jax.experimental.pallas import tpu as pltpu
from jax.experimental.pallas import tpu_sc as plsc

N = 10000
NP = 10240
E = 160000
EP = 163840
DH = 128
NC, NS, L = 2, 16, 16
CHUNK = 128
NSEG = 2
NBUF = 2
ROWS_PER_TILE = NP // NS
BR = 256


def _mesh():
    return plsc.VectorSubcoreMesh(core_axis_name="c", subcore_axis_name="s")


def _sc_degree(dst2d):
    half_ch = (EP // NC) // CHUNK
    nch = half_ch // NS
    stripe_ch = ROWS_PER_TILE // CHUNK

    def body(dst_hbm, out0, out1, dst_all, ones_v, buf_v, acc_sh, sem):
        c = lax.axis_index("c")
        t = lax.axis_index("s")

        pltpu.sync_copy(dst_hbm.at[pl.ds((c * NS + t) * nch, nch)], dst_all)

        one = jnp.full((L,), 1.0, jnp.float32)
        zero = jnp.zeros((L,), jnp.float32)

        def init_ones(i, _):
            for j in range(DH // L):
                ones_v[i, pl.ds(j * L, L)] = one
                buf_v[i, pl.ds(j * L, L)] = zero
            return 0
        lax.fori_loop(0, CHUNK, init_ones, 0)

        for j in range(stripe_ch):
            pltpu.sync_copy(
                buf_v, acc_sh.at[pl.ds(t * ROWS_PER_TILE + j * CHUNK, CHUNK)])
        plsc.subcore_barrier()

        def fire(k, _):
            pltpu.async_copy(ones_v, acc_sh.at[dst_all.at[k]], sem, add=True)
            return 0
        lax.fori_loop(0, nch, fire, 0)

        def drain(k, _):
            pltpu.make_async_copy(ones_v, acc_sh.at[dst_all.at[k]], sem).wait()
            return 0
        lax.fori_loop(0, nch, drain, 0)
        plsc.subcore_barrier()

        def make_out(out_hbm):
            def copy_out(j, _):
                base = t * ROWS_PER_TILE + j * CHUNK
                pltpu.sync_copy(acc_sh.at[pl.ds(base, CHUNK)], buf_v)
                pltpu.sync_copy(buf_v, out_hbm.at[pl.ds(base, CHUNK)])
                return 0
            return copy_out

        @pl.when(c == 0)
        def _():
            lax.fori_loop(0, stripe_ch, make_out(out0), 0)

        @pl.when(c == 1)
        def _():
            lax.fori_loop(0, stripe_ch, make_out(out1), 0)

    f = pl.kernel(
        body,
        out_type=(jax.ShapeDtypeStruct((NP, DH), jnp.float32),
                  jax.ShapeDtypeStruct((NP, DH), jnp.float32)),
        mesh=_mesh(),
        scratch_types=[
            pltpu.VMEM((EP // NC // NS // CHUNK, CHUNK), jnp.int32),
            pltpu.VMEM((CHUNK, DH), jnp.float32),
            pltpu.VMEM((CHUNK, DH), jnp.float32),
            pltpu.VMEM_SHARED((NP, DH), jnp.float32),
            pltpu.SemaphoreType.DMA,
        ],
    )
    return f(dst2d)


def _sc_scatter(h0, h1, src2d, dst2d):
    nch = EP // NS // CHUNK
    stripe_ch = ROWS_PER_TILE // CHUNK

    def body(h0_hbm, h1_hbm, src_hbm, dst_hbm, out0, out1,
             src_all, dst_all, bufs, acc_sh, gsems, ssems):
        c = lax.axis_index("c")
        t = lax.axis_index("s")

        zero = jnp.zeros((L,), jnp.float32)

        def init_rows(i, _):
            for j in range(DH // L):
                bufs[0][i, pl.ds(j * L, L)] = zero
            return 0
        lax.fori_loop(0, CHUNK, init_rows, 0)
        for j in range(stripe_ch):
            pltpu.async_copy(
                bufs[0],
                acc_sh.at[pl.ds(t * ROWS_PER_TILE + j * CHUNK, CHUNK)],
                gsems[0])
        for j in range(stripe_ch):
            pltpu.make_async_copy(
                bufs[0],
                acc_sh.at[pl.ds(t * ROWS_PER_TILE + j * CHUNK, CHUNK)],
                gsems[0]).wait()
        plsc.subcore_barrier()

        seg = nch // NSEG

        def make_loop(h_hbm):
            def _loop():
                for s in range(NSEG):
                    pltpu.sync_copy(
                        src_hbm.at[pl.ds(t * nch + s * seg, seg)], src_all)
                    pltpu.sync_copy(
                        dst_hbm.at[pl.ds(t * nch + s * seg, seg)], dst_all)
                    for b in range(NBUF):
                        pltpu.async_copy(
                            h_hbm.at[src_all.at[b]], bufs[b], gsems[b])

                    def step(g, _):
                        k0 = g * NBUF
                        for b in range(NBUF):
                            pltpu.make_async_copy(
                                h_hbm.at[src_all.at[k0 + b]],
                                bufs[b], gsems[b]).wait()
                            pltpu.sync_copy(
                                bufs[b], acc_sh.at[dst_all.at[k0 + b]],
                                add=True)

                            @pl.when(k0 + b + NBUF < seg)
                            def _():
                                pltpu.async_copy(
                                    h_hbm.at[src_all.at[k0 + b + NBUF]],
                                    bufs[b], gsems[b])
                        return 0
                    lax.fori_loop(0, seg // NBUF, step, 0)
            return _loop

        @pl.when(c == 0)
        def _():
            make_loop(h0_hbm)()

        @pl.when(c == 1)
        def _():
            make_loop(h1_hbm)()

        plsc.subcore_barrier()

        def make_out(out_hbm):
            def rd(j, b):
                base = t * ROWS_PER_TILE + j * CHUNK
                pltpu.async_copy(
                    acc_sh.at[pl.ds(base, CHUNK)], bufs[b], gsems[b])

            rd(0, 0)
            rd(1, 1)
            for j in range(stripe_ch):
                b = j & 1
                base = t * ROWS_PER_TILE + j * CHUNK
                pltpu.make_async_copy(
                    acc_sh.at[pl.ds(base, CHUNK)], bufs[b], gsems[b]).wait()
                pltpu.sync_copy(bufs[b], out_hbm.at[pl.ds(base, CHUNK)])
                if j + 2 < stripe_ch:
                    rd(j + 2, b)

        @pl.when(c == 0)
        def _():
            make_out(out0)

        @pl.when(c == 1)
        def _():
            make_out(out1)

    f = pl.kernel(
        body,
        out_type=(jax.ShapeDtypeStruct((NP, DH), jnp.float32),
                  jax.ShapeDtypeStruct((NP, DH), jnp.float32)),
        mesh=_mesh(),
        scratch_types=[
            pltpu.VMEM((EP // NS // CHUNK // NSEG, CHUNK), jnp.int32),
            pltpu.VMEM((EP // NS // CHUNK // NSEG, CHUNK), jnp.int32),
            [pltpu.VMEM((CHUNK, DH), jnp.float32) for _ in range(NBUF)],
            pltpu.VMEM_SHARED((NP, DH), jnp.float32),
            [pltpu.SemaphoreType.DMA for _ in range(NBUF)],
            [pltpu.SemaphoreType.DMA for _ in range(NBUF)],
        ],
    )
    return f(h0, h1, src2d, dst2d)


def _dis(dp0_blk, dp1_blk):
    deg = 1.0 + dp0_blk[:, 0:1] + dp1_blk[:, 0:1]
    return lax.rsqrt(deg)


def _tc_layer1_body(x_ref, w_ref, dp0_ref, dp1_ref, o0_ref, o1_ref):
    s = _dis(dp0_ref[...], dp1_ref[...])
    xh = jnp.dot(x_ref[...], w_ref[...], preferred_element_type=jnp.float32)
    xs = xh * s
    o0_ref[...] = xs[:, :DH]
    o1_ref[...] = xs[:, DH:]


def _tc_layer1(xp, W1, dp0, dp1):
    grid = (NP // BR,)
    return pl.pallas_call(
        _tc_layer1_body,
        grid=grid,
        in_specs=[
            pl.BlockSpec((BR, 256), lambda i: (i, 0)),
            pl.BlockSpec((256, 256), lambda i: (0, 0)),
            pl.BlockSpec((BR, DH), lambda i: (i, 0)),
            pl.BlockSpec((BR, DH), lambda i: (i, 0)),
        ],
        out_specs=(pl.BlockSpec((BR, DH), lambda i: (i, 0)),
                   pl.BlockSpec((BR, DH), lambda i: (i, 0))),
        out_shape=(jax.ShapeDtypeStruct((NP, DH), jnp.float32),
                   jax.ShapeDtypeStruct((NP, DH), jnp.float32)),
    )(xp, W1, dp0, dp1)


def _tc_mid_body(s0_ref, s1_ref, x0_ref, x1_ref, dp0_ref, dp1_ref, b_ref,
                 o0_ref, o1_ref):
    s = _dis(dp0_ref[...], dp1_ref[...])
    pre0 = s * (s0_ref[...] + x0_ref[...]) + b_ref[0:1, :]
    pre1 = s * (s1_ref[...] + x1_ref[...]) + b_ref[1:2, :]
    o0_ref[...] = s * jnp.maximum(pre0, 0.0)
    o1_ref[...] = s * jnp.maximum(pre1, 0.0)


def _tc_mid(s0, s1, x0, x1, dp0, dp1, b1):
    grid = (NP // BR,)
    b2 = b1.reshape(2, DH)
    blk = lambda i: (i, 0)
    return pl.pallas_call(
        _tc_mid_body,
        grid=grid,
        in_specs=[
            pl.BlockSpec((BR, DH), blk),
            pl.BlockSpec((BR, DH), blk),
            pl.BlockSpec((BR, DH), blk),
            pl.BlockSpec((BR, DH), blk),
            pl.BlockSpec((BR, DH), blk),
            pl.BlockSpec((BR, DH), blk),
            pl.BlockSpec((2, DH), lambda i: (0, 0)),
        ],
        out_specs=(pl.BlockSpec((BR, DH), blk),
                   pl.BlockSpec((BR, DH), blk)),
        out_shape=(jax.ShapeDtypeStruct((NP, DH), jnp.float32),
                   jax.ShapeDtypeStruct((NP, DH), jnp.float32)),
    )(s0, s1, x0, x1, dp0, dp1, b2)


def _tc_final_body(t0_ref, t1_ref, h0_ref, h1_ref, dp0_ref, dp1_ref,
                   wmu_ref, bmu_ref, wlv_ref, blv_ref, mu_ref, lv_ref):
    s = _dis(dp0_ref[...], dp1_ref[...])
    c0 = s * (t0_ref[...] + h0_ref[...])
    c1 = s * (t1_ref[...] + h1_ref[...])
    wmu = wmu_ref[...]
    wlv = wlv_ref[...]
    mu_ref[...] = (jnp.dot(c0, wmu[:DH], preferred_element_type=jnp.float32)
                   + jnp.dot(c1, wmu[DH:], preferred_element_type=jnp.float32)
                   + bmu_ref[0:1, :])
    lv_ref[...] = (jnp.dot(c0, wlv[:DH], preferred_element_type=jnp.float32)
                   + jnp.dot(c1, wlv[DH:], preferred_element_type=jnp.float32)
                   + blv_ref[0:1, :])


def _tc_final(t0, t1, h0, h1, dp0, dp1, W_mu, b_mu, W_logvar, b_logvar):
    grid = (NP // BR,)
    blk = lambda i: (i, 0)
    return pl.pallas_call(
        _tc_final_body,
        grid=grid,
        in_specs=[
            pl.BlockSpec((BR, DH), blk),
            pl.BlockSpec((BR, DH), blk),
            pl.BlockSpec((BR, DH), blk),
            pl.BlockSpec((BR, DH), blk),
            pl.BlockSpec((BR, DH), blk),
            pl.BlockSpec((BR, DH), blk),
            pl.BlockSpec((256, DH), lambda i: (0, 0)),
            pl.BlockSpec((1, DH), lambda i: (0, 0)),
            pl.BlockSpec((256, DH), lambda i: (0, 0)),
            pl.BlockSpec((1, DH), lambda i: (0, 0)),
        ],
        out_specs=(pl.BlockSpec((BR, DH), blk),
                   pl.BlockSpec((BR, DH), blk)),
        out_shape=(jax.ShapeDtypeStruct((NP, DH), jnp.float32),
                   jax.ShapeDtypeStruct((NP, DH), jnp.float32)),
    )(t0, t1, h0, h1, dp0, dp1, W_mu, b_mu.reshape(1, DH),
      W_logvar, b_logvar.reshape(1, DH))


def kernel(x, edge_index, W1, b1, W_mu, b_mu, W_logvar, b_logvar):
    src = edge_index[0].astype(jnp.int32)
    dst = edge_index[1].astype(jnp.int32)
    pad = EP - E
    src2d = jnp.concatenate([src, jnp.zeros((pad,), jnp.int32)]).reshape(
        EP // CHUNK, CHUNK)
    dst2d = jnp.concatenate([dst, jnp.full((pad,), N, jnp.int32)]).reshape(
        EP // CHUNK, CHUNK)
    xp = jnp.concatenate([x, jnp.zeros((NP - N, x.shape[1]), x.dtype)])

    dp0, dp1 = _sc_degree(dst2d)
    x0, x1 = _tc_layer1(xp, W1, dp0, dp1)
    s0, s1 = _sc_scatter(x0, x1, src2d, dst2d)
    h0, h1 = _tc_mid(s0, s1, x0, x1, dp0, dp1, b1)
    t0, t1 = _sc_scatter(h0, h1, src2d, dst2d)
    mu, lv = _tc_final(t0, t1, h0, h1, dp0, dp1, W_mu, b_mu, W_logvar, b_logvar)
    return mu[:N], lv[:N]

# --- scband reference (transcript-rebuilt; emitter-appended) ---
"""Pipeline reference for scband-gcnencoder-14250701488553 (READ-ONLY COPY).

The authoritative reference and input builder live on the scoring server;
editing this copy changes nothing except your own understanding.
"""

import jax, jax.numpy as jnp
import numpy as np

N_NODES = 10000
N_EDGES = 160000
D_IN = 256
D_HID = 256
D_LAT = 128


def gcn_conv(x, edge_index, W, b):
    # Faithful translation of torch_geometric GCNConv (add_self_loops=True,
    # normalize=True, bias=True): h = x @ W; out = D^-1/2 A_hat D^-1/2 h + b
    n = x.shape[0]
    h = x @ W
    src = edge_index[0]
    dst = edge_index[1]
    loop = jnp.arange(n, dtype=edge_index.dtype)
    src = jnp.concatenate([src, loop])
    dst = jnp.concatenate([dst, loop])
    # symmetric normalization: deg computed on dst (in-degree incl. self loops)
    deg = jnp.zeros((n,), dtype=h.dtype).at[dst].add(1.0)
    deg_inv_sqrt = jnp.where(deg > 0, deg ** -0.5, 0.0)
    norm = deg_inv_sqrt[src] * deg_inv_sqrt[dst]
    msg = h[src] * norm[:, None]
    out = jnp.zeros((n, h.shape[1]), dtype=h.dtype).at[dst].add(msg)
    return out + b


def setup_inputs(seed: int = 0) -> dict:
    key = jax.random.key(seed)
    ks = jax.random.split(key, 8)
    x = jax.random.normal(ks[0], (N_NODES, D_IN), dtype=jnp.float32)
    edge_index = jax.random.randint(ks[1], (2, N_EDGES), 0, N_NODES).astype(jnp.int64)
    W1 = jax.random.normal(ks[2], (D_IN, D_HID), dtype=jnp.float32) * (1.0 / np.sqrt(D_IN))
    b1 = jnp.zeros((D_HID,), dtype=jnp.float32)
    W_mu = jax.random.normal(ks[3], (D_HID, D_LAT), dtype=jnp.float32) * (1.0 / np.sqrt(D_HID))
    b_mu = jnp.zeros((D_LAT,), dtype=jnp.float32)
    W_logvar = jax.random.normal(ks[4], (D_HID, D_LAT), dtype=jnp.float32) * (1.0 / np.sqrt(D_HID))
    b_logvar = jnp.zeros((D_LAT,), dtype=jnp.float32)
    return {"x": x, "edge_index": edge_index, "W1": W1, "b1": b1,
            "W_mu": W_mu, "b_mu": b_mu, "W_logvar": W_logvar, "b_logvar": b_logvar}


def reference(x, edge_index, W1, b1, W_mu, b_mu, W_logvar, b_logvar):
    h = jax.nn.relu(gcn_conv(x, edge_index, W1, b1))
    mu = gcn_conv(h, edge_index, W_mu, b_mu)
    logvar = gcn_conv(h, edge_index, W_logvar, b_logvar)
    return (mu, logvar)

if __name__ == "__main__":
    import jax
    _d = setup_inputs()
    print(jax.jit(kernel)(*tuple(_d.values())))

</pallas_src>

<mosaic_0001>
#map = affine_map<(d0, d1) -> (0, 0)>
module attributes {stable_mosaic.version = 14 : i64} {
  func.func @body(%arg0: i32, %arg1: i32, %arg2: memref<10240x128xf32, #tpu.memory_space<hbm>>, %arg3: memref<10240x128xf32, #tpu.memory_space<hbm>>, %arg4: memref<1280x128xi32, #tpu.memory_space<hbm>>, %arg5: memref<1280x128xi32, #tpu.memory_space<hbm>>, %arg6: memref<10240x128xf32, #tpu.memory_space<hbm>>, %arg7: memref<10240x128xf32, #tpu.memory_space<hbm>>, %arg8: memref<40x128xi32, #tpu.memory_space<vmem>>, %arg9: memref<40x128xi32, #tpu.memory_space<vmem>>, %arg10: memref<128x128xf32, #tpu.memory_space<vmem>>, %arg11: memref<128x128xf32, #tpu.memory_space<vmem>>, %arg12: memref<10240x128xf32, #tpu.memory_space<vmem_shared>>, %arg13: memref<!tpu.dma_semaphore, #tpu.memory_space<semaphore_mem>>, %arg14: memref<!tpu.dma_semaphore, #tpu.memory_space<semaphore_mem>>, %arg15: memref<!tpu.dma_semaphore, #tpu.memory_space<semaphore_mem>>, %arg16: memref<!tpu.dma_semaphore, #tpu.memory_space<semaphore_mem>>) attributes {dimension_semantics = [#tpu.dimension_semantics<core_parallel>, #tpu.dimension_semantics<subcore_parallel>], iteration_bounds = array<i64: 2, 16>, scalar_prefetch = 0 : i64, scratch_operands = 9 : i64, tpu.core_type = #tpu.core_type<sc_vector_subcore>, window_params = [{transform_indices = #map}, {transform_indices = #map}, {transform_indices = #map}, {transform_indices = #map}, {transform_indices = #map}, {transform_indices = #map}]} {
    %broadcast_in_dim3A = arith.constant 0.000000e+00 : f32
    %broadcast_in_dim3A_0 = vector.broadcast %broadcast_in_dim3A : f32 to vector<16xf32>
    %scan3A = arith.constant 0 : i32
    %scan3A_1 = arith.constant 0 : i32
    %scan3A_2 = arith.constant 128 : i32
    %scan3A_3 = arith.addi %scan3A_1, %scan3A_2 : i32
    %scan3A_4 = arith.constant 1 : i32
    %scan3A_5 = scf.for %scan3A_101 = %scan3A_1 to %scan3A_3 step %scan3A_4 iter_args(%scan3A_102 = %scan3A) -> (i32)  : i32 {
      %swap3A = arith.index_cast %scan3A_101 : i32 to index
      %swap3A_103 = arith.constant 0 : index
      %swap3A_104 = tpu.vector_load %arg10[%swap3A, %swap3A_103] {strides = array<i32>} : memref<128x128xf32, #tpu.memory_space<vmem>>, vector<1x16xf32>,
      %swap3A_105 = vector.shape_cast %swap3A_104 : vector<1x16xf32> to vector<16xf32>
      %swap3A_106 = vector.shape_cast %broadcast_in_dim3A_0 : vector<16xf32> to vector<1x16xf32>
      tpu.vector_store %arg10[%swap3A, %swap3A_103], %swap3A_106 {strides = array<i32>} : memref<128x128xf32, #tpu.memory_space<vmem>>, vector<1x16xf32>,
      %swap3A_107 = arith.index_cast %scan3A_101 : i32 to index
      %swap3A_108 = arith.constant 16 : index
      %swap3A_109 = tpu.vector_load %arg10[%swap3A_107, %swap3A_108] {strides = array<i32>} : memref<128x128xf32, #tpu.memory_space<vmem>>, vector<1x16xf32>,
      %swap3A_110 = vector.shape_cast %swap3A_109 : vector<1x16xf32> to vector<16xf32>
      %swap3A_111 = vector.shape_cast %broadcast_in_dim3A_0 : vector<16xf32> to vector<1x16xf32>
      tpu.vector_store %arg10[%swap3A_107, %swap3A_108], %swap3A_111 {strides = array<i32>} : memref<128x128xf32, #tpu.memory_space<vmem>>, vector<1x16xf32>,
      %swap3A_112 = arith.index_cast %scan3A_101 : i32 to index
      %swap3A_113 = arith.constant 32 : index
      %swap3A_114 = tpu.vector_load %arg10[%swap3A_112, %swap3A_113] {strides = array<i32>} : memref<128x128xf32, #tpu.memory_space<vmem>>, vector<1x16xf32>,
      %swap3A_115 = vector.shape_cast %swap3A_114 : vector<1x16xf32> to vector<16xf32>
      %swap3A_116 = vector.shape_cast %broadcast_in_dim3A_0 : vector<16xf32> to vector<1x16xf32>
      tpu.vector_store %arg10[%swap3A_112, %swap3A_113], %swap3A_116 {strides = array<i32>} : memref<128x128xf32, #tpu.memory_space<vmem>>, vector<1x16xf32>,
      %swap3A_117 = arith.index_cast %scan3A_101 : i32 to index
      %swap3A_118 = arith.constant 48 : index
      %swap3A_119 = tpu.vector_load %arg10[%swap3A_117, %swap3A_118] {strides = array<i32>} : memref<128x128xf32, #tpu.memory_space<vmem>>, vector<1x16xf32>,
      %swap3A_120 = vector.shape_cast %swap3A_119 : vector<1x16xf32> to vector<16xf32>
      %swap3A_121 = vector.shape_cast %broadcast_in_dim3A_0 : vector<16xf32> to vector<1x16xf32>
      tpu.vector_store %arg10[%swap3A_117, %swap3A_118], %swap3A_121 {strides = array<i32>} : memref<128x128xf32, #tpu.memory_space<vmem>>, vector<1x16xf32>,
      %swap3A_122 = arith.index_cast %scan3A_101 : i32 to index
      %swap3A_123 = arith.constant 64 : index
      %swap3A_124 = tpu.vector_load %arg10[%swap3A_122, %swap3A_123] {strides = array<i32>} : memref<128x128xf32, #tpu.memory_space<vmem>>, vector<1x16xf32>,
      %swap3A_125 = vector.shape_cast %swap3A_124 : vector<1x16xf32> to vector<16xf32>
      %swap3A_126 = vector.shape_cast %broadcast_in_dim3A_0 : vector<16xf32> to vector<1x16xf32>
      tpu.vector_store %arg10[%swap3A_122, %swap3A_123], %swap3A_126 {strides = array<i32>} : memref<128x128xf32, #tpu.memory_space<vmem>>, vector<1x16xf32>,
      %swap3A_127 = arith.index_cast %scan3A_101 : i32 to index
      %swap3A_128 = arith.constant 80 : index
      %swap3A_129 = tpu.vector_load %arg10[%swap3A_127, %swap3A_128] {strides = array<i32>} : memref<128x128xf32, #tpu.memory_space<vmem>>, vector<1x16xf32>,
      %swap3A_130 = vector.shape_cast %swap3A_129 : vector<1x16xf32> to vector<16xf32>
      %swap3A_131 = vector.shape_cast %broadcast_in_dim3A_0 : vector<16xf32> to vector<1x16xf32>
      tpu.vector_store %arg10[%swap3A_127, %swap3A_128], %swap3A_131 {strides = array<i32>} : memref<128x128xf32, #tpu.memory_space<vmem>>, vector<1x16xf32>,
      %swap3A_132 = arith.index_cast %scan3A_101 : i32 to index
      %swap3A_133 = arith.constant 96 : index
      %swap3A_134 = tpu.vector_load %arg10[%swap3A_132, %swap3A_133] {strides = array<i32>} : memref<128x128xf32, #tpu.memory_space<vmem>>, vector<1x16xf32>,
      %swap3A_135 = vector.shape_cast %swap3A_134 : vector<1x16xf32> to vector<16xf32>
      %swap3A_136 = vector.shape_cast %broadcast_in_dim3A_0 : vector<16xf32> to vector<1x16xf32>
      tpu.vector_store %arg10[%swap3A_132, %swap3A_133], %swap3A_136 {strides = array<i32>} : memref<128x128xf32, #tpu.memory_space<vmem>>, vector<1x16xf32>,
      %swap3A_137 = arith.index_cast %scan3A_101 : i32 to index
      %swap3A_138 = arith.constant 112 : index
      %swap3A_139 = tpu.vector_load %arg10[%swap3A_137, %swap3A_138] {strides = array<i32>} : memref<128x128xf32, #tpu.memory_space<vmem>>, vector<1x16xf32>,
      %swap3A_140 = vector.shape_cast %swap3A_139 : vector<1x16xf32> to vector<16xf32>
      %swap3A_141 = vector.shape_cast %broadcast_in_dim3A_0 : vector<16xf32> to vector<1x16xf32>
      tpu.vector_store %arg10[%swap3A_137, %swap3A_138], %swap3A_141 {strides = array<i32>} : memref<128x128xf32, #tpu.memory_space<vmem>>, vector<1x16xf32>,
      %scan3A_142 = arith.constant 0 : i32
      scf.yield %scan3A_142 : i32
    }
    %scan3A_6 = arith.constant 128 : i32
    %mul3A = arith.constant 640 : i32
    %mul3A_7 = arith.muli %arg1, %mul3A : i32
    %add3A = arith.constant 0 : i32
    %add3A_8 = arith.addi %mul3A_7, %add3A : i32
    %dma_start3A = arith.constant 0 : i32
    %dma_start3A_9 = tpu.memref_slice %arg12[%add3A_8, %dma_start3A] : memref<10240x128xf32, #tpu.memory_space<vmem_shared>> -> memref<128x128xf32, #tpu.memory_space<vmem_shared>>
    %dma_start3A_10 = arith.constant 0 : i32
    %dma_start3A_11 = tpu.memref_slice %arg12[%add3A_8, %dma_start3A_10] : memref<10240x128xf32, #tpu.memory_space<vmem_shared>> -> memref<128x128xf32, #tpu.memory_space<vmem_shared>>
    tpu.enqueue_dma source(%arg10 : memref<128x128xf32, #tpu.memory_space<vmem>>) target(%dma_start3A_11 : memref<128x128xf32, #tpu.memory_space<vmem_shared>>) target_semaphore(%arg13 : memref<!tpu.dma_semaphore, #tpu.memory_space<semaphore_mem>>)
    %mul3A_12 = arith.constant 640 : i32
    %mul3A_13 = arith.muli %arg1, %mul3A_12 : i32
    %add3A_14 = arith.constant 128 : i32
    %add3A_15 = arith.addi %mul3A_13, %add3A_14 : i32
    %dma_start3A_16 = arith.constant 0 : i32
    %dma_start3A_17 = tpu.memref_slice %arg12[%add3A_15, %dma_start3A_16] : memref<10240x128xf32, #tpu.memory_space<vmem_shared>> -> memref<128x128xf32, #tpu.memory_space<vmem_shared>>
    %dma_start3A_18 = arith.constant 0 : i32
    %dma_start3A_19 = tpu.memref_slice %arg12[%add3A_15, %dma_start3A_18] : memref<10240x128xf32, #tpu.memory_space<vmem_shared>> -> memref<128x128xf32, #tpu.memory_space<vmem_shared>>
    tpu.enqueue_dma source(%arg10 : memref<128x128xf32, #tpu.memory_space<vmem>>) target(%dma_start3A_19 : memref<128x128xf32, #tpu.memory_space<vmem_shared>>) target_semaphore(%arg13 : memref<!tpu.dma_semaphore, #tpu.memory_space<semaphore_mem>>)
    %mul3A_20 = arith.constant 640 : i32
    %mul3A_21 = arith.muli %arg1, %mul3A_20 : i32
    %add3A_22 = arith.constant 256 : i32
    %add3A_23 = arith.addi %mul3A_21, %add3A_22 : i32
    %dma_start3A_24 = arith.constant 0 : i32
    %dma_start3A_25 = tpu.memref_slice %arg12[%add3A_23, %dma_start3A_24] : memref<10240x128xf32, #tpu.memory_space<vmem_shared>> -> memref<128x128xf32, #tpu.memory_space<vmem_shared>>
    %dma_start3A_26 = arith.constant 0 : i32
    %dma_start3A_27 = tpu.memref_slice %arg12[%add3A_23, %dma_start3A_26] : memref<10240x128xf32, #tpu.memory_space<vmem_shared>> -> memref<128x128xf32, #tpu.memory_space<vmem_shared>>
    tpu.enqueue_dma source(%arg10 : memref<128x128xf32, #tpu.memory_space<vmem>>) target(%dma_start3A_27 : memref<128x128xf32, #tpu.memory_space<vmem_shared>>) target_semaphore(%arg13 : memref<!tpu.dma_semaphore, #tpu.memory_space<semaphore_mem>>)
    %mul3A_28 = arith.constant 640 : i32
    %mul3A_29 = arith.muli %arg1, %mul3A_28 : i32
    %add3A_30 = arith.constant 384 : i32
    %add3A_31 = arith.addi %mul3A_29, %add3A_30 : i32
    %dma_start3A_32 = arith.constant 0 : i32
    %dma_start3A_33 = tpu.memref_slice %arg12[%add3A_31, %dma_start3A_32] : memref<10240x128xf32, #tpu.memory_space<vmem_shared>> -> memref<128x128xf32, #tpu.memory_space<vmem_shared>>
    %dma_start3A_34 = arith.constant 0 : i32
    %dma_start3A_35 = tpu.memref_slice %arg12[%add3A_31, %dma_start3A_34] : memref<10240x128xf32, #tpu.memory_space<vmem_shared>> -> memref<128x128xf32, #tpu.memory_space<vmem_shared>>
    tpu.enqueue_dma source(%arg10 : memref<128x128xf32, #tpu.memory_space<vmem>>) target(%dma_start3A_35 : memref<128x128xf32, #tpu.memory_space<vmem_shared>>) target_semaphore(%arg13 : memref<!tpu.dma_semaphore, #tpu.memory_space<semaphore_mem>>)
    %mul3A_36 = arith.constant 640 : i32
    %mul3A_37 = arith.muli %arg1, %mul3A_36 : i32
    %add3A_38 = arith.constant 512 : i32
    %add3A_39 = arith.addi %mul3A_37, %add3A_38 : i32
    %dma_start3A_40 = arith.constant 0 : i32
    %dma_start3A_41 = tpu.memref_slice %arg12[%add3A_39, %dma_start3A_40] : memref<10240x128xf32, #tpu.memory_space<vmem_shared>> -> memref<128x128xf32, #tpu.memory_space<vmem_shared>>
    %dma_start3A_42 = arith.constant 0 : i32
    %dma_start3A_43 = tpu.memref_slice %arg12[%add3A_39, %dma_start3A_42] : memref<10240x128xf32, #tpu.memory_space<vmem_shared>> -> memref<128x128xf32, #tpu.memory_space<vmem_shared>>
    tpu.enqueue_dma source(%arg10 : memref<128x128xf32, #tpu.memory_space<vmem>>) target(%dma_start3A_43 : memref<128x128xf32, #tpu.memory_space<vmem_shared>>) target_semaphore(%arg13 : memref<!tpu.dma_semaphore, #tpu.memory_space<semaphore_mem>>)
    %mul3A_44 = arith.constant 640 : i32
    %mul3A_45 = arith.muli %arg1, %mul3A_44 : i32
    %add3A_46 = arith.constant 0 : i32
    %add3A_47 = arith.addi %mul3A_45, %add3A_46 : i32
    %dma_wait3A = arith.constant 0 : i32
    %dma_wait3A_48 = tpu.memref_slice %arg12[%add3A_47, %dma_wait3A] : memref<10240x128xf32, #tpu.memory_space<vmem_shared>> -> memref<128x128xf32, #tpu.memory_space<vmem_shared>>
    %dma_wait3A_49 = arith.constant 0 : i32
    %dma_wait3A_50 = tpu.memref_slice %arg12[%add3A_47, %dma_wait3A_49] : memref<10240x128xf32, #tpu.memory_space<vmem_shared>> -> memref<128x128xf32, #tpu.memory_space<vmem_shared>>
    tpu.wait_dma2 semaphore(%arg13 : memref<!tpu.dma_semaphore, #tpu.memory_space<semaphore_mem>>) src(%arg10 : memref<128x128xf32, #tpu.memory_space<vmem>>) dst(%dma_wait3A_50 : memref<128x128xf32, #tpu.memory_space<vmem_shared>>)
    %mul3A_51 = arith.constant 640 : i32
    %mul3A_52 = arith.muli %arg1, %mul3A_51 : i32
    %add3A_53 = arith.constant 128 : i32
    %add3A_54 = arith.addi %mul3A_52, %add3A_53 : i32
    %dma_wait3A_55 = arith.constant 0 : i32
    %dma_wait3A_56 = tpu.memref_slice %arg12[%add3A_54, %dma_wait3A_55] : memref<10240x128xf32, #tpu.memory_space<vmem_shared>> -> memref<128x128xf32, #tpu.memory_space<vmem_shared>>
    %dma_wait3A_57 = arith.constant 0 : i32
    %dma_wait3A_58 = tpu.memref_slice %arg12[%add3A_54, %dma_wait3A_57] : memref<10240x128xf32, #tpu.memory_space<vmem_shared>> -> memref<128x128xf32, #tpu.memory_space<vmem_shared>>
    tpu.wait_dma2 semaphore(%arg13 : memref<!tpu.dma_semaphore, #tpu.memory_space<semaphore_mem>>) src(%arg10 : memref<128x128xf32, #tpu.memory_space<vmem>>) dst(%dma_wait3A_58 : memref<128x128xf32, #tpu.memory_space<vmem_shared>>)
    %mul3A_59 = arith.constant 640 : i32
    %mul3A_60 = arith.muli %arg1, %mul3A_59 : i32
    %add3A_61 = arith.constant 256 : i32
    %add3A_62 = arith.addi %mul3A_60, %add3A_61 : i32
    %dma_wait3A_63 = arith.constant 0 : i32
    %dma_wait3A_64 = tpu.memref_slice %arg12[%add3A_62, %dma_wait3A_63] : memref<10240x128xf32, #tpu.memory_space<vmem_shared>> -> memref<128x128xf32, #tpu.memory_space<vmem_shared>>
    %dma_wait3A_65 = arith.constant 0 : i32
    %dma_wait3A_66 = tpu.memref_slice %arg12[%add3A_62, %dma_wait3A_65] : memref<10240x128xf32, #tpu.memory_space<vmem_shared>> -> memref<128x128xf32, #tpu.memory_space<vmem_shared>>
    tpu.wait_dma2 semaphore(%arg13 : memref<!tpu.dma_semaphore, #tpu.memory_space<semaphore_mem>>) src(%arg10 : memref<128x128xf32, #tpu.memory_space<vmem>>) dst(%dma_wait3A_66 : memref<128x128xf32, #tpu.memory_space<vmem_shared>>)
    %mul3A_67 = arith.constant 640 : i32
    %mul3A_68 = arith.muli %arg1, %mul3A_67 : i32
    %add3A_69 = arith.constant 384 : i32
    %add3A_70 = arith.addi %mul3A_68, %add3A_69 : i32
    %dma_wait3A_71 = arith.constant 0 : i32
    %dma_wait3A_72 = tpu.memref_slice %arg12[%add3A_70, %dma_wait3A_71] : memref<10240x128xf32, #tpu.memory_space<vmem_shared>> -> memref<128x128xf32, #tpu.memory_space<vmem_shared>>
    %dma_wait3A_73 = arith.constant 0 : i32
    %dma_wait3A_74 = tpu.memref_slice %arg12[%add3A_70, %dma_wait3A_73] : memref<10240x128xf32, #tpu.memory_space<vmem_shared>> -> memref<128x128xf32, #tpu.memory_space<vmem_shared>>
    tpu.wait_dma2 semaphore(%arg13 : memref<!tpu.dma_semaphore, #tpu.memory_space<semaphore_mem>>) src(%arg10 : memref<128x128xf32, #tpu.memory_space<vmem>>) dst(%dma_wait3A_74 : memref<128x128xf32, #tpu.memory_space<vmem_shared>>)
    %mul3A_75 = arith.constant 640 : i32
    %mul3A_76 = arith.muli %arg1, %mul3A_75 : i32
    %add3A_77 = arith.constant 512 : i32
    %add3A_78 = arith.addi %mul3A_76, %add3A_77 : i32
    %dma_wait3A_79 = arith.constant 0 : i32
    %dma_wait3A_80 = tpu.memref_slice %arg12[%add3A_78, %dma_wait3A_79] : memref<10240x128xf32, #tpu.memory_space<vmem_shared>> -> memref<128x128xf32, #tpu.memory_space<vmem_shared>>
    %dma_wait3A_81 = arith.constant 0 : i32
    %dma_wait3A_82 = tpu.memref_slice %arg12[%add3A_78, %dma_wait3A_81] : memref<10240x128xf32, #tpu.memory_space<vmem_shared>> -> memref<128x128xf32, #tpu.memory_space<vmem_shared>>
    tpu.wait_dma2 semaphore(%arg13 : memref<!tpu.dma_semaphore, #tpu.memory_space<semaphore_mem>>) src(%arg10 : memref<128x128xf32, #tpu.memory_space<vmem>>) dst(%dma_wait3A_82 : memref<128x128xf32, #tpu.memory_space<vmem_shared>>)
    %barrier3A = arith.constant 0 : index
    tpu.barrier barrier_id(%barrier3A)
    %eq3A = arith.constant 0 : i32
    %eq3A_83 = arith.cmpi eq, %arg0, %eq3A : i32
    %convert_element_type3A = arith.extui %eq3A_83 : i1 to i32
    %cond3A = arith.constant 0 : i32
    %cond3A_84 = arith.cmpi ne, %convert_element_type3A, %cond3A : i32
    scf.if %cond3A_84 {
      %mul3A_101 = arith.constant 80 : i32
      %mul3A_102 = arith.muli %arg1, %mul3A_101 : i32
      %add3A_103 = arith.constant 0 : i32
      %add3A_104 = arith.addi %mul3A_102, %add3A_103 : i32
      "tpu.region"() ({
        %run_scoped3A = tpu.sem_alloc : memref<!tpu.dma_semaphore, #tpu.memory_space<semaphore_mem>>
        %dma_start3A_159 = arith.constant 0 : i32
        %dma_start3A_160 = tpu.memref_slice %arg4[%add3A_104, %dma_start3A_159] : memref<1280x128xi32, #tpu.memory_space<hbm>> -> memref<40x128xi32, #tpu.memory_space<hbm>>
        %dma_start3A_161 = arith.constant 0 : i32
        %dma_start3A_162 = tpu.memref_slice %arg4[%add3A_104, %dma_start3A_161] : memref<1280x128xi32, #tpu.memory_space<hbm>> -> memref<40x128xi32, #tpu.memory_space<hbm>>
        tpu.enqueue_dma source(%dma_start3A_162 : memref<40x128xi32, #tpu.memory_space<hbm>>) target(%arg8 : memref<40x128xi32, #tpu.memory_space<vmem>>) target_semaphore(%run_scoped3A : memref<!tpu.dma_semaphore, #tpu.memory_space<semaphore_mem>>)
        %dma_wait3A_163 = arith.constant 0 : i32
        %dma_wait3A_164 = tpu.memref_slice %arg4[%add3A_104, %dma_wait3A_163] : memref<1280x128xi32, #tpu.memory_space<hbm>> -> memref<40x128xi32, #tpu.memory_space<hbm>>
        %dma_wait3A_165 = arith.constant 0 : i32
        %dma_wait3A_166 = tpu.memref_slice %arg4[%add3A_104, %dma_wait3A_165] : memref<1280x128xi32, #tpu.memory_space<hbm>> -> memref<40x128xi32, #tpu.memory_space<hbm>>
        tpu.wait_dma2 semaphore(%run_scoped3A : memref<!tpu.dma_semaphore, #tpu.memory_space<semaphore_mem>>) src(%dma_wait3A_166 : memref<40x128xi32, #tpu.memory_space<hbm>>) dst(%arg8 : memref<40x128xi32, #tpu.memory_space<vmem>>)
        tpu.yield
      }) : () -> ()
      %mul3A_105 = arith.constant 80 : i32
      %mul3A_106 = arith.muli %arg1, %mul3A_105 : i32
      %add3A_107 = arith.constant 0 : i32
      %add3A_108 = arith.addi %mul3A_106, %add3A_107 : i32
      "tpu.region"() ({
        %run_scoped3A = tpu.sem_alloc : memref<!tpu.dma_semaphore, #tpu.memory_space<semaphore_mem>>
        %dma_start3A_159 = arith.constant 0 : i32
        %dma_start3A_160 = tpu.memref_slice %arg5[%add3A_108, %dma_start3A_159] : memref<1280x128xi32, #tpu.memory_space<hbm>> -> memref<40x128xi32, #tpu.memory_space<hbm>>
        %dma_start3A_161 = arith.constant 0 : i32
        %dma_start3A_162 = tpu.memref_slice %arg5[%add3A_108, %dma_start3A_161] : memref<1280x128xi32, #tpu.memory_space<hbm>> -> memref<40x128xi32, #tpu.memory_space<hbm>>
        tpu.enqueue_dma source(%dma_start3A_162 : memref<40x128xi32, #tpu.memory_space<hbm>>) target(%arg9 : memref<40x128xi32, #tpu.memory_space<vmem>>) target_semaphore(%run_scoped3A : memref<!tpu.dma_semaphore, #tpu.memory_space<semaphore_mem>>)
        %dma_wait3A_163 = arith.constant 0 : i32
        %dma_wait3A_164 = tpu.memref_slice %arg5[%add3A_108, %dma_wait3A_163] : memref<1280x128xi32, #tpu.memory_space<hbm>> -> memref<40x128xi32, #tpu.memory_space<hbm>>
        %dma_wait3A_165 = arith.constant 0 : i32
        %dma_wait3A_166 = tpu.memref_slice %arg5[%add3A_108, %dma_wait3A_165] : memref<1280x128xi32, #tpu.memory_space<hbm>> -> memref<40x128xi32, #tpu.memory_space<hbm>>
        tpu.wait_dma2 semaphore(%run_scoped3A : memref<!tpu.dma_semaphore, #tpu.memory_space<semaphore_mem>>) src(%dma_wait3A_166 : memref<40x128xi32, #tpu.memory_space<hbm>>) dst(%arg9 : memref<40x128xi32, #tpu.memory_space<vmem>>)
        tpu.yield
      }) : () -> ()
      %dma_start3A_109 = arith.constant 0 : i32
      %dma_start3A_110 = arith.constant 0 : i32
      %dma_start3A_111 = tpu.memref_slice %arg8[%dma_start3A_109, %dma_start3A_110] : memref<40x128xi32, #tpu.memory_space<vmem>> -> memref<1x128xi32, #tpu.memory_space<vmem>>
      %dma_start3A_112 = tpu.memref_squeeze %dma_start3A_111 : memref<1x128xi32, #tpu.memory_space<vmem>> -> memref<128xi32, #tpu.memory_space<vmem>>
      %dma_start3A_113 = arith.constant 0 : i32
      %dma_start3A_114 = arith.constant 0 : i32
      %dma_start3A_115 = tpu.memref_slice %arg2[%dma_start3A_113, %dma_start3A_114] : memref<10240x128xf32, #tpu.memory_space<hbm>> -> memref<10240x128xf32, #tpu.memory_space<hbm>>
      tpu.enqueue_indirect_dma source(%dma_start3A_115 : memref<10240x128xf32, #tpu.memory_space<hbm>>) target(%arg10 : memref<128x128xf32, #tpu.memory_space<vmem>>) offsets(%dma_start3A_112 : memref<128xi32, #tpu.memory_space<vmem>>) semaphore(%arg13 : memref<!tpu.dma_semaphore, #tpu.memory_space<semaphore_mem>>)
      %dma_start3A_116 = arith.constant 1 : i32
      %dma_start3A_117 = arith.constant 0 : i32
      %dma_start3A_118 = tpu.memref_slice %arg8[%dma_start3A_116, %dma_start3A_117] : memref<40x128xi32, #tpu.memory_space<vmem>> -> memref<1x128xi32, #tpu.memory_space<vmem>>
      %dma_start3A_119 = tpu.memref_squeeze %dma_start3A_118 : memref<1x128xi32, #tpu.memory_space<vmem>> -> memref<128xi32, #tpu.memory_space<vmem>>
      %dma_start3A_120 = arith.constant 0 : i32
      %dma_start3A_121 = arith.constant 0 : i32
      %dma_start3A_122 = tpu.memref_slice %arg2[%dma_start3A_120, %dma_start3A_121] : memref<10240x128xf32, #tpu.memory_space<hbm>> -> memref<10240x128xf32, #tpu.memory_space<hbm>>
      tpu.enqueue_indirect_dma source(%dma_start3A_122 : memref<10240x128xf32, #tpu.memory_space<hbm>>) target(%arg11 : memref<128x128xf32, #tpu.memory_space<vmem>>) offsets(%dma_start3A_119 : memref<128xi32, #tpu.memory_space<vmem>>) semaphore(%arg14 : memref<!tpu.dma_semaphore, #tpu.memory_space<semaphore_mem>>)
      %scan3A_123 = arith.constant 0 : i32
      %scan3A_124 = arith.constant 0 : i32
      %scan3A_125 = arith.constant 20 : i32
      %scan3A_126 = arith.addi %scan3A_124, %scan3A_125 : i32
      %scan3A_127 = arith.constant 1 : i32
      %scan3A_128 = scf.for %scan3A_159 = %scan3A_124 to %scan3A_126 step %scan3A_127 iter_args(%scan3A_160 = %scan3A_123) -> (i32)  : i32 {
        %mul3A_161 = arith.constant 2 : i32
        %mul3A_162 = arith.muli %scan3A_159, %mul3A_161 : i32
        %add3A_163 = arith.constant 0 : i32
        %add3A_164 = arith.addi %mul3A_162, %add3A_163 : i32
        %dma_wait3A_165 = arith.constant 0 : i32
        %dma_wait3A_166 = tpu.memref_slice %arg8[%add3A_164, %dma_wait3A_165] : memref<40x128xi32, #tpu.memory_space<vmem>> -> memref<1x128xi32, #tpu.memory_space<vmem>>
        %dma_wait3A_167 = tpu.memref_squeeze %dma_wait3A_166 : memref<1x128xi32, #tpu.memory_space<vmem>> -> memref<128xi32, #tpu.memory_space<vmem>>
        %dma_wait3A_168 = arith.constant 0 : i32
        %dma_wait3A_169 = arith.constant 0 : i32
        %dma_wait3A_170 = tpu.memref_slice %arg2[%dma_wait3A_168, %dma_wait3A_169] : memref<10240x128xf32, #tpu.memory_space<hbm>> -> memref<10240x128xf32, #tpu.memory_space<hbm>>
        tpu.wait_indirect_dma semaphore(%arg13 : memref<!tpu.dma_semaphore, #tpu.memory_space<semaphore_mem>>) src(%dma_wait3A_170 : memref<10240x128xf32, #tpu.memory_space<hbm>>) dst(%arg10 : memref<128x128xf32, #tpu.memory_space<vmem>>)
        %add3A_171 = arith.constant 0 : i32
        %add3A_172 = arith.addi %mul3A_162, %add3A_171 : i32
        "tpu.region"() ({
          %run_scoped3A = tpu.sem_alloc : memref<!tpu.dma_semaphore, #tpu.memory_space<semaphore_mem>>
          %dma_start3A_201 = arith.constant 0 : i32
          %dma_start3A_202 = tpu.memref_slice %arg9[%add3A_172, %dma_start3A_201] : memref<40x128xi32, #tpu.memory_space<vmem>> -> memref<1x128xi32, #tpu.memory_space<vmem>>
          %dma_start3A_203 = tpu.memref_squeeze %dma_start3A_202 : memref<1x128xi32, #tpu.memory_space<vmem>> -> memref<128xi32, #tpu.memory_space<vmem>>
          %dma_start3A_204 = arith.constant 0 : i32
          %dma_start3A_205 = arith.constant 0 : i32
          %dma_start3A_206 = tpu.memref_slice %arg12[%dma_start3A_204, %dma_start3A_205] : memref<10240x128xf32, #tpu.memory_space<vmem_shared>> -> memref<10240x128xf32, #tpu.memory_space<vmem_shared>>
          tpu.enqueue_indirect_dma source(%arg10 : memref<128x128xf32, #tpu.memory_space<vmem>>) target(%dma_start3A_206 : memref<10240x128xf32, #tpu.memory_space<vmem_shared>>) offsets(%dma_start3A_203 : memref<128xi32, #tpu.memory_space<vmem>>) semaphore(%run_scoped3A : memref<!tpu.dma_semaphore, #tpu.memory_space<semaphore_mem>>) {add = true}
          %dma_wait3A_207 = arith.constant 0 : i32
          %dma_wait3A_208 = tpu.memref_slice %arg9[%add3A_172, %dma_wait3A_207] : memref<40x128xi32, #tpu.memory_space<vmem>> -> memref<1x128xi32, #tpu.memory_space<vmem>>
          %dma_wait3A_209 = tpu.memref_squeeze %dma_wait3A_208 : memref<1x128xi32, #tpu.memory_space<vmem>> -> memref<128xi32, #tpu.memory_space<vmem>>
          %dma_wait3A_210 = arith.constant 0 : i32
          %dma_wait3A_211 = arith.constant 0 : i32
          %dma_wait3A_212 = tpu.memref_slice %arg12[%dma_wait3A_210, %dma_wait3A_211] : memref<10240x128xf32, #tpu.memory_space<vmem_shared>> -> memref<10240x128xf32, #tpu.memory_space<vmem_shared>>
          tpu.wait_indirect_dma semaphore(%run_scoped3A : memref<!tpu.dma_semaphore, #tpu.memory_space<semaphore_mem>>) src(%arg10 : memref<128x128xf32, #tpu.memory_space<vmem>>) dst(%dma_wait3A_212 : memref<10240x128xf32, #tpu.memory_space<vmem_shared>>)
          tpu.yield
        }) : () -> ()
        %add3A_173 = arith.constant 0 : i32
        %add3A_174 = arith.addi %mul3A_162, %add3A_173 : i32
        %add3A_175 = arith.constant 2 : i32
        %add3A_176 = arith.addi %add3A_174, %add3A_175 : i32
        %lt3A = arith.constant 40 : i32
        %lt3A_177 = arith.cmpi slt, %add3A_176, %lt3A : i32
        %convert_element_type3A_178 = arith.extui %lt3A_177 : i1 to i32
        %cond3A_179 = arith.constant 0 : i32
        %cond3A_180 = arith.cmpi ne, %convert_element_type3A_178, %cond3A_179 : i32
        scf.if %cond3A_180 {
          %add3A_201 = arith.constant 0 : i32
          %add3A_202 = arith.addi %mul3A_162, %add3A_201 : i32
          %add3A_203 = arith.constant 2 : i32
          %add3A_204 = arith.addi %add3A_202, %add3A_203 : i32
          %dma_start3A_205 = arith.constant 0 : i32
          %dma_start3A_206 = tpu.memref_slice %arg8[%add3A_204, %dma_start3A_205] : memref<40x128xi32, #tpu.memory_space<vmem>> -> memref<1x128xi32, #tpu.memory_space<vmem>>
          %dma_start3A_207 = tpu.memref_squeeze %dma_start3A_206 : memref<1x128xi32, #tpu.memory_space<vmem>> -> memref<128xi32, #tpu.memory_space<vmem>>
          %dma_start3A_208 = arith.constant 0 : i32
          %dma_start3A_209 = arith.constant 0 : i32
          %dma_start3A_210 = tpu.memref_slice %arg2[%dma_start3A_208, %dma_start3A_209] : memref<10240x128xf32, #tpu.memory_space<hbm>> -> memref<10240x128xf32, #tpu.memory_space<hbm>>
          tpu.enqueue_indirect_dma source(%dma_start3A_210 : memref<10240x128xf32, #tpu.memory_space<hbm>>) target(%arg10 : memref<128x128xf32, #tpu.memory_space<vmem>>) offsets(%dma_start3A_207 : memref<128xi32, #tpu.memory_space<vmem>>) semaphore(%arg13 : memref<!tpu.dma_semaphore, #tpu.memory_space<semaphore_mem>>)
        } else {
        }
        %add3A_181 = arith.constant 1 : i32
        %add3A_182 = arith.addi %mul3A_162, %add3A_181 : i32
        %dma_wait3A_183 = arith.constant 0 : i32
        %dma_wait3A_184 = tpu.memref_slice %arg8[%add3A_182, %dma_wait3A_183] : memref<40x128xi32, #tpu.memory_space<vmem>> -> memref<1x128xi32, #tpu.memory_space<vmem>>
        %dma_wait3A_185 = tpu.memref_squeeze %dma_wait3A_184 : memref<1x128xi32, #tpu.memory_space<vmem>> -> memref<128xi32, #tpu.memory_space<vmem>>
        %dma_wait3A_186 = arith.constant 0 : i32
        %dma_wait3A_187 = arith.constant 0 : i32
        %dma_wait3A_188 = tpu.memref_slice %arg2[%dma_wait3A_186, %dma_wait3A_187] : memref<10240x128xf32, #tpu.memory_space<hbm>> -> memref<10240x128xf32, #tpu.memory_space<hbm>>
        tpu.wait_indirect_dma semaphore(%arg14 : memref<!tpu.dma_semaphore, #tpu.memory_space<semaphore_mem>>) src(%dma_wait3A_188 : memref<10240x128xf32, #tpu.memory_space<hbm>>) dst(%arg11 : memref<128x128xf32, #tpu.memory_space<vmem>>)
        %add3A_189 = arith.constant 1 : i32
        %add3A_190 = arith.addi %mul3A_162, %add3A_189 : i32
        "tpu.region"() ({
          %run_scoped3A = tpu.sem_alloc : memref<!tpu.dma_semaphore, #tpu.memory_space<semaphore_mem>>
          %dma_start3A_201 = arith.constant 0 : i32
          %dma_start3A_202 = tpu.memref_slice %arg9[%add3A_190, %dma_start3A_201] : memref<40x128xi32, #tpu.memory_space<vmem>> -> memref<1x128xi32, #tpu.memory_space<vmem>>
          %dma_start3A_203 = tpu.memref_squeeze %dma_start3A_202 : memref<1x128xi32, #tpu.memory_space<vmem>> -> memref<128xi32, #tpu.memory_space<vmem>>
          %dma_start3A_204 = arith.constant 0 : i32
          %dma_start3A_205 = arith.constant 0 : i32
          %dma_start3A_206 = tpu.memref_slice %arg12[%dma_start3A_204, %dma_start3A_205] : memref<10240x128xf32, #tpu.memory_space<vmem_shared>> -> memref<10240x128xf32, #tpu.memory_space<vmem_shared>>
          tpu.enqueue_indirect_dma source(%arg11 : memref<128x128xf32, #tpu.memory_space<vmem>>) target(%dma_start3A_206 : memref<10240x128xf32, #tpu.memory_space<vmem_shared>>) offsets(%dma_start3A_203 : memref<128xi32, #tpu.memory_space<vmem>>) semaphore(%run_scoped3A : memref<!tpu.dma_semaphore, #tpu.memory_space<semaphore_mem>>) {add = true}
          %dma_wait3A_207 = arith.constant 0 : i32
          %dma_wait3A_208 = tpu.memref_slice %arg9[%add3A_190, %dma_wait3A_207] : memref<40x128xi32, #tpu.memory_space<vmem>> -> memref<1x128xi32, #tpu.memory_space<vmem>>
          %dma_wait3A_209 = tpu.memref_squeeze %dma_wait3A_208 : memref<1x128xi32, #tpu.memory_space<vmem>> -> memref<128xi32, #tpu.memory_space<vmem>>
          %dma_wait3A_210 = arith.constant 0 : i32
          %dma_wait3A_211 = arith.constant 0 : i32
          %dma_wait3A_212 = tpu.memref_slice %arg12[%dma_wait3A_210, %dma_wait3A_211] : memref<10240x128xf32, #tpu.memory_space<vmem_shared>> -> memref<10240x128xf32, #tpu.memory_space<vmem_shared>>
          tpu.wait_indirect_dma semaphore(%run_scoped3A : memref<!tpu.dma_semaphore, #tpu.memory_space<semaphore_mem>>) src(%arg11 : memref<128x128xf32, #tpu.memory_space<vmem>>) dst(%dma_wait3A_212 : memref<10240x128xf32, #tpu.memory_space<vmem_shared>>)
          tpu.yield
        }) : () -> ()
        %add3A_191 = arith.constant 1 : i32
        %add3A_192 = arith.addi %mul3A_162, %add3A_191 : i32
        %add3A_193 = arith.constant 2 : i32
        %add3A_194 = arith.addi %add3A_192, %add3A_193 : i32
        %lt3A_195 = arith.constant 40 : i32
        %lt3A_196 = arith.cmpi slt, %add3A_194, %lt3A_195 : i32
        %convert_element_type3A_197 = arith.extui %lt3A_196 : i1 to i32
        %cond3A_198 = arith.constant 0 : i32
        %cond3A_199 = arith.cmpi ne, %convert_element_type3A_197, %cond3A_198 : i32
        scf.if %cond3A_199 {
          %add3A_201 = arith.constant 1 : i32
          %add3A_202 = arith.addi %mul3A_162, %add3A_201 : i32
          %add3A_203 = arith.constant 2 : i32
          %add3A_204 = arith.addi %add3A_202, %add3A_203 : i32
          %dma_start3A_205 = arith.constant 0 : i32
          %dma_start3A_206 = tpu.memref_slice %arg8[%add3A_204, %dma_start3A_205] : memref<40x128xi32, #tpu.memory_space<vmem>> -> memref<1x128xi32, #tpu.memory_space<vmem>>
          %dma_start3A_207 = tpu.memref_squeeze %dma_start3A_206 : memref<1x128xi32, #tpu.memory_space<vmem>> -> memref<128xi32, #tpu.memory_space<vmem>>
          %dma_start3A_208 = arith.constant 0 : i32
          %dma_start3A_209 = arith.constant 0 : i32
          %dma_start3A_210 = tpu.memref_slice %arg2[%dma_start3A_208, %dma_start3A_209] : memref<10240x128xf32, #tpu.memory_space<hbm>> -> memref<10240x128xf32, #tpu.memory_space<hbm>>
          tpu.enqueue_indirect_dma source(%dma_start3A_210 : memref<10240x128xf32, #tpu.memory_space<hbm>>) target(%arg11 : memref<128x128xf32, #tpu.memory_space<vmem>>) offsets(%dma_start3A_207 : memref<128xi32, #tpu.memory_space<vmem>>) semaphore(%arg14 : memref<!tpu.dma_semaphore, #tpu.memory_space<semaphore_mem>>)
        } else {
        }
        %scan3A_200 = arith.constant 0 : i32
        scf.yield %scan3A_200 : i32
      }
      %scan3A_129 = arith.constant 20 : i32
      %mul3A_130 = arith.constant 80 : i32
      %mul3A_131 = arith.muli %arg1, %mul3A_130 : i32
      %add3A_132 = arith.constant 40 : i32
      %add3A_133 = arith.addi %mul3A_131, %add3A_132 : i32
      "tpu.region"() ({
        %run_scoped3A = tpu.sem_alloc : memref<!tpu.dma_semaphore, #tpu.memory_space<semaphore_mem>>
        %dma_start3A_159 = arith.constant 0 : i32
        %dma_start3A_160 = tpu.memref_slice %arg4[%add3A_133, %dma_start3A_159] : memref<1280x128xi32, #tpu.memory_space<hbm>> -> memref<40x128xi32, #tpu.memory_space<hbm>>
        %dma_start3A_161 = arith.constant 0 : i32
        %dma_start3A_162 = tpu.memref_slice %arg4[%add3A_133, %dma_start3A_161] : memref<1280x128xi32, #tpu.memory_space<hbm>> -> memref<40x128xi32, #tpu.memory_space<hbm>>
        tpu.enqueue_dma source(%dma_start3A_162 : memref<40x128xi32, #tpu.memory_space<hbm>>) target(%arg8 : memref<40x128xi32, #tpu.memory_space<vmem>>) target_semaphore(%run_scoped3A : memref<!tpu.dma_semaphore, #tpu.memory_space<semaphore_mem>>)
        %dma_wait3A_163 = arith.constant 0 : i32
        %dma_wait3A_164 = tpu.memref_slice %arg4[%add3A_133, %dma_wait3A_163] : memref<1280x128xi32, #tpu.memory_space<hbm>> -> memref<40x128xi32, #tpu.memory_space<hbm>>
        %dma_wait3A_165 = arith.constant 0 : i32
        %dma_wait3A_166 = tpu.memref_slice %arg4[%add3A_133, %dma_wait3A_165] : memref<1280x128xi32, #tpu.memory_space<hbm>> -> memref<40x128xi32, #tpu.memory_space<hbm>>
        tpu.wait_dma2 semaphore(%run_scoped3A : memref<!tpu.dma_semaphore, #tpu.memory_space<semaphore_mem>>) src(%dma_wait3A_166 : memref<40x128xi32, #tpu.memory_space<hbm>>) dst(%arg8 : memref<40x128xi32, #tpu.memory_space<vmem>>)
        tpu.yield
      }) : () -> ()
      %mul3A_134 = arith.constant 80 : i32
      %mul3A_135 = arith.muli %arg1, %mul3A_134 : i32
      %add3A_136 = arith.constant 40 : i32
      %add3A_137 = arith.addi %mul3A_135, %add3A_136 : i32
      "tpu.region"() ({
        %run_scoped3A = tpu.sem_alloc : memref<!tpu.dma_semaphore, #tpu.memory_space<semaphore_mem>>
        %dma_start3A_159 = arith.constant 0 : i32
        %dma_start3A_160 = tpu.memref_slice %arg5[%add3A_137, %dma_start3A_159] : memref<1280x128xi32, #tpu.memory_space<hbm>> -> memref<40x128xi32, #tpu.memory_space<hbm>>
        %dma_start3A_161 = arith.constant 0 : i32
        %dma_start3A_162 = tpu.memref_slice %arg5[%add3A_137, %dma_start3A_161] : memref<1280x128xi32, #tpu.memory_space<hbm>> -> memref<40x128xi32, #tpu.memory_space<hbm>>
        tpu.enqueue_dma source(%dma_start3A_162 : memref<40x128xi32, #tpu.memory_space<hbm>>) target(%arg9 : memref<40x128xi32, #tpu.memory_space<vmem>>) target_semaphore(%run_scoped3A : memref<!tpu.dma_semaphore, #tpu.memory_space<semaphore_mem>>)
        %dma_wait3A_163 = arith.constant 0 : i32
        %dma_wait3A_164 = tpu.memref_slice %arg5[%add3A_137, %dma_wait3A_163] : memref<1280x128xi32, #tpu.memory_space<hbm>> -> memref<40x128xi32, #tpu.memory_space<hbm>>
        %dma_wait3A_165 = arith.constant 0 : i32
        %dma_wait3A_166 = tpu.memref_slice %arg5[%add3A_137, %dma_wait3A_165] : memref<1280x128xi32, #tpu.memory_space<hbm>> -> memref<40x128xi32, #tpu.memory_space<hbm>>
        tpu.wait_dma2 semaphore(%run_scoped3A : memref<!tpu.dma_semaphore, #tpu.memory_space<semaphore_mem>>) src(%dma_wait3A_166 : memref<40x128xi32, #tpu.memory_space<hbm>>) dst(%arg9 : memref<40x128xi32, #tpu.memory_space<vmem>>)
        tpu.yield
      }) : () -> ()
      %dma_start3A_138 = arith.constant 0 : i32
      %dma_start3A_139 = arith.constant 0 : i32
      %dma_start3A_140 = tpu.memref_slice %arg8[%dma_start3A_138, %dma_start3A_139] : memref<40x128xi32, #tpu.memory_space<vmem>> -> memref<1x128xi32, #tpu.memory_space<vmem>>
      %dma_start3A_141 = tpu.memref_squeeze %dma_start3A_140 : memref<1x128xi32, #tpu.memory_space<vmem>> -> memref<128xi32, #tpu.memory_space<vmem>>
      %dma_start3A_142 = arith.constant 0 : i32
      %dma_start3A_143 = arith.constant 0 : i32
      %dma_start3A_144 = tpu.memref_slice %arg2[%dma_start3A_142, %dma_start3A_143] : memref<10240x128xf32, #tpu.memory_space<hbm>> -> memref<10240x128xf32, #tpu.memory_space<hbm>>
      tpu.enqueue_indirect_dma source(%dma_start3A_144 : memref<10240x128xf32, #tpu.memory_space<hbm>>) target(%arg10 : memref<128x128xf32, #tpu.memory_space<vmem>>) offsets(%dma_start3A_141 : memref<128xi32, #tpu.memory_space<vmem>>) semaphore(%arg13 : memref<!tpu.dma_semaphore, #tpu.memory_space<semaphore_mem>>)
      %dma_start3A_145 = arith.constant 1 : i32
      %dma_start3A_146 = arith.constant 0 : i32
      %dma_start3A_147 = tpu.memref_slice %arg8[%dma_start3A_145, %dma_start3A_146] : memref<40x128xi32, #tpu.memory_space<vmem>> -> memref<1x128xi32, #tpu.memory_space<vmem>>
      %dma_start3A_148 = tpu.memref_squeeze %dma_start3A_147 : memref<1x128xi32, #tpu.memory_space<vmem>> -> memref<128xi32, #tpu.memory_space<vmem>>
      %dma_start3A_149 = arith.constant 0 : i32
      %dma_start3A_150 = arith.constant 0 : i32
      %dma_start3A_151 = tpu.memref_slice %arg2[%dma_start3A_149, %dma_start3A_150] : memref<10240x128xf32, #tpu.memory_space<hbm>> -> memref<10240x128xf32, #tpu.memory_space<hbm>>
      tpu.enqueue_indirect_dma source(%dma_start3A_151 : memref<10240x128xf32, #tpu.memory_space<hbm>>) target(%arg11 : memref<128x128xf32, #tpu.memory_space<vmem>>) offsets(%dma_start3A_148 : memref<128xi32, #tpu.memory_space<vmem>>) semaphore(%arg14 : memref<!tpu.dma_semaphore, #tpu.memory_space<semaphore_mem>>)
      %scan3A_152 = arith.constant 0 : i32
      %scan3A_153 = arith.constant 0 : i32
      %scan3A_154 = arith.constant 20 : i32
      %scan3A_155 = arith.addi %scan3A_153, %scan3A_154 : i32
      %scan3A_156 = arith.constant 1 : i32
      %scan3A_157 = scf.for %scan3A_159 = %scan3A_153 to %scan3A_155 step %scan3A_156 iter_args(%scan3A_160 = %scan3A_152) -> (i32)  : i32 {
        %mul3A_161 = arith.constant 2 : i32
        %mul3A_162 = arith.muli %scan3A_159, %mul3A_161 : i32
        %add3A_163 = arith.constant 0 : i32
        %add3A_164 = arith.addi %mul3A_162, %add3A_163 : i32
        %dma_wait3A_165 = arith.constant 0 : i32
        %dma_wait3A_166 = tpu.memref_slice %arg8[%add3A_164, %dma_wait3A_165] : memref<40x128xi32, #tpu.memory_space<vmem>> -> memref<1x128xi32, #tpu.memory_space<vmem>>
        %dma_wait3A_167 = tpu.memref_squeeze %dma_wait3A_166 : memref<1x128xi32, #tpu.memory_space<vmem>> -> memref<128xi32, #tpu.memory_space<vmem>>
        %dma_wait3A_168 = arith.constant 0 : i32
        %dma_wait3A_169 = arith.constant 0 : i32
        %dma_wait3A_170 = tpu.memref_slice %arg2[%dma_wait3A_168, %dma_wait3A_169] : memref<10240x128xf32, #tpu.memory_space<hbm>> -> memref<10240x128xf32, #tpu.memory_space<hbm>>
        tpu.wait_indirect_dma semaphore(%arg13 : memref<!tpu.dma_semaphore, #tpu.memory_space<semaphore_mem>>) src(%dma_wait3A_170 : memref<10240x128xf32, #tpu.memory_space<hbm>>) dst(%arg10 : memref<128x128xf32, #tpu.memory_space<vmem>>)
        %add3A_171 = arith.constant 0 : i32
        %add3A_172 = arith.addi %mul3A_162, %add3A_171 : i32
        "tpu.region"() ({
          %run_scoped3A = tpu.sem_alloc : memref<!tpu.dma_semaphore, #tpu.memory_space<semaphore_mem>>
          %dma_start3A_201 = arith.constant 0 : i32
          %dma_start3A_202 = tpu.memref_slice %arg9[%add3A_172, %dma_start3A_201] : memref<40x128xi32, #tpu.memory_space<vmem>> -> memref<1x128xi32, #tpu.memory_space<vmem>>
          %dma_start3A_203 = tpu.memref_squeeze %dma_start3A_202 : memref<1x128xi32, #tpu.memory_space<vmem>> -> memref<128xi32, #tpu.memory_space<vmem>>
          %dma_start3A_204 = arith.constant 0 : i32
          %dma_start3A_205 = arith.constant 0 : i32
          %dma_start3A_206 = tpu.memref_slice %arg12[%dma_start3A_204, %dma_start3A_205] : memref<10240x128xf32, #tpu.memory_space<vmem_shared>> -> memref<10240x128xf32, #tpu.memory_space<vmem_shared>>
          tpu.enqueue_indirect_dma source(%arg10 : memref<128x128xf32, #tpu.memory_space<vmem>>) target(%dma_start3A_206 : memref<10240x128xf32, #tpu.memory_space<vmem_shared>>) offsets(%dma_start3A_203 : memref<128xi32, #tpu.memory_space<vmem>>) semaphore(%run_scoped3A : memref<!tpu.dma_semaphore, #tpu.memory_space<semaphore_mem>>) {add = true}
          %dma_wait3A_207 = arith.constant 0 : i32
          %dma_wait3A_208 = tpu.memref_slice %arg9[%add3A_172, %dma_wait3A_207] : memref<40x128xi32, #tpu.memory_space<vmem>> -> memref<1x128xi32, #tpu.memory_space<vmem>>
          %dma_wait3A_209 = tpu.memref_squeeze %dma_wait3A_208 : memref<1x128xi32, #tpu.memory_space<vmem>> -> memref<128xi32, #tpu.memory_space<vmem>>
          %dma_wait3A_210 = arith.constant 0 : i32
          %dma_wait3A_211 = arith.constant 0 : i32
          %dma_wait3A_212 = tpu.memref_slice %arg12[%dma_wait3A_210, %dma_wait3A_211] : memref<10240x128xf32, #tpu.memory_space<vmem_shared>> -> memref<10240x128xf32, #tpu.memory_space<vmem_shared>>
          tpu.wait_indirect_dma semaphore(%run_scoped3A : memref<!tpu.dma_semaphore, #tpu.memory_space<semaphore_mem>>) src(%arg10 : memref<128x128xf32, #tpu.memory_space<vmem>>) dst(%dma_wait3A_212 : memref<10240x128xf32, #tpu.memory_space<vmem_shared>>)
          tpu.yield
        }) : () -> ()
        %add3A_173 = arith.constant 0 : i32
        %add3A_174 = arith.addi %mul3A_162, %add3A_173 : i32
        %add3A_175 = arith.constant 2 : i32
        %add3A_176 = arith.addi %add3A_174, %add3A_175 : i32
        %lt3A = arith.constant 40 : i32
        %lt3A_177 = arith.cmpi slt, %add3A_176, %lt3A : i32
        %convert_element_type3A_178 = arith.extui %lt3A_177 : i1 to i32
        %cond3A_179 = arith.constant 0 : i32
        %cond3A_180 = arith.cmpi ne, %convert_element_type3A_178, %cond3A_179 : i32
        scf.if %cond3A_180 {
          %add3A_201 = arith.constant 0 : i32
          %add3A_202 = arith.addi %mul3A_162, %add3A_201 : i32
          %add3A_203 = arith.constant 2 : i32
          %add3A_204 = arith.addi %add3A_202, %add3A_203 : i32
          %dma_start3A_205 = arith.constant 0 : i32
          %dma_start3A_206 = tpu.memref_slice %arg8[%add3A_204, %dma_start3A_205] : memref<40x128xi32, #tpu.memory_space<vmem>> -> memref<1x128xi32, #tpu.memory_space<vmem>>
          %dma_start3A_207 = tpu.memref_squeeze %dma_start3A_206 : memref<1x128xi32, #tpu.memory_space<vmem>> -> memref<128xi32, #tpu.memory_space<vmem>>
          %dma_start3A_208 = arith.constant 0 : i32
          %dma_start3A_209 = arith.constant 0 : i32
          %dma_start3A_210 = tpu.memref_slice %arg2[%dma_start3A_208, %dma_start3A_209] : memref<10240x128xf32, #tpu.memory_space<hbm>> -> memref<10240x128xf32, #tpu.memory_space<hbm>>
          tpu.enqueue_indirect_dma source(%dma_start3A_210 : memref<10240x128xf32, #tpu.memory_space<hbm>>) target(%arg10 : memref<128x128xf32, #tpu.memory_space<vmem>>) offsets(%dma_start3A_207 : memref<128xi32, #tpu.memory_space<vmem>>) semaphore(%arg13 : memref<!tpu.dma_semaphore, #tpu.memory_space<semaphore_mem>>)
        } else {
        }
        %add3A_181 = arith.constant 1 : i32
        %add3A_182 = arith.addi %mul3A_162, %add3A_181 : i32
        %dma_wait3A_183 = arith.constant 0 : i32
        %dma_wait3A_184 = tpu.memref_slice %arg8[%add3A_182, %dma_wait3A_183] : memref<40x128xi32, #tpu.memory_space<vmem>> -> memref<1x128xi32, #tpu.memory_space<vmem>>
        %dma_wait3A_185 = tpu.memref_squeeze %dma_wait3A_184 : memref<1x128xi32, #tpu.memory_space<vmem>> -> memref<128xi32, #tpu.memory_space<vmem>>
        %dma_wait3A_186 = arith.constant 0 : i32
        %dma_wait3A_187 = arith.constant 0 : i32
        %dma_wait3A_188 = tpu.memref_slice %arg2[%dma_wait3A_186, %dma_wait3A_187] : memref<10240x128xf32, #tpu.memory_space<hbm>> -> memref<10240x128xf32, #tpu.memory_space<hbm>>
        tpu.wait_indirect_dma semaphore(%arg14 : memref<!tpu.dma_semaphore, #tpu.memory_space<semaphore_mem>>) src(%dma_wait3A_188 : memref<10240x128xf32, #tpu.memory_space<hbm>>) dst(%arg11 : memref<128x128xf32, #tpu.memory_space<vmem>>)
        %add3A_189 = arith.constant 1 : i32
        %add3A_190 = arith.addi %mul3A_162, %add3A_189 : i32
        "tpu.region"() ({
          %run_scoped3A = tpu.sem_alloc : memref<!tpu.dma_semaphore, #tpu.memory_space<semaphore_mem>>
          %dma_start3A_201 = arith.constant 0 : i32
          %dma_start3A_202 = tpu.memref_slice %arg9[%add3A_190, %dma_start3A_201] : memref<40x128xi32, #tpu.memory_space<vmem>> -> memref<1x128xi32, #tpu.memory_space<vmem>>
          %dma_start3A_203 = tpu.memref_squeeze %dma_start3A_202 : memref<1x128xi32, #tpu.memory_space<vmem>> -> memref<128xi32, #tpu.memory_space<vmem>>
          %dma_start3A_204 = arith.constant 0 : i32
          %dma_start3A_205 = arith.constant 0 : i32
          %dma_start3A_206 = tpu.memref_slice %arg12[%dma_start3A_204, %dma_start3A_205] : memref<10240x128xf32, #tpu.memory_space<vmem_shared>> -> memref<10240x128xf32, #tpu.memory_space<vmem_shared>>
          tpu.enqueue_indirect_dma source(%arg11 : memref<128x128xf32, #tpu.memory_space<vmem>>) target(%dma_start3A_206 : memref<10240x128xf32, #tpu.memory_space<vmem_shared>>) offsets(%dma_start3A_203 : memref<128xi32, #tpu.memory_space<vmem>>) semaphore(%run_scoped3A : memref<!tpu.dma_semaphore, #tpu.memory_space<semaphore_mem>>) {add = true}
          %dma_wait3A_207 = arith.constant 0 : i32
          %dma_wait3A_208 = tpu.memref_slice %arg9[%add3A_190, %dma_wait3A_207] : memref<40x128xi32, #tpu.memory_space<vmem>> -> memref<1x128xi32, #tpu.memory_space<vmem>>
          %dma_wait3A_209 = tpu.memref_squeeze %dma_wait3A_208 : memref<1x128xi32, #tpu.memory_space<vmem>> -> memref<128xi32, #tpu.memory_space<vmem>>
          %dma_wait3A_210 = arith.constant 0 : i32
          %dma_wait3A_211 = arith.constant 0 : i32
          %dma_wait3A_212 = tpu.memref_slice %arg12[%dma_wait3A_210, %dma_wait3A_211] : memref<10240x128xf32, #tpu.memory_space<vmem_shared>> -> memref<10240x128xf32, #tpu.memory_space<vmem_shared>>
          tpu.wait_indirect_dma semaphore(%run_scoped3A : memref<!tpu.dma_semaphore, #tpu.memory_space<semaphore_mem>>) src(%arg11 : memref<128x128xf32, #tpu.memory_space<vmem>>) dst(%dma_wait3A_212 : memref<10240x128xf32, #tpu.memory_space<vmem_shared>>)
          tpu.yield
        }) : () -> ()
        %add3A_191 = arith.constant 1 : i32
        %add3A_192 = arith.addi %mul3A_162, %add3A_191 : i32
        %add3A_193 = arith.constant 2 : i32
        %add3A_194 = arith.addi %add3A_192, %add3A_193 : i32
        %lt3A_195 = arith.constant 40 : i32
        %lt3A_196 = arith.cmpi slt, %add3A_194, %lt3A_195 : i32
        %convert_element_type3A_197 = arith.extui %lt3A_196 : i1 to i32
        %cond3A_198 = arith.constant 0 : i32
        %cond3A_199 = arith.cmpi ne, %convert_element_type3A_197, %cond3A_198 : i32
        scf.if %cond3A_199 {
          %add3A_201 = arith.constant 1 : i32
          %add3A_202 = arith.addi %mul3A_162, %add3A_201 : i32
          %add3A_203 = arith.constant 2 : i32
          %add3A_204 = arith.addi %add3A_202, %add3A_203 : i32
          %dma_start3A_205 = arith.constant 0 : i32
          %dma_start3A_206 = tpu.memref_slice %arg8[%add3A_204, %dma_start3A_205] : memref<40x128xi32, #tpu.memory_space<vmem>> -> memref<1x128xi32, #tpu.memory_space<vmem>>
          %dma_start3A_207 = tpu.memref_squeeze %dma_start3A_206 : memref<1x128xi32, #tpu.memory_space<vmem>> -> memref<128xi32, #tpu.memory_space<vmem>>
          %dma_start3A_208 = arith.constant 0 : i32
          %dma_start3A_209 = arith.constant 0 : i32
          %dma_start3A_210 = tpu.memref_slice %arg2[%dma_start3A_208, %dma_start3A_209] : memref<10240x128xf32, #tpu.memory_space<hbm>> -> memref<10240x128xf32, #tpu.memory_space<hbm>>
          tpu.enqueue_indirect_dma source(%dma_start3A_210 : memref<10240x128xf32, #tpu.memory_space<hbm>>) target(%arg11 : memref<128x128xf32, #tpu.memory_space<vmem>>) offsets(%dma_start3A_207 : memref<128xi32, #tpu.memory_space<vmem>>) semaphore(%arg14 : memref<!tpu.dma_semaphore, #tpu.memory_space<semaphore_mem>>)
        } else {
        }
        %scan3A_200 = arith.constant 0 : i32
        scf.yield %scan3A_200 : i32
      }
      %scan3A_158 = arith.constant 20 : i32
    } else {
    }
    %eq3A_85 = arith.constant 1 : i32
    %eq3A_86 = arith.cmpi eq, %arg0, %eq3A_85 : i32
    %convert_element_type3A_87 = arith.extui %eq3A_86 : i1 to i32
    %cond3A_88 = arith.constant 0 : i32
    %cond3A_89 = arith.cmpi ne, %convert_element_type3A_87, %cond3A_88 : i32
    scf.if %cond3A_89 {
      %mul3A_101 = arith.constant 80 : i32
      %mul3A_102 = arith.muli %arg1, %mul3A_101 : i32
      %add3A_103 = arith.constant 0 : i32
      %add3A_104 = arith.addi %mul3A_102, %add3A_103 : i32
      "tpu.region"() ({
        %run_scoped3A = tpu.sem_alloc : memref<!tpu.dma_semaphore, #tpu.memory_space<semaphore_mem>>
        %dma_start3A_159 = arith.constant 0 : i32
        %dma_start3A_160 = tpu.memref_slice %arg4[%add3A_104, %dma_start3A_159] : memref<1280x128xi32, #tpu.memory_space<hbm>> -> memref<40x128xi32, #tpu.memory_space<hbm>>
        %dma_start3A_161 = arith.constant 0 : i32
        %dma_start3A_162 = tpu.memref_slice %arg4[%add3A_104, %dma_start3A_161] : memref<1280x128xi32, #tpu.memory_space<hbm>> -> memref<40x128xi32, #tpu.memory_space<hbm>>
        tpu.enqueue_dma source(%dma_start3A_162 : memref<40x128xi32, #tpu.memory_space<hbm>>) target(%arg8 : memref<40x128xi32, #tpu.memory_space<vmem>>) target_semaphore(%run_scoped3A : memref<!tpu.dma_semaphore, #tpu.memory_space<semaphore_mem>>)
        %dma_wait3A_163 = arith.constant 0 : i32
        %dma_wait3A_164 = tpu.memref_slice %arg4[%add3A_104, %dma_wait3A_163] : memref<1280x128xi32, #tpu.memory_space<hbm>> -> memref<40x128xi32, #tpu.memory_space<hbm>>
        %dma_wait3A_165 = arith.constant 0 : i32
        %dma_wait3A_166 = tpu.memref_slice %arg4[%add3A_104, %dma_wait3A_165] : memref<1280x128xi32, #tpu.memory_space<hbm>> -> memref<40x128xi32, #tpu.memory_space<hbm>>
        tpu.wait_dma2 semaphore(%run_scoped3A : memref<!tpu.dma_semaphore, #tpu.memory_space<semaphore_mem>>) src(%dma_wait3A_166 : memref<40x128xi32, #tpu.memory_space<hbm>>) dst(%arg8 : memref<40x128xi32, #tpu.memory_space<vmem>>)
        tpu.yield
      }) : () -> ()
      %mul3A_105 = arith.constant 80 : i32
      %mul3A_106 = arith.muli %arg1, %mul3A_105 : i32
      %add3A_107 = arith.constant 0 : i32
      %add3A_108 = arith.addi %mul3A_106, %add3A_107 : i32
      "tpu.region"() ({
        %run_scoped3A = tpu.sem_alloc : memref<!tpu.dma_semaphore, #tpu.memory_space<semaphore_mem>>
        %dma_start3A_159 = arith.constant 0 : i32
        %dma_start3A_160 = tpu.memref_slice %arg5[%add3A_108, %dma_start3A_159] : memref<1280x128xi32, #tpu.memory_space<hbm>> -> memref<40x128xi32, #tpu.memory_space<hbm>>
        %dma_start3A_161 = arith.constant 0 : i32
        %dma_start3A_162 = tpu.memref_slice %arg5[%add3A_108, %dma_start3A_161] : memref<1280x128xi32, #tpu.memory_space<hbm>> -> memref<40x128xi32, #tpu.memory_space<hbm>>
        tpu.enqueue_dma source(%dma_start3A_162 : memref<40x128xi32, #tpu.memory_space<hbm>>) target(%arg9 : memref<40x128xi32, #tpu.memory_space<vmem>>) target_semaphore(%run_scoped3A : memref<!tpu.dma_semaphore, #tpu.memory_space<semaphore_mem>>)
        %dma_wait3A_163 = arith.constant 0 : i32
        %dma_wait3A_164 = tpu.memref_slice %arg5[%add3A_108, %dma_wait3A_163] : memref<1280x128xi32, #tpu.memory_space<hbm>> -> memref<40x128xi32, #tpu.memory_space<hbm>>
        %dma_wait3A_165 = arith.constant 0 : i32
        %dma_wait3A_166 = tpu.memref_slice %arg5[%add3A_108, %dma_wait3A_165] : memref<1280x128xi32, #tpu.memory_space<hbm>> -> memref<40x128xi32, #tpu.memory_space<hbm>>
        tpu.wait_dma2 semaphore(%run_scoped3A : memref<!tpu.dma_semaphore, #tpu.memory_space<semaphore_mem>>) src(%dma_wait3A_166 : memref<40x128xi32, #tpu.memory_space<hbm>>) dst(%arg9 : memref<40x128xi32, #tpu.memory_space<vmem>>)
        tpu.yield
      }) : () -> ()
      %dma_start3A_109 = arith.constant 0 : i32
      %dma_start3A_110 = arith.constant 0 : i32
      %dma_start3A_111 = tpu.memref_slice %arg8[%dma_start3A_109, %dma_start3A_110] : memref<40x128xi32, #tpu.memory_space<vmem>> -> memref<1x128xi32, #tpu.memory_space<vmem>>
      %dma_start3A_112 = tpu.memref_squeeze %dma_start3A_111 : memref<1x128xi32, #tpu.memory_space<vmem>> -> memref<128xi32, #tpu.memory_space<vmem>>
      %dma_start3A_113 = arith.constant 0 : i32
      %dma_start3A_114 = arith.constant 0 : i32
      %dma_start3A_115 = tpu.memref_slice %arg3[%dma_start3A_113, %dma_start3A_114] : memref<10240x128xf32, #tpu.memory_space<hbm>> -> memref<10240x128xf32, #tpu.memory_space<hbm>>
      tpu.enqueue_indirect_dma source(%dma_start3A_115 : memref<10240x128xf32, #tpu.memory_space<hbm>>) target(%arg10 : memref<128x128xf32, #tpu.memory_space<vmem>>) offsets(%dma_start3A_112 : memref<128xi32, #tpu.memory_space<vmem>>) semaphore(%arg13 : memref<!tpu.dma_semaphore, #tpu.memory_space<semaphore_mem>>)
      %dma_start3A_116 = arith.constant 1 : i32
      %dma_start3A_117 = arith.constant 0 : i32
      %dma_start3A_118 = tpu.memref_slice %arg8[%dma_start3A_116, %dma_start3A_117] : memref<40x128xi32, #tpu.memory_space<vmem>> -> memref<1x128xi32, #tpu.memory_space<vmem>>
      %dma_start3A_119 = tpu.memref_squeeze %dma_start3A_118 : memref<1x128xi32, #tpu.memory_space<vmem>> -> memref<128xi32, #tpu.memory_space<vmem>>
      %dma_start3A_120 = arith.constant 0 : i32
      %dma_start3A_121 = arith.constant 0 : i32
      %dma_start3A_122 = tpu.memref_slice %arg3[%dma_start3A_120, %dma_start3A_121] : memref<10240x128xf32, #tpu.memory_space<hbm>> -> memref<10240x128xf32, #tpu.memory_space<hbm>>
      tpu.enqueue_indirect_dma source(%dma_start3A_122 : memref<10240x128xf32, #tpu.memory_space<hbm>>) target(%arg11 : memref<128x128xf32, #tpu.memory_space<vmem>>) offsets(%dma_start3A_119 : memref<128xi32, #tpu.memory_space<vmem>>) semaphore(%arg14 : memref<!tpu.dma_semaphore, #tpu.memory_space<semaphore_mem>>)
      %scan3A_123 = arith.constant 0 : i32
      %scan3A_124 = arith.constant 0 : i32
      %scan3A_125 = arith.constant 20 : i32
      %scan3A_126 = arith.addi %scan3A_124, %scan3A_125 : i32
      %scan3A_127 = arith.constant 1 : i32
      %scan3A_128 = scf.for %scan3A_159 = %scan3A_124 to %scan3A_126 step %scan3A_127 iter_args(%scan3A_160 = %scan3A_123) -> (i32)  : i32 {
        %mul3A_161 = arith.constant 2 : i32
        %mul3A_162 = arith.muli %scan3A_159, %mul3A_161 : i32
        %add3A_163 = arith.constant 0 : i32
        %add3A_164 = arith.addi %mul3A_162, %add3A_163 : i32
        %dma_wait3A_165 = arith.constant 0 : i32
        %dma_wait3A_166 = tpu.memref_slice %arg8[%add3A_164, %dma_wait3A_165] : memref<40x128xi32, #tpu.memory_space<vmem>> -> memref<1x128xi32, #tpu.memory_space<vmem>>
        %dma_wait3A_167 = tpu.memref_squeeze %dma_wait3A_166 : memref<1x128xi32, #tpu.memory_space<vmem>> -> memref<128xi32, #tpu.memory_space<vmem>>
        %dma_wait3A_168 = arith.constant 0 : i32
        %dma_wait3A_169 = arith.constant 0 : i32
        %dma_wait3A_170 = tpu.memref_slice %arg3[%dma_wait3A_168, %dma_wait3A_169] : memref<10240x128xf32, #tpu.memory_space<hbm>> -> memref<10240x128xf32, #tpu.memory_space<hbm>>
        tpu.wait_indirect_dma semaphore(%arg13 : memref<!tpu.dma_semaphore, #tpu.memory_space<semaphore_mem>>) src(%dma_wait3A_170 : memref<10240x128xf32, #tpu.memory_space<hbm>>) dst(%arg10 : memref<128x128xf32, #tpu.memory_space<vmem>>)
        %add3A_171 = arith.constant 0 : i32
        %add3A_172 = arith.addi %mul3A_162, %add3A_171 : i32
        "tpu.region"() ({
          %run_scoped3A = tpu.sem_alloc : memref<!tpu.dma_semaphore, #tpu.memory_space<semaphore_mem>>
          %dma_start3A_201 = arith.constant 0 : i32
          %dma_start3A_202 = tpu.memref_slice %arg9[%add3A_172, %dma_start3A_201] : memref<40x128xi32, #tpu.memory_space<vmem>> -> memref<1x128xi32, #tpu.memory_space<vmem>>
          %dma_start3A_203 = tpu.memref_squeeze %dma_start3A_202 : memref<1x128xi32, #tpu.memory_space<vmem>> -> memref<128xi32, #tpu.memory_space<vmem>>
          %dma_start3A_204 = arith.constant 0 : i32
          %dma_start3A_205 = arith.constant 0 : i32
          %dma_start3A_206 = tpu.memref_slice %arg12[%dma_start3A_204, %dma_start3A_205] : memref<10240x128xf32, #tpu.memory_space<vmem_shared>> -> memref<10240x128xf32, #tpu.memory_space<vmem_shared>>
          tpu.enqueue_indirect_dma source(%arg10 : memref<128x128xf32, #tpu.memory_space<vmem>>) target(%dma_start3A_206 : memref<10240x128xf32, #tpu.memory_space<vmem_shared>>) offsets(%dma_start3A_203 : memref<128xi32, #tpu.memory_space<vmem>>) semaphore(%run_scoped3A : memref<!tpu.dma_semaphore, #tpu.memory_space<semaphore_mem>>) {add = true}
          %dma_wait3A_207 = arith.constant 0 : i32
          %dma_wait3A_208 = tpu.memref_slice %arg9[%add3A_172, %dma_wait3A_207] : memref<40x128xi32, #tpu.memory_space<vmem>> -> memref<1x128xi32, #tpu.memory_space<vmem>>
          %dma_wait3A_209 = tpu.memref_squeeze %dma_wait3A_208 : memref<1x128xi32, #tpu.memory_space<vmem>> -> memref<128xi32, #tpu.memory_space<vmem>>
          %dma_wait3A_210 = arith.constant 0 : i32
          %dma_wait3A_211 = arith.constant 0 : i32
          %dma_wait3A_212 = tpu.memref_slice %arg12[%dma_wait3A_210, %dma_wait3A_211] : memref<10240x128xf32, #tpu.memory_space<vmem_shared>> -> memref<10240x128xf32, #tpu.memory_space<vmem_shared>>
          tpu.wait_indirect_dma semaphore(%run_scoped3A : memref<!tpu.dma_semaphore, #tpu.memory_space<semaphore_mem>>) src(%arg10 : memref<128x128xf32, #tpu.memory_space<vmem>>) dst(%dma_wait3A_212 : memref<10240x128xf32, #tpu.memory_space<vmem_shared>>)
          tpu.yield
        }) : () -> ()
        %add3A_173 = arith.constant 0 : i32
        %add3A_174 = arith.addi %mul3A_162, %add3A_173 : i32
        %add3A_175 = arith.constant 2 : i32
        %add3A_176 = arith.addi %add3A_174, %add3A_175 : i32
        %lt3A = arith.constant 40 : i32
        %lt3A_177 = arith.cmpi slt, %add3A_176, %lt3A : i32
        %convert_element_type3A_178 = arith.extui %lt3A_177 : i1 to i32
        %cond3A_179 = arith.constant 0 : i32
        %cond3A_180 = arith.cmpi ne, %convert_element_type3A_178, %cond3A_179 : i32
        scf.if %cond3A_180 {
          %add3A_201 = arith.constant 0 : i32
          %add3A_202 = arith.addi %mul3A_162, %add3A_201 : i32
          %add3A_203 = arith.constant 2 : i32
          %add3A_204 = arith.addi %add3A_202, %add3A_203 : i32
          %dma_start3A_205 = arith.constant 0 : i32
          %dma_start3A_206 = tpu.memref_slice %arg8[%add3A_204, %dma_start3A_205] : memref<40x128xi32, #tpu.memory_space<vmem>> -> memref<1x128xi32, #tpu.memory_space<vmem>>
          %dma_start3A_207 = tpu.memref_squeeze %dma_start3A_206 : memref<1x128xi32, #tpu.memory_space<vmem>> -> memref<128xi32, #tpu.memory_space<vmem>>
          %dma_start3A_208 = arith.constant 0 : i32
          %dma_start3A_209 = arith.constant 0 : i32
          %dma_start3A_210 = tpu.memref_slice %arg3[%dma_start3A_208, %dma_start3A_209] : memref<10240x128xf32, #tpu.memory_space<hbm>> -> memref<10240x128xf32, #tpu.memory_space<hbm>>
          tpu.enqueue_indirect_dma source(%dma_start3A_210 : memref<10240x128xf32, #tpu.memory_space<hbm>>) target(%arg10 : memref<128x128xf32, #tpu.memory_space<vmem>>) offsets(%dma_start3A_207 : memref<128xi32, #tpu.memory_space<vmem>>) semaphore(%arg13 : memref<!tpu.dma_semaphore, #tpu.memory_space<semaphore_mem>>)
        } else {
        }
        %add3A_181 = arith.constant 1 : i32
        %add3A_182 = arith.addi %mul3A_162, %add3A_181 : i32
        %dma_wait3A_183 = arith.constant 0 : i32
        %dma_wait3A_184 = tpu.memref_slice %arg8[%add3A_182, %dma_wait3A_183] : memref<40x128xi32, #tpu.memory_space<vmem>> -> memref<1x128xi32, #tpu.memory_space<vmem>>
        %dma_wait3A_185 = tpu.memref_squeeze %dma_wait3A_184 : memref<1x128xi32, #tpu.memory_space<vmem>> -> memref<128xi32, #tpu.memory_space<vmem>>
        %dma_wait3A_186 = arith.constant 0 : i32
        %dma_wait3A_187 = arith.constant 0 : i32
        %dma_wait3A_188 = tpu.memref_slice %arg3[%dma_wait3A_186, %dma_wait3A_187] : memref<10240x128xf32, #tpu.memory_space<hbm>> -> memref<10240x128xf32, #tpu.memory_space<hbm>>
        tpu.wait_indirect_dma semaphore(%arg14 : memref<!tpu.dma_semaphore, #tpu.memory_space<semaphore_mem>>) src(%dma_wait3A_188 : memref<10240x128xf32, #tpu.memory_space<hbm>>) dst(%arg11 : memref<128x128xf32, #tpu.memory_space<vmem>>)
        %add3A_189 = arith.constant 1 : i32
        %add3A_190 = arith.addi %mul3A_162, %add3A_189 : i32
        "tpu.region"() ({
          %run_scoped3A = tpu.sem_alloc : memref<!tpu.dma_semaphore, #tpu.memory_space<semaphore_mem>>
          %dma_start3A_201 = arith.constant 0 : i32
          %dma_start3A_202 = tpu.memref_slice %arg9[%add3A_190, %dma_start3A_201] : memref<40x128xi32, #tpu.memory_space<vmem>> -> memref<1x128xi32, #tpu.memory_space<vmem>>
          %dma_start3A_203 = tpu.memref_squeeze %dma_start3A_202 : memref<1x128xi32, #tpu.memory_space<vmem>> -> memref<128xi32, #tpu.memory_space<vmem>>
          %dma_start3A_204 = arith.constant 0 : i32
          %dma_start3A_205 = arith.constant 0 : i32
          %dma_start3A_206 = tpu.memref_slice %arg12[%dma_start3A_204, %dma_start3A_205] : memref<10240x128xf32, #tpu.memory_space<vmem_shared>> -> memref<10240x128xf32, #tpu.memory_space<vmem_shared>>
          tpu.enqueue_indirect_dma source(%arg11 : memref<128x128xf32, #tpu.memory_space<vmem>>) target(%dma_start3A_206 : memref<10240x128xf32, #tpu.memory_space<vmem_shared>>) offsets(%dma_start3A_203 : memref<128xi32, #tpu.memory_space<vmem>>) semaphore(%run_scoped3A : memref<!tpu.dma_semaphore, #tpu.memory_space<semaphore_mem>>) {add = true}
          %dma_wait3A_207 = arith.constant 0 : i32
          %dma_wait3A_208 = tpu.memref_slice %arg9[%add3A_190, %dma_wait3A_207] : memref<40x128xi32, #tpu.memory_space<vmem>> -> memref<1x128xi32, #tpu.memory_space<vmem>>
          %dma_wait3A_209 = tpu.memref_squeeze %dma_wait3A_208 : memref<1x128xi32, #tpu.memory_space<vmem>> -> memref<128xi32, #tpu.memory_space<vmem>>
          %dma_wait3A_210 = arith.constant 0 : i32
          %dma_wait3A_211 = arith.constant 0 : i32
          %dma_wait3A_212 = tpu.memref_slice %arg12[%dma_wait3A_210, %dma_wait3A_211] : memref<10240x128xf32, #tpu.memory_space<vmem_shared>> -> memref<10240x128xf32, #tpu.memory_space<vmem_shared>>
          tpu.wait_indirect_dma semaphore(%run_scoped3A : memref<!tpu.dma_semaphore, #tpu.memory_space<semaphore_mem>>) src(%arg11 : memref<128x128xf32, #tpu.memory_space<vmem>>) dst(%dma_wait3A_212 : memref<10240x128xf32, #tpu.memory_space<vmem_shared>>)
          tpu.yield
        }) : () -> ()
        %add3A_191 = arith.constant 1 : i32
        %add3A_192 = arith.addi %mul3A_162, %add3A_191 : i32
        %add3A_193 = arith.constant 2 : i32
        %add3A_194 = arith.addi %add3A_192, %add3A_193 : i32
        %lt3A_195 = arith.constant 40 : i32
        %lt3A_196 = arith.cmpi slt, %add3A_194, %lt3A_195 : i32
        %convert_element_type3A_197 = arith.extui %lt3A_196 : i1 to i32
        %cond3A_198 = arith.constant 0 : i32
        %cond3A_199 = arith.cmpi ne, %convert_element_type3A_197, %cond3A_198 : i32
        scf.if %cond3A_199 {
          %add3A_201 = arith.constant 1 : i32
          %add3A_202 = arith.addi %mul3A_162, %add3A_201 : i32
          %add3A_203 = arith.constant 2 : i32
          %add3A_204 = arith.addi %add3A_202, %add3A_203 : i32
          %dma_start3A_205 = arith.constant 0 : i32
          %dma_start3A_206 = tpu.memref_slice %arg8[%add3A_204, %dma_start3A_205] : memref<40x128xi32, #tpu.memory_space<vmem>> -> memref<1x128xi32, #tpu.memory_space<vmem>>
          %dma_start3A_207 = tpu.memref_squeeze %dma_start3A_206 : memref<1x128xi32, #tpu.memory_space<vmem>> -> memref<128xi32, #tpu.memory_space<vmem>>
          %dma_start3A_208 = arith.constant 0 : i32
          %dma_start3A_209 = arith.constant 0 : i32
          %dma_start3A_210 = tpu.memref_slice %arg3[%dma_start3A_208, %dma_start3A_209] : memref<10240x128xf32, #tpu.memory_space<hbm>> -> memref<10240x128xf32, #tpu.memory_space<hbm>>
          tpu.enqueue_indirect_dma source(%dma_start3A_210 : memref<10240x128xf32, #tpu.memory_space<hbm>>) target(%arg11 : memref<128x128xf32, #tpu.memory_space<vmem>>) offsets(%dma_start3A_207 : memref<128xi32, #tpu.memory_space<vmem>>) semaphore(%arg14 : memref<!tpu.dma_semaphore, #tpu.memory_space<semaphore_mem>>)
        } else {
        }
        %scan3A_200 = arith.constant 0 : i32
        scf.yield %scan3A_200 : i32
      }
      %scan3A_129 = arith.constant 20 : i32
      %mul3A_130 = arith.constant 80 : i32
      %mul3A_131 = arith.muli %arg1, %mul3A_130 : i32
      %add3A_132 = arith.constant 40 : i32
      %add3A_133 = arith.addi %mul3A_131, %add3A_132 : i32
      "tpu.region"() ({
        %run_scoped3A = tpu.sem_alloc : memref<!tpu.dma_semaphore, #tpu.memory_space<semaphore_mem>>
        %dma_start3A_159 = arith.constant 0 : i32
        %dma_start3A_160 = tpu.memref_slice %arg4[%add3A_133, %dma_start3A_159] : memref<1280x128xi32, #tpu.memory_space<hbm>> -> memref<40x128xi32, #tpu.memory_space<hbm>>
        %dma_start3A_161 = arith.constant 0 : i32
        %dma_start3A_162 = tpu.memref_slice %arg4[%add3A_133, %dma_start3A_161] : memref<1280x128xi32, #tpu.memory_space<hbm>> -> memref<40x128xi32, #tpu.memory_space<hbm>>
        tpu.enqueue_dma source(%dma_start3A_162 : memref<40x128xi32, #tpu.memory_space<hbm>>) target(%arg8 : memref<40x128xi32, #tpu.memory_space<vmem>>) target_semaphore(%run_scoped3A : memref<!tpu.dma_semaphore, #tpu.memory_space<semaphore_mem>>)
        %dma_wait3A_163 = arith.constant 0 : i32
        %dma_wait3A_164 = tpu.memref_slice %arg4[%add3A_133, %dma_wait3A_163] : memref<1280x128xi32, #tpu.memory_space<hbm>> -> memref<40x128xi32, #tpu.memory_space<hbm>>
        %dma_wait3A_165 = arith.constant 0 : i32
        %dma_wait3A_166 = tpu.memref_slice %arg4[%add3A_133, %dma_wait3A_165] : memref<1280x128xi32, #tpu.memory_space<hbm>> -> memref<40x128xi32, #tpu.memory_space<hbm>>
        tpu.wait_dma2 semaphore(%run_scoped3A : memref<!tpu.dma_semaphore, #tpu.memory_space<semaphore_mem>>) src(%dma_wait3A_166 : memref<40x128xi32, #tpu.memory_space<hbm>>) dst(%arg8 : memref<40x128xi32, #tpu.memory_space<vmem>>)
        tpu.yield
      }) : () -> ()
      %mul3A_134 = arith.constant 80 : i32
      %mul3A_135 = arith.muli %arg1, %mul3A_134 : i32
      %add3A_136 = arith.constant 40 : i32
      %add3A_137 = arith.addi %mul3A_135, %add3A_136 : i32
      "tpu.region"() ({
        %run_scoped3A = tpu.sem_alloc : memref<!tpu.dma_semaphore, #tpu.memory_space<semaphore_mem>>
        %dma_start3A_159 = arith.constant 0 : i32
        %dma_start3A_160 = tpu.memref_slice %arg5[%add3A_137, %dma_start3A_159] : memref<1280x128xi32, #tpu.memory_space<hbm>> -> memref<40x128xi32, #tpu.memory_space<hbm>>
        %dma_start3A_161 = arith.constant 0 : i32
        %dma_start3A_162 = tpu.memref_slice %arg5[%add3A_137, %dma_start3A_161] : memref<1280x128xi32, #tpu.memory_space<hbm>> -> memref<40x128xi32, #tpu.memory_space<hbm>>
        tpu.enqueue_dma source(%dma_start3A_162 : memref<40x128xi32, #tpu.memory_space<hbm>>) target(%arg9 : memref<40x128xi32, #tpu.memory_space<vmem>>) target_semaphore(%run_scoped3A : memref<!tpu.dma_semaphore, #tpu.memory_space<semaphore_mem>>)
        %dma_wait3A_163 = arith.constant 0 : i32
        %dma_wait3A_164 = tpu.memref_slice %arg5[%add3A_137, %dma_wait3A_163] : memref<1280x128xi32, #tpu.memory_space<hbm>> -> memref<40x128xi32, #tpu.memory_space<hbm>>
        %dma_wait3A_165 = arith.constant 0 : i32
        %dma_wait3A_166 = tpu.memref_slice %arg5[%add3A_137, %dma_wait3A_165] : memref<1280x128xi32, #tpu.memory_space<hbm>> -> memref<40x128xi32, #tpu.memory_space<hbm>>
        tpu.wait_dma2 semaphore(%run_scoped3A : memref<!tpu.dma_semaphore, #tpu.memory_space<semaphore_mem>>) src(%dma_wait3A_166 : memref<40x128xi32, #tpu.memory_space<hbm>>) dst(%arg9 : memref<40x128xi32, #tpu.memory_space<vmem>>)
        tpu.yield
      }) : () -> ()
      %dma_start3A_138 = arith.constant 0 : i32
      %dma_start3A_139 = arith.constant 0 : i32
      %dma_start3A_140 = tpu.memref_slice %arg8[%dma_start3A_138, %dma_start3A_139] : memref<40x128xi32, #tpu.memory_space<vmem>> -> memref<1x128xi32, #tpu.memory_space<vmem>>
      %dma_start3A_141 = tpu.memref_squeeze %dma_start3A_140 : memref<1x128xi32, #tpu.memory_space<vmem>> -> memref<128xi32, #tpu.memory_space<vmem>>
      %dma_start3A_142 = arith.constant 0 : i32
      %dma_start3A_143 = arith.constant 0 : i32
      %dma_start3A_144 = tpu.memref_slice %arg3[%dma_start3A_142, %dma_start3A_143] : memref<10240x128xf32, #tpu.memory_space<hbm>> -> memref<10240x128xf32, #tpu.memory_space<hbm>>
      tpu.enqueue_indirect_dma source(%dma_start3A_144 : memref<10240x128xf32, #tpu.memory_space<hbm>>) target(%arg10 : memref<128x128xf32, #tpu.memory_space<vmem>>) offsets(%dma_start3A_141 : memref<128xi32, #tpu.memory_space<vmem>>) semaphore(%arg13 : memref<!tpu.dma_semaphore, #tpu.memory_space<semaphore_mem>>)
      %dma_start3A_145 = arith.constant 1 : i32
      %dma_start3A_146 = arith.constant 0 : i32
      %dma_start3A_147 = tpu.memref_slice %arg8[%dma_start3A_145, %dma_start3A_146] : memref<40x128xi32, #tpu.memory_space<vmem>> -> memref<1x128xi32, #tpu.memory_space<vmem>>
      %dma_start3A_148 = tpu.memref_squeeze %dma_start3A_147 : memref<1x128xi32, #tpu.memory_space<vmem>> -> memref<128xi32, #tpu.memory_space<vmem>>
      %dma_start3A_149 = arith.constant 0 : i32
      %dma_start3A_150 = arith.constant 0 : i32
      %dma_start3A_151 = tpu.memref_slice %arg3[%dma_start3A_149, %dma_start3A_150] : memref<10240x128xf32, #tpu.memory_space<hbm>> -> memref<10240x128xf32, #tpu.memory_space<hbm>>
      tpu.enqueue_indirect_dma source(%dma_start3A_151 : memref<10240x128xf32, #tpu.memory_space<hbm>>) target(%arg11 : memref<128x128xf32, #tpu.memory_space<vmem>>) offsets(%dma_start3A_148 : memref<128xi32, #tpu.memory_space<vmem>>) semaphore(%arg14 : memref<!tpu.dma_semaphore, #tpu.memory_space<semaphore_mem>>)
      %scan3A_152 = arith.constant 0 : i32
      %scan3A_153 = arith.constant 0 : i32
      %scan3A_154 = arith.constant 20 : i32
      %scan3A_155 = arith.addi %scan3A_153, %scan3A_154 : i32
      %scan3A_156 = arith.constant 1 : i32
      %scan3A_157 = scf.for %scan3A_159 = %scan3A_153 to %scan3A_155 step %scan3A_156 iter_args(%scan3A_160 = %scan3A_152) -> (i32)  : i32 {
        %mul3A_161 = arith.constant 2 : i32
        %mul3A_162 = arith.muli %scan3A_159, %mul3A_161 : i32
        %add3A_163 = arith.constant 0 : i32
        %add3A_164 = arith.addi %mul3A_162, %add3A_163 : i32
        %dma_wait3A_165 = arith.constant 0 : i32
        %dma_wait3A_166 = tpu.memref_slice %arg8[%add3A_164, %dma_wait3A_165] : memref<40x128xi32, #tpu.memory_space<vmem>> -> memref<1x128xi32, #tpu.memory_space<vmem>>
        %dma_wait3A_167 = tpu.memref_squeeze %dma_wait3A_166 : memref<1x128xi32, #tpu.memory_space<vmem>> -> memref<128xi32, #tpu.memory_space<vmem>>
        %dma_wait3A_168 = arith.constant 0 : i32
        %dma_wait3A_169 = arith.constant 0 : i32
        %dma_wait3A_170 = tpu.memref_slice %arg3[%dma_wait3A_168, %dma_wait3A_169] : memref<10240x128xf32, #tpu.memory_space<hbm>> -> memref<10240x128xf32, #tpu.memory_space<hbm>>
        tpu.wait_indirect_dma semaphore(%arg13 : memref<!tpu.dma_semaphore, #tpu.memory_space<semaphore_mem>>) src(%dma_wait3A_170 : memref<10240x128xf32, #tpu.memory_space<hbm>>) dst(%arg10 : memref<128x128xf32, #tpu.memory_space<vmem>>)
        %add3A_171 = arith.constant 0 : i32
        %add3A_172 = arith.addi %mul3A_162, %add3A_171 : i32
        "tpu.region"() ({
          %run_scoped3A = tpu.sem_alloc : memref<!tpu.dma_semaphore, #tpu.memory_space<semaphore_mem>>
          %dma_start3A_201 = arith.constant 0 : i32
          %dma_start3A_202 = tpu.memref_slice %arg9[%add3A_172, %dma_start3A_201] : memref<40x128xi32, #tpu.memory_space<vmem>> -> memref<1x128xi32, #tpu.memory_space<vmem>>
          %dma_start3A_203 = tpu.memref_squeeze %dma_start3A_202 : memref<1x128xi32, #tpu.memory_space<vmem>> -> memref<128xi32, #tpu.memory_space<vmem>>
          %dma_start3A_204 = arith.constant 0 : i32
          %dma_start3A_205 = arith.constant 0 : i32
          %dma_start3A_206 = tpu.memref_slice %arg12[%dma_start3A_204, %dma_start3A_205] : memref<10240x128xf32, #tpu.memory_space<vmem_shared>> -> memref<10240x128xf32, #tpu.memory_space<vmem_shared>>
          tpu.enqueue_indirect_dma source(%arg10 : memref<128x128xf32, #tpu.memory_space<vmem>>) target(%dma_start3A_206 : memref<10240x128xf32, #tpu.memory_space<vmem_shared>>) offsets(%dma_start3A_203 : memref<128xi32, #tpu.memory_space<vmem>>) semaphore(%run_scoped3A : memref<!tpu.dma_semaphore, #tpu.memory_space<semaphore_mem>>) {add = true}
          %dma_wait3A_207 = arith.constant 0 : i32
          %dma_wait3A_208 = tpu.memref_slice %arg9[%add3A_172, %dma_wait3A_207] : memref<40x128xi32, #tpu.memory_space<vmem>> -> memref<1x128xi32, #tpu.memory_space<vmem>>
          %dma_wait3A_209 = tpu.memref_squeeze %dma_wait3A_208 : memref<1x128xi32, #tpu.memory_space<vmem>> -> memref<128xi32, #tpu.memory_space<vmem>>
          %dma_wait3A_210 = arith.constant 0 : i32
          %dma_wait3A_211 = arith.constant 0 : i32
          %dma_wait3A_212 = tpu.memref_slice %arg12[%dma_wait3A_210, %dma_wait3A_211] : memref<10240x128xf32, #tpu.memory_space<vmem_shared>> -> memref<10240x128xf32, #tpu.memory_space<vmem_shared>>
          tpu.wait_indirect_dma semaphore(%run_scoped3A : memref<!tpu.dma_semaphore, #tpu.memory_space<semaphore_mem>>) src(%arg10 : memref<128x128xf32, #tpu.memory_space<vmem>>) dst(%dma_wait3A_212 : memref<10240x128xf32, #tpu.memory_space<vmem_shared>>)
          tpu.yield
        }) : () -> ()
        %add3A_173 = arith.constant 0 : i32
        %add3A_174 = arith.addi %mul3A_162, %add3A_173 : i32
        %add3A_175 = arith.constant 2 : i32
        %add3A_176 = arith.addi %add3A_174, %add3A_175 : i32
        %lt3A = arith.constant 40 : i32
        %lt3A_177 = arith.cmpi slt, %add3A_176, %lt3A : i32
        %convert_element_type3A_178 = arith.extui %lt3A_177 : i1 to i32
        %cond3A_179 = arith.constant 0 : i32
        %cond3A_180 = arith.cmpi ne, %convert_element_type3A_178, %cond3A_179 : i32
        scf.if %cond3A_180 {
          %add3A_201 = arith.constant 0 : i32
          %add3A_202 = arith.addi %mul3A_162, %add3A_201 : i32
          %add3A_203 = arith.constant 2 : i32
          %add3A_204 = arith.addi %add3A_202, %add3A_203 : i32
          %dma_start3A_205 = arith.constant 0 : i32
          %dma_start3A_206 = tpu.memref_slice %arg8[%add3A_204, %dma_start3A_205] : memref<40x128xi32, #tpu.memory_space<vmem>> -> memref<1x128xi32, #tpu.memory_space<vmem>>
          %dma_start3A_207 = tpu.memref_squeeze %dma_start3A_206 : memref<1x128xi32, #tpu.memory_space<vmem>> -> memref<128xi32, #tpu.memory_space<vmem>>
          %dma_start3A_208 = arith.constant 0 : i32
          %dma_start3A_209 = arith.constant 0 : i32
          %dma_start3A_210 = tpu.memref_slice %arg3[%dma_start3A_208, %dma_start3A_209] : memref<10240x128xf32, #tpu.memory_space<hbm>> -> memref<10240x128xf32, #tpu.memory_space<hbm>>
          tpu.enqueue_indirect_dma source(%dma_start3A_210 : memref<10240x128xf32, #tpu.memory_space<hbm>>) target(%arg10 : memref<128x128xf32, #tpu.memory_space<vmem>>) offsets(%dma_start3A_207 : memref<128xi32, #tpu.memory_space<vmem>>) semaphore(%arg13 : memref<!tpu.dma_semaphore, #tpu.memory_space<semaphore_mem>>)
        } else {
        }
        %add3A_181 = arith.constant 1 : i32
        %add3A_182 = arith.addi %mul3A_162, %add3A_181 : i32
        %dma_wait3A_183 = arith.constant 0 : i32
        %dma_wait3A_184 = tpu.memref_slice %arg8[%add3A_182, %dma_wait3A_183] : memref<40x128xi32, #tpu.memory_space<vmem>> -> memref<1x128xi32, #tpu.memory_space<vmem>>
        %dma_wait3A_185 = tpu.memref_squeeze %dma_wait3A_184 : memref<1x128xi32, #tpu.memory_space<vmem>> -> memref<128xi32, #tpu.memory_space<vmem>>
        %dma_wait3A_186 = arith.constant 0 : i32
        %dma_wait3A_187 = arith.constant 0 : i32
        %dma_wait3A_188 = tpu.memref_slice %arg3[%dma_wait3A_186, %dma_wait3A_187] : memref<10240x128xf32, #tpu.memory_space<hbm>> -> memref<10240x128xf32, #tpu.memory_space<hbm>>
        tpu.wait_indirect_dma semaphore(%arg14 : memref<!tpu.dma_semaphore, #tpu.memory_space<semaphore_mem>>) src(%dma_wait3A_188 : memref<10240x128xf32, #tpu.memory_space<hbm>>) dst(%arg11 : memref<128x128xf32, #tpu.memory_space<vmem>>)
        %add3A_189 = arith.constant 1 : i32
        %add3A_190 = arith.addi %mul3A_162, %add3A_189 : i32
        "tpu.region"() ({
          %run_scoped3A = tpu.sem_alloc : memref<!tpu.dma_semaphore, #tpu.memory_space<semaphore_mem>>
          %dma_start3A_201 = arith.constant 0 : i32
          %dma_start3A_202 = tpu.memref_slice %arg9[%add3A_190, %dma_start3A_201] : memref<40x128xi32, #tpu.memory_space<vmem>> -> memref<1x128xi32, #tpu.memory_space<vmem>>
          %dma_start3A_203 = tpu.memref_squeeze %dma_start3A_202 : memref<1x128xi32, #tpu.memory_space<vmem>> -> memref<128xi32, #tpu.memory_space<vmem>>
          %dma_start3A_204 = arith.constant 0 : i32
          %dma_start3A_205 = arith.constant 0 : i32
          %dma_start3A_206 = tpu.memref_slice %arg12[%dma_start3A_204, %dma_start3A_205] : memref<10240x128xf32, #tpu.memory_space<vmem_shared>> -> memref<10240x128xf32, #tpu.memory_space<vmem_shared>>
          tpu.enqueue_indirect_dma source(%arg11 : memref<128x128xf32, #tpu.memory_space<vmem>>) target(%dma_start3A_206 : memref<10240x128xf32, #tpu.memory_space<vmem_shared>>) offsets(%dma_start3A_203 : memref<128xi32, #tpu.memory_space<vmem>>) semaphore(%run_scoped3A : memref<!tpu.dma_semaphore, #tpu.memory_space<semaphore_mem>>) {add = true}
          %dma_wait3A_207 = arith.constant 0 : i32
          %dma_wait3A_208 = tpu.memref_slice %arg9[%add3A_190, %dma_wait3A_207] : memref<40x128xi32, #tpu.memory_space<vmem>> -> memref<1x128xi32, #tpu.memory_space<vmem>>
          %dma_wait3A_209 = tpu.memref_squeeze %dma_wait3A_208 : memref<1x128xi32, #tpu.memory_space<vmem>> -> memref<128xi32, #tpu.memory_space<vmem>>
          %dma_wait3A_210 = arith.constant 0 : i32
          %dma_wait3A_211 = arith.constant 0 : i32
          %dma_wait3A_212 = tpu.memref_slice %arg12[%dma_wait3A_210, %dma_wait3A_211] : memref<10240x128xf32, #tpu.memory_space<vmem_shared>> -> memref<10240x128xf32, #tpu.memory_space<vmem_shared>>
          tpu.wait_indirect_dma semaphore(%run_scoped3A : memref<!tpu.dma_semaphore, #tpu.memory_space<semaphore_mem>>) src(%arg11 : memref<128x128xf32, #tpu.memory_space<vmem>>) dst(%dma_wait3A_212 : memref<10240x128xf32, #tpu.memory_space<vmem_shared>>)
          tpu.yield
        }) : () -> ()
        %add3A_191 = arith.constant 1 : i32
        %add3A_192 = arith.addi %mul3A_162, %add3A_191 : i32
        %add3A_193 = arith.constant 2 : i32
        %add3A_194 = arith.addi %add3A_192, %add3A_193 : i32
        %lt3A_195 = arith.constant 40 : i32
        %lt3A_196 = arith.cmpi slt, %add3A_194, %lt3A_195 : i32
        %convert_element_type3A_197 = arith.extui %lt3A_196 : i1 to i32
        %cond3A_198 = arith.constant 0 : i32
        %cond3A_199 = arith.cmpi ne, %convert_element_type3A_197, %cond3A_198 : i32
        scf.if %cond3A_199 {
          %add3A_201 = arith.constant 1 : i32
          %add3A_202 = arith.addi %mul3A_162, %add3A_201 : i32
          %add3A_203 = arith.constant 2 : i32
          %add3A_204 = arith.addi %add3A_202, %add3A_203 : i32
          %dma_start3A_205 = arith.constant 0 : i32
          %dma_start3A_206 = tpu.memref_slice %arg8[%add3A_204, %dma_start3A_205] : memref<40x128xi32, #tpu.memory_space<vmem>> -> memref<1x128xi32, #tpu.memory_space<vmem>>
          %dma_start3A_207 = tpu.memref_squeeze %dma_start3A_206 : memref<1x128xi32, #tpu.memory_space<vmem>> -> memref<128xi32, #tpu.memory_space<vmem>>
          %dma_start3A_208 = arith.constant 0 : i32
          %dma_start3A_209 = arith.constant 0 : i32
          %dma_start3A_210 = tpu.memref_slice %arg3[%dma_start3A_208, %dma_start3A_209] : memref<10240x128xf32, #tpu.memory_space<hbm>> -> memref<10240x128xf32, #tpu.memory_space<hbm>>
          tpu.enqueue_indirect_dma source(%dma_start3A_210 : memref<10240x128xf32, #tpu.memory_space<hbm>>) target(%arg11 : memref<128x128xf32, #tpu.memory_space<vmem>>) offsets(%dma_start3A_207 : memref<128xi32, #tpu.memory_space<vmem>>) semaphore(%arg14 : memref<!tpu.dma_semaphore, #tpu.memory_space<semaphore_mem>>)
        } else {
        }
        %scan3A_200 = arith.constant 0 : i32
        scf.yield %scan3A_200 : i32
      }
      %scan3A_158 = arith.constant 20 : i32
    } else {
    }
    %barrier3A_90 = arith.constant 0 : index
    tpu.barrier barrier_id(%barrier3A_90)
    %eq3A_91 = arith.constant 0 : i32
    %eq3A_92 = arith.cmpi eq, %arg0, %eq3A_91 : i32
    %convert_element_type3A_93 = arith.extui %eq3A_92 : i1 to i32
    %cond3A_94 = arith.constant 0 : i32
    %cond3A_95 = arith.cmpi ne, %convert_element_type3A_93, %cond3A_94 : i32
    scf.if %cond3A_95 {
      %mul3A_101 = arith.constant 640 : i32
      %mul3A_102 = arith.muli %arg1, %mul3A_101 : i32
      %add3A_103 = arith.constant 0 : i32
      %add3A_104 = arith.addi %mul3A_102, %add3A_103 : i32
      %dma_start3A_105 = arith.constant 0 : i32
      %dma_start3A_106 = tpu.memref_slice %arg12[%add3A_104, %dma_start3A_105] : memref<10240x128xf32, #tpu.memory_space<vmem_shared>> -> memref<128x128xf32, #tpu.memory_space<vmem_shared>>
      %dma_start3A_107 = arith.constant 0 : i32
      %dma_start3A_108 = tpu.memref_slice %arg12[%add3A_104, %dma_start3A_107] : memref<10240x128xf32, #tpu.memory_space<vmem_shared>> -> memref<128x128xf32, #tpu.memory_space<vmem_shared>>
      tpu.enqueue_dma source(%dma_start3A_108 : memref<128x128xf32, #tpu.memory_space<vmem_shared>>) target(%arg10 : memref<128x128xf32, #tpu.memory_space<vmem>>) target_semaphore(%arg13 : memref<!tpu.dma_semaphore, #tpu.memory_space<semaphore_mem>>)
      %mul3A_109 = arith.constant 640 : i32
      %mul3A_110 = arith.muli %arg1, %mul3A_109 : i32
      %add3A_111 = arith.constant 128 : i32
      %add3A_112 = arith.addi %mul3A_110, %add3A_111 : i32
      %dma_start3A_113 = arith.constant 0 : i32
      %dma_start3A_114 = tpu.memref_slice %arg12[%add3A_112, %dma_start3A_113] : memref<10240x128xf32, #tpu.memory_space<vmem_shared>> -> memref<128x128xf32, #tpu.memory_space<vmem_shared>>
      %dma_start3A_115 = arith.constant 0 : i32
      %dma_start3A_116 = tpu.memref_slice %arg12[%add3A_112, %dma_start3A_115] : memref<10240x128xf32, #tpu.memory_space<vmem_shared>> -> memref<128x128xf32, #tpu.memory_space<vmem_shared>>
      tpu.enqueue_dma source(%dma_start3A_116 : memref<128x128xf32, #tpu.memory_space<vmem_shared>>) target(%arg11 : memref<128x128xf32, #tpu.memory_space<vmem>>) target_semaphore(%arg14 : memref<!tpu.dma_semaphore, #tpu.memory_space<semaphore_mem>>)
      %mul3A_117 = arith.constant 640 : i32
      %mul3A_118 = arith.muli %arg1, %mul3A_117 : i32
      %add3A_119 = arith.constant 0 : i32
      %add3A_120 = arith.addi %mul3A_118, %add3A_119 : i32
      %dma_wait3A_121 = arith.constant 0 : i32
      %dma_wait3A_122 = tpu.memref_slice %arg12[%add3A_120, %dma_wait3A_121] : memref<10240x128xf32, #tpu.memory_space<vmem_shared>> -> memref<128x128xf32, #tpu.memory_space<vmem_shared>>
      %dma_wait3A_123 = arith.constant 0 : i32
      %dma_wait3A_124 = tpu.memref_slice %arg12[%add3A_120, %dma_wait3A_123] : memref<10240x128xf32, #tpu.memory_space<vmem_shared>> -> memref<128x128xf32, #tpu.memory_space<vmem_shared>>
      tpu.wait_dma2 semaphore(%arg13 : memref<!tpu.dma_semaphore, #tpu.memory_space<semaphore_mem>>) src(%dma_wait3A_124 : memref<128x128xf32, #tpu.memory_space<vmem_shared>>) dst(%arg10 : memref<128x128xf32, #tpu.memory_space<vmem>>)
      "tpu.region"() ({
        %run_scoped3A = tpu.sem_alloc : memref<!tpu.dma_semaphore, #tpu.memory_space<semaphore_mem>>
        %dma_start3A_181 = arith.constant 0 : i32
        %dma_start3A_182 = tpu.memref_slice %arg6[%add3A_120, %dma_start3A_181] : memref<10240x128xf32, #tpu.memory_space<hbm>> -> memref<128x128xf32, #tpu.memory_space<hbm>>
        %dma_start3A_183 = arith.constant 0 : i32
        %dma_start3A_184 = tpu.memref_slice %arg6[%add3A_120, %dma_start3A_183] : memref<10240x128xf32, #tpu.memory_space<hbm>> -> memref<128x128xf32, #tpu.memory_space<hbm>>
        tpu.enqueue_dma source(%arg10 : memref<128x128xf32, #tpu.memory_space<vmem>>) target(%dma_start3A_184 : memref<128x128xf32, #tpu.memory_space<hbm>>) target_semaphore(%run_scoped3A : memref<!tpu.dma_semaphore, #tpu.memory_space<semaphore_mem>>)
        %dma_wait3A_185 = arith.constant 0 : i32
        %dma_wait3A_186 = tpu.memref_slice %arg6[%add3A_120, %dma_wait3A_185] : memref<10240x128xf32, #tpu.memory_space<hbm>> -> memref<128x128xf32, #tpu.memory_space<hbm>>
        %dma_wait3A_187 = arith.constant 0 : i32
        %dma_wait3A_188 = tpu.memref_slice %arg6[%add3A_120, %dma_wait3A_187] : memref<10240x128xf32, #tpu.memory_space<hbm>> -> memref<128x128xf32, #tpu.memory_space<hbm>>
        tpu.wait_dma2 semaphore(%run_scoped3A : memref<!tpu.dma_semaphore, #tpu.memory_space<semaphore_mem>>) src(%arg10 : memref<128x128xf32, #tpu.memory_space<vmem>>) dst(%dma_wait3A_188 : memref<128x128xf32, #tpu.memory_space<hbm>>)
        tpu.yield
      }) : () -> ()
      %mul3A_125 = arith.constant 640 : i32
      %mul3A_126 = arith.muli %arg1, %mul3A_125 : i32
      %add3A_127 = arith.constant 256 : i32
      %add3A_128 = arith.addi %mul3A_126, %add3A_127 : i32
      %dma_start3A_129 = arith.constant 0 : i32
      %dma_start3A_130 = tpu.memref_slice %arg12[%add3A_128, %dma_start3A_129] : memref<10240x128xf32, #tpu.memory_space<vmem_shared>> -> memref<128x128xf32, #tpu.memory_space<vmem_shared>>
      %dma_start3A_131 = arith.constant 0 : i32
      %dma_start3A_132 = tpu.memref_slice %arg12[%add3A_128, %dma_start3A_131] : memref<10240x128xf32, #tpu.memory_space<vmem_shared>> -> memref<128x128xf32, #tpu.memory_space<vmem_shared>>
      tpu.enqueue_dma source(%dma_start3A_132 : memref<128x128xf32, #tpu.memory_space<vmem_shared>>) target(%arg10 : memref<128x128xf32, #tpu.memory_space<vmem>>) target_semaphore(%arg13 : memref<!tpu.dma_semaphore, #tpu.memory_space<semaphore_mem>>)
      %mul3A_133 = arith.constant 640 : i32
      %mul3A_134 = arith.muli %arg1, %mul3A_133 : i32
      %add3A_135 = arith.constant 128 : i32
      %add3A_136 = arith.addi %mul3A_134, %add3A_135 : i32
      %dma_wait3A_137 = arith.constant 0 : i32
      %dma_wait3A_138 = tpu.memref_slice %arg12[%add3A_136, %dma_wait3A_137] : memref<10240x128xf32, #tpu.memory_space<vmem_shared>> -> memref<128x128xf32, #tpu.memory_space<vmem_shared>>
      %dma_wait3A_139 = arith.constant 0 : i32
      %dma_wait3A_140 = tpu.memref_slice %arg12[%add3A_136, %dma_wait3A_139] : memref<10240x128xf32, #tpu.memory_space<vmem_shared>> -> memref<128x128xf32, #tpu.memory_space<vmem_shared>>
      tpu.wait_dma2 semaphore(%arg14 : memref<!tpu.dma_semaphore, #tpu.memory_space<semaphore_mem>>) src(%dma_wait3A_140 : memref<128x128xf32, #tpu.memory_space<vmem_shared>>) dst(%arg11 : memref<128x128xf32, #tpu.memory_space<vmem>>)
      "tpu.region"() ({
        %run_scoped3A = tpu.sem_alloc : memref<!tpu.dma_semaphore, #tpu.memory_space<semaphore_mem>>
        %dma_start3A_181 = arith.constant 0 : i32
        %dma_start3A_182 = tpu.memref_slice %arg6[%add3A_136, %dma_start3A_181] : memref<10240x128xf32, #tpu.memory_space<hbm>> -> memref<128x128xf32, #tpu.memory_space<hbm>>
        %dma_start3A_183 = arith.constant 0 : i32
        %dma_start3A_184 = tpu.memref_slice %arg6[%add3A_136, %dma_start3A_183] : memref<10240x128xf32, #tpu.memory_space<hbm>> -> memref<128x128xf32, #tpu.memory_space<hbm>>
        tpu.enqueue_dma source(%arg11 : memref<128x128xf32, #tpu.memory_space<vmem>>) target(%dma_start3A_184 : memref<128x128xf32, #tpu.memory_space<hbm>>) target_semaphore(%run_scoped3A : memref<!tpu.dma_semaphore, #tpu.memory_space<semaphore_mem>>)
        %dma_wait3A_185 = arith.constant 0 : i32
        %dma_wait3A_186 = tpu.memref_slice %arg6[%add3A_136, %dma_wait3A_185] : memref<10240x128xf32, #tpu.memory_space<hbm>> -> memref<128x128xf32, #tpu.memory_space<hbm>>
        %dma_wait3A_187 = arith.constant 0 : i32
        %dma_wait3A_188 = tpu.memref_slice %arg6[%add3A_136, %dma_wait3A_187] : memref<10240x128xf32, #tpu.memory_space<hbm>> -> memref<128x128xf32, #tpu.memory_space<hbm>>
        tpu.wait_dma2 semaphore(%run_scoped3A : memref<!tpu.dma_semaphore, #tpu.memory_space<semaphore_mem>>) src(%arg11 : memref<128x128xf32, #tpu.memory_space<vmem>>) dst(%dma_wait3A_188 : memref<128x128xf32, #tpu.memory_space<hbm>>)
        tpu.yield
      }) : () -> ()
      %mul3A_141 = arith.constant 640 : i32
      %mul3A_142 = arith.muli %arg1, %mul3A_141 : i32
      %add3A_143 = arith.constant 384 : i32
      %add3A_144 = arith.addi %mul3A_142, %add3A_143 : i32
      %dma_start3A_145 = arith.constant 0 : i32
      %dma_start3A_146 = tpu.memref_slice %arg12[%add3A_144, %dma_start3A_145] : memref<10240x128xf32, #tpu.memory_space<vmem_shared>> -> memref<128x128xf32, #tpu.memory_space<vmem_shared>>
      %dma_start3A_147 = arith.constant 0 : i32
      %dma_start3A_148 = tpu.memref_slice %arg12[%add3A_144, %dma_start3A_147] : memref<10240x128xf32, #tpu.memory_space<vmem_shared>> -> memref<128x128xf32, #tpu.memory_space<vmem_shared>>
      tpu.enqueue_dma source(%dma_start3A_148 : memref<128x128xf32, #tpu.memory_space<vmem_shared>>) target(%arg11 : memref<128x128xf32, #tpu.memory_space<vmem>>) target_semaphore(%arg14 : memref<!tpu.dma_semaphore, #tpu.memory_space<semaphore_mem>>)
      %mul3A_149 = arith.constant 640 : i32
      %mul3A_150 = arith.muli %arg1, %mul3A_149 : i32
      %add3A_151 = arith.constant 256 : i32
      %add3A_152 = arith.addi %mul3A_150, %add3A_151 : i32
      %dma_wait3A_153 = arith.constant 0 : i32
      %dma_wait3A_154 = tpu.memref_slice %arg12[%add3A_152, %dma_wait3A_153] : memref<10240x128xf32, #tpu.memory_space<vmem_shared>> -> memref<128x128xf32, #tpu.memory_space<vmem_shared>>
      %dma_wait3A_155 = arith.constant 0 : i32
      %dma_wait3A_156 = tpu.memref_slice %arg12[%add3A_152, %dma_wait3A_155] : memref<10240x128xf32, #tpu.memory_space<vmem_shared>> -> memref<128x128xf32, #tpu.memory_space<vmem_shared>>
      tpu.wait_dma2 semaphore(%arg13 : memref<!tpu.dma_semaphore, #tpu.memory_space<semaphore_mem>>) src(%dma_wait3A_156 : memref<128x128xf32, #tpu.memory_space<vmem_shared>>) dst(%arg10 : memref<128x128xf32, #tpu.memory_space<vmem>>)
      "tpu.region"() ({
        %run_scoped3A = tpu.sem_alloc : memref<!tpu.dma_semaphore, #tpu.memory_space<semaphore_mem>>
        %dma_start3A_181 = arith.constant 0 : i32
        %dma_start3A_182 = tpu.memref_slice %arg6[%add3A_152, %dma_start3A_181] : memref<10240x128xf32, #tpu.memory_space<hbm>> -> memref<128x128xf32, #tpu.memory_space<hbm>>
        %dma_start3A_183 = arith.constant 0 : i32
        %dma_start3A_184 = tpu.memref_slice %arg6[%add3A_152, %dma_start3A_183] : memref<10240x128xf32, #tpu.memory_space<hbm>> -> memref<128x128xf32, #tpu.memory_space<hbm>>
        tpu.enqueue_dma source(%arg10 : memref<128x128xf32, #tpu.memory_space<vmem>>) target(%dma_start3A_184 : memref<128x128xf32, #tpu.memory_space<hbm>>) target_semaphore(%run_scoped3A : memref<!tpu.dma_semaphore, #tpu.memory_space<semaphore_mem>>)
        %dma_wait3A_185 = arith.constant 0 : i32
        %dma_wait3A_186 = tpu.memref_slice %arg6[%add3A_152, %dma_wait3A_185] : memref<10240x128xf32, #tpu.memory_space<hbm>> -> memref<128x128xf32, #tpu.memory_space<hbm>>
        %dma_wait3A_187 = arith.constant 0 : i32
        %dma_wait3A_188 = tpu.memref_slice %arg6[%add3A_152, %dma_wait3A_187] : memref<10240x128xf32, #tpu.memory_space<hbm>> -> memref<128x128xf32, #tpu.memory_space<hbm>>
        tpu.wait_dma2 semaphore(%run_scoped3A : memref<!tpu.dma_semaphore, #tpu.memory_space<semaphore_mem>>) src(%arg10 : memref<128x128xf32, #tpu.memory_space<vmem>>) dst(%dma_wait3A_188 : memref<128x128xf32, #tpu.memory_space<hbm>>)
        tpu.yield
      }) : () -> ()
      %mul3A_157 = arith.constant 640 : i32
      %mul3A_158 = arith.muli %arg1, %mul3A_157 : i32
      %add3A_159 = arith.constant 512 : i32
      %add3A_160 = arith.addi %mul3A_158, %add3A_159 : i32
      %dma_start3A_161 = arith.constant 0 : i32
      %dma_start3A_162 = tpu.memref_slice %arg12[%add3A_160, %dma_start3A_161] : memref<10240x128xf32, #tpu.memory_space<vmem_shared>> -> memref<128x128xf32, #tpu.memory_space<vmem_shared>>
      %dma_start3A_163 = arith.constant 0 : i32
      %dma_start3A_164 = tpu.memref_slice %arg12[%add3A_160, %dma_start3A_163] : memref<10240x128xf32, #tpu.memory_space<vmem_shared>> -> memref<128x128xf32, #tpu.memory_space<vmem_shared>>
      tpu.enqueue_dma source(%dma_start3A_164 : memref<128x128xf32, #tpu.memory_space<vmem_shared>>) target(%arg10 : memref<128x128xf32, #tpu.memory_space<vmem>>) target_semaphore(%arg13 : memref<!tpu.dma_semaphore, #tpu.memory_space<semaphore_mem>>)
      %mul3A_165 = arith.constant 640 : i32
      %mul3A_166 = arith.muli %arg1, %mul3A_165 : i32
      %add3A_167 = arith.constant 384 : i32
      %add3A_168 = arith.addi %mul3A_166, %add3A_167 : i32
      %dma_wait3A_169 = arith.constant 0 : i32
      %dma_wait3A_170 = tpu.memref_slice %arg12[%add3A_168, %dma_wait3A_169] : memref<10240x128xf32, #tpu.memory_space<vmem_shared>> -> memref<128x128xf32, #tpu.memory_space<vmem_shared>>
      %dma_wait3A_171 = arith.constant 0 : i32
      %dma_wait3A_172 = tpu.memref_slice %arg12[%add3A_168, %dma_wait3A_171] : memref<10240x128xf32, #tpu.memory_space<vmem_shared>> -> memref<128x128xf32, #tpu.memory_space<vmem_shared>>
      tpu.wait_dma2 semaphore(%arg14 : memref<!tpu.dma_semaphore, #tpu.memory_space<semaphore_mem>>) src(%dma_wait3A_172 : memref<128x128xf32, #tpu.memory_space<vmem_shared>>) dst(%arg11 : memref<128x128xf32, #tpu.memory_space<vmem>>)
      "tpu.region"() ({
        %run_scoped3A = tpu.sem_alloc : memref<!tpu.dma_semaphore, #tpu.memory_space<semaphore_mem>>
        %dma_start3A_181 = arith.constant 0 : i32
        %dma_start3A_182 = tpu.memref_slice %arg6[%add3A_168, %dma_start3A_181] : memref<10240x128xf32, #tpu.memory_space<hbm>> -> memref<128x128xf32, #tpu.memory_space<hbm>>
        %dma_start3A_183 = arith.constant 0 : i32
        %dma_start3A_184 = tpu.memref_slice %arg6[%add3A_168, %dma_start3A_183] : memref<10240x128xf32, #tpu.memory_space<hbm>> -> memref<128x128xf32, #tpu.memory_space<hbm>>
        tpu.enqueue_dma source(%arg11 : memref<128x128xf32, #tpu.memory_space<vmem>>) target(%dma_start3A_184 : memref<128x128xf32, #tpu.memory_space<hbm>>) target_semaphore(%run_scoped3A : memref<!tpu.dma_semaphore, #tpu.memory_space<semaphore_mem>>)
        %dma_wait3A_185 = arith.constant 0 : i32
        %dma_wait3A_186 = tpu.memref_slice %arg6[%add3A_168, %dma_wait3A_185] : memref<10240x128xf32, #tpu.memory_space<hbm>> -> memref<128x128xf32, #tpu.memory_space<hbm>>
        %dma_wait3A_187 = arith.constant 0 : i32
        %dma_wait3A_188 = tpu.memref_slice %arg6[%add3A_168, %dma_wait3A_187] : memref<10240x128xf32, #tpu.memory_space<hbm>> -> memref<128x128xf32, #tpu.memory_space<hbm>>
        tpu.wait_dma2 semaphore(%run_scoped3A : memref<!tpu.dma_semaphore, #tpu.memory_space<semaphore_mem>>) src(%arg11 : memref<128x128xf32, #tpu.memory_space<vmem>>) dst(%dma_wait3A_188 : memref<128x128xf32, #tpu.memory_space<hbm>>)
        tpu.yield
      }) : () -> ()
      %mul3A_173 = arith.constant 640 : i32
      %mul3A_174 = arith.muli %arg1, %mul3A_173 : i32
      %add3A_175 = arith.constant 512 : i32
      %add3A_176 = arith.addi %mul3A_174, %add3A_175 : i32
      %dma_wait3A_177 = arith.constant 0 : i32
      %dma_wait3A_178 = tpu.memref_slice %arg12[%add3A_176, %dma_wait3A_177] : memref<10240x128xf32, #tpu.memory_space<vmem_shared>> -> memref<128x128xf32, #tpu.memory_space<vmem_shared>>
      %dma_wait3A_179 = arith.constant 0 : i32
      %dma_wait3A_180 = tpu.memref_slice %arg12[%add3A_176, %dma_wait3A_179] : memref<10240x128xf32, #tpu.memory_space<vmem_shared>> -> memref<128x128xf32, #tpu.memory_space<vmem_shared>>
      tpu.wait_dma2 semaphore(%arg13 : memref<!tpu.dma_semaphore, #tpu.memory_space<semaphore_mem>>) src(%dma_wait3A_180 : memref<128x128xf32, #tpu.memory_space<vmem_shared>>) dst(%arg10 : memref<128x128xf32, #tpu.memory_space<vmem>>)
      "tpu.region"() ({
        %run_scoped3A = tpu.sem_alloc : memref<!tpu.dma_semaphore, #tpu.memory_space<semaphore_mem>>
        %dma_start3A_181 = arith.constant 0 : i32
        %dma_start3A_182 = tpu.memref_slice %arg6[%add3A_176, %dma_start3A_181] : memref<10240x128xf32, #tpu.memory_space<hbm>> -> memref<128x128xf32, #tpu.memory_space<hbm>>
        %dma_start3A_183 = arith.constant 0 : i32
        %dma_start3A_184 = tpu.memref_slice %arg6[%add3A_176, %dma_start3A_183] : memref<10240x128xf32, #tpu.memory_space<hbm>> -> memref<128x128xf32, #tpu.memory_space<hbm>>
        tpu.enqueue_dma source(%arg10 : memref<128x128xf32, #tpu.memory_space<vmem>>) target(%dma_start3A_184 : memref<128x128xf32, #tpu.memory_space<hbm>>) target_semaphore(%run_scoped3A : memref<!tpu.dma_semaphore, #tpu.memory_space<semaphore_mem>>)
        %dma_wait3A_185 = arith.constant 0 : i32
        %dma_wait3A_186 = tpu.memref_slice %arg6[%add3A_176, %dma_wait3A_185] : memref<10240x128xf32, #tpu.memory_space<hbm>> -> memref<128x128xf32, #tpu.memory_space<hbm>>
        %dma_wait3A_187 = arith.constant 0 : i32
        %dma_wait3A_188 = tpu.memref_slice %arg6[%add3A_176, %dma_wait3A_187] : memref<10240x128xf32, #tpu.memory_space<hbm>> -> memref<128x128xf32, #tpu.memory_space<hbm>>
        tpu.wait_dma2 semaphore(%run_scoped3A : memref<!tpu.dma_semaphore, #tpu.memory_space<semaphore_mem>>) src(%arg10 : memref<128x128xf32, #tpu.memory_space<vmem>>) dst(%dma_wait3A_188 : memref<128x128xf32, #tpu.memory_space<hbm>>)
        tpu.yield
      }) : () -> ()
    } else {
    }
    %eq3A_96 = arith.constant 1 : i32
    %eq3A_97 = arith.cmpi eq, %arg0, %eq3A_96 : i32
    %convert_element_type3A_98 = arith.extui %eq3A_97 : i1 to i32
    %cond3A_99 = arith.constant 0 : i32
    %cond3A_100 = arith.cmpi ne, %convert_element_type3A_98, %cond3A_99 : i32
    scf.if %cond3A_100 {
      %mul3A_101 = arith.constant 640 : i32
      %mul3A_102 = arith.muli %arg1, %mul3A_101 : i32
      %add3A_103 = arith.constant 0 : i32
      %add3A_104 = arith.addi %mul3A_102, %add3A_103 : i32
      %dma_start3A_105 = arith.constant 0 : i32
      %dma_start3A_106 = tpu.memref_slice %arg12[%add3A_104, %dma_start3A_105] : memref<10240x128xf32, #tpu.memory_space<vmem_shared>> -> memref<128x128xf32, #tpu.memory_space<vmem_shared>>
      %dma_start3A_107 = arith.constant 0 : i32
      %dma_start3A_108 = tpu.memref_slice %arg12[%add3A_104, %dma_start3A_107] : memref<10240x128xf32, #tpu.memory_space<vmem_shared>> -> memref<128x128xf32, #tpu.memory_space<vmem_shared>>
      tpu.enqueue_dma source(%dma_start3A_108 : memref<128x128xf32, #tpu.memory_space<vmem_shared>>) target(%arg10 : memref<128x128xf32, #tpu.memory_space<vmem>>) target_semaphore(%arg13 : memref<!tpu.dma_semaphore, #tpu.memory_space<semaphore_mem>>)
      %mul3A_109 = arith.constant 640 : i32
      %mul3A_110 = arith.muli %arg1, %mul3A_109 : i32
      %add3A_111 = arith.constant 128 : i32
      %add3A_112 = arith.addi %mul3A_110, %add3A_111 : i32
      %dma_start3A_113 = arith.constant 0 : i32
      %dma_start3A_114 = tpu.memref_slice %arg12[%add3A_112, %dma_start3A_113] : memref<10240x128xf32, #tpu.memory_space<vmem_shared>> -> memref<128x128xf32, #tpu.memory_space<vmem_shared>>
      %dma_start3A_115 = arith.constant 0 : i32
      %dma_start3A_116 = tpu.memref_slice %arg12[%add3A_112, %dma_start3A_115] : memref<10240x128xf32, #tpu.memory_space<vmem_shared>> -> memref<128x128xf32, #tpu.memory_space<vmem_shared>>
      tpu.enqueue_dma source(%dma_start3A_116 : memref<128x128xf32, #tpu.memory_space<vmem_shared>>) target(%arg11 : memref<128x128xf32, #tpu.memory_space<vmem>>) target_semaphore(%arg14 : memref<!tpu.dma_semaphore, #tpu.memory_space<semaphore_mem>>)
      %mul3A_117 = arith.constant 640 : i32
      %mul3A_118 = arith.muli %arg1, %mul3A_117 : i32
      %add3A_119 = arith.constant 0 : i32
      %add3A_120 = arith.addi %mul3A_118, %add3A_119 : i32
      %dma_wait3A_121 = arith.constant 0 : i32
      %dma_wait3A_122 = tpu.memref_slice %arg12[%add3A_120, %dma_wait3A_121] : memref<10240x128xf32, #tpu.memory_space<vmem_shared>> -> memref<128x128xf32, #tpu.memory_space<vmem_shared>>
      %dma_wait3A_123 = arith.constant 0 : i32
      %dma_wait3A_124 = tpu.memref_slice %arg12[%add3A_120, %dma_wait3A_123] : memref<10240x128xf32, #tpu.memory_space<vmem_shared>> -> memref<128x128xf32, #tpu.memory_space<vmem_shared>>
      tpu.wait_dma2 semaphore(%arg13 : memref<!tpu.dma_semaphore, #tpu.memory_space<semaphore_mem>>) src(%dma_wait3A_124 : memref<128x128xf32, #tpu.memory_space<vmem_shared>>) dst(%arg10 : memref<128x128xf32, #tpu.memory_space<vmem>>)
      "tpu.region"() ({
        %run_scoped3A = tpu.sem_alloc : memref<!tpu.dma_semaphore, #tpu.memory_space<semaphore_mem>>
        %dma_start3A_181 = arith.constant 0 : i32
        %dma_start3A_182 = tpu.memref_slice %arg7[%add3A_120, %dma_start3A_181] : memref<10240x128xf32, #tpu.memory_space<hbm>> -> memref<128x128xf32, #tpu.memory_space<hbm>>
        %dma_start3A_183 = arith.constant 0 : i32
        %dma_start3A_184 = tpu.memref_slice %arg7[%add3A_120, %dma_start3A_183] : memref<10240x128xf32, #tpu.memory_space<hbm>> -> memref<128x128xf32, #tpu.memory_space<hbm>>
        tpu.enqueue_dma source(%arg10 : memref<128x128xf32, #tpu.memory_space<vmem>>) target(%dma_start3A_184 : memref<128x128xf32, #tpu.memory_space<hbm>>) target_semaphore(%run_scoped3A : memref<!tpu.dma_semaphore, #tpu.memory_space<semaphore_mem>>)
        %dma_wait3A_185 = arith.constant 0 : i32
        %dma_wait3A_186 = tpu.memref_slice %arg7[%add3A_120, %dma_wait3A_185] : memref<10240x128xf32, #tpu.memory_space<hbm>> -> memref<128x128xf32, #tpu.memory_space<hbm>>
        %dma_wait3A_187 = arith.constant 0 : i32
        %dma_wait3A_188 = tpu.memref_slice %arg7[%add3A_120, %dma_wait3A_187] : memref<10240x128xf32, #tpu.memory_space<hbm>> -> memref<128x128xf32, #tpu.memory_space<hbm>>
        tpu.wait_dma2 semaphore(%run_scoped3A : memref<!tpu.dma_semaphore, #tpu.memory_space<semaphore_mem>>) src(%arg10 : memref<128x128xf32, #tpu.memory_space<vmem>>) dst(%dma_wait3A_188 : memref<128x128xf32, #tpu.memory_space<hbm>>)
        tpu.yield
      }) : () -> ()
      %mul3A_125 = arith.constant 640 : i32
      %mul3A_126 = arith.muli %arg1, %mul3A_125 : i32
      %add3A_127 = arith.constant 256 : i32
      %add3A_128 = arith.addi %mul3A_126, %add3A_127 : i32
      %dma_start3A_129 = arith.constant 0 : i32
      %dma_start3A_130 = tpu.memref_slice %arg12[%add3A_128, %dma_start3A_129] : memref<10240x128xf32, #tpu.memory_space<vmem_shared>> -> memref<128x128xf32, #tpu.memory_space<vmem_shared>>
      %dma_start3A_131 = arith.constant 0 : i32
      %dma_start3A_132 = tpu.memref_slice %arg12[%add3A_128, %dma_start3A_131] : memref<10240x128xf32, #tpu.memory_space<vmem_shared>> -> memref<128x128xf32, #tpu.memory_space<vmem_shared>>
      tpu.enqueue_dma source(%dma_start3A_132 : memref<128x128xf32, #tpu.memory_space<vmem_shared>>) target(%arg10 : memref<128x128xf32, #tpu.memory_space<vmem>>) target_semaphore(%arg13 : memref<!tpu.dma_semaphore, #tpu.memory_space<semaphore_mem>>)
      %mul3A_133 = arith.constant 640 : i32
      %mul3A_134 = arith.muli %arg1, %mul3A_133 : i32
      %add3A_135 = arith.constant 128 : i32
      %add3A_136 = arith.addi %mul3A_134, %add3A_135 : i32
      %dma_wait3A_137 = arith.constant 0 : i32
      %dma_wait3A_138 = tpu.memref_slice %arg12[%add3A_136, %dma_wait3A_137] : memref<10240x128xf32, #tpu.memory_space<vmem_shared>> -> memref<128x128xf32, #tpu.memory_space<vmem_shared>>
      %dma_wait3A_139 = arith.constant 0 : i32
      %dma_wait3A_140 = tpu.memref_slice %arg12[%add3A_136, %dma_wait3A_139] : memref<10240x128xf32, #tpu.memory_space<vmem_shared>> -> memref<128x128xf32, #tpu.memory_space<vmem_shared>>
      tpu.wait_dma2 semaphore(%arg14 : memref<!tpu.dma_semaphore, #tpu.memory_space<semaphore_mem>>) src(%dma_wait3A_140 : memref<128x128xf32, #tpu.memory_space<vmem_shared>>) dst(%arg11 : memref<128x128xf32, #tpu.memory_space<vmem>>)
      "tpu.region"() ({
        %run_scoped3A = tpu.sem_alloc : memref<!tpu.dma_semaphore, #tpu.memory_space<semaphore_mem>>
        %dma_start3A_181 = arith.constant 0 : i32
        %dma_start3A_182 = tpu.memref_slice %arg7[%add3A_136, %dma_start3A_181] : memref<10240x128xf32, #tpu.memory_space<hbm>> -> memref<128x128xf32, #tpu.memory_space<hbm>>
        %dma_start3A_183 = arith.constant 0 : i32
        %dma_start3A_184 = tpu.memref_slice %arg7[%add3A_136, %dma_start3A_183] : memref<10240x128xf32, #tpu.memory_space<hbm>> -> memref<128x128xf32, #tpu.memory_space<hbm>>
        tpu.enqueue_dma source(%arg11 : memref<128x128xf32, #tpu.memory_space<vmem>>) target(%dma_start3A_184 : memref<128x128xf32, #tpu.memory_space<hbm>>) target_semaphore(%run_scoped3A : memref<!tpu.dma_semaphore, #tpu.memory_space<semaphore_mem>>)
        %dma_wait3A_185 = arith.constant 0 : i32
        %dma_wait3A_186 = tpu.memref_slice %arg7[%add3A_136, %dma_wait3A_185] : memref<10240x128xf32, #tpu.memory_space<hbm>> -> memref<128x128xf32, #tpu.memory_space<hbm>>
        %dma_wait3A_187 = arith.constant 0 : i32
        %dma_wait3A_188 = tpu.memref_slice %arg7[%add3A_136, %dma_wait3A_187] : memref<10240x128xf32, #tpu.memory_space<hbm>> -> memref<128x128xf32, #tpu.memory_space<hbm>>
        tpu.wait_dma2 semaphore(%run_scoped3A : memref<!tpu.dma_semaphore, #tpu.memory_space<semaphore_mem>>) src(%arg11 : memref<128x128xf32, #tpu.memory_space<vmem>>) dst(%dma_wait3A_188 : memref<128x128xf32, #tpu.memory_space<hbm>>)
        tpu.yield
      }) : () -> ()
      %mul3A_141 = arith.constant 640 : i32
      %mul3A_142 = arith.muli %arg1, %mul3A_141 : i32
      %add3A_143 = arith.constant 384 : i32
      %add3A_144 = arith.addi %mul3A_142, %add3A_143 : i32
      %dma_start3A_145 = arith.constant 0 : i32
      %dma_start3A_146 = tpu.memref_slice %arg12[%add3A_144, %dma_start3A_145] : memref<10240x128xf32, #tpu.memory_space<vmem_shared>> -> memref<128x128xf32, #tpu.memory_space<vmem_shared>>
      %dma_start3A_147 = arith.constant 0 : i32
      %dma_start3A_148 = tpu.memref_slice %arg12[%add3A_144, %dma_start3A_147] : memref<10240x128xf32, #tpu.memory_space<vmem_shared>> -> memref<128x128xf32, #tpu.memory_space<vmem_shared>>
      tpu.enqueue_dma source(%dma_start3A_148 : memref<128x128xf32, #tpu.memory_space<vmem_shared>>) target(%arg11 : memref<128x128xf32, #tpu.memory_space<vmem>>) target_semaphore(%arg14 : memref<!tpu.dma_semaphore, #tpu.memory_space<semaphore_mem>>)
      %mul3A_149 = arith.constant 640 : i32
      %mul3A_150 = arith.muli %arg1, %mul3A_149 : i32
      %add3A_151 = arith.constant 256 : i32
      %add3A_152 = arith.addi %mul3A_150, %add3A_151 : i32
      %dma_wait3A_153 = arith.constant 0 : i32
      %dma_wait3A_154 = tpu.memref_slice %arg12[%add3A_152, %dma_wait3A_153] : memref<10240x128xf32, #tpu.memory_space<vmem_shared>> -> memref<128x128xf32, #tpu.memory_space<vmem_shared>>
      %dma_wait3A_155 = arith.constant 0 : i32
      %dma_wait3A_156 = tpu.memref_slice %arg12[%add3A_152, %dma_wait3A_155] : memref<10240x128xf32, #tpu.memory_space<vmem_shared>> -> memref<128x128xf32, #tpu.memory_space<vmem_shared>>
      tpu.wait_dma2 semaphore(%arg13 : memref<!tpu.dma_semaphore, #tpu.memory_space<semaphore_mem>>) src(%dma_wait3A_156 : memref<128x128xf32, #tpu.memory_space<vmem_shared>>) dst(%arg10 : memref<128x128xf32, #tpu.memory_space<vmem>>)
      "tpu.region"() ({
        %run_scoped3A = tpu.sem_alloc : memref<!tpu.dma_semaphore, #tpu.memory_space<semaphore_mem>>
        %dma_start3A_181 = arith.constant 0 : i32
        %dma_start3A_182 = tpu.memref_slice %arg7[%add3A_152, %dma_start3A_181] : memref<10240x128xf32, #tpu.memory_space<hbm>> -> memref<128x128xf32, #tpu.memory_space<hbm>>
        %dma_start3A_183 = arith.constant 0 : i32
        %dma_start3A_184 = tpu.memref_slice %arg7[%add3A_152, %dma_start3A_183] : memref<10240x128xf32, #tpu.memory_space<hbm>> -> memref<128x128xf32, #tpu.memory_space<hbm>>
        tpu.enqueue_dma source(%arg10 : memref<128x128xf32, #tpu.memory_space<vmem>>) target(%dma_start3A_184 : memref<128x128xf32, #tpu.memory_space<hbm>>) target_semaphore(%run_scoped3A : memref<!tpu.dma_semaphore, #tpu.memory_space<semaphore_mem>>)
        %dma_wait3A_185 = arith.constant 0 : i32
        %dma_wait3A_186 = tpu.memref_slice %arg7[%add3A_152, %dma_wait3A_185] : memref<10240x128xf32, #tpu.memory_space<hbm>> -> memref<128x128xf32, #tpu.memory_space<hbm>>
        %dma_wait3A_187 = arith.constant 0 : i32
        %dma_wait3A_188 = tpu.memref_slice %arg7[%add3A_152, %dma_wait3A_187] : memref<10240x128xf32, #tpu.memory_space<hbm>> -> memref<128x128xf32, #tpu.memory_space<hbm>>
        tpu.wait_dma2 semaphore(%run_scoped3A : memref<!tpu.dma_semaphore, #tpu.memory_space<semaphore_mem>>) src(%arg10 : memref<128x128xf32, #tpu.memory_space<vmem>>) dst(%dma_wait3A_188 : memref<128x128xf32, #tpu.memory_space<hbm>>)
        tpu.yield
      }) : () -> ()
      %mul3A_157 = arith.constant 640 : i32
      %mul3A_158 = arith.muli %arg1, %mul3A_157 : i32
      %add3A_159 = arith.constant 512 : i32
      %add3A_160 = arith.addi %mul3A_158, %add3A_159 : i32
      %dma_start3A_161 = arith.constant 0 : i32
      %dma_start3A_162 = tpu.memref_slice %arg12[%add3A_160, %dma_start3A_161] : memref<10240x128xf32, #tpu.memory_space<vmem_shared>> -> memref<128x128xf32, #tpu.memory_space<vmem_shared>>
      %dma_start3A_163 = arith.constant 0 : i32
      %dma_start3A_164 = tpu.memref_slice %arg12[%add3A_160, %dma_start3A_163] : memref<10240x128xf32, #tpu.memory_space<vmem_shared>> -> memref<128x128xf32, #tpu.memory_space<vmem_shared>>
      tpu.enqueue_dma source(%dma_start3A_164 : memref<128x128xf32, #tpu.memory_space<vmem_shared>>) target(%arg10 : memref<128x128xf32, #tpu.memory_space<vmem>>) target_semaphore(%arg13 : memref<!tpu.dma_semaphore, #tpu.memory_space<semaphore_mem>>)
      %mul3A_165 = arith.constant 640 : i32
      %mul3A_166 = arith.muli %arg1, %mul3A_165 : i32
      %add3A_167 = arith.constant 384 : i32
      %add3A_168 = arith.addi %mul3A_166, %add3A_167 : i32
      %dma_wait3A_169 = arith.constant 0 : i32
      %dma_wait3A_170 = tpu.memref_slice %arg12[%add3A_168, %dma_wait3A_169] : memref<10240x128xf32, #tpu.memory_space<vmem_shared>> -> memref<128x128xf32, #tpu.memory_space<vmem_shared>>
      %dma_wait3A_171 = arith.constant 0 : i32
      %dma_wait3A_172 = tpu.memref_slice %arg12[%add3A_168, %dma_wait3A_171] : memref<10240x128xf32, #tpu.memory_space<vmem_shared>> -> memref<128x128xf32, #tpu.memory_space<vmem_shared>>
      tpu.wait_dma2 semaphore(%arg14 : memref<!tpu.dma_semaphore, #tpu.memory_space<semaphore_mem>>) src(%dma_wait3A_172 : memref<128x128xf32, #tpu.memory_space<vmem_shared>>) dst(%arg11 : memref<128x128xf32, #tpu.memory_space<vmem>>)
      "tpu.region"() ({
        %run_scoped3A = tpu.sem_alloc : memref<!tpu.dma_semaphore, #tpu.memory_space<semaphore_mem>>
        %dma_start3A_181 = arith.constant 0 : i32
        %dma_start3A_182 = tpu.memref_slice %arg7[%add3A_168, %dma_start3A_181] : memref<10240x128xf32, #tpu.memory_space<hbm>> -> memref<128x128xf32, #tpu.memory_space<hbm>>
        %dma_start3A_183 = arith.constant 0 : i32
        %dma_start3A_184 = tpu.memref_slice %arg7[%add3A_168, %dma_start3A_183] : memref<10240x128xf32, #tpu.memory_space<hbm>> -> memref<128x128xf32, #tpu.memory_space<hbm>>
        tpu.enqueue_dma source(%arg11 : memref<128x128xf32, #tpu.memory_space<vmem>>) target(%dma_start3A_184 : memref<128x128xf32, #tpu.memory_space<hbm>>) target_semaphore(%run_scoped3A : memref<!tpu.dma_semaphore, #tpu.memory_space<semaphore_mem>>)
        %dma_wait3A_185 = arith.constant 0 : i32
        %dma_wait3A_186 = tpu.memref_slice %arg7[%add3A_168, %dma_wait3A_185] : memref<10240x128xf32, #tpu.memory_space<hbm>> -> memref<128x128xf32, #tpu.memory_space<hbm>>
        %dma_wait3A_187 = arith.constant 0 : i32
        %dma_wait3A_188 = tpu.memref_slice %arg7[%add3A_168, %dma_wait3A_187] : memref<10240x128xf32, #tpu.memory_space<hbm>> -> memref<128x128xf32, #tpu.memory_space<hbm>>
        tpu.wait_dma2 semaphore(%run_scoped3A : memref<!tpu.dma_semaphore, #tpu.memory_space<semaphore_mem>>) src(%arg11 : memref<128x128xf32, #tpu.memory_space<vmem>>) dst(%dma_wait3A_188 : memref<128x128xf32, #tpu.memory_space<hbm>>)
        tpu.yield
      }) : () -> ()
      %mul3A_173 = arith.constant 640 : i32
      %mul3A_174 = arith.muli %arg1, %mul3A_173 : i32
      %add3A_175 = arith.constant 512 : i32
      %add3A_176 = arith.addi %mul3A_174, %add3A_175 : i32
      %dma_wait3A_177 = arith.constant 0 : i32
      %dma_wait3A_178 = tpu.memref_slice %arg12[%add3A_176, %dma_wait3A_177] : memref<10240x128xf32, #tpu.memory_space<vmem_shared>> -> memref<128x128xf32, #tpu.memory_space<vmem_shared>>
      %dma_wait3A_179 = arith.constant 0 : i32
      %dma_wait3A_180 = tpu.memref_slice %arg12[%add3A_176, %dma_wait3A_179] : memref<10240x128xf32, #tpu.memory_space<vmem_shared>> -> memref<128x128xf32, #tpu.memory_space<vmem_shared>>
      tpu.wait_dma2 semaphore(%arg13 : memref<!tpu.dma_semaphore, #tpu.memory_space<semaphore_mem>>) src(%dma_wait3A_180 : memref<128x128xf32, #tpu.memory_space<vmem_shared>>) dst(%arg10 : memref<128x128xf32, #tpu.memory_space<vmem>>)
      "tpu.region"() ({
        %run_scoped3A = tpu.sem_alloc : memref<!tpu.dma_semaphore, #tpu.memory_space<semaphore_mem>>
        %dma_start3A_181 = arith.constant 0 : i32
        %dma_start3A_182 = tpu.memref_slice %arg7[%add3A_176, %dma_start3A_181] : memref<10240x128xf32, #tpu.memory_space<hbm>> -> memref<128x128xf32, #tpu.memory_space<hbm>>
        %dma_start3A_183 = arith.constant 0 : i32
        %dma_start3A_184 = tpu.memref_slice %arg7[%add3A_176, %dma_start3A_183] : memref<10240x128xf32, #tpu.memory_space<hbm>> -> memref<128x128xf32, #tpu.memory_space<hbm>>
        tpu.enqueue_dma source(%arg10 : memref<128x128xf32, #tpu.memory_space<vmem>>) target(%dma_start3A_184 : memref<128x128xf32, #tpu.memory_space<hbm>>) target_semaphore(%run_scoped3A : memref<!tpu.dma_semaphore, #tpu.memory_space<semaphore_mem>>)
        %dma_wait3A_185 = arith.constant 0 : i32
        %dma_wait3A_186 = tpu.memref_slice %arg7[%add3A_176, %dma_wait3A_185] : memref<10240x128xf32, #tpu.memory_space<hbm>> -> memref<128x128xf32, #tpu.memory_space<hbm>>
        %dma_wait3A_187 = arith.constant 0 : i32
        %dma_wait3A_188 = tpu.memref_slice %arg7[%add3A_176, %dma_wait3A_187] : memref<10240x128xf32, #tpu.memory_space<hbm>> -> memref<128x128xf32, #tpu.memory_space<hbm>>
        tpu.wait_dma2 semaphore(%run_scoped3A : memref<!tpu.dma_semaphore, #tpu.memory_space<semaphore_mem>>) src(%arg10 : memref<128x128xf32, #tpu.memory_space<vmem>>) dst(%dma_wait3A_188 : memref<128x128xf32, #tpu.memory_space<hbm>>)
        tpu.yield
      }) : () -> ()
    } else {
    }
    return
  }
}

#map = affine_map<(d0, d1) -> (0, 0)>
module attributes {stable_mosaic.version = 14 : i64} {
  func.func @body(%arg0: i32, %arg1: i32, %arg2: memref<1280x128xi32, #tpu.memory_space<hbm>>, %arg3: memref<10240x128xf32, #tpu.memory_space<hbm>>, %arg4: memref<10240x128xf32, #tpu.memory_space<hbm>>, %arg5: memref<40x128xi32, #tpu.memory_space<vmem>>, %arg6: memref<128x128xf32, #tpu.memory_space<vmem>>, %arg7: memref<128x128xf32, #tpu.memory_space<vmem>>, %arg8: memref<10240x128xf32, #tpu.memory_space<vmem_shared>>, %arg9: memref<!tpu.dma_semaphore, #tpu.memory_space<semaphore_mem>>) attributes {dimension_semantics = [#tpu.dimension_semantics<core_parallel>, #tpu.dimension_semantics<subcore_parallel>], iteration_bounds = array<i64: 2, 16>, scalar_prefetch = 0 : i64, scratch_operands = 5 : i64, tpu.core_type = #tpu.core_type<sc_vector_subcore>, window_params = [{transform_indices = #map}, {transform_indices = #map}, {transform_indices = #map}]} {
    %mul3A = arith.constant 16 : i32
    %mul3A_0 = arith.muli %arg0, %mul3A : i32
    %add3A = arith.addi %mul3A_0, %arg1 : i32
    %mul3A_1 = arith.constant 40 : i32
    %mul3A_2 = arith.muli %add3A, %mul3A_1 : i32
    "tpu.region"() ({
      %run_scoped3A = tpu.sem_alloc : memref<!tpu.dma_semaphore, #tpu.memory_space<semaphore_mem>>
      %dma_start3A = arith.constant 0 : i32
      %dma_start3A_54 = tpu.memref_slice %arg2[%mul3A_2, %dma_start3A] : memref<1280x128xi32, #tpu.memory_space<hbm>> -> memref<40x128xi32, #tpu.memory_space<hbm>>
      %dma_start3A_55 = arith.constant 0 : i32
      %dma_start3A_56 = tpu.memref_slice %arg2[%mul3A_2, %dma_start3A_55] : memref<1280x128xi32, #tpu.memory_space<hbm>> -> memref<40x128xi32, #tpu.memory_space<hbm>>
      tpu.enqueue_dma source(%dma_start3A_56 : memref<40x128xi32, #tpu.memory_space<hbm>>) target(%arg5 : memref<40x128xi32, #tpu.memory_space<vmem>>) target_semaphore(%run_scoped3A : memref<!tpu.dma_semaphore, #tpu.memory_space<semaphore_mem>>)
      %dma_wait3A = arith.constant 0 : i32
      %dma_wait3A_57 = tpu.memref_slice %arg2[%mul3A_2, %dma_wait3A] : memref<1280x128xi32, #tpu.memory_space<hbm>> -> memref<40x128xi32, #tpu.memory_space<hbm>>
      %dma_wait3A_58 = arith.constant 0 : i32
      %dma_wait3A_59 = tpu.memref_slice %arg2[%mul3A_2, %dma_wait3A_58] : memref<1280x128xi32, #tpu.memory_space<hbm>> -> memref<40x128xi32, #tpu.memory_space<hbm>>
      tpu.wait_dma2 semaphore(%run_scoped3A : memref<!tpu.dma_semaphore, #tpu.memory_space<semaphore_mem>>) src(%dma_wait3A_59 : memref<40x128xi32, #tpu.memory_space<hbm>>) dst(%arg5 : memref<40x128xi32, #tpu.memory_space<vmem>>)
      tpu.yield
    }) : () -> ()
    %broadcast_in_dim3A = arith.constant 1.000000e+00 : f32
    %broadcast_in_dim3A_3 = vector.broadcast %broadcast_in_dim3A : f32 to vector<16xf32>
    %broadcast_in_dim3A_4 = arith.constant 0.000000e+00 : f32
    %broadcast_in_dim3A_5 = vector.broadcast %broadcast_in_dim3A_4 : f32 to vector<16xf32>
    %scan3A = arith.constant 0 : i32
    %scan3A_6 = arith.constant 0 : i32
    %scan3A_7 = arith.constant 128 : i32
    %scan3A_8 = arith.addi %scan3A_6, %scan3A_7 : i32
    %scan3A_9 = arith.constant 1 : i32
    %scan3A_10 = scf.for %scan3A_54 = %scan3A_6 to %scan3A_8 step %scan3A_9 iter_args(%scan3A_55 = %scan3A) -> (i32)  : i32 {
      %swap3A = arith.index_cast %scan3A_54 : i32 to index
      %swap3A_56 = arith.constant 0 : index
      %swap3A_57 = tpu.vector_load %arg6[%swap3A, %swap3A_56] {strides = array<i32>} : memref<128x128xf32, #tpu.memory_space<vmem>>, vector<1x16xf32>,
      %swap3A_58 = vector.shape_cast %swap3A_57 : vector<1x16xf32> to vector<16xf32>
      %swap3A_59 = vector.shape_cast %broadcast_in_dim3A_3 : vector<16xf32> to vector<1x16xf32>
      tpu.vector_store %arg6[%swap3A, %swap3A_56], %swap3A_59 {strides = array<i32>} : memref<128x128xf32, #tpu.memory_space<vmem>>, vector<1x16xf32>,
      %swap3A_60 = arith.index_cast %scan3A_54 : i32 to index
      %swap3A_61 = arith.constant 0 : index
      %swap3A_62 = tpu.vector_load %arg7[%swap3A_60, %swap3A_61] {strides = array<i32>} : memref<128x128xf32, #tpu.memory_space<vmem>>, vector<1x16xf32>,
      %swap3A_63 = vector.shape_cast %swap3A_62 : vector<1x16xf32> to vector<16xf32>
      %swap3A_64 = vector.shape_cast %broadcast_in_dim3A_5 : vector<16xf32> to vector<1x16xf32>
      tpu.vector_store %arg7[%swap3A_60, %swap3A_61], %swap3A_64 {strides = array<i32>} : memref<128x128xf32, #tpu.memory_space<vmem>>, vector<1x16xf32>,
      %swap3A_65 = arith.index_cast %scan3A_54 : i32 to index
      %swap3A_66 = arith.constant 16 : index
      %swap3A_67 = tpu.vector_load %arg6[%swap3A_65, %swap3A_66] {strides = array<i32>} : memref<128x128xf32, #tpu.memory_space<vmem>>, vector<1x16xf32>,
      %swap3A_68 = vector.shape_cast %swap3A_67 : vector<1x16xf32> to vector<16xf32>
      %swap3A_69 = vector.shape_cast %broadcast_in_dim3A_3 : vector<16xf32> to vector<1x16xf32>
      tpu.vector_store %arg6[%swap3A_65, %swap3A_66], %swap3A_69 {strides = array<i32>} : memref<128x128xf32, #tpu.memory_space<vmem>>, vector<1x16xf32>,
      %swap3A_70 = arith.index_cast %scan3A_54 : i32 to index
      %swap3A_71 = arith.constant 16 : index
      %swap3A_72 = tpu.vector_load %arg7[%swap3A_70, %swap3A_71] {strides = array<i32>} : memref<128x128xf32, #tpu.memory_space<vmem>>, vector<1x16xf32>,
      %swap3A_73 = vector.shape_cast %swap3A_72 : vector<1x16xf32> to vector<16xf32>
      %swap3A_74 = vector.shape_cast %broadcast_in_dim3A_5 : vector<16xf32> to vector<1x16xf32>
      tpu.vector_store %arg7[%swap3A_70, %swap3A_71], %swap3A_74 {strides = array<i32>} : memref<128x128xf32, #tpu.memory_space<vmem>>, vector<1x16xf32>,
      %swap3A_75 = arith.index_cast %scan3A_54 : i32 to index
      %swap3A_76 = arith.constant 32 : index
      %swap3A_77 = tpu.vector_load %arg6[%swap3A_75, %swap3A_76] {strides = array<i32>} : memref<128x128xf32, #tpu.memory_space<vmem>>, vector<1x16xf32>,
      %swap3A_78 = vector.shape_cast %swap3A_77 : vector<1x16xf32> to vector<16xf32>
      %swap3A_79 = vector.shape_cast %broadcast_in_dim3A_3 : vector<16xf32> to vector<1x16xf32>
      tpu.vector_store %arg6[%swap3A_75, %swap3A_76], %swap3A_79 {strides = array<i32>} : memref<128x128xf32, #tpu.memory_space<vmem>>, vector<1x16xf32>,
      %swap3A_80 = arith.index_cast %scan3A_54 : i32 to index
      %swap3A_81 = arith.constant 32 : index
      %swap3A_82 = tpu.vector_load %arg7[%swap3A_80, %swap3A_81] {strides = array<i32>} : memref<128x128xf32, #tpu.memory_space<vmem>>, vector<1x16xf32>,
      %swap3A_83 = vector.shape_cast %swap3A_82 : vector<1x16xf32> to vector<16xf32>
      %swap3A_84 = vector.shape_cast %broadcast_in_dim3A_5 : vector<16xf32> to vector<1x16xf32>
      tpu.vector_store %arg7[%swap3A_80, %swap3A_81], %swap3A_84 {strides = array<i32>} : memref<128x128xf32, #tpu.memory_space<vmem>>, vector<1x16xf32>,
      %swap3A_85 = arith.index_cast %scan3A_54 : i32 to index
      %swap3A_86 = arith.constant 48 : index
      %swap3A_87 = tpu.vector_load %arg6[%swap3A_85, %swap3A_86] {strides = array<i32>} : memref<128x128xf32, #tpu.memory_space<vmem>>, vector<1x16xf32>,
      %swap3A_88 = vector.shape_cast %swap3A_87 : vector<1x16xf32> to vector<16xf32>
      %swap3A_89 = vector.shape_cast %broadcast_in_dim3A_3 : vector<16xf32> to vector<1x16xf32>
      tpu.vector_store %arg6[%swap3A_85, %swap3A_86], %swap3A_89 {strides = array<i32>} : memref<128x128xf32, #tpu.memory_space<vmem>>, vector<1x16xf32>,
      %swap3A_90 = arith.index_cast %scan3A_54 : i32 to index
      %swap3A_91 = arith.constant 48 : index
      %swap3A_92 = tpu.vector_load %arg7[%swap3A_90, %swap3A_91] {strides = array<i32>} : memref<128x128xf32, #tpu.memory_space<vmem>>, vector<1x16xf32>,
      %swap3A_93 = vector.shape_cast %swap3A_92 : vector<1x16xf32> to vector<16xf32>
      %swap3A_94 = vector.shape_cast %broadcast_in_dim3A_5 : vector<16xf32> to vector<1x16xf32>
      tpu.vector_store %arg7[%swap3A_90, %swap3A_91], %swap3A_94 {strides = array<i32>} : memref<128x128xf32, #tpu.memory_space<vmem>>, vector<1x16xf32>,
      %swap3A_95 = arith.index_cast %scan3A_54 : i32 to index
      %swap3A_96 = arith.constant 64 : index
      %swap3A_97 = tpu.vector_load %arg6[%swap3A_95, %swap3A_96] {strides = array<i32>} : memref<128x128xf32, #tpu.memory_space<vmem>>, vector<1x16xf32>,
      %swap3A_98 = vector.shape_cast %swap3A_97 : vector<1x16xf32> to vector<16xf32>
      %swap3A_99 = vector.shape_cast %broadcast_in_dim3A_3 : vector<16xf32> to vector<1x16xf32>
      tpu.vector_store %arg6[%swap3A_95, %swap3A_96], %swap3A_99 {strides = array<i32>} : memref<128x128xf32, #tpu.memory_space<vmem>>, vector<1x16xf32>,
      %swap3A_100 = arith.index_cast %scan3A_54 : i32 to index
      %swap3A_101 = arith.constant 64 : index
      %swap3A_102 = tpu.vector_load %arg7[%swap3A_100, %swap3A_101] {strides = array<i32>} : memref<128x128xf32, #tpu.memory_space<vmem>>, vector<1x16xf32>,
      %swap3A_103 = vector.shape_cast %swap3A_102 : vector<1x16xf32> to vector<16xf32>
      %swap3A_104 = vector.shape_cast %broadcast_in_dim3A_5 : vector<16xf32> to vector<1x16xf32>
      tpu.vector_store %arg7[%swap3A_100, %swap3A_101], %swap3A_104 {strides = array<i32>} : memref<128x128xf32, #tpu.memory_space<vmem>>, vector<1x16xf32>,
      %swap3A_105 = arith.index_cast %scan3A_54 : i32 to index
      %swap3A_106 = arith.constant 80 : index
      %swap3A_107 = tpu.vector_load %arg6[%swap3A_105, %swap3A_106] {strides = array<i32>} : memref<128x128xf32, #tpu.memory_space<vmem>>, vector<1x16xf32>,
      %swap3A_108 = vector.shape_cast %swap3A_107 : vector<1x16xf32> to vector<16xf32>
      %swap3A_109 = vector.shape_cast %broadcast_in_dim3A_3 : vector<16xf32> to vector<1x16xf32>
      tpu.vector_store %arg6[%swap3A_105, %swap3A_106], %swap3A_109 {strides = array<i32>} : memref<128x128xf32, #tpu.memory_space<vmem>>, vector<1x16xf32>,
      %swap3A_110 = arith.index_cast %scan3A_54 : i32 to index
      %swap3A_111 = arith.constant 80 : index
      %swap3A_112 = tpu.vector_load %arg7[%swap3A_110, %swap3A_111] {strides = array<i32>} : memref<128x128xf32, #tpu.memory_space<vmem>>, vector<1x16xf32>,
      %swap3A_113 = vector.shape_cast %swap3A_112 : vector<1x16xf32> to vector<16xf32>
      %swap3A_114 = vector.shape_cast %broadcast_in_dim3A_5 : vector<16xf32> to vector<1x16xf32>
      tpu.vector_store %arg7[%swap3A_110, %swap3A_111], %swap3A_114 {strides = array<i32>} : memref<128x128xf32, #tpu.memory_space<vmem>>, vector<1x16xf32>,
      %swap3A_115 = arith.index_cast %scan3A_54 : i32 to index
      %swap3A_116 = arith.constant 96 : index
      %swap3A_117 = tpu.vector_load %arg6[%swap3A_115, %swap3A_116] {strides = array<i32>} : memref<128x128xf32, #tpu.memory_space<vmem>>, vector<1x16xf32>,
      %swap3A_118 = vector.shape_cast %swap3A_117 : vector<1x16xf32> to vector<16xf32>
      %swap3A_119 = vector.shape_cast %broadcast_in_dim3A_3 : vector<16xf32> to vector<1x16xf32>
      tpu.vector_store %arg6[%swap3A_115, %swap3A_116], %swap3A_119 {strides = array<i32>} : memref<128x128xf32, #tpu.memory_space<vmem>>, vector<1x16xf32>,
      %swap3A_120 = arith.index_cast %scan3A_54 : i32 to index
      %swap3A_121 = arith.constant 96 : index
      %swap3A_122 = tpu.vector_load %arg7[%swap3A_120, %swap3A_121] {strides = array<i32>} : memref<128x128xf32, #tpu.memory_space<vmem>>, vector<1x16xf32>,
      %swap3A_123 = vector.shape_cast %swap3A_122 : vector<1x16xf32> to vector<16xf32>
      %swap3A_124 = vector.shape_cast %broadcast_in_dim3A_5 : vector<16xf32> to vector<1x16xf32>
      tpu.vector_store %arg7[%swap3A_120, %swap3A_121], %swap3A_124 {strides = array<i32>} : memref<128x128xf32, #tpu.memory_space<vmem>>, vector<1x16xf32>,
      %swap3A_125 = arith.index_cast %scan3A_54 : i32 to index
      %swap3A_126 = arith.constant 112 : index
      %swap3A_127 = tpu.vector_load %arg6[%swap3A_125, %swap3A_126] {strides = array<i32>} : memref<128x128xf32, #tpu.memory_space<vmem>>, vector<1x16xf32>,
      %swap3A_128 = vector.shape_cast %swap3A_127 : vector<1x16xf32> to vector<16xf32>
      %swap3A_129 = vector.shape_cast %broadcast_in_dim3A_3 : vector<16xf32> to vector<1x16xf32>
      tpu.vector_store %arg6[%swap3A_125, %swap3A_126], %swap3A_129 {strides = array<i32>} : memref<128x128xf32, #tpu.memory_space<vmem>>, vector<1x16xf32>,
      %swap3A_130 = arith.index_cast %scan3A_54 : i32 to index
      %swap3A_131 = arith.constant 112 : index
      %swap3A_132 = tpu.vector_load %arg7[%swap3A_130, %swap3A_131] {strides = array<i32>} : memref<128x128xf32, #tpu.memory_space<vmem>>, vector<1x16xf32>,
      %swap3A_133 = vector.shape_cast %swap3A_132 : vector<1x16xf32> to vector<16xf32>
      %swap3A_134 = vector.shape_cast %broadcast_in_dim3A_5 : vector<16xf32> to vector<1x16xf32>
      tpu.vector_store %arg7[%swap3A_130, %swap3A_131], %swap3A_134 {strides = array<i32>} : memref<128x128xf32, #tpu.memory_space<vmem>>, vector<1x16xf32>,
      %scan3A_135 = arith.constant 0 : i32
      scf.yield %scan3A_135 : i32
    }
    %scan3A_11 = arith.constant 128 : i32
    %mul3A_12 = arith.constant 640 : i32
    %mul3A_13 = arith.muli %arg1, %mul3A_12 : i32
    %add3A_14 = arith.constant 0 : i32
    %add3A_15 = arith.addi %mul3A_13, %add3A_14 : i32
    "tpu.region"() ({
      %run_scoped3A = tpu.sem_alloc : memref<!tpu.dma_semaphore, #tpu.memory_space<semaphore_mem>>
      %dma_start3A = arith.constant 0 : i32
      %dma_start3A_54 = tpu.memref_slice %arg8[%add3A_15, %dma_start3A] : memref<10240x128xf32, #tpu.memory_space<vmem_shared>> -> memref<128x128xf32, #tpu.memory_space<vmem_shared>>
      %dma_start3A_55 = arith.constant 0 : i32
      %dma_start3A_56 = tpu.memref_slice %arg8[%add3A_15, %dma_start3A_55] : memref<10240x128xf32, #tpu.memory_space<vmem_shared>> -> memref<128x128xf32, #tpu.memory_space<vmem_shared>>
      tpu.enqueue_dma source(%arg7 : memref<128x128xf32, #tpu.memory_space<vmem>>) target(%dma_start3A_56 : memref<128x128xf32, #tpu.memory_space<vmem_shared>>) target_semaphore(%run_scoped3A : memref<!tpu.dma_semaphore, #tpu.memory_space<semaphore_mem>>)
      %dma_wait3A = arith.constant 0 : i32
      %dma_wait3A_57 = tpu.memref_slice %arg8[%add3A_15, %dma_wait3A] : memref<10240x128xf32, #tpu.memory_space<vmem_shared>> -> memref<128x128xf32, #tpu.memory_space<vmem_shared>>
      %dma_wait3A_58 = arith.constant 0 : i32
      %dma_wait3A_59 = tpu.memref_slice %arg8[%add3A_15, %dma_wait3A_58] : memref<10240x128xf32, #tpu.memory_space<vmem_shared>> -> memref<128x128xf32, #tpu.memory_space<vmem_shared>>
      tpu.wait_dma2 semaphore(%run_scoped3A : memref<!tpu.dma_semaphore, #tpu.memory_space<semaphore_mem>>) src(%arg7 : memref<128x128xf32, #tpu.memory_space<vmem>>) dst(%dma_wait3A_59 : memref<128x128xf32, #tpu.memory_space<vmem_shared>>)
      tpu.yield
    }) : () -> ()
    %mul3A_16 = arith.constant 640 : i32
    %mul3A_17 = arith.muli %arg1, %mul3A_16 : i32
    %add3A_18 = arith.constant 128 : i32
    %add3A_19 = arith.addi %mul3A_17, %add3A_18 : i32
    "tpu.region"() ({
      %run_scoped3A = tpu.sem_alloc : memref<!tpu.dma_semaphore, #tpu.memory_space<semaphore_mem>>
      %dma_start3A = arith.constant 0 : i32
      %dma_start3A_54 = tpu.memref_slice %arg8[%add3A_19, %dma_start3A] : memref<10240x128xf32, #tpu.memory_space<vmem_shared>> -> memref<128x128xf32, #tpu.memory_space<vmem_shared>>
      %dma_start3A_55 = arith.constant 0 : i32
      %dma_start3A_56 = tpu.memref_slice %arg8[%add3A_19, %dma_start3A_55] : memref<10240x128xf32, #tpu.memory_space<vmem_shared>> -> memref<128x128xf32, #tpu.memory_space<vmem_shared>>
      tpu.enqueue_dma source(%arg7 : memref<128x128xf32, #tpu.memory_space<vmem>>) target(%dma_start3A_56 : memref<128x128xf32, #tpu.memory_space<vmem_shared>>) target_semaphore(%run_scoped3A : memref<!tpu.dma_semaphore, #tpu.memory_space<semaphore_mem>>)
      %dma_wait3A = arith.constant 0 : i32
      %dma_wait3A_57 = tpu.memref_slice %arg8[%add3A_19, %dma_wait3A] : memref<10240x128xf32, #tpu.memory_space<vmem_shared>> -> memref<128x128xf32, #tpu.memory_space<vmem_shared>>
      %dma_wait3A_58 = arith.constant 0 : i32
      %dma_wait3A_59 = tpu.memref_slice %arg8[%add3A_19, %dma_wait3A_58] : memref<10240x128xf32, #tpu.memory_space<vmem_shared>> -> memref<128x128xf32, #tpu.memory_space<vmem_shared>>
      tpu.wait_dma2 semaphore(%run_scoped3A : memref<!tpu.dma_semaphore, #tpu.memory_space<semaphore_mem>>) src(%arg7 : memref<128x128xf32, #tpu.memory_space<vmem>>) dst(%dma_wait3A_59 : memref<128x128xf32, #tpu.memory_space<vmem_shared>>)
      tpu.yield
    }) : () -> ()
    %mul3A_20 = arith.constant 640 : i32
    %mul3A_21 = arith.muli %arg1, %mul3A_20 : i32
    %add3A_22 = arith.constant 256 : i32
    %add3A_23 = arith.addi %mul3A_21, %add3A_22 : i32
    "tpu.region"() ({
      %run_scoped3A = tpu.sem_alloc : memref<!tpu.dma_semaphore, #tpu.memory_space<semaphore_mem>>
      %dma_start3A = arith.constant 0 : i32
      %dma_start3A_54 = tpu.memref_slice %arg8[%add3A_23, %dma_start3A] : memref<10240x128xf32, #tpu.memory_space<vmem_shared>> -> memref<128x128xf32, #tpu.memory_space<vmem_shared>>
      %dma_start3A_55 = arith.constant 0 : i32
      %dma_start3A_56 = tpu.memref_slice %arg8[%add3A_23, %dma_start3A_55] : memref<10240x128xf32, #tpu.memory_space<vmem_shared>> -> memref<128x128xf32, #tpu.memory_space<vmem_shared>>
      tpu.enqueue_dma source(%arg7 : memref<128x128xf32, #tpu.memory_space<vmem>>) target(%dma_start3A_56 : memref<128x128xf32, #tpu.memory_space<vmem_shared>>) target_semaphore(%run_scoped3A : memref<!tpu.dma_semaphore, #tpu.memory_space<semaphore_mem>>)
      %dma_wait3A = arith.constant 0 : i32
      %dma_wait3A_57 = tpu.memref_slice %arg8[%add3A_23, %dma_wait3A] : memref<10240x128xf32, #tpu.memory_space<vmem_shared>> -> memref<128x128xf32, #tpu.memory_space<vmem_shared>>
      %dma_wait3A_58 = arith.constant 0 : i32
      %dma_wait3A_59 = tpu.memref_slice %arg8[%add3A_23, %dma_wait3A_58] : memref<10240x128xf32, #tpu.memory_space<vmem_shared>> -> memref<128x128xf32, #tpu.memory_space<vmem_shared>>
      tpu.wait_dma2 semaphore(%run_scoped3A : memref<!tpu.dma_semaphore, #tpu.memory_space<semaphore_mem>>) src(%arg7 : memref<128x128xf32, #tpu.memory_space<vmem>>) dst(%dma_wait3A_59 : memref<128x128xf32, #tpu.memory_space<vmem_shared>>)
      tpu.yield
    }) : () -> ()
    %mul3A_24 = arith.constant 640 : i32
    %mul3A_25 = arith.muli %arg1, %mul3A_24 : i32
    %add3A_26 = arith.constant 384 : i32
    %add3A_27 = arith.addi %mul3A_25, %add3A_26 : i32
    "tpu.region"() ({
      %run_scoped3A = tpu.sem_alloc : memref<!tpu.dma_semaphore, #tpu.memory_space<semaphore_mem>>
      %dma_start3A = arith.constant 0 : i32
      %dma_start3A_54 = tpu.memref_slice %arg8[%add3A_27, %dma_start3A] : memref<10240x128xf32, #tpu.memory_space<vmem_shared>> -> memref<128x128xf32, #tpu.memory_space<vmem_shared>>
      %dma_start3A_55 = arith.constant 0 : i32
      %dma_start3A_56 = tpu.memref_slice %arg8[%add3A_27, %dma_start3A_55] : memref<10240x128xf32, #tpu.memory_space<vmem_shared>> -> memref<128x128xf32, #tpu.memory_space<vmem_shared>>
      tpu.enqueue_dma source(%arg7 : memref<128x128xf32, #tpu.memory_space<vmem>>) target(%dma_start3A_56 : memref<128x128xf32, #tpu.memory_space<vmem_shared>>) target_semaphore(%run_scoped3A : memref<!tpu.dma_semaphore, #tpu.memory_space<semaphore_mem>>)
      %dma_wait3A = arith.constant 0 : i32
      %dma_wait3A_57 = tpu.memref_slice %arg8[%add3A_27, %dma_wait3A] : memref<10240x128xf32, #tpu.memory_space<vmem_shared>> -> memref<128x128xf32, #tpu.memory_space<vmem_shared>>
      %dma_wait3A_58 = arith.constant 0 : i32
      %dma_wait3A_59 = tpu.memref_slice %arg8[%add3A_27, %dma_wait3A_58] : memref<10240x128xf32, #tpu.memory_space<vmem_shared>> -> memref<128x128xf32, #tpu.memory_space<vmem_shared>>
      tpu.wait_dma2 semaphore(%run_scoped3A : memref<!tpu.dma_semaphore, #tpu.memory_space<semaphore_mem>>) src(%arg7 : memref<128x128xf32, #tpu.memory_space<vmem>>) dst(%dma_wait3A_59 : memref<128x128xf32, #tpu.memory_space<vmem_shared>>)
      tpu.yield
    }) : () -> ()
    %mul3A_28 = arith.constant 640 : i32
    %mul3A_29 = arith.muli %arg1, %mul3A_28 : i32
    %add3A_30 = arith.constant 512 : i32
    %add3A_31 = arith.addi %mul3A_29, %add3A_30 : i32
    "tpu.region"() ({
      %run_scoped3A = tpu.sem_alloc : memref<!tpu.dma_semaphore, #tpu.memory_space<semaphore_mem>>
      %dma_start3A = arith.constant 0 : i32
      %dma_start3A_54 = tpu.memref_slice %arg8[%add3A_31, %dma_start3A] : memref<10240x128xf32, #tpu.memory_space<vmem_shared>> -> memref<128x128xf32, #tpu.memory_space<vmem_shared>>
      %dma_start3A_55 = arith.constant 0 : i32
      %dma_start3A_56 = tpu.memref_slice %arg8[%add3A_31, %dma_start3A_55] : memref<10240x128xf32, #tpu.memory_space<vmem_shared>> -> memref<128x128xf32, #tpu.memory_space<vmem_shared>>
      tpu.enqueue_dma source(%arg7 : memref<128x128xf32, #tpu.memory_space<vmem>>) target(%dma_start3A_56 : memref<128x128xf32, #tpu.memory_space<vmem_shared>>) target_semaphore(%run_scoped3A : memref<!tpu.dma_semaphore, #tpu.memory_space<semaphore_mem>>)
      %dma_wait3A = arith.constant 0 : i32
      %dma_wait3A_57 = tpu.memref_slice %arg8[%add3A_31, %dma_wait3A] : memref<10240x128xf32, #tpu.memory_space<vmem_shared>> -> memref<128x128xf32, #tpu.memory_space<vmem_shared>>
      %dma_wait3A_58 = arith.constant 0 : i32
      %dma_wait3A_59 = tpu.memref_slice %arg8[%add3A_31, %dma_wait3A_58] : memref<10240x128xf32, #tpu.memory_space<vmem_shared>> -> memref<128x128xf32, #tpu.memory_space<vmem_shared>>
      tpu.wait_dma2 semaphore(%run_scoped3A : memref<!tpu.dma_semaphore, #tpu.memory_space<semaphore_mem>>) src(%arg7 : memref<128x128xf32, #tpu.memory_space<vmem>>) dst(%dma_wait3A_59 : memref<128x128xf32, #tpu.memory_space<vmem_shared>>)
      tpu.yield
    }) : () -> ()
    %barrier3A = arith.constant 0 : index
    tpu.barrier barrier_id(%barrier3A)
    %scan3A_32 = arith.constant 0 : i32
    %scan3A_33 = arith.constant 0 : i32
    %scan3A_34 = arith.constant 40 : i32
    %scan3A_35 = arith.addi %scan3A_33, %scan3A_34 : i32
    %scan3A_36 = arith.constant 1 : i32
    %scan3A_37 = scf.for %scan3A_54 = %scan3A_33 to %scan3A_35 step %scan3A_36 iter_args(%scan3A_55 = %scan3A_32) -> (i32)  : i32 {
      %dma_start3A = arith.constant 0 : i32
      %dma_start3A_56 = tpu.memref_slice %arg5[%scan3A_54, %dma_start3A] : memref<40x128xi32, #tpu.memory_space<vmem>> -> memref<1x128xi32, #tpu.memory_space<vmem>>
      %dma_start3A_57 = tpu.memref_squeeze %dma_start3A_56 : memref<1x128xi32, #tpu.memory_space<vmem>> -> memref<128xi32, #tpu.memory_space<vmem>>
      %dma_start3A_58 = arith.constant 0 : i32
      %dma_start3A_59 = arith.constant 0 : i32
      %dma_start3A_60 = tpu.memref_slice %arg8[%dma_start3A_58, %dma_start3A_59] : memref<10240x128xf32, #tpu.memory_space<vmem_shared>> -> memref<10240x128xf32, #tpu.memory_space<vmem_shared>>
      tpu.enqueue_indirect_dma source(%arg6 : memref<128x128xf32, #tpu.memory_space<vmem>>) target(%dma_start3A_60 : memref<10240x128xf32, #tpu.memory_space<vmem_shared>>) offsets(%dma_start3A_57 : memref<128xi32, #tpu.memory_space<vmem>>) semaphore(%arg9 : memref<!tpu.dma_semaphore, #tpu.memory_space<semaphore_mem>>) {add = true}
      %scan3A_61 = arith.constant 0 : i32
      scf.yield %scan3A_61 : i32
    }
    %scan3A_38 = arith.constant 40 : i32
    %scan3A_39 = arith.constant 0 : i32
    %scan3A_40 = arith.constant 0 : i32
    %scan3A_41 = arith.constant 40 : i32
    %scan3A_42 = arith.addi %scan3A_40, %scan3A_41 : i32
    %scan3A_43 = arith.constant 1 : i32
    %scan3A_44 = scf.for %scan3A_54 = %scan3A_40 to %scan3A_42 step %scan3A_43 iter_args(%scan3A_55 = %scan3A_39) -> (i32)  : i32 {
      %dma_wait3A = arith.constant 0 : i32
      %dma_wait3A_56 = tpu.memref_slice %arg5[%scan3A_54, %dma_wait3A] : memref<40x128xi32, #tpu.memory_space<vmem>> -> memref<1x128xi32, #tpu.memory_space<vmem>>
      %dma_wait3A_57 = tpu.memref_squeeze %dma_wait3A_56 : memref<1x128xi32, #tpu.memory_space<vmem>> -> memref<128xi32, #tpu.memory_space<vmem>>
      %dma_wait3A_58 = arith.constant 0 : i32
      %dma_wait3A_59 = arith.constant 0 : i32
      %dma_wait3A_60 = tpu.memref_slice %arg8[%dma_wait3A_58, %dma_wait3A_59] : memref<10240x128xf32, #tpu.memory_space<vmem_shared>> -> memref<10240x128xf32, #tpu.memory_space<vmem_shared>>
      tpu.wait_indirect_dma semaphore(%arg9 : memref<!tpu.dma_semaphore, #tpu.memory_space<semaphore_mem>>) src(%arg6 : memref<128x128xf32, #tpu.memory_space<vmem>>) dst(%dma_wait3A_60 : memref<10240x128xf32, #tpu.memory_space<vmem_shared>>)
      %scan3A_61 = arith.constant 0 : i32
      scf.yield %scan3A_61 : i32
    }
    %scan3A_45 = arith.constant 40 : i32
    %barrier3A_46 = arith.constant 0 : index
    tpu.barrier barrier_id(%barrier3A_46)
    %eq3A = arith.constant 0 : i32
    %eq3A_47 = arith.cmpi eq, %arg0, %eq3A : i32
    %convert_element_type3A = arith.extui %eq3A_47 : i1 to i32
    %cond3A = arith.constant 0 : i32
    %cond3A_48 = arith.cmpi ne, %convert_element_type3A, %cond3A : i32
    scf.if %cond3A_48 {
      %scan3A_54 = arith.constant 0 : i32
      %scan3A_55 = arith.constant 0 : i32
      %scan3A_56 = arith.constant 5 : i32
      %scan3A_57 = arith.addi %scan3A_55, %scan3A_56 : i32
      %scan3A_58 = arith.constant 1 : i32
      %scan3A_59 = scf.for %scan3A_61 = %scan3A_55 to %scan3A_57 step %scan3A_58 iter_args(%scan3A_62 = %scan3A_54) -> (i32)  : i32 {
        %mul3A_63 = arith.constant 640 : i32
        %mul3A_64 = arith.muli %arg1, %mul3A_63 : i32
        %mul3A_65 = arith.constant 128 : i32
        %mul3A_66 = arith.muli %scan3A_61, %mul3A_65 : i32
        %add3A_67 = arith.addi %mul3A_64, %mul3A_66 : i32
        "tpu.region"() ({
          %run_scoped3A = tpu.sem_alloc : memref<!tpu.dma_semaphore, #tpu.memory_space<semaphore_mem>>
          %dma_start3A = arith.constant 0 : i32
          %dma_start3A_69 = tpu.memref_slice %arg8[%add3A_67, %dma_start3A] : memref<10240x128xf32, #tpu.memory_space<vmem_shared>> -> memref<128x128xf32, #tpu.memory_space<vmem_shared>>
          %dma_start3A_70 = arith.constant 0 : i32
          %dma_start3A_71 = tpu.memref_slice %arg8[%add3A_67, %dma_start3A_70] : memref<10240x128xf32, #tpu.memory_space<vmem_shared>> -> memref<128x128xf32, #tpu.memory_space<vmem_shared>>
          tpu.enqueue_dma source(%dma_start3A_71 : memref<128x128xf32, #tpu.memory_space<vmem_shared>>) target(%arg7 : memref<128x128xf32, #tpu.memory_space<vmem>>) target_semaphore(%run_scoped3A : memref<!tpu.dma_semaphore, #tpu.memory_space<semaphore_mem>>)
          %dma_wait3A = arith.constant 0 : i32
          %dma_wait3A_72 = tpu.memref_slice %arg8[%add3A_67, %dma_wait3A] : memref<10240x128xf32, #tpu.memory_space<vmem_shared>> -> memref<128x128xf32, #tpu.memory_space<vmem_shared>>
          %dma_wait3A_73 = arith.constant 0 : i32
          %dma_wait3A_74 = tpu.memref_slice %arg8[%add3A_67, %dma_wait3A_73] : memref<10240x128xf32, #tpu.memory_space<vmem_shared>> -> memref<128x128xf32, #tpu.memory_space<vmem_shared>>
          tpu.wait_dma2 semaphore(%run_scoped3A : memref<!tpu.dma_semaphore, #tpu.memory_space<semaphore_mem>>) src(%dma_wait3A_74 : memref<128x128xf32, #tpu.memory_space<vmem_shared>>) dst(%arg7 : memref<128x128xf32, #tpu.memory_space<vmem>>)
          tpu.yield
        }) : () -> ()
        "tpu.region"() ({
          %run_scoped3A = tpu.sem_alloc : memref<!tpu.dma_semaphore, #tpu.memory_space<semaphore_mem>>
          %dma_start3A = arith.constant 0 : i32
          %dma_start3A_69 = tpu.memref_slice %arg3[%add3A_67, %dma_start3A] : memref<10240x128xf32, #tpu.memory_space<hbm>> -> memref<128x128xf32, #tpu.memory_space<hbm>>
          %dma_start3A_70 = arith.constant 0 : i32
          %dma_start3A_71 = tpu.memref_slice %arg3[%add3A_67, %dma_start3A_70] : memref<10240x128xf32, #tpu.memory_space<hbm>> -> memref<128x128xf32, #tpu.memory_space<hbm>>
          tpu.enqueue_dma source(%arg7 : memref<128x128xf32, #tpu.memory_space<vmem>>) target(%dma_start3A_71 : memref<128x128xf32, #tpu.memory_space<hbm>>) target_semaphore(%run_scoped3A : memref<!tpu.dma_semaphore, #tpu.memory_space<semaphore_mem>>)
          %dma_wait3A = arith.constant 0 : i32
          %dma_wait3A_72 = tpu.memref_slice %arg3[%add3A_67, %dma_wait3A] : memref<10240x128xf32, #tpu.memory_space<hbm>> -> memref<128x128xf32, #tpu.memory_space<hbm>>
          %dma_wait3A_73 = arith.constant 0 : i32
          %dma_wait3A_74 = tpu.memref_slice %arg3[%add3A_67, %dma_wait3A_73] : memref<10240x128xf32, #tpu.memory_space<hbm>> -> memref<128x128xf32, #tpu.memory_space<hbm>>
          tpu.wait_dma2 semaphore(%run_scoped3A : memref<!tpu.dma_semaphore, #tpu.memory_space<semaphore_mem>>) src(%arg7 : memref<128x128xf32, #tpu.memory_space<vmem>>) dst(%dma_wait3A_74 : memref<128x128xf32, #tpu.memory_space<hbm>>)
          tpu.yield
        }) : () -> ()
        %scan3A_68 = arith.constant 0 : i32
        scf.yield %scan3A_68 : i32
      }
      %scan3A_60 = arith.constant 5 : i32
    } else {
    }
    %eq3A_49 = arith.constant 1 : i32
    %eq3A_50 = arith.cmpi eq, %arg0, %eq3A_49 : i32
    %convert_element_type3A_51 = arith.extui %eq3A_50 : i1 to i32
    %cond3A_52 = arith.constant 0 : i32
    %cond3A_53 = arith.cmpi ne, %convert_element_type3A_51, %cond3A_52 : i32
    scf.if %cond3A_53 {
      %scan3A_54 = arith.constant 0 : i32
      %scan3A_55 = arith.constant 0 : i32
      %scan3A_56 = arith.constant 5 : i32
      %scan3A_57 = arith.addi %scan3A_55, %scan3A_56 : i32
      %scan3A_58 = arith.constant 1 : i32
      %scan3A_59 = scf.for %scan3A_61 = %scan3A_55 to %scan3A_57 step %scan3A_58 iter_args(%scan3A_62 = %scan3A_54) -> (i32)  : i32 {
        %mul3A_63 = arith.constant 640 : i32
        %mul3A_64 = arith.muli %arg1, %mul3A_63 : i32
        %mul3A_65 = arith.constant 128 : i32
        %mul3A_66 = arith.muli %scan3A_61, %mul3A_65 : i32
        %add3A_67 = arith.addi %mul3A_64, %mul3A_66 : i32
        "tpu.region"() ({
          %run_scoped3A = tpu.sem_alloc : memref<!tpu.dma_semaphore, #tpu.memory_space<semaphore_mem>>
          %dma_start3A = arith.constant 0 : i32
          %dma_start3A_69 = tpu.memref_slice %arg8[%add3A_67, %dma_start3A] : memref<10240x128xf32, #tpu.memory_space<vmem_shared>> -> memref<128x128xf32, #tpu.memory_space<vmem_shared>>
          %dma_start3A_70 = arith.constant 0 : i32
          %dma_start3A_71 = tpu.memref_slice %arg8[%add3A_67, %dma_start3A_70] : memref<10240x128xf32, #tpu.memory_space<vmem_shared>> -> memref<128x128xf32, #tpu.memory_space<vmem_shared>>
          tpu.enqueue_dma source(%dma_start3A_71 : memref<128x128xf32, #tpu.memory_space<vmem_shared>>) target(%arg7 : memref<128x128xf32, #tpu.memory_space<vmem>>) target_semaphore(%run_scoped3A : memref<!tpu.dma_semaphore, #tpu.memory_space<semaphore_mem>>)
          %dma_wait3A = arith.constant 0 : i32
          %dma_wait3A_72 = tpu.memref_slice %arg8[%add3A_67, %dma_wait3A] : memref<10240x128xf32, #tpu.memory_space<vmem_shared>> -> memref<128x128xf32, #tpu.memory_space<vmem_shared>>
          %dma_wait3A_73 = arith.constant 0 : i32
          %dma_wait3A_74 = tpu.memref_slice %arg8[%add3A_67, %dma_wait3A_73] : memref<10240x128xf32, #tpu.memory_space<vmem_shared>> -> memref<128x128xf32, #tpu.memory_space<vmem_shared>>
          tpu.wait_dma2 semaphore(%run_scoped3A : memref<!tpu.dma_semaphore, #tpu.memory_space<semaphore_mem>>) src(%dma_wait3A_74 : memref<128x128xf32, #tpu.memory_space<vmem_shared>>) dst(%arg7 : memref<128x128xf32, #tpu.memory_space<vmem>>)
          tpu.yield
        }) : () -> ()
        "tpu.region"() ({
          %run_scoped3A = tpu.sem_alloc : memref<!tpu.dma_semaphore, #tpu.memory_space<semaphore_mem>>
          %dma_start3A = arith.constant 0 : i32
          %dma_start3A_69 = tpu.memref_slice %arg4[%add3A_67, %dma_start3A] : memref<10240x128xf32, #tpu.memory_space<hbm>> -> memref<128x128xf32, #tpu.memory_space<hbm>>
          %dma_start3A_70 = arith.constant 0 : i32
          %dma_start3A_71 = tpu.memref_slice %arg4[%add3A_67, %dma_start3A_70] : memref<10240x128xf32, #tpu.memory_space<hbm>> -> memref<128x128xf32, #tpu.memory_space<hbm>>
          tpu.enqueue_dma source(%arg7 : memref<128x128xf32, #tpu.memory_space<vmem>>) target(%dma_start3A_71 : memref<128x128xf32, #tpu.memory_space<hbm>>) target_semaphore(%run_scoped3A : memref<!tpu.dma_semaphore, #tpu.memory_space<semaphore_mem>>)
          %dma_wait3A = arith.constant 0 : i32
          %dma_wait3A_72 = tpu.memref_slice %arg4[%add3A_67, %dma_wait3A] : memref<10240x128xf32, #tpu.memory_space<hbm>> -> memref<128x128xf32, #tpu.memory_space<hbm>>
          %dma_wait3A_73 = arith.constant 0 : i32
          %dma_wait3A_74 = tpu.memref_slice %arg4[%add3A_67, %dma_wait3A_73] : memref<10240x128xf32, #tpu.memory_space<hbm>> -> memref<128x128xf32, #tpu.memory_space<hbm>>
          tpu.wait_dma2 semaphore(%run_scoped3A : memref<!tpu.dma_semaphore, #tpu.memory_space<semaphore_mem>>) src(%arg7 : memref<128x128xf32, #tpu.memory_space<vmem>>) dst(%dma_wait3A_74 : memref<128x128xf32, #tpu.memory_space<hbm>>)
          tpu.yield
        }) : () -> ()
        %scan3A_68 = arith.constant 0 : i32
        scf.yield %scan3A_68 : i32
      }
      %scan3A_60 = arith.constant 5 : i32
    } else {
    }
    return
  }
}

#map = affine_map<(d0, d1) -> (0, 0)>
module attributes {stable_mosaic.version = 14 : i64} {
  func.func @body(%arg0: i32, %arg1: i32, %arg2: memref<10240x128xf32, #tpu.memory_space<hbm>>, %arg3: memref<10240x128xf32, #tpu.memory_space<hbm>>, %arg4: memref<1280x128xi32, #tpu.memory_space<hbm>>, %arg5: memref<1280x128xi32, #tpu.memory_space<hbm>>, %arg6: memref<10240x128xf32, #tpu.memory_space<hbm>>, %arg7: memref<10240x128xf32, #tpu.memory_space<hbm>>, %arg8: memref<40x128xi32, #tpu.memory_space<vmem>>, %arg9: memref<40x128xi32, #tpu.memory_space<vmem>>, %arg10: memref<128x128xf32, #tpu.memory_space<vmem>>, %arg11: memref<128x128xf32, #tpu.memory_space<vmem>>, %arg12: memref<10240x128xf32, #tpu.memory_space<vmem_shared>>, %arg13: memref<!tpu.dma_semaphore, #tpu.memory_space<semaphore_mem>>, %arg14: memref<!tpu.dma_semaphore, #tpu.memory_space<semaphore_mem>>, %arg15: memref<!tpu.dma_semaphore, #tpu.memory_space<semaphore_mem>>, %arg16: memref<!tpu.dma_semaphore, #tpu.memory_space<semaphore_mem>>) attributes {dimension_semantics = [#tpu.dimension_semantics<core_parallel>, #tpu.dimension_semantics<subcore_parallel>], iteration_bounds = array<i64: 2, 16>, scalar_prefetch = 0 : i64, scratch_operands = 9 : i64, tpu.core_type = #tpu.core_type<sc_vector_subcore>, window_params = [{transform_indices = #map}, {transform_indices = #map}, {transform_indices = #map}, {transform_indices = #map}, {transform_indices = #map}, {transform_indices = #map}]} {
    %broadcast_in_dim3A = arith.constant 0.000000e+00 : f32
    %broadcast_in_dim3A_0 = vector.broadcast %broadcast_in_dim3A : f32 to vector<16xf32>
    %scan3A = arith.constant 0 : i32
    %scan3A_1 = arith.constant 0 : i32
    %scan3A_2 = arith.constant 128 : i32
    %scan3A_3 = arith.addi %scan3A_1, %scan3A_2 : i32
    %scan3A_4 = arith.constant 1 : i32
    %scan3A_5 = scf.for %scan3A_101 = %scan3A_1 to %scan3A_3 step %scan3A_4 iter_args(%scan3A_102 = %scan3A) -> (i32)  : i32 {
      %swap3A = arith.index_cast %scan3A_101 : i32 to index
      %swap3A_103 = arith.constant 0 : index
      %swap3A_104 = tpu.vector_load %arg10[%swap3A, %swap3A_103] {strides = array<i32>} : memref<128x128xf32, #tpu.memory_space<vmem>>, vector<1x16xf32>,
      %swap3A_105 = vector.shape_cast %swap3A_104 : vector<1x16xf32> to vector<16xf32>
      %swap3A_106 = vector.shape_cast %broadcast_in_dim3A_0 : vector<16xf32> to vector<1x16xf32>
      tpu.vector_store %arg10[%swap3A, %swap3A_103], %swap3A_106 {strides = array<i32>} : memref<128x128xf32, #tpu.memory_space<vmem>>, vector<1x16xf32>,
      %swap3A_107 = arith.index_cast %scan3A_101 : i32 to index
      %swap3A_108 = arith.constant 16 : index
      %swap3A_109 = tpu.vector_load %arg10[%swap3A_107, %swap3A_108] {strides = array<i32>} : memref<128x128xf32, #tpu.memory_space<vmem>>, vector<1x16xf32>,
      %swap3A_110 = vector.shape_cast %swap3A_109 : vector<1x16xf32> to vector<16xf32>
      %swap3A_111 = vector.shape_cast %broadcast_in_dim3A_0 : vector<16xf32> to vector<1x16xf32>
      tpu.vector_store %arg10[%swap3A_107, %swap3A_108], %swap3A_111 {strides = array<i32>} : memref<128x128xf32, #tpu.memory_space<vmem>>, vector<1x16xf32>,
      %swap3A_112 = arith.index_cast %scan3A_101 : i32 to index
      %swap3A_113 = arith.constant 32 : index
      %swap3A_114 = tpu.vector_load %arg10[%swap3A_112, %swap3A_113] {strides = array<i32>} : memref<128x128xf32, #tpu.memory_space<vmem>>, vector<1x16xf32>,
      %swap3A_115 = vector.shape_cast %swap3A_114 : vector<1x16xf32> to vector<16xf32>
      %swap3A_116 = vector.shape_cast %broadcast_in_dim3A_0 : vector<16xf32> to vector<1x16xf32>
      tpu.vector_store %arg10[%swap3A_112, %swap3A_113], %swap3A_116 {strides = array<i32>} : memref<128x128xf32, #tpu.memory_space<vmem>>, vector<1x16xf32>,
      %swap3A_117 = arith.index_cast %scan3A_101 : i32 to index
      %swap3A_118 = arith.constant 48 : index
      %swap3A_119 = tpu.vector_load %arg10[%swap3A_117, %swap3A_118] {strides = array<i32>} : memref<128x128xf32, #tpu.memory_space<vmem>>, vector<1x16xf32>,
      %swap3A_120 = vector.shape_cast %swap3A_119 : vector<1x16xf32> to vector<16xf32>
      %swap3A_121 = vector.shape_cast %broadcast_in_dim3A_0 : vector<16xf32> to vector<1x16xf32>
      tpu.vector_store %arg10[%swap3A_117, %swap3A_118], %swap3A_121 {strides = array<i32>} : memref<128x128xf32, #tpu.memory_space<vmem>>, vector<1x16xf32>,
      %swap3A_122 = arith.index_cast %scan3A_101 : i32 to index
      %swap3A_123 = arith.constant 64 : index
      %swap3A_124 = tpu.vector_load %arg10[%swap3A_122, %swap3A_123] {strides = array<i32>} : memref<128x128xf32, #tpu.memory_space<vmem>>, vector<1x16xf32>,
      %swap3A_125 = vector.shape_cast %swap3A_124 : vector<1x16xf32> to vector<16xf32>
      %swap3A_126 = vector.shape_cast %broadcast_in_dim3A_0 : vector<16xf32> to vector<1x16xf32>
      tpu.vector_store %arg10[%swap3A_122, %swap3A_123], %swap3A_126 {strides = array<i32>} : memref<128x128xf32, #tpu.memory_space<vmem>>, vector<1x16xf32>,
      %swap3A_127 = arith.index_cast %scan3A_101 : i32 to index
      %swap3A_128 = arith.constant 80 : index
      %swap3A_129 = tpu.vector_load %arg10[%swap3A_127, %swap3A_128] {strides = array<i32>} : memref<128x128xf32, #tpu.memory_space<vmem>>, vector<1x16xf32>,
      %swap3A_130 = vector.shape_cast %swap3A_129 : vector<1x16xf32> to vector<16xf32>
      %swap3A_131 = vector.shape_cast %broadcast_in_dim3A_0 : vector<16xf32> to vector<1x16xf32>
      tpu.vector_store %arg10[%swap3A_127, %swap3A_128], %swap3A_131 {strides = array<i32>} : memref<128x128xf32, #tpu.memory_space<vmem>>, vector<1x16xf32>,
      %swap3A_132 = arith.index_cast %scan3A_101 : i32 to index
      %swap3A_133 = arith.constant 96 : index
      %swap3A_134 = tpu.vector_load %arg10[%swap3A_132, %swap3A_133] {strides = array<i32>} : memref<128x128xf32, #tpu.memory_space<vmem>>, vector<1x16xf32>,
      %swap3A_135 = vector.shape_cast %swap3A_134 : vector<1x16xf32> to vector<16xf32>
      %swap3A_136 = vector.shape_cast %broadcast_in_dim3A_0 : vector<16xf32> to vector<1x16xf32>
      tpu.vector_store %arg10[%swap3A_132, %swap3A_133], %swap3A_136 {strides = array<i32>} : memref<128x128xf32, #tpu.memory_space<vmem>>, vector<1x16xf32>,
      %swap3A_137 = arith.index_cast %scan3A_101 : i32 to index
      %swap3A_138 = arith.constant 112 : index
      %swap3A_139 = tpu.vector_load %arg10[%swap3A_137, %swap3A_138] {strides = array<i32>} : memref<128x128xf32, #tpu.memory_space<vmem>>, vector<1x16xf32>,
      %swap3A_140 = vector.shape_cast %swap3A_139 : vector<1x16xf32> to vector<16xf32>
      %swap3A_141 = vector.shape_cast %broadcast_in_dim3A_0 : vector<16xf32> to vector<1x16xf32>
      tpu.vector_store %arg10[%swap3A_137, %swap3A_138], %swap3A_141 {strides = array<i32>} : memref<128x128xf32, #tpu.memory_space<vmem>>, vector<1x16xf32>,
      %scan3A_142 = arith.constant 0 : i32
      scf.yield %scan3A_142 : i32
    }
    %scan3A_6 = arith.constant 128 : i32
    %mul3A = arith.constant 640 : i32
    %mul3A_7 = arith.muli %arg1, %mul3A : i32
    %add3A = arith.constant 0 : i32
    %add3A_8 = arith.addi %mul3A_7, %add3A : i32
    %dma_start3A = arith.constant 0 : i32
    %dma_start3A_9 = tpu.memref_slice %arg12[%add3A_8, %dma_start3A] : memref<10240x128xf32, #tpu.memory_space<vmem_shared>> -> memref<128x128xf32, #tpu.memory_space<vmem_shared>>
    %dma_start3A_10 = arith.constant 0 : i32
    %dma_start3A_11 = tpu.memref_slice %arg12[%add3A_8, %dma_start3A_10] : memref<10240x128xf32, #tpu.memory_space<vmem_shared>> -> memref<128x128xf32, #tpu.memory_space<vmem_shared>>
    tpu.enqueue_dma source(%arg10 : memref<128x128xf32, #tpu.memory_space<vmem>>) target(%dma_start3A_11 : memref<128x128xf32, #tpu.memory_space<vmem_shared>>) target_semaphore(%arg13 : memref<!tpu.dma_semaphore, #tpu.memory_space<semaphore_mem>>)
    %mul3A_12 = arith.constant 640 : i32
    %mul3A_13 = arith.muli %arg1, %mul3A_12 : i32
    %add3A_14 = arith.constant 128 : i32
    %add3A_15 = arith.addi %mul3A_13, %add3A_14 : i32
    %dma_start3A_16 = arith.constant 0 : i32
    %dma_start3A_17 = tpu.memref_slice %arg12[%add3A_15, %dma_start3A_16] : memref<10240x128xf32, #tpu.memory_space<vmem_shared>> -> memref<128x128xf32, #tpu.memory_space<vmem_shared>>
    %dma_start3A_18 = arith.constant 0 : i32
    %dma_start3A_19 = tpu.memref_slice %arg12[%add3A_15, %dma_start3A_18] : memref<10240x128xf32, #tpu.memory_space<vmem_shared>> -> memref<128x128xf32, #tpu.memory_space<vmem_shared>>
    tpu.enqueue_dma source(%arg10 : memref<128x128xf32, #tpu.memory_space<vmem>>) target(%dma_start3A_19 : memref<128x128xf32, #tpu.memory_space<vmem_shared>>) target_semaphore(%arg13 : memref<!tpu.dma_semaphore, #tpu.memory_space<semaphore_mem>>)
    %mul3A_20 = arith.constant 640 : i32
    %mul3A_21 = arith.muli %arg1, %mul3A_20 : i32
    %add3A_22 = arith.constant 256 : i32
    %add3A_23 = arith.addi %mul3A_21, %add3A_22 : i32
    %dma_start3A_24 = arith.constant 0 : i32
    %dma_start3A_25 = tpu.memref_slice %arg12[%add3A_23, %dma_start3A_24] : memref<10240x128xf32, #tpu.memory_space<vmem_shared>> -> memref<128x128xf32, #tpu.memory_space<vmem_shared>>
    %dma_start3A_26 = arith.constant 0 : i32
    %dma_start3A_27 = tpu.memref_slice %arg12[%add3A_23, %dma_start3A_26] : memref<10240x128xf32, #tpu.memory_space<vmem_shared>> -> memref<128x128xf32, #tpu.memory_space<vmem_shared>>
    tpu.enqueue_dma source(%arg10 : memref<128x128xf32, #tpu.memory_space<vmem>>) target(%dma_start3A_27 : memref<128x128xf32, #tpu.memory_space<vmem_shared>>) target_semaphore(%arg13 : memref<!tpu.dma_semaphore, #tpu.memory_space<semaphore_mem>>)
    %mul3A_28 = arith.constant 640 : i32
    %mul3A_29 = arith.muli %arg1, %mul3A_28 : i32
    %add3A_30 = arith.constant 384 : i32
    %add3A_31 = arith.addi %mul3A_29, %add3A_30 : i32
    %dma_start3A_32 = arith.constant 0 : i32
    %dma_start3A_33 = tpu.memref_slice %arg12[%add3A_31, %dma_start3A_32] : memref<10240x128xf32, #tpu.memory_space<vmem_shared>> -> memref<128x128xf32, #tpu.memory_space<vmem_shared>>
    %dma_start3A_34 = arith.constant 0 : i32
    %dma_start3A_35 = tpu.memref_slice %arg12[%add3A_31, %dma_start3A_34] : memref<10240x128xf32, #tpu.memory_space<vmem_shared>> -> memref<128x128xf32, #tpu.memory_space<vmem_shared>>
    tpu.enqueue_dma source(%arg10 : memref<128x128xf32, #tpu.memory_space<vmem>>) target(%dma_start3A_35 : memref<128x128xf32, #tpu.memory_space<vmem_shared>>) target_semaphore(%arg13 : memref<!tpu.dma_semaphore, #tpu.memory_space<semaphore_mem>>)
    %mul3A_36 = arith.constant 640 : i32
    %mul3A_37 = arith.muli %arg1, %mul3A_36 : i32
    %add3A_38 = arith.constant 512 : i32
    %add3A_39 = arith.addi %mul3A_37, %add3A_38 : i32
    %dma_start3A_40 = arith.constant 0 : i32
    %dma_start3A_41 = tpu.memref_slice %arg12[%add3A_39, %dma_start3A_40] : memref<10240x128xf32, #tpu.memory_space<vmem_shared>> -> memref<128x128xf32, #tpu.memory_space<vmem_shared>>
    %dma_start3A_42 = arith.constant 0 : i32
    %dma_start3A_43 = tpu.memref_slice %arg12[%add3A_39, %dma_start3A_42] : memref<10240x128xf32, #tpu.memory_space<vmem_shared>> -> memref<128x128xf32, #tpu.memory_space<vmem_shared>>
    tpu.enqueue_dma source(%arg10 : memref<128x128xf32, #tpu.memory_space<vmem>>) target(%dma_start3A_43 : memref<128x128xf32, #tpu.memory_space<vmem_shared>>) target_semaphore(%arg13 : memref<!tpu.dma_semaphore, #tpu.memory_space<semaphore_mem>>)
    %mul3A_44 = arith.constant 640 : i32
    %mul3A_45 = arith.muli %arg1, %mul3A_44 : i32
    %add3A_46 = arith.constant 0 : i32
    %add3A_47 = arith.addi %mul3A_45, %add3A_46 : i32
    %dma_wait3A = arith.constant 0 : i32
    %dma_wait3A_48 = tpu.memref_slice %arg12[%add3A_47, %dma_wait3A] : memref<10240x128xf32, #tpu.memory_space<vmem_shared>> -> memref<128x128xf32, #tpu.memory_space<vmem_shared>>
    %dma_wait3A_49 = arith.constant 0 : i32
    %dma_wait3A_50 = tpu.memref_slice %arg12[%add3A_47, %dma_wait3A_49] : memref<10240x128xf32, #tpu.memory_space<vmem_shared>> -> memref<128x128xf32, #tpu.memory_space<vmem_shared>>
    tpu.wait_dma2 semaphore(%arg13 : memref<!tpu.dma_semaphore, #tpu.memory_space<semaphore_mem>>) src(%arg10 : memref<128x128xf32, #tpu.memory_space<vmem>>) dst(%dma_wait3A_50 : memref<128x128xf32, #tpu.memory_space<vmem_shared>>)
    %mul3A_51 = arith.constant 640 : i32
    %mul3A_52 = arith.muli %arg1, %mul3A_51 : i32
    %add3A_53 = arith.constant 128 : i32
    %add3A_54 = arith.addi %mul3A_52, %add3A_53 : i32
    %dma_wait3A_55 = arith.constant 0 : i32
    %dma_wait3A_56 = tpu.memref_slice %arg12[%add3A_54, %dma_wait3A_55] : memref<10240x128xf32, #tpu.memory_space<vmem_shared>> -> memref<128x128xf32, #tpu.memory_space<vmem_shared>>
    %dma_wait3A_57 = arith.constant 0 : i32
    %dma_wait3A_58 = tpu.memref_slice %arg12[%add3A_54, %dma_wait3A_57] : memref<10240x128xf32, #tpu.memory_space<vmem_shared>> -> memref<128x128xf32, #tpu.memory_space<vmem_shared>>
    tpu.wait_dma2 semaphore(%arg13 : memref<!tpu.dma_semaphore, #tpu.memory_space<semaphore_mem>>) src(%arg10 : memref<128x128xf32, #tpu.memory_space<vmem>>) dst(%dma_wait3A_58 : memref<128x128xf32, #tpu.memory_space<vmem_shared>>)
    %mul3A_59 = arith.constant 640 : i32
    %mul3A_60 = arith.muli %arg1, %mul3A_59 : i32
    %add3A_61 = arith.constant 256 : i32
    %add3A_62 = arith.addi %mul3A_60, %add3A_61 : i32
    %dma_wait3A_63 = arith.constant 0 : i32
    %dma_wait3A_64 = tpu.memref_slice %arg12[%add3A_62, %dma_wait3A_63] : memref<10240x128xf32, #tpu.memory_space<vmem_shared>> -> memref<128x128xf32, #tpu.memory_space<vmem_shared>>
    %dma_wait3A_65 = arith.constant 0 : i32
    %dma_wait3A_66 = tpu.memref_slice %arg12[%add3A_62, %dma_wait3A_65] : memref<10240x128xf32, #tpu.memory_space<vmem_shared>> -> memref<128x128xf32, #tpu.memory_space<vmem_shared>>
    tpu.wait_dma2 semaphore(%arg13 : memref<!tpu.dma_semaphore, #tpu.memory_space<semaphore_mem>>) src(%arg10 : memref<128x128xf32, #tpu.memory_space<vmem>>) dst(%dma_wait3A_66 : memref<128x128xf32, #tpu.memory_space<vmem_shared>>)
    %mul3A_67 = arith.constant 640 : i32
    %mul3A_68 = arith.muli %arg1, %mul3A_67 : i32
    %add3A_69 = arith.constant 384 : i32
    %add3A_70 = arith.addi %mul3A_68, %add3A_69 : i32
    %dma_wait3A_71 = arith.constant 0 : i32
    %dma_wait3A_72 = tpu.memref_slice %arg12[%add3A_70, %dma_wait3A_71] : memref<10240x128xf32, #tpu.memory_space<vmem_shared>> -> memref<128x128xf32, #tpu.memory_space<vmem_shared>>
    %dma_wait3A_73 = arith.constant 0 : i32
    %dma_wait3A_74 = tpu.memref_slice %arg12[%add3A_70, %dma_wait3A_73] : memref<10240x128xf32, #tpu.memory_space<vmem_shared>> -> memref<128x128xf32, #tpu.memory_space<vmem_shared>>
    tpu.wait_dma2 semaphore(%arg13 : memref<!tpu.dma_semaphore, #tpu.memory_space<semaphore_mem>>) src(%arg10 : memref<128x128xf32, #tpu.memory_space<vmem>>) dst(%dma_wait3A_74 : memref<128x128xf32, #tpu.memory_space<vmem_shared>>)
    %mul3A_75 = arith.constant 640 : i32
    %mul3A_76 = arith.muli %arg1, %mul3A_75 : i32
    %add3A_77 = arith.constant 512 : i32
    %add3A_78 = arith.addi %mul3A_76, %add3A_77 : i32
    %dma_wait3A_79 = arith.constant 0 : i32
    %dma_wait3A_80 = tpu.memref_slice %arg12[%add3A_78, %dma_wait3A_79] : memref<10240x128xf32, #tpu.memory_space<vmem_shared>> -> memref<128x128xf32, #tpu.memory_space<vmem_shared>>
    %dma_wait3A_81 = arith.constant 0 : i32
    %dma_wait3A_82 = tpu.memref_slice %arg12[%add3A_78, %dma_wait3A_81] : memref<10240x128xf32, #tpu.memory_space<vmem_shared>> -> memref<128x128xf32, #tpu.memory_space<vmem_shared>>
    tpu.wait_dma2 semaphore(%arg13 : memref<!tpu.dma_semaphore, #tpu.memory_space<semaphore_mem>>) src(%arg10 : memref<128x128xf32, #tpu.memory_space<vmem>>) dst(%dma_wait3A_82 : memref<128x128xf32, #tpu.memory_space<vmem_shared>>)
    %barrier3A = arith.constant 0 : index
    tpu.barrier barrier_id(%barrier3A)
    %eq3A = arith.constant 0 : i32
    %eq3A_83 = arith.cmpi eq, %arg0, %eq3A : i32
    %convert_element_type3A = arith.extui %eq3A_83 : i1 to i32
    %cond3A = arith.constant 0 : i32
    %cond3A_84 = arith.cmpi ne, %convert_element_type3A, %cond3A : i32
    scf.if %cond3A_84 {
      %mul3A_101 = arith.constant 80 : i32
      %mul3A_102 = arith.muli %arg1, %mul3A_101 : i32
      %add3A_103 = arith.constant 0 : i32
      %add3A_104 = arith.addi %mul3A_102, %add3A_103 : i32
      "tpu.region"() ({
        %run_scoped3A = tpu.sem_alloc : memref<!tpu.dma_semaphore, #tpu.memory_space<semaphore_mem>>
        %dma_start3A_159 = arith.constant 0 : i32
        %dma_start3A_160 = tpu.memref_slice %arg4[%add3A_104, %dma_start3A_159] : memref<1280x128xi32, #tpu.memory_space<hbm>> -> memref<40x128xi32, #tpu.memory_space<hbm>>
        %dma_start3A_161 = arith.constant 0 : i32
        %dma_start3A_162 = tpu.memref_slice %arg4[%add3A_104, %dma_start3A_161] : memref<1280x128xi32, #tpu.memory_space<hbm>> -> memref<40x128xi32, #tpu.memory_space<hbm>>
        tpu.enqueue_dma source(%dma_start3A_162 : memref<40x128xi32, #tpu.memory_space<hbm>>) target(%arg8 : memref<40x128xi32, #tpu.memory_space<vmem>>) target_semaphore(%run_scoped3A : memref<!tpu.dma_semaphore, #tpu.memory_space<semaphore_mem>>)
        %dma_wait3A_163 = arith.constant 0 : i32
        %dma_wait3A_164 = tpu.memref_slice %arg4[%add3A_104, %dma_wait3A_163] : memref<1280x128xi32, #tpu.memory_space<hbm>> -> memref<40x128xi32, #tpu.memory_space<hbm>>
        %dma_wait3A_165 = arith.constant 0 : i32
        %dma_wait3A_166 = tpu.memref_slice %arg4[%add3A_104, %dma_wait3A_165] : memref<1280x128xi32, #tpu.memory_space<hbm>> -> memref<40x128xi32, #tpu.memory_space<hbm>>
        tpu.wait_dma2 semaphore(%run_scoped3A : memref<!tpu.dma_semaphore, #tpu.memory_space<semaphore_mem>>) src(%dma_wait3A_166 : memref<40x128xi32, #tpu.memory_space<hbm>>) dst(%arg8 : memref<40x128xi32, #tpu.memory_space<vmem>>)
        tpu.yield
      }) : () -> ()
      %mul3A_105 = arith.constant 80 : i32
      %mul3A_106 = arith.muli %arg1, %mul3A_105 : i32
      %add3A_107 = arith.constant 0 : i32
      %add3A_108 = arith.addi %mul3A_106, %add3A_107 : i32
      "tpu.region"() ({
        %run_scoped3A = tpu.sem_alloc : memref<!tpu.dma_semaphore, #tpu.memory_space<semaphore_mem>>
        %dma_start3A_159 = arith.constant 0 : i32
        %dma_start3A_160 = tpu.memref_slice %arg5[%add3A_108, %dma_start3A_159] : memref<1280x128xi32, #tpu.memory_space<hbm>> -> memref<40x128xi32, #tpu.memory_space<hbm>>
        %dma_start3A_161 = arith.constant 0 : i32
        %dma_start3A_162 = tpu.memref_slice %arg5[%add3A_108, %dma_start3A_161] : memref<1280x128xi32, #tpu.memory_space<hbm>> -> memref<40x128xi32, #tpu.memory_space<hbm>>
        tpu.enqueue_dma source(%dma_start3A_162 : memref<40x128xi32, #tpu.memory_space<hbm>>) target(%arg9 : memref<40x128xi32, #tpu.memory_space<vmem>>) target_semaphore(%run_scoped3A : memref<!tpu.dma_semaphore, #tpu.memory_space<semaphore_mem>>)
        %dma_wait3A_163 = arith.constant 0 : i32
        %dma_wait3A_164 = tpu.memref_slice %arg5[%add3A_108, %dma_wait3A_163] : memref<1280x128xi32, #tpu.memory_space<hbm>> -> memref<40x128xi32, #tpu.memory_space<hbm>>
        %dma_wait3A_165 = arith.constant 0 : i32
        %dma_wait3A_166 = tpu.memref_slice %arg5[%add3A_108, %dma_wait3A_165] : memref<1280x128xi32, #tpu.memory_space<hbm>> -> memref<40x128xi32, #tpu.memory_space<hbm>>
        tpu.wait_dma2 semaphore(%run_scoped3A : memref<!tpu.dma_semaphore, #tpu.memory_space<semaphore_mem>>) src(%dma_wait3A_166 : memref<40x128xi32, #tpu.memory_space<hbm>>) dst(%arg9 : memref<40x128xi32, #tpu.memory_space<vmem>>)
        tpu.yield
      }) : () -> ()
      %dma_start3A_109 = arith.constant 0 : i32
      %dma_start3A_110 = arith.constant 0 : i32
      %dma_start3A_111 = tpu.memref_slice %arg8[%dma_start3A_109, %dma_start3A_110] : memref<40x128xi32, #tpu.memory_space<vmem>> -> memref<1x128xi32, #tpu.memory_space<vmem>>
      %dma_start3A_112 = tpu.memref_squeeze %dma_start3A_111 : memref<1x128xi32, #tpu.memory_space<vmem>> -> memref<128xi32, #tpu.memory_space<vmem>>
      %dma_start3A_113 = arith.constant 0 : i32
      %dma_start3A_114 = arith.constant 0 : i32
      %dma_start3A_115 = tpu.memref_slice %arg2[%dma_start3A_113, %dma_start3A_114] : memref<10240x128xf32, #tpu.memory_space<hbm>> -> memref<10240x128xf32, #tpu.memory_space<hbm>>
      tpu.enqueue_indirect_dma source(%dma_start3A_115 : memref<10240x128xf32, #tpu.memory_space<hbm>>) target(%arg10 : memref<128x128xf32, #tpu.memory_space<vmem>>) offsets(%dma_start3A_112 : memref<128xi32, #tpu.memory_space<vmem>>) semaphore(%arg13 : memref<!tpu.dma_semaphore, #tpu.memory_space<semaphore_mem>>)
      %dma_start3A_116 = arith.constant 1 : i32
      %dma_start3A_117 = arith.constant 0 : i32
      %dma_start3A_118 = tpu.memref_slice %arg8[%dma_start3A_116, %dma_start3A_117] : memref<40x128xi32, #tpu.memory_space<vmem>> -> memref<1x128xi32, #tpu.memory_space<vmem>>
      %dma_start3A_119 = tpu.memref_squeeze %dma_start3A_118 : memref<1x128xi32, #tpu.memory_space<vmem>> -> memref<128xi32, #tpu.memory_space<vmem>>
      %dma_start3A_120 = arith.constant 0 : i32
      %dma_start3A_121 = arith.constant 0 : i32
      %dma_start3A_122 = tpu.memref_slice %arg2[%dma_start3A_120, %dma_start3A_121] : memref<10240x128xf32, #tpu.memory_space<hbm>> -> memref<10240x128xf32, #tpu.memory_space<hbm>>
      tpu.enqueue_indirect_dma source(%dma_start3A_122 : memref<10240x128xf32, #tpu.memory_space<hbm>>) target(%arg11 : memref<128x128xf32, #tpu.memory_space<vmem>>) offsets(%dma_start3A_119 : memref<128xi32, #tpu.memory_space<vmem>>) semaphore(%arg14 : memref<!tpu.dma_semaphore, #tpu.memory_space<semaphore_mem>>)
      %scan3A_123 = arith.constant 0 : i32
      %scan3A_124 = arith.constant 0 : i32
      %scan3A_125 = arith.constant 20 : i32
      %scan3A_126 = arith.addi %scan3A_124, %scan3A_125 : i32
      %scan3A_127 = arith.constant 1 : i32
      %scan3A_128 = scf.for %scan3A_159 = %scan3A_124 to %scan3A_126 step %scan3A_127 iter_args(%scan3A_160 = %scan3A_123) -> (i32)  : i32 {
        %mul3A_161 = arith.constant 2 : i32
        %mul3A_162 = arith.muli %scan3A_159, %mul3A_161 : i32
        %add3A_163 = arith.constant 0 : i32
        %add3A_164 = arith.addi %mul3A_162, %add3A_163 : i32
        %dma_wait3A_165 = arith.constant 0 : i32
        %dma_wait3A_166 = tpu.memref_slice %arg8[%add3A_164, %dma_wait3A_165] : memref<40x128xi32, #tpu.memory_space<vmem>> -> memref<1x128xi32, #tpu.memory_space<vmem>>
        %dma_wait3A_167 = tpu.memref_squeeze %dma_wait3A_166 : memref<1x128xi32, #tpu.memory_space<vmem>> -> memref<128xi32, #tpu.memory_space<vmem>>
        %dma_wait3A_168 = arith.constant 0 : i32
        %dma_wait3A_169 = arith.constant 0 : i32
        %dma_wait3A_170 = tpu.memref_slice %arg2[%dma_wait3A_168, %dma_wait3A_169] : memref<10240x128xf32, #tpu.memory_space<hbm>> -> memref<10240x128xf32, #tpu.memory_space<hbm>>
        tpu.wait_indirect_dma semaphore(%arg13 : memref<!tpu.dma_semaphore, #tpu.memory_space<semaphore_mem>>) src(%dma_wait3A_170 : memref<10240x128xf32, #tpu.memory_space<hbm>>) dst(%arg10 : memref<128x128xf32, #tpu.memory_space<vmem>>)
        %add3A_171 = arith.constant 0 : i32
        %add3A_172 = arith.addi %mul3A_162, %add3A_171 : i32
        "tpu.region"() ({
          %run_scoped3A = tpu.sem_alloc : memref<!tpu.dma_semaphore, #tpu.memory_space<semaphore_mem>>
          %dma_start3A_201 = arith.constant 0 : i32
          %dma_start3A_202 = tpu.memref_slice %arg9[%add3A_172, %dma_start3A_201] : memref<40x128xi32, #tpu.memory_space<vmem>> -> memref<1x128xi32, #tpu.memory_space<vmem>>
          %dma_start3A_203 = tpu.memref_squeeze %dma_start3A_202 : memref<1x128xi32, #tpu.memory_space<vmem>> -> memref<128xi32, #tpu.memory_space<vmem>>
          %dma_start3A_204 = arith.constant 0 : i32
          %dma_start3A_205 = arith.constant 0 : i32
          %dma_start3A_206 = tpu.memref_slice %arg12[%dma_start3A_204, %dma_start3A_205] : memref<10240x128xf32, #tpu.memory_space<vmem_shared>> -> memref<10240x128xf32, #tpu.memory_space<vmem_shared>>
          tpu.enqueue_indirect_dma source(%arg10 : memref<128x128xf32, #tpu.memory_space<vmem>>) target(%dma_start3A_206 : memref<10240x128xf32, #tpu.memory_space<vmem_shared>>) offsets(%dma_start3A_203 : memref<128xi32, #tpu.memory_space<vmem>>) semaphore(%run_scoped3A : memref<!tpu.dma_semaphore, #tpu.memory_space<semaphore_mem>>) {add = true}
          %dma_wait3A_207 = arith.constant 0 : i32
          %dma_wait3A_208 = tpu.memref_slice %arg9[%add3A_172, %dma_wait3A_207] : memref<40x128xi32, #tpu.memory_space<vmem>> -> memref<1x128xi32, #tpu.memory_space<vmem>>
          %dma_wait3A_209 = tpu.memref_squeeze %dma_wait3A_208 : memref<1x128xi32, #tpu.memory_space<vmem>> -> memref<128xi32, #tpu.memory_space<vmem>>
          %dma_wait3A_210 = arith.constant 0 : i32
          %dma_wait3A_211 = arith.constant 0 : i32
          %dma_wait3A_212 = tpu.memref_slice %arg12[%dma_wait3A_210, %dma_wait3A_211] : memref<10240x128xf32, #tpu.memory_space<vmem_shared>> -> memref<10240x128xf32, #tpu.memory_space<vmem_shared>>
          tpu.wait_indirect_dma semaphore(%run_scoped3A : memref<!tpu.dma_semaphore, #tpu.memory_space<semaphore_mem>>) src(%arg10 : memref<128x128xf32, #tpu.memory_space<vmem>>) dst(%dma_wait3A_212 : memref<10240x128xf32, #tpu.memory_space<vmem_shared>>)
          tpu.yield
        }) : () -> ()
        %add3A_173 = arith.constant 0 : i32
        %add3A_174 = arith.addi %mul3A_162, %add3A_173 : i32
        %add3A_175 = arith.constant 2 : i32
        %add3A_176 = arith.addi %add3A_174, %add3A_175 : i32
        %lt3A = arith.constant 40 : i32
        %lt3A_177 = arith.cmpi slt, %add3A_176, %lt3A : i32
        %convert_element_type3A_178 = arith.extui %lt3A_177 : i1 to i32
        %cond3A_179 = arith.constant 0 : i32
        %cond3A_180 = arith.cmpi ne, %convert_element_type3A_178, %cond3A_179 : i32
        scf.if %cond3A_180 {
          %add3A_201 = arith.constant 0 : i32
          %add3A_202 = arith.addi %mul3A_162, %add3A_201 : i32
          %add3A_203 = arith.constant 2 : i32
          %add3A_204 = arith.addi %add3A_202, %add3A_203 : i32
          %dma_start3A_205 = arith.constant 0 : i32
          %dma_start3A_206 = tpu.memref_slice %arg8[%add3A_204, %dma_start3A_205] : memref<40x128xi32, #tpu.memory_space<vmem>> -> memref<1x128xi32, #tpu.memory_space<vmem>>
          %dma_start3A_207 = tpu.memref_squeeze %dma_start3A_206 : memref<1x128xi32, #tpu.memory_space<vmem>> -> memref<128xi32, #tpu.memory_space<vmem>>
          %dma_start3A_208 = arith.constant 0 : i32
          %dma_start3A_209 = arith.constant 0 : i32
          %dma_start3A_210 = tpu.memref_slice %arg2[%dma_start3A_208, %dma_start3A_209] : memref<10240x128xf32, #tpu.memory_space<hbm>> -> memref<10240x128xf32, #tpu.memory_space<hbm>>
          tpu.enqueue_indirect_dma source(%dma_start3A_210 : memref<10240x128xf32, #tpu.memory_space<hbm>>) target(%arg10 : memref<128x128xf32, #tpu.memory_space<vmem>>) offsets(%dma_start3A_207 : memref<128xi32, #tpu.memory_space<vmem>>) semaphore(%arg13 : memref<!tpu.dma_semaphore, #tpu.memory_space<semaphore_mem>>)
        } else {
        }
        %add3A_181 = arith.constant 1 : i32
        %add3A_182 = arith.addi %mul3A_162, %add3A_181 : i32
        %dma_wait3A_183 = arith.constant 0 : i32
        %dma_wait3A_184 = tpu.memref_slice %arg8[%add3A_182, %dma_wait3A_183] : memref<40x128xi32, #tpu.memory_space<vmem>> -> memref<1x128xi32, #tpu.memory_space<vmem>>
        %dma_wait3A_185 = tpu.memref_squeeze %dma_wait3A_184 : memref<1x128xi32, #tpu.memory_space<vmem>> -> memref<128xi32, #tpu.memory_space<vmem>>
        %dma_wait3A_186 = arith.constant 0 : i32
        %dma_wait3A_187 = arith.constant 0 : i32
        %dma_wait3A_188 = tpu.memref_slice %arg2[%dma_wait3A_186, %dma_wait3A_187] : memref<10240x128xf32, #tpu.memory_space<hbm>> -> memref<10240x128xf32, #tpu.memory_space<hbm>>
        tpu.wait_indirect_dma semaphore(%arg14 : memref<!tpu.dma_semaphore, #tpu.memory_space<semaphore_mem>>) src(%dma_wait3A_188 : memref<10240x128xf32, #tpu.memory_space<hbm>>) dst(%arg11 : memref<128x128xf32, #tpu.memory_space<vmem>>)
        %add3A_189 = arith.constant 1 : i32
        %add3A_190 = arith.addi %mul3A_162, %add3A_189 : i32
        "tpu.region"() ({
          %run_scoped3A = tpu.sem_alloc : memref<!tpu.dma_semaphore, #tpu.memory_space<semaphore_mem>>
          %dma_start3A_201 = arith.constant 0 : i32
          %dma_start3A_202 = tpu.memref_slice %arg9[%add3A_190, %dma_start3A_201] : memref<40x128xi32, #tpu.memory_space<vmem>> -> memref<1x128xi32, #tpu.memory_space<vmem>>
          %dma_start3A_203 = tpu.memref_squeeze %dma_start3A_202 : memref<1x128xi32, #tpu.memory_space<vmem>> -> memref<128xi32, #tpu.memory_space<vmem>>
          %dma_start3A_204 = arith.constant 0 : i32
          %dma_start3A_205 = arith.constant 0 : i32
          %dma_start3A_206 = tpu.memref_slice %arg12[%dma_start3A_204, %dma_start3A_205] : memref<10240x128xf32, #tpu.memory_space<vmem_shared>> -> memref<10240x128xf32, #tpu.memory_space<vmem_shared>>
          tpu.enqueue_indirect_dma source(%arg11 : memref<128x128xf32, #tpu.memory_space<vmem>>) target(%dma_start3A_206 : memref<10240x128xf32, #tpu.memory_space<vmem_shared>>) offsets(%dma_start3A_203 : memref<128xi32, #tpu.memory_space<vmem>>) semaphore(%run_scoped3A : memref<!tpu.dma_semaphore, #tpu.memory_space<semaphore_mem>>) {add = true}
          %dma_wait3A_207 = arith.constant 0 : i32
          %dma_wait3A_208 = tpu.memref_slice %arg9[%add3A_190, %dma_wait3A_207] : memref<40x128xi32, #tpu.memory_space<vmem>> -> memref<1x128xi32, #tpu.memory_space<vmem>>
          %dma_wait3A_209 = tpu.memref_squeeze %dma_wait3A_208 : memref<1x128xi32, #tpu.memory_space<vmem>> -> memref<128xi32, #tpu.memory_space<vmem>>
          %dma_wait3A_210 = arith.constant 0 : i32
          %dma_wait3A_211 = arith.constant 0 : i32
          %dma_wait3A_212 = tpu.memref_slice %arg12[%dma_wait3A_210, %dma_wait3A_211] : memref<10240x128xf32, #tpu.memory_space<vmem_shared>> -> memref<10240x128xf32, #tpu.memory_space<vmem_shared>>
          tpu.wait_indirect_dma semaphore(%run_scoped3A : memref<!tpu.dma_semaphore, #tpu.memory_space<semaphore_mem>>) src(%arg11 : memref<128x128xf32, #tpu.memory_space<vmem>>) dst(%dma_wait3A_212 : memref<10240x128xf32, #tpu.memory_space<vmem_shared>>)
          tpu.yield
        }) : () -> ()
        %add3A_191 = arith.constant 1 : i32
        %add3A_192 = arith.addi %mul3A_162, %add3A_191 : i32
        %add3A_193 = arith.constant 2 : i32
        %add3A_194 = arith.addi %add3A_192, %add3A_193 : i32
        %lt3A_195 = arith.constant 40 : i32
        %lt3A_196 = arith.cmpi slt, %add3A_194, %lt3A_195 : i32
        %convert_element_type3A_197 = arith.extui %lt3A_196 : i1 to i32
        %cond3A_198 = arith.constant 0 : i32
        %cond3A_199 = arith.cmpi ne, %convert_element_type3A_197, %cond3A_198 : i32
        scf.if %cond3A_199 {
          %add3A_201 = arith.constant 1 : i32
          %add3A_202 = arith.addi %mul3A_162, %add3A_201 : i32
          %add3A_203 = arith.constant 2 : i32
          %add3A_204 = arith.addi %add3A_202, %add3A_203 : i32
          %dma_start3A_205 = arith.constant 0 : i32
          %dma_start3A_206 = tpu.memref_slice %arg8[%add3A_204, %dma_start3A_205] : memref<40x128xi32, #tpu.memory_space<vmem>> -> memref<1x128xi32, #tpu.memory_space<vmem>>
          %dma_start3A_207 = tpu.memref_squeeze %dma_start3A_206 : memref<1x128xi32, #tpu.memory_space<vmem>> -> memref<128xi32, #tpu.memory_space<vmem>>
          %dma_start3A_208 = arith.constant 0 : i32
          %dma_start3A_209 = arith.constant 0 : i32
          %dma_start3A_210 = tpu.memref_slice %arg2[%dma_start3A_208, %dma_start3A_209] : memref<10240x128xf32, #tpu.memory_space<hbm>> -> memref<10240x128xf32, #tpu.memory_space<hbm>>
          tpu.enqueue_indirect_dma source(%dma_start3A_210 : memref<10240x128xf32, #tpu.memory_space<hbm>>) target(%arg11 : memref<128x128xf32, #tpu.memory_space<vmem>>) offsets(%dma_start3A_207 : memref<128xi32, #tpu.memory_space<vmem>>) semaphore(%arg14 : memref<!tpu.dma_semaphore, #tpu.memory_space<semaphore_mem>>)
        } else {
        }
        %scan3A_200 = arith.constant 0 : i32
        scf.yield %scan3A_200 : i32
      }
      %scan3A_129 = arith.constant 20 : i32
      %mul3A_130 = arith.constant 80 : i32
      %mul3A_131 = arith.muli %arg1, %mul3A_130 : i32
      %add3A_132 = arith.constant 40 : i32
      %add3A_133 = arith.addi %mul3A_131, %add3A_132 : i32
      "tpu.region"() ({
        %run_scoped3A = tpu.sem_alloc : memref<!tpu.dma_semaphore, #tpu.memory_space<semaphore_mem>>
        %dma_start3A_159 = arith.constant 0 : i32
        %dma_start3A_160 = tpu.memref_slice %arg4[%add3A_133, %dma_start3A_159] : memref<1280x128xi32, #tpu.memory_space<hbm>> -> memref<40x128xi32, #tpu.memory_space<hbm>>
        %dma_start3A_161 = arith.constant 0 : i32
        %dma_start3A_162 = tpu.memref_slice %arg4[%add3A_133, %dma_start3A_161] : memref<1280x128xi32, #tpu.memory_space<hbm>> -> memref<40x128xi32, #tpu.memory_space<hbm>>
        tpu.enqueue_dma source(%dma_start3A_162 : memref<40x128xi32, #tpu.memory_space<hbm>>) target(%arg8 : memref<40x128xi32, #tpu.memory_space<vmem>>) target_semaphore(%run_scoped3A : memref<!tpu.dma_semaphore, #tpu.memory_space<semaphore_mem>>)
        %dma_wait3A_163 = arith.constant 0 : i32
        %dma_wait3A_164 = tpu.memref_slice %arg4[%add3A_133, %dma_wait3A_163] : memref<1280x128xi32, #tpu.memory_space<hbm>> -> memref<40x128xi32, #tpu.memory_space<hbm>>
        %dma_wait3A_165 = arith.constant 0 : i32
        %dma_wait3A_166 = tpu.memref_slice %arg4[%add3A_133, %dma_wait3A_165] : memref<1280x128xi32, #tpu.memory_space<hbm>> -> memref<40x128xi32, #tpu.memory_space<hbm>>
        tpu.wait_dma2 semaphore(%run_scoped3A : memref<!tpu.dma_semaphore, #tpu.memory_space<semaphore_mem>>) src(%dma_wait3A_166 : memref<40x128xi32, #tpu.memory_space<hbm>>) dst(%arg8 : memref<40x128xi32, #tpu.memory_space<vmem>>)
        tpu.yield
      }) : () -> ()
      %mul3A_134 = arith.constant 80 : i32
      %mul3A_135 = arith.muli %arg1, %mul3A_134 : i32
      %add3A_136 = arith.constant 40 : i32
      %add3A_137 = arith.addi %mul3A_135, %add3A_136 : i32
      "tpu.region"() ({
        %run_scoped3A = tpu.sem_alloc : memref<!tpu.dma_semaphore, #tpu.memory_space<semaphore_mem>>
        %dma_start3A_159 = arith.constant 0 : i32
        %dma_start3A_160 = tpu.memref_slice %arg5[%add3A_137, %dma_start3A_159] : memref<1280x128xi32, #tpu.memory_space<hbm>> -> memref<40x128xi32, #tpu.memory_space<hbm>>
        %dma_start3A_161 = arith.constant 0 : i32
        %dma_start3A_162 = tpu.memref_slice %arg5[%add3A_137, %dma_start3A_161] : memref<1280x128xi32, #tpu.memory_space<hbm>> -> memref<40x128xi32, #tpu.memory_space<hbm>>
        tpu.enqueue_dma source(%dma_start3A_162 : memref<40x128xi32, #tpu.memory_space<hbm>>) target(%arg9 : memref<40x128xi32, #tpu.memory_space<vmem>>) target_semaphore(%run_scoped3A : memref<!tpu.dma_semaphore, #tpu.memory_space<semaphore_mem>>)
        %dma_wait3A_163 = arith.constant 0 : i32
        %dma_wait3A_164 = tpu.memref_slice %arg5[%add3A_137, %dma_wait3A_163] : memref<1280x128xi32, #tpu.memory_space<hbm>> -> memref<40x128xi32, #tpu.memory_space<hbm>>
        %dma_wait3A_165 = arith.constant 0 : i32
        %dma_wait3A_166 = tpu.memref_slice %arg5[%add3A_137, %dma_wait3A_165] : memref<1280x128xi32, #tpu.memory_space<hbm>> -> memref<40x128xi32, #tpu.memory_space<hbm>>
        tpu.wait_dma2 semaphore(%run_scoped3A : memref<!tpu.dma_semaphore, #tpu.memory_space<semaphore_mem>>) src(%dma_wait3A_166 : memref<40x128xi32, #tpu.memory_space<hbm>>) dst(%arg9 : memref<40x128xi32, #tpu.memory_space<vmem>>)
        tpu.yield
      }) : () -> ()
      %dma_start3A_138 = arith.constant 0 : i32
      %dma_start3A_139 = arith.constant 0 : i32
      %dma_start3A_140 = tpu.memref_slice %arg8[%dma_start3A_138, %dma_start3A_139] : memref<40x128xi32, #tpu.memory_space<vmem>> -> memref<1x128xi32, #tpu.memory_space<vmem>>
      %dma_start3A_141 = tpu.memref_squeeze %dma_start3A_140 : memref<1x128xi32, #tpu.memory_space<vmem>> -> memref<128xi32, #tpu.memory_space<vmem>>
      %dma_start3A_142 = arith.constant 0 : i32
      %dma_start3A_143 = arith.constant 0 : i32
      %dma_start3A_144 = tpu.memref_slice %arg2[%dma_start3A_142, %dma_start3A_143] : memref<10240x128xf32, #tpu.memory_space<hbm>> -> memref<10240x128xf32, #tpu.memory_space<hbm>>
      tpu.enqueue_indirect_dma source(%dma_start3A_144 : memref<10240x128xf32, #tpu.memory_space<hbm>>) target(%arg10 : memref<128x128xf32, #tpu.memory_space<vmem>>) offsets(%dma_start3A_141 : memref<128xi32, #tpu.memory_space<vmem>>) semaphore(%arg13 : memref<!tpu.dma_semaphore, #tpu.memory_space<semaphore_mem>>)
      %dma_start3A_145 = arith.constant 1 : i32
      %dma_start3A_146 = arith.constant 0 : i32
      %dma_start3A_147 = tpu.memref_slice %arg8[%dma_start3A_145, %dma_start3A_146] : memref<40x128xi32, #tpu.memory_space<vmem>> -> memref<1x128xi32, #tpu.memory_space<vmem>>
      %dma_start3A_148 = tpu.memref_squeeze %dma_start3A_147 : memref<1x128xi32, #tpu.memory_space<vmem>> -> memref<128xi32, #tpu.memory_space<vmem>>
      %dma_start3A_149 = arith.constant 0 : i32
      %dma_start3A_150 = arith.constant 0 : i32
      %dma_start3A_151 = tpu.memref_slice %arg2[%dma_start3A_149, %dma_start3A_150] : memref<10240x128xf32, #tpu.memory_space<hbm>> -> memref<10240x128xf32, #tpu.memory_space<hbm>>
      tpu.enqueue_indirect_dma source(%dma_start3A_151 : memref<10240x128xf32, #tpu.memory_space<hbm>>) target(%arg11 : memref<128x128xf32, #tpu.memory_space<vmem>>) offsets(%dma_start3A_148 : memref<128xi32, #tpu.memory_space<vmem>>) semaphore(%arg14 : memref<!tpu.dma_semaphore, #tpu.memory_space<semaphore_mem>>)
      %scan3A_152 = arith.constant 0 : i32
      %scan3A_153 = arith.constant 0 : i32
      %scan3A_154 = arith.constant 20 : i32
      %scan3A_155 = arith.addi %scan3A_153, %scan3A_154 : i32
      %scan3A_156 = arith.constant 1 : i32
      %scan3A_157 = scf.for %scan3A_159 = %scan3A_153 to %scan3A_155 step %scan3A_156 iter_args(%scan3A_160 = %scan3A_152) -> (i32)  : i32 {
        %mul3A_161 = arith.constant 2 : i32
        %mul3A_162 = arith.muli %scan3A_159, %mul3A_161 : i32
        %add3A_163 = arith.constant 0 : i32
        %add3A_164 = arith.addi %mul3A_162, %add3A_163 : i32
        %dma_wait3A_165 = arith.constant 0 : i32
        %dma_wait3A_166 = tpu.memref_slice %arg8[%add3A_164, %dma_wait3A_165] : memref<40x128xi32, #tpu.memory_space<vmem>> -> memref<1x128xi32, #tpu.memory_space<vmem>>
        %dma_wait3A_167 = tpu.memref_squeeze %dma_wait3A_166 : memref<1x128xi32, #tpu.memory_space<vmem>> -> memref<128xi32, #tpu.memory_space<vmem>>
        %dma_wait3A_168 = arith.constant 0 : i32
        %dma_wait3A_169 = arith.constant 0 : i32
        %dma_wait3A_170 = tpu.memref_slice %arg2[%dma_wait3A_168, %dma_wait3A_169] : memref<10240x128xf32, #tpu.memory_space<hbm>> -> memref<10240x128xf32, #tpu.memory_space<hbm>>
        tpu.wait_indirect_dma semaphore(%arg13 : memref<!tpu.dma_semaphore, #tpu.memory_space<semaphore_mem>>) src(%dma_wait3A_170 : memref<10240x128xf32, #tpu.memory_space<hbm>>) dst(%arg10 : memref<128x128xf32, #tpu.memory_space<vmem>>)
        %add3A_171 = arith.constant 0 : i32
        %add3A_172 = arith.addi %mul3A_162, %add3A_171 : i32
        "tpu.region"() ({
          %run_scoped3A = tpu.sem_alloc : memref<!tpu.dma_semaphore, #tpu.memory_space<semaphore_mem>>
          %dma_start3A_201 = arith.constant 0 : i32
          %dma_start3A_202 = tpu.memref_slice %arg9[%add3A_172, %dma_start3A_201] : memref<40x128xi32, #tpu.memory_space<vmem>> -> memref<1x128xi32, #tpu.memory_space<vmem>>
          %dma_start3A_203 = tpu.memref_squeeze %dma_start3A_202 : memref<1x128xi32, #tpu.memory_space<vmem>> -> memref<128xi32, #tpu.memory_space<vmem>>
          %dma_start3A_204 = arith.constant 0 : i32
          %dma_start3A_205 = arith.constant 0 : i32
          %dma_start3A_206 = tpu.memref_slice %arg12[%dma_start3A_204, %dma_start3A_205] : memref<10240x128xf32, #tpu.memory_space<vmem_shared>> -> memref<10240x128xf32, #tpu.memory_space<vmem_shared>>
          tpu.enqueue_indirect_dma source(%arg10 : memref<128x128xf32, #tpu.memory_space<vmem>>) target(%dma_start3A_206 : memref<10240x128xf32, #tpu.memory_space<vmem_shared>>) offsets(%dma_start3A_203 : memref<128xi32, #tpu.memory_space<vmem>>) semaphore(%run_scoped3A : memref<!tpu.dma_semaphore, #tpu.memory_space<semaphore_mem>>) {add = true}
          %dma_wait3A_207 = arith.constant 0 : i32
          %dma_wait3A_208 = tpu.memref_slice %arg9[%add3A_172, %dma_wait3A_207] : memref<40x128xi32, #tpu.memory_space<vmem>> -> memref<1x128xi32, #tpu.memory_space<vmem>>
          %dma_wait3A_209 = tpu.memref_squeeze %dma_wait3A_208 : memref<1x128xi32, #tpu.memory_space<vmem>> -> memref<128xi32, #tpu.memory_space<vmem>>
          %dma_wait3A_210 = arith.constant 0 : i32
          %dma_wait3A_211 = arith.constant 0 : i32
          %dma_wait3A_212 = tpu.memref_slice %arg12[%dma_wait3A_210, %dma_wait3A_211] : memref<10240x128xf32, #tpu.memory_space<vmem_shared>> -> memref<10240x128xf32, #tpu.memory_space<vmem_shared>>
          tpu.wait_indirect_dma semaphore(%run_scoped3A : memref<!tpu.dma_semaphore, #tpu.memory_space<semaphore_mem>>) src(%arg10 : memref<128x128xf32, #tpu.memory_space<vmem>>) dst(%dma_wait3A_212 : memref<10240x128xf32, #tpu.memory_space<vmem_shared>>)
          tpu.yield
        }) : () -> ()
        %add3A_173 = arith.constant 0 : i32
        %add3A_174 = arith.addi %mul3A_162, %add3A_173 : i32
        %add3A_175 = arith.constant 2 : i32
        %add3A_176 = arith.addi %add3A_174, %add3A_175 : i32
        %lt3A = arith.constant 40 : i32
        %lt3A_177 = arith.cmpi slt, %add3A_176, %lt3A : i32
        %convert_element_type3A_178 = arith.extui %lt3A_177 : i1 to i32
        %cond3A_179 = arith.constant 0 : i32
        %cond3A_180 = arith.cmpi ne, %convert_element_type3A_178, %cond3A_179 : i32
        scf.if %cond3A_180 {
          %add3A_201 = arith.constant 0 : i32
          %add3A_202 = arith.addi %mul3A_162, %add3A_201 : i32
          %add3A_203 = arith.constant 2 : i32
          %add3A_204 = arith.addi %add3A_202, %add3A_203 : i32
          %dma_start3A_205 = arith.constant 0 : i32
          %dma_start3A_206 = tpu.memref_slice %arg8[%add3A_204, %dma_start3A_205] : memref<40x128xi32, #tpu.memory_space<vmem>> -> memref<1x128xi32, #tpu.memory_space<vmem>>
          %dma_start3A_207 = tpu.memref_squeeze %dma_start3A_206 : memref<1x128xi32, #tpu.memory_space<vmem>> -> memref<128xi32, #tpu.memory_space<vmem>>
          %dma_start3A_208 = arith.constant 0 : i32
          %dma_start3A_209 = arith.constant 0 : i32
          %dma_start3A_210 = tpu.memref_slice %arg2[%dma_start3A_208, %dma_start3A_209] : memref<10240x128xf32, #tpu.memory_space<hbm>> -> memref<10240x128xf32, #tpu.memory_space<hbm>>
          tpu.enqueue_indirect_dma source(%dma_start3A_210 : memref<10240x128xf32, #tpu.memory_space<hbm>>) target(%arg10 : memref<128x128xf32, #tpu.memory_space<vmem>>) offsets(%dma_start3A_207 : memref<128xi32, #tpu.memory_space<vmem>>) semaphore(%arg13 : memref<!tpu.dma_semaphore, #tpu.memory_space<semaphore_mem>>)
        } else {
        }
        %add3A_181 = arith.constant 1 : i32
        %add3A_182 = arith.addi %mul3A_162, %add3A_181 : i32
        %dma_wait3A_183 = arith.constant 0 : i32
        %dma_wait3A_184 = tpu.memref_slice %arg8[%add3A_182, %dma_wait3A_183] : memref<40x128xi32, #tpu.memory_space<vmem>> -> memref<1x128xi32, #tpu.memory_space<vmem>>
        %dma_wait3A_185 = tpu.memref_squeeze %dma_wait3A_184 : memref<1x128xi32, #tpu.memory_space<vmem>> -> memref<128xi32, #tpu.memory_space<vmem>>
        %dma_wait3A_186 = arith.constant 0 : i32
        %dma_wait3A_187 = arith.constant 0 : i32
        %dma_wait3A_188 = tpu.memref_slice %arg2[%dma_wait3A_186, %dma_wait3A_187] : memref<10240x128xf32, #tpu.memory_space<hbm>> -> memref<10240x128xf32, #tpu.memory_space<hbm>>
        tpu.wait_indirect_dma semaphore(%arg14 : memref<!tpu.dma_semaphore, #tpu.memory_space<semaphore_mem>>) src(%dma_wait3A_188 : memref<10240x128xf32, #tpu.memory_space<hbm>>) dst(%arg11 : memref<128x128xf32, #tpu.memory_space<vmem>>)
        %add3A_189 = arith.constant 1 : i32
        %add3A_190 = arith.addi %mul3A_162, %add3A_189 : i32
        "tpu.region"() ({
          %run_scoped3A = tpu.sem_alloc : memref<!tpu.dma_semaphore, #tpu.memory_space<semaphore_mem>>
          %dma_start3A_201 = arith.constant 0 : i32
          %dma_start3A_202 = tpu.memref_slice %arg9[%add3A_190, %dma_start3A_201] : memref<40x128xi32, #tpu.memory_space<vmem>> -> memref<1x128xi32, #tpu.memory_space<vmem>>
          %dma_start3A_203 = tpu.memref_squeeze %dma_start3A_202 : memref<1x128xi32, #tpu.memory_space<vmem>> -> memref<128xi32, #tpu.memory_space<vmem>>
          %dma_start3A_204 = arith.constant 0 : i32
          %dma_start3A_205 = arith.constant 0 : i32
          %dma_start3A_206 = tpu.memref_slice %arg12[%dma_start3A_204, %dma_start3A_205] : memref<10240x128xf32, #tpu.memory_space<vmem_shared>> -> memref<10240x128xf32, #tpu.memory_space<vmem_shared>>
          tpu.enqueue_indirect_dma source(%arg11 : memref<128x128xf32, #tpu.memory_space<vmem>>) target(%dma_start3A_206 : memref<10240x128xf32, #tpu.memory_space<vmem_shared>>) offsets(%dma_start3A_203 : memref<128xi32, #tpu.memory_space<vmem>>) semaphore(%run_scoped3A : memref<!tpu.dma_semaphore, #tpu.memory_space<semaphore_mem>>) {add = true}
          %dma_wait3A_207 = arith.constant 0 : i32
          %dma_wait3A_208 = tpu.memref_slice %arg9[%add3A_190, %dma_wait3A_207] : memref<40x128xi32, #tpu.memory_space<vmem>> -> memref<1x128xi32, #tpu.memory_space<vmem>>
          %dma_wait3A_209 = tpu.memref_squeeze %dma_wait3A_208 : memref<1x128xi32, #tpu.memory_space<vmem>> -> memref<128xi32, #tpu.memory_space<vmem>>
          %dma_wait3A_210 = arith.constant 0 : i32
          %dma_wait3A_211 = arith.constant 0 : i32
          %dma_wait3A_212 = tpu.memref_slice %arg12[%dma_wait3A_210, %dma_wait3A_211] : memref<10240x128xf32, #tpu.memory_space<vmem_shared>> -> memref<10240x128xf32, #tpu.memory_space<vmem_shared>>
          tpu.wait_indirect_dma semaphore(%run_scoped3A : memref<!tpu.dma_semaphore, #tpu.memory_space<semaphore_mem>>) src(%arg11 : memref<128x128xf32, #tpu.memory_space<vmem>>) dst(%dma_wait3A_212 : memref<10240x128xf32, #tpu.memory_space<vmem_shared>>)
          tpu.yield
        }) : () -> ()
        %add3A_191 = arith.constant 1 : i32
        %add3A_192 = arith.addi %mul3A_162, %add3A_191 : i32
        %add3A_193 = arith.constant 2 : i32
        %add3A_194 = arith.addi %add3A_192, %add3A_193 : i32
        %lt3A_195 = arith.constant 40 : i32
        %lt3A_196 = arith.cmpi slt, %add3A_194, %lt3A_195 : i32
        %convert_element_type3A_197 = arith.extui %lt3A_196 : i1 to i32
        %cond3A_198 = arith.constant 0 : i32
        %cond3A_199 = arith.cmpi ne, %convert_element_type3A_197, %cond3A_198 : i32
        scf.if %cond3A_199 {
          %add3A_201 = arith.constant 1 : i32
          %add3A_202 = arith.addi %mul3A_162, %add3A_201 : i32
          %add3A_203 = arith.constant 2 : i32
          %add3A_204 = arith.addi %add3A_202, %add3A_203 : i32
          %dma_start3A_205 = arith.constant 0 : i32
          %dma_start3A_206 = tpu.memref_slice %arg8[%add3A_204, %dma_start3A_205] : memref<40x128xi32, #tpu.memory_space<vmem>> -> memref<1x128xi32, #tpu.memory_space<vmem>>
          %dma_start3A_207 = tpu.memref_squeeze %dma_start3A_206 : memref<1x128xi32, #tpu.memory_space<vmem>> -> memref<128xi32, #tpu.memory_space<vmem>>
          %dma_start3A_208 = arith.constant 0 : i32
          %dma_start3A_209 = arith.constant 0 : i32
          %dma_start3A_210 = tpu.memref_slice %arg2[%dma_start3A_208, %dma_start3A_209] : memref<10240x128xf32, #tpu.memory_space<hbm>> -> memref<10240x128xf32, #tpu.memory_space<hbm>>
          tpu.enqueue_indirect_dma source(%dma_start3A_210 : memref<10240x128xf32, #tpu.memory_space<hbm>>) target(%arg11 : memref<128x128xf32, #tpu.memory_space<vmem>>) offsets(%dma_start3A_207 : memref<128xi32, #tpu.memory_space<vmem>>) semaphore(%arg14 : memref<!tpu.dma_semaphore, #tpu.memory_space<semaphore_mem>>)
        } else {
        }
        %scan3A_200 = arith.constant 0 : i32
        scf.yield %scan3A_200 : i32
      }
      %scan3A_158 = arith.constant 20 : i32
    } else {
    }
    %eq3A_85 = arith.constant 1 : i32
    %eq3A_86 = arith.cmpi eq, %arg0, %eq3A_85 : i32
    %convert_element_type3A_87 = arith.extui %eq3A_86 : i1 to i32
    %cond3A_88 = arith.constant 0 : i32
    %cond3A_89 = arith.cmpi ne, %convert_element_type3A_87, %cond3A_88 : i32
    scf.if %cond3A_89 {
      %mul3A_101 = arith.constant 80 : i32
      %mul3A_102 = arith.muli %arg1, %mul3A_101 : i32
      %add3A_103 = arith.constant 0 : i32
      %add3A_104 = arith.addi %mul3A_102, %add3A_103 : i32
      "tpu.region"() ({
        %run_scoped3A = tpu.sem_alloc : memref<!tpu.dma_semaphore, #tpu.memory_space<semaphore_mem>>
        %dma_start3A_159 = arith.constant 0 : i32
        %dma_start3A_160 = tpu.memref_slice %arg4[%add3A_104, %dma_start3A_159] : memref<1280x128xi32, #tpu.memory_space<hbm>> -> memref<40x128xi32, #tpu.memory_space<hbm>>
        %dma_start3A_161 = arith.constant 0 : i32
        %dma_start3A_162 = tpu.memref_slice %arg4[%add3A_104, %dma_start3A_161] : memref<1280x128xi32, #tpu.memory_space<hbm>> -> memref<40x128xi32, #tpu.memory_space<hbm>>
        tpu.enqueue_dma source(%dma_start3A_162 : memref<40x128xi32, #tpu.memory_space<hbm>>) target(%arg8 : memref<40x128xi32, #tpu.memory_space<vmem>>) target_semaphore(%run_scoped3A : memref<!tpu.dma_semaphore, #tpu.memory_space<semaphore_mem>>)
        %dma_wait3A_163 = arith.constant 0 : i32
        %dma_wait3A_164 = tpu.memref_slice %arg4[%add3A_104, %dma_wait3A_163] : memref<1280x128xi32, #tpu.memory_space<hbm>> -> memref<40x128xi32, #tpu.memory_space<hbm>>
        %dma_wait3A_165 = arith.constant 0 : i32
        %dma_wait3A_166 = tpu.memref_slice %arg4[%add3A_104, %dma_wait3A_165] : memref<1280x128xi32, #tpu.memory_space<hbm>> -> memref<40x128xi32, #tpu.memory_space<hbm>>
        tpu.wait_dma2 semaphore(%run_scoped3A : memref<!tpu.dma_semaphore, #tpu.memory_space<semaphore_mem>>) src(%dma_wait3A_166 : memref<40x128xi32, #tpu.memory_space<hbm>>) dst(%arg8 : memref<40x128xi32, #tpu.memory_space<vmem>>)
        tpu.yield
      }) : () -> ()
      %mul3A_105 = arith.constant 80 : i32
      %mul3A_106 = arith.muli %arg1, %mul3A_105 : i32
      %add3A_107 = arith.constant 0 : i32
      %add3A_108 = arith.addi %mul3A_106, %add3A_107 : i32
      "tpu.region"() ({
        %run_scoped3A = tpu.sem_alloc : memref<!tpu.dma_semaphore, #tpu.memory_space<semaphore_mem>>
        %dma_start3A_159 = arith.constant 0 : i32
        %dma_start3A_160 = tpu.memref_slice %arg5[%add3A_108, %dma_start3A_159] : memref<1280x128xi32, #tpu.memory_space<hbm>> -> memref<40x128xi32, #tpu.memory_space<hbm>>
        %dma_start3A_161 = arith.constant 0 : i32
        %dma_start3A_162 = tpu.memref_slice %arg5[%add3A_108, %dma_start3A_161] : memref<1280x128xi32, #tpu.memory_space<hbm>> -> memref<40x128xi32, #tpu.memory_space<hbm>>
        tpu.enqueue_dma source(%dma_start3A_162 : memref<40x128xi32, #tpu.memory_space<hbm>>) target(%arg9 : memref<40x128xi32, #tpu.memory_space<vmem>>) target_semaphore(%run_scoped3A : memref<!tpu.dma_semaphore, #tpu.memory_space<semaphore_mem>>)
        %dma_wait3A_163 = arith.constant 0 : i32
        %dma_wait3A_164 = tpu.memref_slice %arg5[%add3A_108, %dma_wait3A_163] : memref<1280x128xi32, #tpu.memory_space<hbm>> -> memref<40x128xi32, #tpu.memory_space<hbm>>
        %dma_wait3A_165 = arith.constant 0 : i32
        %dma_wait3A_166 = tpu.memref_slice %arg5[%add3A_108, %dma_wait3A_165] : memref<1280x128xi32, #tpu.memory_space<hbm>> -> memref<40x128xi32, #tpu.memory_space<hbm>>
        tpu.wait_dma2 semaphore(%run_scoped3A : memref<!tpu.dma_semaphore, #tpu.memory_space<semaphore_mem>>) src(%dma_wait3A_166 : memref<40x128xi32, #tpu.memory_space<hbm>>) dst(%arg9 : memref<40x128xi32, #tpu.memory_space<vmem>>)
        tpu.yield
      }) : () -> ()
      %dma_start3A_109 = arith.constant 0 : i32
      %dma_start3A_110 = arith.constant 0 : i32
      %dma_start3A_111 = tpu.memref_slice %arg8[%dma_start3A_109, %dma_start3A_110] : memref<40x128xi32, #tpu.memory_space<vmem>> -> memref<1x128xi32, #tpu.memory_space<vmem>>
      %dma_start3A_112 = tpu.memref_squeeze %dma_start3A_111 : memref<1x128xi32, #tpu.memory_space<vmem>> -> memref<128xi32, #tpu.memory_space<vmem>>
      %dma_start3A_113 = arith.constant 0 : i32
      %dma_start3A_114 = arith.constant 0 : i32
      %dma_start3A_115 = tpu.memref_slice %arg3[%dma_start3A_113, %dma_start3A_114] : memref<10240x128xf32, #tpu.memory_space<hbm>> -> memref<10240x128xf32, #tpu.memory_space<hbm>>
      tpu.enqueue_indirect_dma source(%dma_start3A_115 : memref<10240x128xf32, #tpu.memory_space<hbm>>) target(%arg10 : memref<128x128xf32, #tpu.memory_space<vmem>>) offsets(%dma_start3A_112 : memref<128xi32, #tpu.memory_space<vmem>>) semaphore(%arg13 : memref<!tpu.dma_semaphore, #tpu.memory_space<semaphore_mem>>)
      %dma_start3A_116 = arith.constant 1 : i32
      %dma_start3A_117 = arith.constant 0 : i32
      %dma_start3A_118 = tpu.memref_slice %arg8[%dma_start3A_116, %dma_start3A_117] : memref<40x128xi32, #tpu.memory_space<vmem>> -> memref<1x128xi32, #tpu.memory_space<vmem>>
      %dma_start3A_119 = tpu.memref_squeeze %dma_start3A_118 : memref<1x128xi32, #tpu.memory_space<vmem>> -> memref<128xi32, #tpu.memory_space<vmem>>
      %dma_start3A_120 = arith.constant 0 : i32
      %dma_start3A_121 = arith.constant 0 : i32
      %dma_start3A_122 = tpu.memref_slice %arg3[%dma_start3A_120, %dma_start3A_121] : memref<10240x128xf32, #tpu.memory_space<hbm>> -> memref<10240x128xf32, #tpu.memory_space<hbm>>
      tpu.enqueue_indirect_dma source(%dma_start3A_122 : memref<10240x128xf32, #tpu.memory_space<hbm>>) target(%arg11 : memref<128x128xf32, #tpu.memory_space<vmem>>) offsets(%dma_start3A_119 : memref<128xi32, #tpu.memory_space<vmem>>) semaphore(%arg14 : memref<!tpu.dma_semaphore, #tpu.memory_space<semaphore_mem>>)
      %scan3A_123 = arith.constant 0 : i32
      %scan3A_124 = arith.constant 0 : i32
      %scan3A_125 = arith.constant 20 : i32
      %scan3A_126 = arith.addi %scan3A_124, %scan3A_125 : i32
      %scan3A_127 = arith.constant 1 : i32
      %scan3A_128 = scf.for %scan3A_159 = %scan3A_124 to %scan3A_126 step %scan3A_127 iter_args(%scan3A_160 = %scan3A_123) -> (i32)  : i32 {
        %mul3A_161 = arith.constant 2 : i32
        %mul3A_162 = arith.muli %scan3A_159, %mul3A_161 : i32
        %add3A_163 = arith.constant 0 : i32
        %add3A_164 = arith.addi %mul3A_162, %add3A_163 : i32
        %dma_wait3A_165 = arith.constant 0 : i32
        %dma_wait3A_166 = tpu.memref_slice %arg8[%add3A_164, %dma_wait3A_165] : memref<40x128xi32, #tpu.memory_space<vmem>> -> memref<1x128xi32, #tpu.memory_space<vmem>>
        %dma_wait3A_167 = tpu.memref_squeeze %dma_wait3A_166 : memref<1x128xi32, #tpu.memory_space<vmem>> -> memref<128xi32, #tpu.memory_space<vmem>>
        %dma_wait3A_168 = arith.constant 0 : i32
        %dma_wait3A_169 = arith.constant 0 : i32
        %dma_wait3A_170 = tpu.memref_slice %arg3[%dma_wait3A_168, %dma_wait3A_169] : memref<10240x128xf32, #tpu.memory_space<hbm>> -> memref<10240x128xf32, #tpu.memory_space<hbm>>
        tpu.wait_indirect_dma semaphore(%arg13 : memref<!tpu.dma_semaphore, #tpu.memory_space<semaphore_mem>>) src(%dma_wait3A_170 : memref<10240x128xf32, #tpu.memory_space<hbm>>) dst(%arg10 : memref<128x128xf32, #tpu.memory_space<vmem>>)
        %add3A_171 = arith.constant 0 : i32
        %add3A_172 = arith.addi %mul3A_162, %add3A_171 : i32
        "tpu.region"() ({
          %run_scoped3A = tpu.sem_alloc : memref<!tpu.dma_semaphore, #tpu.memory_space<semaphore_mem>>
          %dma_start3A_201 = arith.constant 0 : i32
          %dma_start3A_202 = tpu.memref_slice %arg9[%add3A_172, %dma_start3A_201] : memref<40x128xi32, #tpu.memory_space<vmem>> -> memref<1x128xi32, #tpu.memory_space<vmem>>
          %dma_start3A_203 = tpu.memref_squeeze %dma_start3A_202 : memref<1x128xi32, #tpu.memory_space<vmem>> -> memref<128xi32, #tpu.memory_space<vmem>>
          %dma_start3A_204 = arith.constant 0 : i32
          %dma_start3A_205 = arith.constant 0 : i32
          %dma_start3A_206 = tpu.memref_slice %arg12[%dma_start3A_204, %dma_start3A_205] : memref<10240x128xf32, #tpu.memory_space<vmem_shared>> -> memref<10240x128xf32, #tpu.memory_space<vmem_shared>>
          tpu.enqueue_indirect_dma source(%arg10 : memref<128x128xf32, #tpu.memory_space<vmem>>) target(%dma_start3A_206 : memref<10240x128xf32, #tpu.memory_space<vmem_shared>>) offsets(%dma_start3A_203 : memref<128xi32, #tpu.memory_space<vmem>>) semaphore(%run_scoped3A : memref<!tpu.dma_semaphore, #tpu.memory_space<semaphore_mem>>) {add = true}
          %dma_wait3A_207 = arith.constant 0 : i32
          %dma_wait3A_208 = tpu.memref_slice %arg9[%add3A_172, %dma_wait3A_207] : memref<40x128xi32, #tpu.memory_space<vmem>> -> memref<1x128xi32, #tpu.memory_space<vmem>>
          %dma_wait3A_209 = tpu.memref_squeeze %dma_wait3A_208 : memref<1x128xi32, #tpu.memory_space<vmem>> -> memref<128xi32, #tpu.memory_space<vmem>>
          %dma_wait3A_210 = arith.constant 0 : i32
          %dma_wait3A_211 = arith.constant 0 : i32
          %dma_wait3A_212 = tpu.memref_slice %arg12[%dma_wait3A_210, %dma_wait3A_211] : memref<10240x128xf32, #tpu.memory_space<vmem_shared>> -> memref<10240x128xf32, #tpu.memory_space<vmem_shared>>
          tpu.wait_indirect_dma semaphore(%run_scoped3A : memref<!tpu.dma_semaphore, #tpu.memory_space<semaphore_mem>>) src(%arg10 : memref<128x128xf32, #tpu.memory_space<vmem>>) dst(%dma_wait3A_212 : memref<10240x128xf32, #tpu.memory_space<vmem_shared>>)
          tpu.yield
        }) : () -> ()
        %add3A_173 = arith.constant 0 : i32
        %add3A_174 = arith.addi %mul3A_162, %add3A_173 : i32
        %add3A_175 = arith.constant 2 : i32
        %add3A_176 = arith.addi %add3A_174, %add3A_175 : i32
        %lt3A = arith.constant 40 : i32
        %lt3A_177 = arith.cmpi slt, %add3A_176, %lt3A : i32
        %convert_element_type3A_178 = arith.extui %lt3A_177 : i1 to i32
        %cond3A_179 = arith.constant 0 : i32
        %cond3A_180 = arith.cmpi ne, %convert_element_type3A_178, %cond3A_179 : i32
        scf.if %cond3A_180 {
          %add3A_201 = arith.constant 0 : i32
          %add3A_202 = arith.addi %mul3A_162, %add3A_201 : i32
          %add3A_203 = arith.constant 2 : i32
          %add3A_204 = arith.addi %add3A_202, %add3A_203 : i32
          %dma_start3A_205 = arith.constant 0 : i32
          %dma_start3A_206 = tpu.memref_slice %arg8[%add3A_204, %dma_start3A_205] : memref<40x128xi32, #tpu.memory_space<vmem>> -> memref<1x128xi32, #tpu.memory_space<vmem>>
          %dma_start3A_207 = tpu.memref_squeeze %dma_start3A_206 : memref<1x128xi32, #tpu.memory_space<vmem>> -> memref<128xi32, #tpu.memory_space<vmem>>
          %dma_start3A_208 = arith.constant 0 : i32
          %dma_start3A_209 = arith.constant 0 : i32
          %dma_start3A_210 = tpu.memref_slice %arg3[%dma_start3A_208, %dma_start3A_209] : memref<10240x128xf32, #tpu.memory_space<hbm>> -> memref<10240x128xf32, #tpu.memory_space<hbm>>
          tpu.enqueue_indirect_dma source(%dma_start3A_210 : memref<10240x128xf32, #tpu.memory_space<hbm>>) target(%arg10 : memref<128x128xf32, #tpu.memory_space<vmem>>) offsets(%dma_start3A_207 : memref<128xi32, #tpu.memory_space<vmem>>) semaphore(%arg13 : memref<!tpu.dma_semaphore, #tpu.memory_space<semaphore_mem>>)
        } else {
        }
        %add3A_181 = arith.constant 1 : i32
        %add3A_182 = arith.addi %mul3A_162, %add3A_181 : i32
        %dma_wait3A_183 = arith.constant 0 : i32
        %dma_wait3A_184 = tpu.memref_slice %arg8[%add3A_182, %dma_wait3A_183] : memref<40x128xi32, #tpu.memory_space<vmem>> -> memref<1x128xi32, #tpu.memory_space<vmem>>
        %dma_wait3A_185 = tpu.memref_squeeze %dma_wait3A_184 : memref<1x128xi32, #tpu.memory_space<vmem>> -> memref<128xi32, #tpu.memory_space<vmem>>
        %dma_wait3A_186 = arith.constant 0 : i32
        %dma_wait3A_187 = arith.constant 0 : i32
        %dma_wait3A_188 = tpu.memref_slice %arg3[%dma_wait3A_186, %dma_wait3A_187] : memref<10240x128xf32, #tpu.memory_space<hbm>> -> memref<10240x128xf32, #tpu.memory_space<hbm>>
        tpu.wait_indirect_dma semaphore(%arg14 : memref<!tpu.dma_semaphore, #tpu.memory_space<semaphore_mem>>) src(%dma_wait3A_188 : memref<10240x128xf32, #tpu.memory_space<hbm>>) dst(%arg11 : memref<128x128xf32, #tpu.memory_space<vmem>>)
        %add3A_189 = arith.constant 1 : i32
        %add3A_190 = arith.addi %mul3A_162, %add3A_189 : i32
        "tpu.region"() ({
          %run_scoped3A = tpu.sem_alloc : memref<!tpu.dma_semaphore, #tpu.memory_space<semaphore_mem>>
          %dma_start3A_201 = arith.constant 0 : i32
          %dma_start3A_202 = tpu.memref_slice %arg9[%add3A_190, %dma_start3A_201] : memref<40x128xi32, #tpu.memory_space<vmem>> -> memref<1x128xi32, #tpu.memory_space<vmem>>
          %dma_start3A_203 = tpu.memref_squeeze %dma_start3A_202 : memref<1x128xi32, #tpu.memory_space<vmem>> -> memref<128xi32, #tpu.memory_space<vmem>>
          %dma_start3A_204 = arith.constant 0 : i32
          %dma_start3A_205 = arith.constant 0 : i32
          %dma_start3A_206 = tpu.memref_slice %arg12[%dma_start3A_204, %dma_start3A_205] : memref<10240x128xf32, #tpu.memory_space<vmem_shared>> -> memref<10240x128xf32, #tpu.memory_space<vmem_shared>>
          tpu.enqueue_indirect_dma source(%arg11 : memref<128x128xf32, #tpu.memory_space<vmem>>) target(%dma_start3A_206 : memref<10240x128xf32, #tpu.memory_space<vmem_shared>>) offsets(%dma_start3A_203 : memref<128xi32, #tpu.memory_space<vmem>>) semaphore(%run_scoped3A : memref<!tpu.dma_semaphore, #tpu.memory_space<semaphore_mem>>) {add = true}
          %dma_wait3A_207 = arith.constant 0 : i32
          %dma_wait3A_208 = tpu.memref_slice %arg9[%add3A_190, %dma_wait3A_207] : memref<40x128xi32, #tpu.memory_space<vmem>> -> memref<1x128xi32, #tpu.memory_space<vmem>>
          %dma_wait3A_209 = tpu.memref_squeeze %dma_wait3A_208 : memref<1x128xi32, #tpu.memory_space<vmem>> -> memref<128xi32, #tpu.memory_space<vmem>>
          %dma_wait3A_210 = arith.constant 0 : i32
          %dma_wait3A_211 = arith.constant 0 : i32
          %dma_wait3A_212 = tpu.memref_slice %arg12[%dma_wait3A_210, %dma_wait3A_211] : memref<10240x128xf32, #tpu.memory_space<vmem_shared>> -> memref<10240x128xf32, #tpu.memory_space<vmem_shared>>
          tpu.wait_indirect_dma semaphore(%run_scoped3A : memref<!tpu.dma_semaphore, #tpu.memory_space<semaphore_mem>>) src(%arg11 : memref<128x128xf32, #tpu.memory_space<vmem>>) dst(%dma_wait3A_212 : memref<10240x128xf32, #tpu.memory_space<vmem_shared>>)
          tpu.yield
        }) : () -> ()
        %add3A_191 = arith.constant 1 : i32
        %add3A_192 = arith.addi %mul3A_162, %add3A_191 : i32
        %add3A_193 = arith.constant 2 : i32
        %add3A_194 = arith.addi %add3A_192, %add3A_193 : i32
        %lt3A_195 = arith.constant 40 : i32
        %lt3A_196 = arith.cmpi slt, %add3A_194, %lt3A_195 : i32
        %convert_element_type3A_197 = arith.extui %lt3A_196 : i1 to i32
        %cond3A_198 = arith.constant 0 : i32
        %cond3A_199 = arith.cmpi ne, %convert_element_type3A_197, %cond3A_198 : i32
        scf.if %cond3A_199 {
          %add3A_201 = arith.constant 1 : i32
          %add3A_202 = arith.addi %mul3A_162, %add3A_201 : i32
          %add3A_203 = arith.constant 2 : i32
          %add3A_204 = arith.addi %add3A_202, %add3A_203 : i32
          %dma_start3A_205 = arith.constant 0 : i32
          %dma_start3A_206 = tpu.memref_slice %arg8[%add3A_204, %dma_start3A_205] : memref<40x128xi32, #tpu.memory_space<vmem>> -> memref<1x128xi32, #tpu.memory_space<vmem>>
          %dma_start3A_207 = tpu.memref_squeeze %dma_start3A_206 : memref<1x128xi32, #tpu.memory_space<vmem>> -> memref<128xi32, #tpu.memory_space<vmem>>
          %dma_start3A_208 = arith.constant 0 : i32
          %dma_start3A_209 = arith.constant 0 : i32
          %dma_start3A_210 = tpu.memref_slice %arg3[%dma_start3A_208, %dma_start3A_209] : memref<10240x128xf32, #tpu.memory_space<hbm>> -> memref<10240x128xf32, #tpu.memory_space<hbm>>
          tpu.enqueue_indirect_dma source(%dma_start3A_210 : memref<10240x128xf32, #tpu.memory_space<hbm>>) target(%arg11 : memref<128x128xf32, #tpu.memory_space<vmem>>) offsets(%dma_start3A_207 : memref<128xi32, #tpu.memory_space<vmem>>) semaphore(%arg14 : memref<!tpu.dma_semaphore, #tpu.memory_space<semaphore_mem>>)
        } else {
        }
        %scan3A_200 = arith.constant 0 : i32
        scf.yield %scan3A_200 : i32
      }
      %scan3A_129 = arith.constant 20 : i32
      %mul3A_130 = arith.constant 80 : i32
      %mul3A_131 = arith.muli %arg1, %mul3A_130 : i32
      %add3A_132 = arith.constant 40 : i32
      %add3A_133 = arith.addi %mul3A_131, %add3A_132 : i32
      "tpu.region"() ({
        %run_scoped3A = tpu.sem_alloc : memref<!tpu.dma_semaphore, #tpu.memory_space<semaphore_mem>>
        %dma_start3A_159 = arith.constant 0 : i32
        %dma_start3A_160 = tpu.memref_slice %arg4[%add3A_133, %dma_start3A_159] : memref<1280x128xi32, #tpu.memory_space<hbm>> -> memref<40x128xi32, #tpu.memory_space<hbm>>
        %dma_start3A_161 = arith.constant 0 : i32
        %dma_start3A_162 = tpu.memref_slice %arg4[%add3A_133, %dma_start3A_161] : memref<1280x128xi32, #tpu.memory_space<hbm>> -> memref<40x128xi32, #tpu.memory_space<hbm>>
        tpu.enqueue_dma source(%dma_start3A_162 : memref<40x128xi32, #tpu.memory_space<hbm>>) target(%arg8 : memref<40x128xi32, #tpu.memory_space<vmem>>) target_semaphore(%run_scoped3A : memref<!tpu.dma_semaphore, #tpu.memory_space<semaphore_mem>>)
        %dma_wait3A_163 = arith.constant 0 : i32
        %dma_wait3A_164 = tpu.memref_slice %arg4[%add3A_133, %dma_wait3A_163] : memref<1280x128xi32, #tpu.memory_space<hbm>> -> memref<40x128xi32, #tpu.memory_space<hbm>>
        %dma_wait3A_165 = arith.constant 0 : i32
        %dma_wait3A_166 = tpu.memref_slice %arg4[%add3A_133, %dma_wait3A_165] : memref<1280x128xi32, #tpu.memory_space<hbm>> -> memref<40x128xi32, #tpu.memory_space<hbm>>
        tpu.wait_dma2 semaphore(%run_scoped3A : memref<!tpu.dma_semaphore, #tpu.memory_space<semaphore_mem>>) src(%dma_wait3A_166 : memref<40x128xi32, #tpu.memory_space<hbm>>) dst(%arg8 : memref<40x128xi32, #tpu.memory_space<vmem>>)
        tpu.yield
      }) : () -> ()
      %mul3A_134 = arith.constant 80 : i32
      %mul3A_135 = arith.muli %arg1, %mul3A_134 : i32
      %add3A_136 = arith.constant 40 : i32
      %add3A_137 = arith.addi %mul3A_135, %add3A_136 : i32
      "tpu.region"() ({
        %run_scoped3A = tpu.sem_alloc : memref<!tpu.dma_semaphore, #tpu.memory_space<semaphore_mem>>
        %dma_start3A_159 = arith.constant 0 : i32
        %dma_start3A_160 = tpu.memref_slice %arg5[%add3A_137, %dma_start3A_159] : memref<1280x128xi32, #tpu.memory_space<hbm>> -> memref<40x128xi32, #tpu.memory_space<hbm>>
        %dma_start3A_161 = arith.constant 0 : i32
        %dma_start3A_162 = tpu.memref_slice %arg5[%add3A_137, %dma_start3A_161] : memref<1280x128xi32, #tpu.memory_space<hbm>> -> memref<40x128xi32, #tpu.memory_space<hbm>>
        tpu.enqueue_dma source(%dma_start3A_162 : memref<40x128xi32, #tpu.memory_space<hbm>>) target(%arg9 : memref<40x128xi32, #tpu.memory_space<vmem>>) target_semaphore(%run_scoped3A : memref<!tpu.dma_semaphore, #tpu.memory_space<semaphore_mem>>)
        %dma_wait3A_163 = arith.constant 0 : i32
        %dma_wait3A_164 = tpu.memref_slice %arg5[%add3A_137, %dma_wait3A_163] : memref<1280x128xi32, #tpu.memory_space<hbm>> -> memref<40x128xi32, #tpu.memory_space<hbm>>
        %dma_wait3A_165 = arith.constant 0 : i32
        %dma_wait3A_166 = tpu.memref_slice %arg5[%add3A_137, %dma_wait3A_165] : memref<1280x128xi32, #tpu.memory_space<hbm>> -> memref<40x128xi32, #tpu.memory_space<hbm>>
        tpu.wait_dma2 semaphore(%run_scoped3A : memref<!tpu.dma_semaphore, #tpu.memory_space<semaphore_mem>>) src(%dma_wait3A_166 : memref<40x128xi32, #tpu.memory_space<hbm>>) dst(%arg9 : memref<40x128xi32, #tpu.memory_space<vmem>>)
        tpu.yield
      }) : () -> ()
      %dma_start3A_138 = arith.constant 0 : i32
      %dma_start3A_139 = arith.constant 0 : i32
      %dma_start3A_140 = tpu.memref_slice %arg8[%dma_start3A_138, %dma_start3A_139] : memref<40x128xi32, #tpu.memory_space<vmem>> -> memref<1x128xi32, #tpu.memory_space<vmem>>
      %dma_start3A_141 = tpu.memref_squeeze %dma_start3A_140 : memref<1x128xi32, #tpu.memory_space<vmem>> -> memref<128xi32, #tpu.memory_space<vmem>>
      %dma_start3A_142 = arith.constant 0 : i32
      %dma_start3A_143 = arith.constant 0 : i32
      %dma_start3A_144 = tpu.memref_slice %arg3[%dma_start3A_142, %dma_start3A_143] : memref<10240x128xf32, #tpu.memory_space<hbm>> -> memref<10240x128xf32, #tpu.memory_space<hbm>>
      tpu.enqueue_indirect_dma source(%dma_start3A_144 : memref<10240x128xf32, #tpu.memory_space<hbm>>) target(%arg10 : memref<128x128xf32, #tpu.memory_space<vmem>>) offsets(%dma_start3A_141 : memref<128xi32, #tpu.memory_space<vmem>>) semaphore(%arg13 : memref<!tpu.dma_semaphore, #tpu.memory_space<semaphore_mem>>)
      %dma_start3A_145 = arith.constant 1 : i32
      %dma_start3A_146 = arith.constant 0 : i32
      %dma_start3A_147 = tpu.memref_slice %arg8[%dma_start3A_145, %dma_start3A_146] : memref<40x128xi32, #tpu.memory_space<vmem>> -> memref<1x128xi32, #tpu.memory_space<vmem>>
      %dma_start3A_148 = tpu.memref_squeeze %dma_start3A_147 : memref<1x128xi32, #tpu.memory_space<vmem>> -> memref<128xi32, #tpu.memory_space<vmem>>
      %dma_start3A_149 = arith.constant 0 : i32
      %dma_start3A_150 = arith.constant 0 : i32
      %dma_start3A_151 = tpu.memref_slice %arg3[%dma_start3A_149, %dma_start3A_150] : memref<10240x128xf32, #tpu.memory_space<hbm>> -> memref<10240x128xf32, #tpu.memory_space<hbm>>
      tpu.enqueue_indirect_dma source(%dma_start3A_151 : memref<10240x128xf32, #tpu.memory_space<hbm>>) target(%arg11 : memref<128x128xf32, #tpu.memory_space<vmem>>) offsets(%dma_start3A_148 : memref<128xi32, #tpu.memory_space<vmem>>) semaphore(%arg14 : memref<!tpu.dma_semaphore, #tpu.memory_space<semaphore_mem>>)
      %scan3A_152 = arith.constant 0 : i32
      %scan3A_153 = arith.constant 0 : i32
      %scan3A_154 = arith.constant 20 : i32
      %scan3A_155 = arith.addi %scan3A_153, %scan3A_154 : i32
      %scan3A_156 = arith.constant 1 : i32
      %scan3A_157 = scf.for %scan3A_159 = %scan3A_153 to %scan3A_155 step %scan3A_156 iter_args(%scan3A_160 = %scan3A_152) -> (i32)  : i32 {
        %mul3A_161 = arith.constant 2 : i32
        %mul3A_162 = arith.muli %scan3A_159, %mul3A_161 : i32
        %add3A_163 = arith.constant 0 : i32
        %add3A_164 = arith.addi %mul3A_162, %add3A_163 : i32
        %dma_wait3A_165 = arith.constant 0 : i32
        %dma_wait3A_166 = tpu.memref_slice %arg8[%add3A_164, %dma_wait3A_165] : memref<40x128xi32, #tpu.memory_space<vmem>> -> memref<1x128xi32, #tpu.memory_space<vmem>>
        %dma_wait3A_167 = tpu.memref_squeeze %dma_wait3A_166 : memref<1x128xi32, #tpu.memory_space<vmem>> -> memref<128xi32, #tpu.memory_space<vmem>>
        %dma_wait3A_168 = arith.constant 0 : i32
        %dma_wait3A_169 = arith.constant 0 : i32
        %dma_wait3A_170 = tpu.memref_slice %arg3[%dma_wait3A_168, %dma_wait3A_169] : memref<10240x128xf32, #tpu.memory_space<hbm>> -> memref<10240x128xf32, #tpu.memory_space<hbm>>
        tpu.wait_indirect_dma semaphore(%arg13 : memref<!tpu.dma_semaphore, #tpu.memory_space<semaphore_mem>>) src(%dma_wait3A_170 : memref<10240x128xf32, #tpu.memory_space<hbm>>) dst(%arg10 : memref<128x128xf32, #tpu.memory_space<vmem>>)
        %add3A_171 = arith.constant 0 : i32
        %add3A_172 = arith.addi %mul3A_162, %add3A_171 : i32
        "tpu.region"() ({
          %run_scoped3A = tpu.sem_alloc : memref<!tpu.dma_semaphore, #tpu.memory_space<semaphore_mem>>
          %dma_start3A_201 = arith.constant 0 : i32
          %dma_start3A_202 = tpu.memref_slice %arg9[%add3A_172, %dma_start3A_201] : memref<40x128xi32, #tpu.memory_space<vmem>> -> memref<1x128xi32, #tpu.memory_space<vmem>>
          %dma_start3A_203 = tpu.memref_squeeze %dma_start3A_202 : memref<1x128xi32, #tpu.memory_space<vmem>> -> memref<128xi32, #tpu.memory_space<vmem>>
          %dma_start3A_204 = arith.constant 0 : i32
          %dma_start3A_205 = arith.constant 0 : i32
          %dma_start3A_206 = tpu.memref_slice %arg12[%dma_start3A_204, %dma_start3A_205] : memref<10240x128xf32, #tpu.memory_space<vmem_shared>> -> memref<10240x128xf32, #tpu.memory_space<vmem_shared>>
          tpu.enqueue_indirect_dma source(%arg10 : memref<128x128xf32, #tpu.memory_space<vmem>>) target(%dma_start3A_206 : memref<10240x128xf32, #tpu.memory_space<vmem_shared>>) offsets(%dma_start3A_203 : memref<128xi32, #tpu.memory_space<vmem>>) semaphore(%run_scoped3A : memref<!tpu.dma_semaphore, #tpu.memory_space<semaphore_mem>>) {add = true}
          %dma_wait3A_207 = arith.constant 0 : i32
          %dma_wait3A_208 = tpu.memref_slice %arg9[%add3A_172, %dma_wait3A_207] : memref<40x128xi32, #tpu.memory_space<vmem>> -> memref<1x128xi32, #tpu.memory_space<vmem>>
          %dma_wait3A_209 = tpu.memref_squeeze %dma_wait3A_208 : memref<1x128xi32, #tpu.memory_space<vmem>> -> memref<128xi32, #tpu.memory_space<vmem>>
          %dma_wait3A_210 = arith.constant 0 : i32
          %dma_wait3A_211 = arith.constant 0 : i32
          %dma_wait3A_212 = tpu.memref_slice %arg12[%dma_wait3A_210, %dma_wait3A_211] : memref<10240x128xf32, #tpu.memory_space<vmem_shared>> -> memref<10240x128xf32, #tpu.memory_space<vmem_shared>>
          tpu.wait_indirect_dma semaphore(%run_scoped3A : memref<!tpu.dma_semaphore, #tpu.memory_space<semaphore_mem>>) src(%arg10 : memref<128x128xf32, #tpu.memory_space<vmem>>) dst(%dma_wait3A_212 : memref<10240x128xf32, #tpu.memory_space<vmem_shared>>)
          tpu.yield
        }) : () -> ()
        %add3A_173 = arith.constant 0 : i32
        %add3A_174 = arith.addi %mul3A_162, %add3A_173 : i32
        %add3A_175 = arith.constant 2 : i32
        %add3A_176 = arith.addi %add3A_174, %add3A_175 : i32
        %lt3A = arith.constant 40 : i32
        %lt3A_177 = arith.cmpi slt, %add3A_176, %lt3A : i32
        %convert_element_type3A_178 = arith.extui %lt3A_177 : i1 to i32
        %cond3A_179 = arith.constant 0 : i32
        %cond3A_180 = arith.cmpi ne, %convert_element_type3A_178, %cond3A_179 : i32
        scf.if %cond3A_180 {
          %add3A_201 = arith.constant 0 : i32
          %add3A_202 = arith.addi %mul3A_162, %add3A_201 : i32
          %add3A_203 = arith.constant 2 : i32
          %add3A_204 = arith.addi %add3A_202, %add3A_203 : i32
          %dma_start3A_205 = arith.constant 0 : i32
          %dma_start3A_206 = tpu.memref_slice %arg8[%add3A_204, %dma_start3A_205] : memref<40x128xi32, #tpu.memory_space<vmem>> -> memref<1x128xi32, #tpu.memory_space<vmem>>
          %dma_start3A_207 = tpu.memref_squeeze %dma_start3A_206 : memref<1x128xi32, #tpu.memory_space<vmem>> -> memref<128xi32, #tpu.memory_space<vmem>>
          %dma_start3A_208 = arith.constant 0 : i32
          %dma_start3A_209 = arith.constant 0 : i32
          %dma_start3A_210 = tpu.memref_slice %arg3[%dma_start3A_208, %dma_start3A_209] : memref<10240x128xf32, #tpu.memory_space<hbm>> -> memref<10240x128xf32, #tpu.memory_space<hbm>>
          tpu.enqueue_indirect_dma source(%dma_start3A_210 : memref<10240x128xf32, #tpu.memory_space<hbm>>) target(%arg10 : memref<128x128xf32, #tpu.memory_space<vmem>>) offsets(%dma_start3A_207 : memref<128xi32, #tpu.memory_space<vmem>>) semaphore(%arg13 : memref<!tpu.dma_semaphore, #tpu.memory_space<semaphore_mem>>)
        } else {
        }
        %add3A_181 = arith.constant 1 : i32
        %add3A_182 = arith.addi %mul3A_162, %add3A_181 : i32
        %dma_wait3A_183 = arith.constant 0 : i32
        %dma_wait3A_184 = tpu.memref_slice %arg8[%add3A_182, %dma_wait3A_183] : memref<40x128xi32, #tpu.memory_space<vmem>> -> memref<1x128xi32, #tpu.memory_space<vmem>>
        %dma_wait3A_185 = tpu.memref_squeeze %dma_wait3A_184 : memref<1x128xi32, #tpu.memory_space<vmem>> -> memref<128xi32, #tpu.memory_space<vmem>>
        %dma_wait3A_186 = arith.constant 0 : i32
        %dma_wait3A_187 = arith.constant 0 : i32
        %dma_wait3A_188 = tpu.memref_slice %arg3[%dma_wait3A_186, %dma_wait3A_187] : memref<10240x128xf32, #tpu.memory_space<hbm>> -> memref<10240x128xf32, #tpu.memory_space<hbm>>
        tpu.wait_indirect_dma semaphore(%arg14 : memref<!tpu.dma_semaphore, #tpu.memory_space<semaphore_mem>>) src(%dma_wait3A_188 : memref<10240x128xf32, #tpu.memory_space<hbm>>) dst(%arg11 : memref<128x128xf32, #tpu.memory_space<vmem>>)
        %add3A_189 = arith.constant 1 : i32
        %add3A_190 = arith.addi %mul3A_162, %add3A_189 : i32
        "tpu.region"() ({
          %run_scoped3A = tpu.sem_alloc : memref<!tpu.dma_semaphore, #tpu.memory_space<semaphore_mem>>
          %dma_start3A_201 = arith.constant 0 : i32
          %dma_start3A_202 = tpu.memref_slice %arg9[%add3A_190, %dma_start3A_201] : memref<40x128xi32, #tpu.memory_space<vmem>> -> memref<1x128xi32, #tpu.memory_space<vmem>>
          %dma_start3A_203 = tpu.memref_squeeze %dma_start3A_202 : memref<1x128xi32, #tpu.memory_space<vmem>> -> memref<128xi32, #tpu.memory_space<vmem>>
          %dma_start3A_204 = arith.constant 0 : i32
          %dma_start3A_205 = arith.constant 0 : i32
          %dma_start3A_206 = tpu.memref_slice %arg12[%dma_start3A_204, %dma_start3A_205] : memref<10240x128xf32, #tpu.memory_space<vmem_shared>> -> memref<10240x128xf32, #tpu.memory_space<vmem_shared>>
          tpu.enqueue_indirect_dma source(%arg11 : memref<128x128xf32, #tpu.memory_space<vmem>>) target(%dma_start3A_206 : memref<10240x128xf32, #tpu.memory_space<vmem_shared>>) offsets(%dma_start3A_203 : memref<128xi32, #tpu.memory_space<vmem>>) semaphore(%run_scoped3A : memref<!tpu.dma_semaphore, #tpu.memory_space<semaphore_mem>>) {add = true}
          %dma_wait3A_207 = arith.constant 0 : i32
          %dma_wait3A_208 = tpu.memref_slice %arg9[%add3A_190, %dma_wait3A_207] : memref<40x128xi32, #tpu.memory_space<vmem>> -> memref<1x128xi32, #tpu.memory_space<vmem>>
          %dma_wait3A_209 = tpu.memref_squeeze %dma_wait3A_208 : memref<1x128xi32, #tpu.memory_space<vmem>> -> memref<128xi32, #tpu.memory_space<vmem>>
          %dma_wait3A_210 = arith.constant 0 : i32
          %dma_wait3A_211 = arith.constant 0 : i32
          %dma_wait3A_212 = tpu.memref_slice %arg12[%dma_wait3A_210, %dma_wait3A_211] : memref<10240x128xf32, #tpu.memory_space<vmem_shared>> -> memref<10240x128xf32, #tpu.memory_space<vmem_shared>>
          tpu.wait_indirect_dma semaphore(%run_scoped3A : memref<!tpu.dma_semaphore, #tpu.memory_space<semaphore_mem>>) src(%arg11 : memref<128x128xf32, #tpu.memory_space<vmem>>) dst(%dma_wait3A_212 : memref<10240x128xf32, #tpu.memory_space<vmem_shared>>)
          tpu.yield
        }) : () -> ()
        %add3A_191 = arith.constant 1 : i32
        %add3A_192 = arith.addi %mul3A_162, %add3A_191 : i32
        %add3A_193 = arith.constant 2 : i32
        %add3A_194 = arith.addi %add3A_192, %add3A_193 : i32
        %lt3A_195 = arith.constant 40 : i32
        %lt3A_196 = arith.cmpi slt, %add3A_194, %lt3A_195 : i32
        %convert_element_type3A_197 = arith.extui %lt3A_196 : i1 to i32
        %cond3A_198 = arith.constant 0 : i32
        %cond3A_199 = arith.cmpi ne, %convert_element_type3A_197, %cond3A_198 : i32
        scf.if %cond3A_199 {
          %add3A_201 = arith.constant 1 : i32
          %add3A_202 = arith.addi %mul3A_162, %add3A_201 : i32
          %add3A_203 = arith.constant 2 : i32
          %add3A_204 = arith.addi %add3A_202, %add3A_203 : i32
          %dma_start3A_205 = arith.constant 0 : i32
          %dma_start3A_206 = tpu.memref_slice %arg8[%add3A_204, %dma_start3A_205] : memref<40x128xi32, #tpu.memory_space<vmem>> -> memref<1x128xi32, #tpu.memory_space<vmem>>
          %dma_start3A_207 = tpu.memref_squeeze %dma_start3A_206 : memref<1x128xi32, #tpu.memory_space<vmem>> -> memref<128xi32, #tpu.memory_space<vmem>>
          %dma_start3A_208 = arith.constant 0 : i32
          %dma_start3A_209 = arith.constant 0 : i32
          %dma_start3A_210 = tpu.memref_slice %arg3[%dma_start3A_208, %dma_start3A_209] : memref<10240x128xf32, #tpu.memory_space<hbm>> -> memref<10240x128xf32, #tpu.memory_space<hbm>>
          tpu.enqueue_indirect_dma source(%dma_start3A_210 : memref<10240x128xf32, #tpu.memory_space<hbm>>) target(%arg11 : memref<128x128xf32, #tpu.memory_space<vmem>>) offsets(%dma_start3A_207 : memref<128xi32, #tpu.memory_space<vmem>>) semaphore(%arg14 : memref<!tpu.dma_semaphore, #tpu.memory_space<semaphore_mem>>)
        } else {
        }
        %scan3A_200 = arith.constant 0 : i32
        scf.yield %scan3A_200 : i32
      }
      %scan3A_158 = arith.constant 20 : i32
    } else {
    }
    %barrier3A_90 = arith.constant 0 : index
    tpu.barrier barrier_id(%barrier3A_90)
    %eq3A_91 = arith.constant 0 : i32
    %eq3A_92 = arith.cmpi eq, %arg0, %eq3A_91 : i32
    %convert_element_type3A_93 = arith.extui %eq3A_92 : i1 to i32
    %cond3A_94 = arith.constant 0 : i32
    %cond3A_95 = arith.cmpi ne, %convert_element_type3A_93, %cond3A_94 : i32
    scf.if %cond3A_95 {
      %mul3A_101 = arith.constant 640 : i32
      %mul3A_102 = arith.muli %arg1, %mul3A_101 : i32
      %add3A_103 = arith.constant 0 : i32
      %add3A_104 = arith.addi %mul3A_102, %add3A_103 : i32
      %dma_start3A_105 = arith.constant 0 : i32
      %dma_start3A_106 = tpu.memref_slice %arg12[%add3A_104, %dma_start3A_105] : memref<10240x128xf32, #tpu.memory_space<vmem_shared>> -> memref<128x128xf32, #tpu.memory_space<vmem_shared>>
      %dma_start3A_107 = arith.constant 0 : i32
      %dma_start3A_108 = tpu.memref_slice %arg12[%add3A_104, %dma_start3A_107] : memref<10240x128xf32, #tpu.memory_space<vmem_shared>> -> memref<128x128xf32, #tpu.memory_space<vmem_shared>>
      tpu.enqueue_dma source(%dma_start3A_108 : memref<128x128xf32, #tpu.memory_space<vmem_shared>>) target(%arg10 : memref<128x128xf32, #tpu.memory_space<vmem>>) target_semaphore(%arg13 : memref<!tpu.dma_semaphore, #tpu.memory_space<semaphore_mem>>)
      %mul3A_109 = arith.constant 640 : i32
      %mul3A_110 = arith.muli %arg1, %mul3A_109 : i32
      %add3A_111 = arith.constant 128 : i32
      %add3A_112 = arith.addi %mul3A_110, %add3A_111 : i32
      %dma_start3A_113 = arith.constant 0 : i32
      %dma_start3A_114 = tpu.memref_slice %arg12[%add3A_112, %dma_start3A_113] : memref<10240x128xf32, #tpu.memory_space<vmem_shared>> -> memref<128x128xf32, #tpu.memory_space<vmem_shared>>
      %dma_start3A_115 = arith.constant 0 : i32
      %dma_start3A_116 = tpu.memref_slice %arg12[%add3A_112, %dma_start3A_115] : memref<10240x128xf32, #tpu.memory_space<vmem_shared>> -> memref<128x128xf32, #tpu.memory_space<vmem_shared>>
      tpu.enqueue_dma source(%dma_start3A_116 : memref<128x128xf32, #tpu.memory_space<vmem_shared>>) target(%arg11 : memref<128x128xf32, #tpu.memory_space<vmem>>) target_semaphore(%arg14 : memref<!tpu.dma_semaphore, #tpu.memory_space<semaphore_mem>>)
      %mul3A_117 = arith.constant 640 : i32
      %mul3A_118 = arith.muli %arg1, %mul3A_117 : i32
      %add3A_119 = arith.constant 0 : i32
      %add3A_120 = arith.addi %mul3A_118, %add3A_119 : i32
      %dma_wait3A_121 = arith.constant 0 : i32
      %dma_wait3A_122 = tpu.memref_slice %arg12[%add3A_120, %dma_wait3A_121] : memref<10240x128xf32, #tpu.memory_space<vmem_shared>> -> memref<128x128xf32, #tpu.memory_space<vmem_shared>>
      %dma_wait3A_123 = arith.constant 0 : i32
      %dma_wait3A_124 = tpu.memref_slice %arg12[%add3A_120, %dma_wait3A_123] : memref<10240x128xf32, #tpu.memory_space<vmem_shared>> -> memref<128x128xf32, #tpu.memory_space<vmem_shared>>
      tpu.wait_dma2 semaphore(%arg13 : memref<!tpu.dma_semaphore, #tpu.memory_space<semaphore_mem>>) src(%dma_wait3A_124 : memref<128x128xf32, #tpu.memory_space<vmem_shared>>) dst(%arg10 : memref<128x128xf32, #tpu.memory_space<vmem>>)
      "tpu.region"() ({
        %run_scoped3A = tpu.sem_alloc : memref<!tpu.dma_semaphore, #tpu.memory_space<semaphore_mem>>
        %dma_start3A_181 = arith.constant 0 : i32
        %dma_start3A_182 = tpu.memref_slice %arg6[%add3A_120, %dma_start3A_181] : memref<10240x128xf32, #tpu.memory_space<hbm>> -> memref<128x128xf32, #tpu.memory_space<hbm>>
        %dma_start3A_183 = arith.constant 0 : i32
        %dma_start3A_184 = tpu.memref_slice %arg6[%add3A_120, %dma_start3A_183] : memref<10240x128xf32, #tpu.memory_space<hbm>> -> memref<128x128xf32, #tpu.memory_space<hbm>>
        tpu.enqueue_dma source(%arg10 : memref<128x128xf32, #tpu.memory_space<vmem>>) target(%dma_start3A_184 : memref<128x128xf32, #tpu.memory_space<hbm>>) target_semaphore(%run_scoped3A : memref<!tpu.dma_semaphore, #tpu.memory_space<semaphore_mem>>)
        %dma_wait3A_185 = arith.constant 0 : i32
        %dma_wait3A_186 = tpu.memref_slice %arg6[%add3A_120, %dma_wait3A_185] : memref<10240x128xf32, #tpu.memory_space<hbm>> -> memref<128x128xf32, #tpu.memory_space<hbm>>
        %dma_wait3A_187 = arith.constant 0 : i32
        %dma_wait3A_188 = tpu.memref_slice %arg6[%add3A_120, %dma_wait3A_187] : memref<10240x128xf32, #tpu.memory_space<hbm>> -> memref<128x128xf32, #tpu.memory_space<hbm>>
        tpu.wait_dma2 semaphore(%run_scoped3A : memref<!tpu.dma_semaphore, #tpu.memory_space<semaphore_mem>>) src(%arg10 : memref<128x128xf32, #tpu.memory_space<vmem>>) dst(%dma_wait3A_188 : memref<128x128xf32, #tpu.memory_space<hbm>>)
        tpu.yield
      }) : () -> ()
      %mul3A_125 = arith.constant 640 : i32
      %mul3A_126 = arith.muli %arg1, %mul3A_125 : i32
      %add3A_127 = arith.constant 256 : i32
      %add3A_128 = arith.addi %mul3A_126, %add3A_127 : i32
      %dma_start3A_129 = arith.constant 0 : i32
      %dma_start3A_130 = tpu.memref_slice %arg12[%add3A_128, %dma_start3A_129] : memref<10240x128xf32, #tpu.memory_space<vmem_shared>> -> memref<128x128xf32, #tpu.memory_space<vmem_shared>>
      %dma_start3A_131 = arith.constant 0 : i32
      %dma_start3A_132 = tpu.memref_slice %arg12[%add3A_128, %dma_start3A_131] : memref<10240x128xf32, #tpu.memory_space<vmem_shared>> -> memref<128x128xf32, #tpu.memory_space<vmem_shared>>
      tpu.enqueue_dma source(%dma_start3A_132 : memref<128x128xf32, #tpu.memory_space<vmem_shared>>) target(%arg10 : memref<128x128xf32, #tpu.memory_space<vmem>>) target_semaphore(%arg13 : memref<!tpu.dma_semaphore, #tpu.memory_space<semaphore_mem>>)
      %mul3A_133 = arith.constant 640 : i32
      %mul3A_134 = arith.muli %arg1, %mul3A_133 : i32
      %add3A_135 = arith.constant 128 : i32
      %add3A_136 = arith.addi %mul3A_134, %add3A_135 : i32
      %dma_wait3A_137 = arith.constant 0 : i32
      %dma_wait3A_138 = tpu.memref_slice %arg12[%add3A_136, %dma_wait3A_137] : memref<10240x128xf32, #tpu.memory_space<vmem_shared>> -> memref<128x128xf32, #tpu.memory_space<vmem_shared>>
      %dma_wait3A_139 = arith.constant 0 : i32
      %dma_wait3A_140 = tpu.memref_slice %arg12[%add3A_136, %dma_wait3A_139] : memref<10240x128xf32, #tpu.memory_space<vmem_shared>> -> memref<128x128xf32, #tpu.memory_space<vmem_shared>>
      tpu.wait_dma2 semaphore(%arg14 : memref<!tpu.dma_semaphore, #tpu.memory_space<semaphore_mem>>) src(%dma_wait3A_140 : memref<128x128xf32, #tpu.memory_space<vmem_shared>>) dst(%arg11 : memref<128x128xf32, #tpu.memory_space<vmem>>)
      "tpu.region"() ({
        %run_scoped3A = tpu.sem_alloc : memref<!tpu.dma_semaphore, #tpu.memory_space<semaphore_mem>>
        %dma_start3A_181 = arith.constant 0 : i32
        %dma_start3A_182 = tpu.memref_slice %arg6[%add3A_136, %dma_start3A_181] : memref<10240x128xf32, #tpu.memory_space<hbm>> -> memref<128x128xf32, #tpu.memory_space<hbm>>
        %dma_start3A_183 = arith.constant 0 : i32
        %dma_start3A_184 = tpu.memref_slice %arg6[%add3A_136, %dma_start3A_183] : memref<10240x128xf32, #tpu.memory_space<hbm>> -> memref<128x128xf32, #tpu.memory_space<hbm>>
        tpu.enqueue_dma source(%arg11 : memref<128x128xf32, #tpu.memory_space<vmem>>) target(%dma_start3A_184 : memref<128x128xf32, #tpu.memory_space<hbm>>) target_semaphore(%run_scoped3A : memref<!tpu.dma_semaphore, #tpu.memory_space<semaphore_mem>>)
        %dma_wait3A_185 = arith.constant 0 : i32
        %dma_wait3A_186 = tpu.memref_slice %arg6[%add3A_136, %dma_wait3A_185] : memref<10240x128xf32, #tpu.memory_space<hbm>> -> memref<128x128xf32, #tpu.memory_space<hbm>>
        %dma_wait3A_187 = arith.constant 0 : i32
        %dma_wait3A_188 = tpu.memref_slice %arg6[%add3A_136, %dma_wait3A_187] : memref<10240x128xf32, #tpu.memory_space<hbm>> -> memref<128x128xf32, #tpu.memory_space<hbm>>
        tpu.wait_dma2 semaphore(%run_scoped3A : memref<!tpu.dma_semaphore, #tpu.memory_space<semaphore_mem>>) src(%arg11 : memref<128x128xf32, #tpu.memory_space<vmem>>) dst(%dma_wait3A_188 : memref<128x128xf32, #tpu.memory_space<hbm>>)
        tpu.yield
      }) : () -> ()
      %mul3A_141 = arith.constant 640 : i32
      %mul3A_142 = arith.muli %arg1, %mul3A_141 : i32
      %add3A_143 = arith.constant 384 : i32
      %add3A_144 = arith.addi %mul3A_142, %add3A_143 : i32
      %dma_start3A_145 = arith.constant 0 : i32
      %dma_start3A_146 = tpu.memref_slice %arg12[%add3A_144, %dma_start3A_145] : memref<10240x128xf32, #tpu.memory_space<vmem_shared>> -> memref<128x128xf32, #tpu.memory_space<vmem_shared>>
      %dma_start3A_147 = arith.constant 0 : i32
      %dma_start3A_148 = tpu.memref_slice %arg12[%add3A_144, %dma_start3A_147] : memref<10240x128xf32, #tpu.memory_space<vmem_shared>> -> memref<128x128xf32, #tpu.memory_space<vmem_shared>>
      tpu.enqueue_dma source(%dma_start3A_148 : memref<128x128xf32, #tpu.memory_space<vmem_shared>>) target(%arg11 : memref<128x128xf32, #tpu.memory_space<vmem>>) target_semaphore(%arg14 : memref<!tpu.dma_semaphore, #tpu.memory_space<semaphore_mem>>)
      %mul3A_149 = arith.constant 640 : i32
      %mul3A_150 = arith.muli %arg1, %mul3A_149 : i32
      %add3A_151 = arith.constant 256 : i32
      %add3A_152 = arith.addi %mul3A_150, %add3A_151 : i32
      %dma_wait3A_153 = arith.constant 0 : i32
      %dma_wait3A_154 = tpu.memref_slice %arg12[%add3A_152, %dma_wait3A_153] : memref<10240x128xf32, #tpu.memory_space<vmem_shared>> -> memref<128x128xf32, #tpu.memory_space<vmem_shared>>
      %dma_wait3A_155 = arith.constant 0 : i32
      %dma_wait3A_156 = tpu.memref_slice %arg12[%add3A_152, %dma_wait3A_155] : memref<10240x128xf32, #tpu.memory_space<vmem_shared>> -> memref<128x128xf32, #tpu.memory_space<vmem_shared>>
      tpu.wait_dma2 semaphore(%arg13 : memref<!tpu.dma_semaphore, #tpu.memory_space<semaphore_mem>>) src(%dma_wait3A_156 : memref<128x128xf32, #tpu.memory_space<vmem_shared>>) dst(%arg10 : memref<128x128xf32, #tpu.memory_space<vmem>>)
      "tpu.region"() ({
        %run_scoped3A = tpu.sem_alloc : memref<!tpu.dma_semaphore, #tpu.memory_space<semaphore_mem>>
        %dma_start3A_181 = arith.constant 0 : i32
        %dma_start3A_182 = tpu.memref_slice %arg6[%add3A_152, %dma_start3A_181] : memref<10240x128xf32, #tpu.memory_space<hbm>> -> memref<128x128xf32, #tpu.memory_space<hbm>>
        %dma_start3A_183 = arith.constant 0 : i32
        %dma_start3A_184 = tpu.memref_slice %arg6[%add3A_152, %dma_start3A_183] : memref<10240x128xf32, #tpu.memory_space<hbm>> -> memref<128x128xf32, #tpu.memory_space<hbm>>
        tpu.enqueue_dma source(%arg10 : memref<128x128xf32, #tpu.memory_space<vmem>>) target(%dma_start3A_184 : memref<128x128xf32, #tpu.memory_space<hbm>>) target_semaphore(%run_scoped3A : memref<!tpu.dma_semaphore, #tpu.memory_space<semaphore_mem>>)
        %dma_wait3A_185 = arith.constant 0 : i32
        %dma_wait3A_186 = tpu.memref_slice %arg6[%add3A_152, %dma_wait3A_185] : memref<10240x128xf32, #tpu.memory_space<hbm>> -> memref<128x128xf32, #tpu.memory_space<hbm>>
        %dma_wait3A_187 = arith.constant 0 : i32
        %dma_wait3A_188 = tpu.memref_slice %arg6[%add3A_152, %dma_wait3A_187] : memref<10240x128xf32, #tpu.memory_space<hbm>> -> memref<128x128xf32, #tpu.memory_space<hbm>>
        tpu.wait_dma2 semaphore(%run_scoped3A : memref<!tpu.dma_semaphore, #tpu.memory_space<semaphore_mem>>) src(%arg10 : memref<128x128xf32, #tpu.memory_space<vmem>>) dst(%dma_wait3A_188 : memref<128x128xf32, #tpu.memory_space<hbm>>)
        tpu.yield
      }) : () -> ()
      %mul3A_157 = arith.constant 640 : i32
      %mul3A_158 = arith.muli %arg1, %mul3A_157 : i32
      %add3A_159 = arith.constant 512 : i32
      %add3A_160 = arith.addi %mul3A_158, %add3A_159 : i32
      %dma_start3A_161 = arith.constant 0 : i32
      %dma_start3A_162 = tpu.memref_slice %arg12[%add3A_160, %dma_start3A_161] : memref<10240x128xf32, #tpu.memory_space<vmem_shared>> -> memref<128x128xf32, #tpu.memory_space<vmem_shared>>
      %dma_start3A_163 = arith.constant 0 : i32
      %dma_start3A_164 = tpu.memref_slice %arg12[%add3A_160, %dma_start3A_163] : memref<10240x128xf32, #tpu.memory_space<vmem_shared>> -> memref<128x128xf32, #tpu.memory_space<vmem_shared>>
      tpu.enqueue_dma source(%dma_start3A_164 : memref<128x128xf32, #tpu.memory_space<vmem_shared>>) target(%arg10 : memref<128x128xf32, #tpu.memory_space<vmem>>) target_semaphore(%arg13 : memref<!tpu.dma_semaphore, #tpu.memory_space<semaphore_mem>>)
      %mul3A_165 = arith.constant 640 : i32
      %mul3A_166 = arith.muli %arg1, %mul3A_165 : i32
      %add3A_167 = arith.constant 384 : i32
      %add3A_168 = arith.addi %mul3A_166, %add3A_167 : i32
      %dma_wait3A_169 = arith.constant 0 : i32
      %dma_wait3A_170 = tpu.memref_slice %arg12[%add3A_168, %dma_wait3A_169] : memref<10240x128xf32, #tpu.memory_space<vmem_shared>> -> memref<128x128xf32, #tpu.memory_space<vmem_shared>>
      %dma_wait3A_171 = arith.constant 0 : i32
      %dma_wait3A_172 = tpu.memref_slice %arg12[%add3A_168, %dma_wait3A_171] : memref<10240x128xf32, #tpu.memory_space<vmem_shared>> -> memref<128x128xf32, #tpu.memory_space<vmem_shared>>
      tpu.wait_dma2 semaphore(%arg14 : memref<!tpu.dma_semaphore, #tpu.memory_space<semaphore_mem>>) src(%dma_wait3A_172 : memref<128x128xf32, #tpu.memory_space<vmem_shared>>) dst(%arg11 : memref<128x128xf32, #tpu.memory_space<vmem>>)
      "tpu.region"() ({
        %run_scoped3A = tpu.sem_alloc : memref<!tpu.dma_semaphore, #tpu.memory_space<semaphore_mem>>
        %dma_start3A_181 = arith.constant 0 : i32
        %dma_start3A_182 = tpu.memref_slice %arg6[%add3A_168, %dma_start3A_181] : memref<10240x128xf32, #tpu.memory_space<hbm>> -> memref<128x128xf32, #tpu.memory_space<hbm>>
        %dma_start3A_183 = arith.constant 0 : i32
        %dma_start3A_184 = tpu.memref_slice %arg6[%add3A_168, %dma_start3A_183] : memref<10240x128xf32, #tpu.memory_space<hbm>> -> memref<128x128xf32, #tpu.memory_space<hbm>>
        tpu.enqueue_dma source(%arg11 : memref<128x128xf32, #tpu.memory_space<vmem>>) target(%dma_start3A_184 : memref<128x128xf32, #tpu.memory_space<hbm>>) target_semaphore(%run_scoped3A : memref<!tpu.dma_semaphore, #tpu.memory_space<semaphore_mem>>)
        %dma_wait3A_185 = arith.constant 0 : i32
        %dma_wait3A_186 = tpu.memref_slice %arg6[%add3A_168, %dma_wait3A_185] : memref<10240x128xf32, #tpu.memory_space<hbm>> -> memref<128x128xf32, #tpu.memory_space<hbm>>
        %dma_wait3A_187 = arith.constant 0 : i32
        %dma_wait3A_188 = tpu.memref_slice %arg6[%add3A_168, %dma_wait3A_187] : memref<10240x128xf32, #tpu.memory_space<hbm>> -> memref<128x128xf32, #tpu.memory_space<hbm>>
        tpu.wait_dma2 semaphore(%run_scoped3A : memref<!tpu.dma_semaphore, #tpu.memory_space<semaphore_mem>>) src(%arg11 : memref<128x128xf32, #tpu.memory_space<vmem>>) dst(%dma_wait3A_188 : memref<128x128xf32, #tpu.memory_space<hbm>>)
        tpu.yield
      }) : () -> ()
      %mul3A_173 = arith.constant 640 : i32
      %mul3A_174 = arith.muli %arg1, %mul3A_173 : i32
      %add3A_175 = arith.constant 512 : i32
      %add3A_176 = arith.addi %mul3A_174, %add3A_175 : i32
      %dma_wait3A_177 = arith.constant 0 : i32
      %dma_wait3A_178 = tpu.memref_slice %arg12[%add3A_176, %dma_wait3A_177] : memref<10240x128xf32, #tpu.memory_space<vmem_shared>> -> memref<128x128xf32, #tpu.memory_space<vmem_shared>>
      %dma_wait3A_179 = arith.constant 0 : i32
      %dma_wait3A_180 = tpu.memref_slice %arg12[%add3A_176, %dma_wait3A_179] : memref<10240x128xf32, #tpu.memory_space<vmem_shared>> -> memref<128x128xf32, #tpu.memory_space<vmem_shared>>
      tpu.wait_dma2 semaphore(%arg13 : memref<!tpu.dma_semaphore, #tpu.memory_space<semaphore_mem>>) src(%dma_wait3A_180 : memref<128x128xf32, #tpu.memory_space<vmem_shared>>) dst(%arg10 : memref<128x128xf32, #tpu.memory_space<vmem>>)
      "tpu.region"() ({
        %run_scoped3A = tpu.sem_alloc : memref<!tpu.dma_semaphore, #tpu.memory_space<semaphore_mem>>
        %dma_start3A_181 = arith.constant 0 : i32
        %dma_start3A_182 = tpu.memref_slice %arg6[%add3A_176, %dma_start3A_181] : memref<10240x128xf32, #tpu.memory_space<hbm>> -> memref<128x128xf32, #tpu.memory_space<hbm>>
        %dma_start3A_183 = arith.constant 0 : i32
        %dma_start3A_184 = tpu.memref_slice %arg6[%add3A_176, %dma_start3A_183] : memref<10240x128xf32, #tpu.memory_space<hbm>> -> memref<128x128xf32, #tpu.memory_space<hbm>>
        tpu.enqueue_dma source(%arg10 : memref<128x128xf32, #tpu.memory_space<vmem>>) target(%dma_start3A_184 : memref<128x128xf32, #tpu.memory_space<hbm>>) target_semaphore(%run_scoped3A : memref<!tpu.dma_semaphore, #tpu.memory_space<semaphore_mem>>)
        %dma_wait3A_185 = arith.constant 0 : i32
        %dma_wait3A_186 = tpu.memref_slice %arg6[%add3A_176, %dma_wait3A_185] : memref<10240x128xf32, #tpu.memory_space<hbm>> -> memref<128x128xf32, #tpu.memory_space<hbm>>
        %dma_wait3A_187 = arith.constant 0 : i32
        %dma_wait3A_188 = tpu.memref_slice %arg6[%add3A_176, %dma_wait3A_187] : memref<10240x128xf32, #tpu.memory_space<hbm>> -> memref<128x128xf32, #tpu.memory_space<hbm>>
        tpu.wait_dma2 semaphore(%run_scoped3A : memref<!tpu.dma_semaphore, #tpu.memory_space<semaphore_mem>>) src(%arg10 : memref<128x128xf32, #tpu.memory_space<vmem>>) dst(%dma_wait3A_188 : memref<128x128xf32, #tpu.memory_space<hbm>>)
        tpu.yield
      }) : () -> ()
    } else {
    }
    %eq3A_96 = arith.constant 1 : i32
    %eq3A_97 = arith.cmpi eq, %arg0, %eq3A_96 : i32
    %convert_element_type3A_98 = arith.extui %eq3A_97 : i1 to i32
    %cond3A_99 = arith.constant 0 : i32
    %cond3A_100 = arith.cmpi ne, %convert_element_type3A_98, %cond3A_99 : i32
    scf.if %cond3A_100 {
      %mul3A_101 = arith.constant 640 : i32
      %mul3A_102 = arith.muli %arg1, %mul3A_101 : i32
      %add3A_103 = arith.constant 0 : i32
      %add3A_104 = arith.addi %mul3A_102, %add3A_103 : i32
      %dma_start3A_105 = arith.constant 0 : i32
      %dma_start3A_106 = tpu.memref_slice %arg12[%add3A_104, %dma_start3A_105] : memref<10240x128xf32, #tpu.memory_space<vmem_shared>> -> memref<128x128xf32, #tpu.memory_space<vmem_shared>>
      %dma_start3A_107 = arith.constant 0 : i32
      %dma_start3A_108 = tpu.memref_slice %arg12[%add3A_104, %dma_start3A_107] : memref<10240x128xf32, #tpu.memory_space<vmem_shared>> -> memref<128x128xf32, #tpu.memory_space<vmem_shared>>
      tpu.enqueue_dma source(%dma_start3A_108 : memref<128x128xf32, #tpu.memory_space<vmem_shared>>) target(%arg10 : memref<128x128xf32, #tpu.memory_space<vmem>>) target_semaphore(%arg13 : memref<!tpu.dma_semaphore, #tpu.memory_space<semaphore_mem>>)
      %mul3A_109 = arith.constant 640 : i32
      %mul3A_110 = arith.muli %arg1, %mul3A_109 : i32
      %add3A_111 = arith.constant 128 : i32
      %add3A_112 = arith.addi %mul3A_110, %add3A_111 : i32
      %dma_start3A_113 = arith.constant 0 : i32
      %dma_start3A_114 = tpu.memref_slice %arg12[%add3A_112, %dma_start3A_113] : memref<10240x128xf32, #tpu.memory_space<vmem_shared>> -> memref<128x128xf32, #tpu.memory_space<vmem_shared>>
      %dma_start3A_115 = arith.constant 0 : i32
      %dma_start3A_116 = tpu.memref_slice %arg12[%add3A_112, %dma_start3A_115] : memref<10240x128xf32, #tpu.memory_space<vmem_shared>> -> memref<128x128xf32, #tpu.memory_space<vmem_shared>>
      tpu.enqueue_dma source(%dma_start3A_116 : memref<128x128xf32, #tpu.memory_space<vmem_shared>>) target(%arg11 : memref<128x128xf32, #tpu.memory_space<vmem>>) target_semaphore(%arg14 : memref<!tpu.dma_semaphore, #tpu.memory_space<semaphore_mem>>)
      %mul3A_117 = arith.constant 640 : i32
      %mul3A_118 = arith.muli %arg1, %mul3A_117 : i32
      %add3A_119 = arith.constant 0 : i32
      %add3A_120 = arith.addi %mul3A_118, %add3A_119 : i32
      %dma_wait3A_121 = arith.constant 0 : i32
      %dma_wait3A_122 = tpu.memref_slice %arg12[%add3A_120, %dma_wait3A_121] : memref<10240x128xf32, #tpu.memory_space<vmem_shared>> -> memref<128x128xf32, #tpu.memory_space<vmem_shared>>
      %dma_wait3A_123 = arith.constant 0 : i32
      %dma_wait3A_124 = tpu.memref_slice %arg12[%add3A_120, %dma_wait3A_123] : memref<10240x128xf32, #tpu.memory_space<vmem_shared>> -> memref<128x128xf32, #tpu.memory_space<vmem_shared>>
      tpu.wait_dma2 semaphore(%arg13 : memref<!tpu.dma_semaphore, #tpu.memory_space<semaphore_mem>>) src(%dma_wait3A_124 : memref<128x128xf32, #tpu.memory_space<vmem_shared>>) dst(%arg10 : memref<128x128xf32, #tpu.memory_space<vmem>>)
      "tpu.region"() ({
        %run_scoped3A = tpu.sem_alloc : memref<!tpu.dma_semaphore, #tpu.memory_space<semaphore_mem>>
        %dma_start3A_181 = arith.constant 0 : i32
        %dma_start3A_182 = tpu.memref_slice %arg7[%add3A_120, %dma_start3A_181] : memref<10240x128xf32, #tpu.memory_space<hbm>> -> memref<128x128xf32, #tpu.memory_space<hbm>>
        %dma_start3A_183 = arith.constant 0 : i32
        %dma_start3A_184 = tpu.memref_slice %arg7[%add3A_120, %dma_start3A_183] : memref<10240x128xf32, #tpu.memory_space<hbm>> -> memref<128x128xf32, #tpu.memory_space<hbm>>
        tpu.enqueue_dma source(%arg10 : memref<128x128xf32, #tpu.memory_space<vmem>>) target(%dma_start3A_184 : memref<128x128xf32, #tpu.memory_space<hbm>>) target_semaphore(%run_scoped3A : memref<!tpu.dma_semaphore, #tpu.memory_space<semaphore_mem>>)
        %dma_wait3A_185 = arith.constant 0 : i32
        %dma_wait3A_186 = tpu.memref_slice %arg7[%add3A_120, %dma_wait3A_185] : memref<10240x128xf32, #tpu.memory_space<hbm>> -> memref<128x128xf32, #tpu.memory_space<hbm>>
        %dma_wait3A_187 = arith.constant 0 : i32
        %dma_wait3A_188 = tpu.memref_slice %arg7[%add3A_120, %dma_wait3A_187] : memref<10240x128xf32, #tpu.memory_space<hbm>> -> memref<128x128xf32, #tpu.memory_space<hbm>>
        tpu.wait_dma2 semaphore(%run_scoped3A : memref<!tpu.dma_semaphore, #tpu.memory_space<semaphore_mem>>) src(%arg10 : memref<128x128xf32, #tpu.memory_space<vmem>>) dst(%dma_wait3A_188 : memref<128x128xf32, #tpu.memory_space<hbm>>)
        tpu.yield
      }) : () -> ()
      %mul3A_125 = arith.constant 640 : i32
      %mul3A_126 = arith.muli %arg1, %mul3A_125 : i32
      %add3A_127 = arith.constant 256 : i32
      %add3A_128 = arith.addi %mul3A_126, %add3A_127 : i32
      %dma_start3A_129 = arith.constant 0 : i32
      %dma_start3A_130 = tpu.memref_slice %arg12[%add3A_128, %dma_start3A_129] : memref<10240x128xf32, #tpu.memory_space<vmem_shared>> -> memref<128x128xf32, #tpu.memory_space<vmem_shared>>
      %dma_start3A_131 = arith.constant 0 : i32
      %dma_start3A_132 = tpu.memref_slice %arg12[%add3A_128, %dma_start3A_131] : memref<10240x128xf32, #tpu.memory_space<vmem_shared>> -> memref<128x128xf32, #tpu.memory_space<vmem_shared>>
      tpu.enqueue_dma source(%dma_start3A_132 : memref<128x128xf32, #tpu.memory_space<vmem_shared>>) target(%arg10 : memref<128x128xf32, #tpu.memory_space<vmem>>) target_semaphore(%arg13 : memref<!tpu.dma_semaphore, #tpu.memory_space<semaphore_mem>>)
      %mul3A_133 = arith.constant 640 : i32
      %mul3A_134 = arith.muli %arg1, %mul3A_133 : i32
      %add3A_135 = arith.constant 128 : i32
      %add3A_136 = arith.addi %mul3A_134, %add3A_135 : i32
      %dma_wait3A_137 = arith.constant 0 : i32
      %dma_wait3A_138 = tpu.memref_slice %arg12[%add3A_136, %dma_wait3A_137] : memref<10240x128xf32, #tpu.memory_space<vmem_shared>> -> memref<128x128xf32, #tpu.memory_space<vmem_shared>>
      %dma_wait3A_139 = arith.constant 0 : i32
      %dma_wait3A_140 = tpu.memref_slice %arg12[%add3A_136, %dma_wait3A_139] : memref<10240x128xf32, #tpu.memory_space<vmem_shared>> -> memref<128x128xf32, #tpu.memory_space<vmem_shared>>
      tpu.wait_dma2 semaphore(%arg14 : memref<!tpu.dma_semaphore, #tpu.memory_space<semaphore_mem>>) src(%dma_wait3A_140 : memref<128x128xf32, #tpu.memory_space<vmem_shared>>) dst(%arg11 : memref<128x128xf32, #tpu.memory_space<vmem>>)
      "tpu.region"() ({
        %run_scoped3A = tpu.sem_alloc : memref<!tpu.dma_semaphore, #tpu.memory_space<semaphore_mem>>
        %dma_start3A_181 = arith.constant 0 : i32
        %dma_start3A_182 = tpu.memref_slice %arg7[%add3A_136, %dma_start3A_181] : memref<10240x128xf32, #tpu.memory_space<hbm>> -> memref<128x128xf32, #tpu.memory_space<hbm>>
        %dma_start3A_183 = arith.constant 0 : i32
        %dma_start3A_184 = tpu.memref_slice %arg7[%add3A_136, %dma_start3A_183] : memref<10240x128xf32, #tpu.memory_space<hbm>> -> memref<128x128xf32, #tpu.memory_space<hbm>>
        tpu.enqueue_dma source(%arg11 : memref<128x128xf32, #tpu.memory_space<vmem>>) target(%dma_start3A_184 : memref<128x128xf32, #tpu.memory_space<hbm>>) target_semaphore(%run_scoped3A : memref<!tpu.dma_semaphore, #tpu.memory_space<semaphore_mem>>)
        %dma_wait3A_185 = arith.constant 0 : i32
        %dma_wait3A_186 = tpu.memref_slice %arg7[%add3A_136, %dma_wait3A_185] : memref<10240x128xf32, #tpu.memory_space<hbm>> -> memref<128x128xf32, #tpu.memory_space<hbm>>
        %dma_wait3A_187 = arith.constant 0 : i32
        %dma_wait3A_188 = tpu.memref_slice %arg7[%add3A_136, %dma_wait3A_187] : memref<10240x128xf32, #tpu.memory_space<hbm>> -> memref<128x128xf32, #tpu.memory_space<hbm>>
        tpu.wait_dma2 semaphore(%run_scoped3A : memref<!tpu.dma_semaphore, #tpu.memory_space<semaphore_mem>>) src(%arg11 : memref<128x128xf32, #tpu.memory_space<vmem>>) dst(%dma_wait3A_188 : memref<128x128xf32, #tpu.memory_space<hbm>>)
        tpu.yield
      }) : () -> ()
      %mul3A_141 = arith.constant 640 : i32
      %mul3A_142 = arith.muli %arg1, %mul3A_141 : i32
      %add3A_143 = arith.constant 384 : i32
      %add3A_144 = arith.addi %mul3A_142, %add3A_143 : i32
      %dma_start3A_145 = arith.constant 0 : i32
      %dma_start3A_146 = tpu.memref_slice %arg12[%add3A_144, %dma_start3A_145] : memref<10240x128xf32, #tpu.memory_space<vmem_shared>> -> memref<128x128xf32, #tpu.memory_space<vmem_shared>>
      %dma_start3A_147 = arith.constant 0 : i32
      %dma_start3A_148 = tpu.memref_slice %arg12[%add3A_144, %dma_start3A_147] : memref<10240x128xf32, #tpu.memory_space<vmem_shared>> -> memref<128x128xf32, #tpu.memory_space<vmem_shared>>
      tpu.enqueue_dma source(%dma_start3A_148 : memref<128x128xf32, #tpu.memory_space<vmem_shared>>) target(%arg11 : memref<128x128xf32, #tpu.memory_space<vmem>>) target_semaphore(%arg14 : memref<!tpu.dma_semaphore, #tpu.memory_space<semaphore_mem>>)
      %mul3A_149 = arith.constant 640 : i32
      %mul3A_150 = arith.muli %arg1, %mul3A_149 : i32
      %add3A_151 = arith.constant 256 : i32
      %add3A_152 = arith.addi %mul3A_150, %add3A_151 : i32
      %dma_wait3A_153 = arith.constant 0 : i32
      %dma_wait3A_154 = tpu.memref_slice %arg12[%add3A_152, %dma_wait3A_153] : memref<10240x128xf32, #tpu.memory_space<vmem_shared>> -> memref<128x128xf32, #tpu.memory_space<vmem_shared>>
      %dma_wait3A_155 = arith.constant 0 : i32
      %dma_wait3A_156 = tpu.memref_slice %arg12[%add3A_152, %dma_wait3A_155] : memref<10240x128xf32, #tpu.memory_space<vmem_shared>> -> memref<128x128xf32, #tpu.memory_space<vmem_shared>>
      tpu.wait_dma2 semaphore(%arg13 : memref<!tpu.dma_semaphore, #tpu.memory_space<semaphore_mem>>) src(%dma_wait3A_156 : memref<128x128xf32, #tpu.memory_space<vmem_shared>>) dst(%arg10 : memref<128x128xf32, #tpu.memory_space<vmem>>)
      "tpu.region"() ({
        %run_scoped3A = tpu.sem_alloc : memref<!tpu.dma_semaphore, #tpu.memory_space<semaphore_mem>>
        %dma_start3A_181 = arith.constant 0 : i32
        %dma_start3A_182 = tpu.memref_slice %arg7[%add3A_152, %dma_start3A_181] : memref<10240x128xf32, #tpu.memory_space<hbm>> -> memref<128x128xf32, #tpu.memory_space<hbm>>
        %dma_start3A_183 = arith.constant 0 : i32
        %dma_start3A_184 = tpu.memref_slice %arg7[%add3A_152, %dma_start3A_183] : memref<10240x128xf32, #tpu.memory_space<hbm>> -> memref<128x128xf32, #tpu.memory_space<hbm>>
        tpu.enqueue_dma source(%arg10 : memref<128x128xf32, #tpu.memory_space<vmem>>) target(%dma_start3A_184 : memref<128x128xf32, #tpu.memory_space<hbm>>) target_semaphore(%run_scoped3A : memref<!tpu.dma_semaphore, #tpu.memory_space<semaphore_mem>>)
        %dma_wait3A_185 = arith.constant 0 : i32
        %dma_wait3A_186 = tpu.memref_slice %arg7[%add3A_152, %dma_wait3A_185] : memref<10240x128xf32, #tpu.memory_space<hbm>> -> memref<128x128xf32, #tpu.memory_space<hbm>>
        %dma_wait3A_187 = arith.constant 0 : i32
        %dma_wait3A_188 = tpu.memref_slice %arg7[%add3A_152, %dma_wait3A_187] : memref<10240x128xf32, #tpu.memory_space<hbm>> -> memref<128x128xf32, #tpu.memory_space<hbm>>
        tpu.wait_dma2 semaphore(%run_scoped3A : memref<!tpu.dma_semaphore, #tpu.memory_space<semaphore_mem>>) src(%arg10 : memref<128x128xf32, #tpu.memory_space<vmem>>) dst(%dma_wait3A_188 : memref<128x128xf32, #tpu.memory_space<hbm>>)
        tpu.yield
      }) : () -> ()
      %mul3A_157 = arith.constant 640 : i32
      %mul3A_158 = arith.muli %arg1, %mul3A_157 : i32
      %add3A_159 = arith.constant 512 : i32
      %add3A_160 = arith.addi %mul3A_158, %add3A_159 : i32
      %dma_start3A_161 = arith.constant 0 : i32
      %dma_start3A_162 = tpu.memref_slice %arg12[%add3A_160, %dma_start3A_161] : memref<10240x128xf32, #tpu.memory_space<vmem_shared>> -> memref<128x128xf32, #tpu.memory_space<vmem_shared>>
      %dma_start3A_163 = arith.constant 0 : i32
      %dma_start3A_164 = tpu.memref_slice %arg12[%add3A_160, %dma_start3A_163] : memref<10240x128xf32, #tpu.memory_space<vmem_shared>> -> memref<128x128xf32, #tpu.memory_space<vmem_shared>>
      tpu.enqueue_dma source(%dma_start3A_164 : memref<128x128xf32, #tpu.memory_space<vmem_shared>>) target(%arg10 : memref<128x128xf32, #tpu.memory_space<vmem>>) target_semaphore(%arg13 : memref<!tpu.dma_semaphore, #tpu.memory_space<semaphore_mem>>)
      %mul3A_165 = arith.constant 640 : i32
      %mul3A_166 = arith.muli %arg1, %mul3A_165 : i32
      %add3A_167 = arith.constant 384 : i32
      %add3A_168 = arith.addi %mul3A_166, %add3A_167 : i32
      %dma_wait3A_169 = arith.constant 0 : i32
      %dma_wait3A_170 = tpu.memref_slice %arg12[%add3A_168, %dma_wait3A_169] : memref<10240x128xf32, #tpu.memory_space<vmem_shared>> -> memref<128x128xf32, #tpu.memory_space<vmem_shared>>
      %dma_wait3A_171 = arith.constant 0 : i32
      %dma_wait3A_172 = tpu.memref_slice %arg12[%add3A_168, %dma_wait3A_171] : memref<10240x128xf32, #tpu.memory_space<vmem_shared>> -> memref<128x128xf32, #tpu.memory_space<vmem_shared>>
      tpu.wait_dma2 semaphore(%arg14 : memref<!tpu.dma_semaphore, #tpu.memory_space<semaphore_mem>>) src(%dma_wait3A_172 : memref<128x128xf32, #tpu.memory_space<vmem_shared>>) dst(%arg11 : memref<128x128xf32, #tpu.memory_space<vmem>>)
      "tpu.region"() ({
        %run_scoped3A = tpu.sem_alloc : memref<!tpu.dma_semaphore, #tpu.memory_space<semaphore_mem>>
        %dma_start3A_181 = arith.constant 0 : i32
        %dma_start3A_182 = tpu.memref_slice %arg7[%add3A_168, %dma_start3A_181] : memref<10240x128xf32, #tpu.memory_space<hbm>> -> memref<128x128xf32, #tpu.memory_space<hbm>>
        %dma_start3A_183 = arith.constant 0 : i32
        %dma_start3A_184 = tpu.memref_slice %arg7[%add3A_168, %dma_start3A_183] : memref<10240x128xf32, #tpu.memory_space<hbm>> -> memref<128x128xf32, #tpu.memory_space<hbm>>
        tpu.enqueue_dma source(%arg11 : memref<128x128xf32, #tpu.memory_space<vmem>>) target(%dma_start3A_184 : memref<128x128xf32, #tpu.memory_space<hbm>>) target_semaphore(%run_scoped3A : memref<!tpu.dma_semaphore, #tpu.memory_space<semaphore_mem>>)
        %dma_wait3A_185 = arith.constant 0 : i32
        %dma_wait3A_186 = tpu.memref_slice %arg7[%add3A_168, %dma_wait3A_185] : memref<10240x128xf32, #tpu.memory_space<hbm>> -> memref<128x128xf32, #tpu.memory_space<hbm>>
        %dma_wait3A_187 = arith.constant 0 : i32
        %dma_wait3A_188 = tpu.memref_slice %arg7[%add3A_168, %dma_wait3A_187] : memref<10240x128xf32, #tpu.memory_space<hbm>> -> memref<128x128xf32, #tpu.memory_space<hbm>>
        tpu.wait_dma2 semaphore(%run_scoped3A : memref<!tpu.dma_semaphore, #tpu.memory_space<semaphore_mem>>) src(%arg11 : memref<128x128xf32, #tpu.memory_space<vmem>>) dst(%dma_wait3A_188 : memref<128x128xf32, #tpu.memory_space<hbm>>)
        tpu.yield
      }) : () -> ()
      %mul3A_173 = arith.constant 640 : i32
      %mul3A_174 = arith.muli %arg1, %mul3A_173 : i32
      %add3A_175 = arith.constant 512 : i32
      %add3A_176 = arith.addi %mul3A_174, %add3A_175 : i32
      %dma_wait3A_177 = arith.constant 0 : i32
      %dma_wait3A_178 = tpu.memref_slice %arg12[%add3A_176, %dma_wait3A_177] : memref<10240x128xf32, #tpu.memory_space<vmem_shared>> -> memref<128x128xf32, #tpu.memory_space<vmem_shared>>
      %dma_wait3A_179 = arith.constant 0 : i32
      %dma_wait3A_180 = tpu.memref_slice %arg12[%add3A_176, %dma_wait3A_179] : memref<10240x128xf32, #tpu.memory_space<vmem_shared>> -> memref<128x128xf32, #tpu.memory_space<vmem_shared>>
      tpu.wait_dma2 semaphore(%arg13 : memref<!tpu.dma_semaphore, #tpu.memory_space<semaphore_mem>>) src(%dma_wait3A_180 : memref<128x128xf32, #tpu.memory_space<vmem_shared>>) dst(%arg10 : memref<128x128xf32, #tpu.memory_space<vmem>>)
      "tpu.region"() ({
        %run_scoped3A = tpu.sem_alloc : memref<!tpu.dma_semaphore, #tpu.memory_space<semaphore_mem>>
        %dma_start3A_181 = arith.constant 0 : i32
        %dma_start3A_182 = tpu.memref_slice %arg7[%add3A_176, %dma_start3A_181] : memref<10240x128xf32, #tpu.memory_space<hbm>> -> memref<128x128xf32, #tpu.memory_space<hbm>>
        %dma_start3A_183 = arith.constant 0 : i32
        %dma_start3A_184 = tpu.memref_slice %arg7[%add3A_176, %dma_start3A_183] : memref<10240x128xf32, #tpu.memory_space<hbm>> -> memref<128x128xf32, #tpu.memory_space<hbm>>
        tpu.enqueue_dma source(%arg10 : memref<128x128xf32, #tpu.memory_space<vmem>>) target(%dma_start3A_184 : memref<128x128xf32, #tpu.memory_space<hbm>>) target_semaphore(%run_scoped3A : memref<!tpu.dma_semaphore, #tpu.memory_space<semaphore_mem>>)
        %dma_wait3A_185 = arith.constant 0 : i32
        %dma_wait3A_186 = tpu.memref_slice %arg7[%add3A_176, %dma_wait3A_185] : memref<10240x128xf32, #tpu.memory_space<hbm>> -> memref<128x128xf32, #tpu.memory_space<hbm>>
        %dma_wait3A_187 = arith.constant 0 : i32
        %dma_wait3A_188 = tpu.memref_slice %arg7[%add3A_176, %dma_wait3A_187] : memref<10240x128xf32, #tpu.memory_space<hbm>> -> memref<128x128xf32, #tpu.memory_space<hbm>>
        tpu.wait_dma2 semaphore(%run_scoped3A : memref<!tpu.dma_semaphore, #tpu.memory_space<semaphore_mem>>) src(%arg10 : memref<128x128xf32, #tpu.memory_space<vmem>>) dst(%dma_wait3A_188 : memref<128x128xf32, #tpu.memory_space<hbm>>)
        tpu.yield
      }) : () -> ()
    } else {
    }
    return
  }
}

module attributes {stable_mosaic.version = 14 : i64} {
  func.func @_tc_layer1_body(%arg0: i32, %arg1: memref<256x256xf32, #tpu.memory_space<vmem>>, %arg2: memref<256x256xf32, #tpu.memory_space<vmem>>, %arg3: memref<256x128xf32, #tpu.memory_space<vmem>>, %arg4: memref<256x128xf32, #tpu.memory_space<vmem>>, %arg5: memref<256x128xf32, #tpu.memory_space<vmem>>, %arg6: memref<256x128xf32, #tpu.memory_space<vmem>>) attributes {dimension_semantics = [#tpu.dimension_semantics<arbitrary>], iteration_bounds = array<i64: 40>, scalar_prefetch = 0 : i64, scratch_operands = 0 : i64, tpu.core_type = #tpu.core_type<tc>, window_params = [{transform_indices = @transform_0, window_bounds = array<i64: 256, 256>}, {pipeline_mode = #tpu.pipeline_mode<synchronous>, transform_indices = @transform_1, window_bounds = array<i64: 256, 256>}, {transform_indices = @transform_2, window_bounds = array<i64: 256, 128>}, {transform_indices = @transform_3, window_bounds = array<i64: 256, 128>}, {transform_indices = @transform_4, window_bounds = array<i64: 256, 128>}, {transform_indices = @transform_5, window_bounds = array<i64: 256, 128>}]} {
    %get3A = arith.constant 0 : index
    %get3A_0 = arith.constant 0 : index
    %get3A_1 = vector.load %arg3[%get3A, %get3A_0] : memref<256x128xf32, #tpu.memory_space<vmem>>, vector<256x128xf32>
    %get3A_2 = arith.constant 0 : index
    %get3A_3 = arith.constant 0 : index
    %get3A_4 = vector.load %arg4[%get3A_2, %get3A_3] : memref<256x128xf32, #tpu.memory_space<vmem>>, vector<256x128xf32>
    %slice3A = vector.extract_strided_slice %get3A_1 {offsets = [0, 0], sizes = [256, 1], strides = [1, 1]} : vector<256x128xf32> to vector<256x1xf32>
    %add3A = arith.constant 1.000000e+00 : f32
    %add3A_5 = vector.broadcast %add3A : f32 to vector<256x1xf32>
    %add3A_6 = arith.addf %add3A_5, %slice3A : vector<256x1xf32>
    %slice3A_7 = vector.extract_strided_slice %get3A_4 {offsets = [0, 0], sizes = [256, 1], strides = [1, 1]} : vector<256x128xf32> to vector<256x1xf32>
    %add3A_8 = arith.addf %add3A_6, %slice3A_7 : vector<256x1xf32>
    %rsqrt3A = math.rsqrt %add3A_8 : vector<256x1xf32>
    %get3A_9 = arith.constant 0 : index
    %get3A_10 = arith.constant 0 : index
    %get3A_11 = vector.load %arg1[%get3A_9, %get3A_10] : memref<256x256xf32, #tpu.memory_space<vmem>>, vector<256x256xf32>
    %get3A_12 = arith.constant 0 : index
    %get3A_13 = arith.constant 0 : index
    %get3A_14 = vector.load %arg2[%get3A_12, %get3A_13] : memref<256x256xf32, #tpu.memory_space<vmem>>, vector<256x256xf32>
    %dot_general3A = arith.constant dense<0.000000e+00> : vector<256x256xf32>
    %dot_general3A_15 = tpu.matmul %get3A_11, %get3A_14, %dot_general3A {dimension_numbers = #tpu.dot_dimension_numbers<[1], [0], [0], [1], [0, 0, 1, 1], [], []>, transpose_lhs_hint = false} : vector<256x256xf32>, vector<256x256xf32>, vector<256x256xf32> -> vector<256x256xf32>
    %mul3A = vector.broadcast %rsqrt3A : vector<256x1xf32> to vector<256x256xf32>
    %mul3A_16 = arith.mulf %dot_general3A_15, %mul3A : vector<256x256xf32>
    %slice3A_17 = vector.extract_strided_slice %mul3A_16 {offsets = [0, 0], sizes = [256, 128], strides = [1, 1]} : vector<256x256xf32> to vector<256x128xf32>
    %swap3A = arith.constant 0 : index
    %swap3A_18 = arith.constant 0 : index
    %swap3A_19 = vector.load %arg5[%swap3A, %swap3A_18] : memref<256x128xf32, #tpu.memory_space<vmem>>, vector<256x128xf32>
    tpu.vector_store %arg5[%swap3A, %swap3A_18], %slice3A_17 {strides = array<i32>} : memref<256x128xf32, #tpu.memory_space<vmem>>, vector<256x128xf32>,
    %slice3A_20 = vector.extract_strided_slice %mul3A_16 {offsets = [0, 128], sizes = [256, 128], strides = [1, 1]} : vector<256x256xf32> to vector<256x128xf32>
    %swap3A_21 = arith.constant 0 : index
    %swap3A_22 = arith.constant 0 : index
    %swap3A_23 = vector.load %arg6[%swap3A_21, %swap3A_22] : memref<256x128xf32, #tpu.memory_space<vmem>>, vector<256x128xf32>
    tpu.vector_store %arg6[%swap3A_21, %swap3A_22], %slice3A_20 {strides = array<i32>} : memref<256x128xf32, #tpu.memory_space<vmem>>, vector<256x128xf32>,
    return
  }
  func.func @transform_0(%arg0: i32) -> (i32, i32) {
    %c0_i32 = arith.constant 0 : i32
    %c0_i32_0 = arith.constant 0 : i32
    return %arg0, %c0_i32 : i32, i32
  }
  func.func @transform_1(%arg0: i32) -> (i32, i32) {
    %c0_i32 = arith.constant 0 : i32
    %c0_i32_0 = arith.constant 0 : i32
    %c0_i32_1 = arith.constant 0 : i32
    return %c0_i32, %c0_i32_0 : i32, i32
  }
  func.func @transform_2(%arg0: i32) -> (i32, i32) {
    %c0_i32 = arith.constant 0 : i32
    %c0_i32_0 = arith.constant 0 : i32
    return %arg0, %c0_i32 : i32, i32
  }
  func.func @transform_3(%arg0: i32) -> (i32, i32) {
    %c0_i32 = arith.constant 0 : i32
    %c0_i32_0 = arith.constant 0 : i32
    return %arg0, %c0_i32 : i32, i32
  }
  func.func @transform_4(%arg0: i32) -> (i32, i32) {
    %c0_i32 = arith.constant 0 : i32
    %c0_i32_0 = arith.constant 0 : i32
    return %arg0, %c0_i32 : i32, i32
  }
  func.func @transform_5(%arg0: i32) -> (i32, i32) {
    %c0_i32 = arith.constant 0 : i32
    %c0_i32_0 = arith.constant 0 : i32
    return %arg0, %c0_i32 : i32, i32
  }
}

module attributes {stable_mosaic.version = 14 : i64} {
  func.func @_tc_mid_body(%arg0: i32, %arg1: memref<256x128xf32, #tpu.memory_space<vmem>>, %arg2: memref<256x128xf32, #tpu.memory_space<vmem>>, %arg3: memref<256x128xf32, #tpu.memory_space<vmem>>, %arg4: memref<256x128xf32, #tpu.memory_space<vmem>>, %arg5: memref<256x128xf32, #tpu.memory_space<vmem>>, %arg6: memref<256x128xf32, #tpu.memory_space<vmem>>, %arg7: memref<2x128xf32, #tpu.memory_space<vmem>>, %arg8: memref<256x128xf32, #tpu.memory_space<vmem>>, %arg9: memref<256x128xf32, #tpu.memory_space<vmem>>) attributes {dimension_semantics = [#tpu.dimension_semantics<arbitrary>], iteration_bounds = array<i64: 40>, scalar_prefetch = 0 : i64, scratch_operands = 0 : i64, tpu.core_type = #tpu.core_type<tc>, window_params = [{transform_indices = @transform_0, window_bounds = array<i64: 256, 128>}, {transform_indices = @transform_1, window_bounds = array<i64: 256, 128>}, {transform_indices = @transform_2, window_bounds = array<i64: 256, 128>}, {transform_indices = @transform_3, window_bounds = array<i64: 256, 128>}, {transform_indices = @transform_4, window_bounds = array<i64: 256, 128>}, {transform_indices = @transform_5, window_bounds = array<i64: 256, 128>}, {pipeline_mode = #tpu.pipeline_mode<synchronous>, transform_indices = @transform_6, window_bounds = array<i64: 2, 128>}, {transform_indices = @transform_7, window_bounds = array<i64: 256, 128>}, {transform_indices = @transform_8, window_bounds = array<i64: 256, 128>}]} {
    %get3A = arith.constant 0 : index
    %get3A_0 = arith.constant 0 : index
    %get3A_1 = vector.load %arg5[%get3A, %get3A_0] : memref<256x128xf32, #tpu.memory_space<vmem>>, vector<256x128xf32>
    %get3A_2 = arith.constant 0 : index
    %get3A_3 = arith.constant 0 : index
    %get3A_4 = vector.load %arg6[%get3A_2, %get3A_3] : memref<256x128xf32, #tpu.memory_space<vmem>>, vector<256x128xf32>
    %slice3A = vector.extract_strided_slice %get3A_1 {offsets = [0, 0], sizes = [256, 1], strides = [1, 1]} : vector<256x128xf32> to vector<256x1xf32>
    %add3A = arith.constant 1.000000e+00 : f32
    %add3A_5 = vector.broadcast %add3A : f32 to vector<256x1xf32>
    %add3A_6 = arith.addf %add3A_5, %slice3A : vector<256x1xf32>
    %slice3A_7 = vector.extract_strided_slice %get3A_4 {offsets = [0, 0], sizes = [256, 1], strides = [1, 1]} : vector<256x128xf32> to vector<256x1xf32>
    %add3A_8 = arith.addf %add3A_6, %slice3A_7 : vector<256x1xf32>
    %rsqrt3A = math.rsqrt %add3A_8 : vector<256x1xf32>
    %get3A_9 = arith.constant 0 : index
    %get3A_10 = arith.constant 0 : index
    %get3A_11 = vector.load %arg1[%get3A_9, %get3A_10] : memref<256x128xf32, #tpu.memory_space<vmem>>, vector<256x128xf32>
    %get3A_12 = arith.constant 0 : index
    %get3A_13 = arith.constant 0 : index
    %get3A_14 = vector.load %arg3[%get3A_12, %get3A_13] : memref<256x128xf32, #tpu.memory_space<vmem>>, vector<256x128xf32>
    %add3A_15 = arith.addf %get3A_11, %get3A_14 : vector<256x128xf32>
    %mul3A = vector.broadcast %rsqrt3A : vector<256x1xf32> to vector<256x128xf32>
    %mul3A_16 = arith.mulf %mul3A, %add3A_15 : vector<256x128xf32>
    %get3A_17 = arith.constant 0 : index
    %get3A_18 = arith.constant 0 : index
    %get3A_19 = vector.load %arg7[%get3A_17, %get3A_18] : memref<2x128xf32, #tpu.memory_space<vmem>>, vector<1x128xf32>
    %add3A_20 = vector.broadcast %get3A_19 : vector<1x128xf32> to vector<256x128xf32>
    %add3A_21 = arith.addf %mul3A_16, %add3A_20 : vector<256x128xf32>
    %get3A_22 = arith.constant 0 : index
    %get3A_23 = arith.constant 0 : index
    %get3A_24 = vector.load %arg2[%get3A_22, %get3A_23] : memref<256x128xf32, #tpu.memory_space<vmem>>, vector<256x128xf32>
    %get3A_25 = arith.constant 0 : index
    %get3A_26 = arith.constant 0 : index
    %get3A_27 = vector.load %arg4[%get3A_25, %get3A_26] : memref<256x128xf32, #tpu.memory_space<vmem>>, vector<256x128xf32>
    %add3A_28 = arith.addf %get3A_24, %get3A_27 : vector<256x128xf32>
    %mul3A_29 = vector.broadcast %rsqrt3A : vector<256x1xf32> to vector<256x128xf32>
    %mul3A_30 = arith.mulf %mul3A_29, %add3A_28 : vector<256x128xf32>
    %get3A_31 = arith.constant 1 : index
    %get3A_32 = arith.constant 0 : index
    %get3A_33 = vector.load %arg7[%get3A_31, %get3A_32] : memref<2x128xf32, #tpu.memory_space<vmem>>, vector<1x128xf32>
    %add3A_34 = vector.broadcast %get3A_33 : vector<1x128xf32> to vector<256x128xf32>
    %add3A_35 = arith.addf %mul3A_30, %add3A_34 : vector<256x128xf32>
    %max3A = arith.constant 0.000000e+00 : f32
    %max3A_36 = vector.broadcast %max3A : f32 to vector<256x128xf32>
    %max3A_37 = arith.maximumf %add3A_21, %max3A_36 : vector<256x128xf32>
    %mul3A_38 = vector.broadcast %rsqrt3A : vector<256x1xf32> to vector<256x128xf32>
    %mul3A_39 = arith.mulf %mul3A_38, %max3A_37 : vector<256x128xf32>
    %swap3A = arith.constant 0 : index
    %swap3A_40 = arith.constant 0 : index
    %swap3A_41 = vector.load %arg8[%swap3A, %swap3A_40] : memref<256x128xf32, #tpu.memory_space<vmem>>, vector<256x128xf32>
    tpu.vector_store %arg8[%swap3A, %swap3A_40], %mul3A_39 {strides = array<i32>} : memref<256x128xf32, #tpu.memory_space<vmem>>, vector<256x128xf32>,
    %max3A_42 = arith.constant 0.000000e+00 : f32
    %max3A_43 = vector.broadcast %max3A_42 : f32 to vector<256x128xf32>
    %max3A_44 = arith.maximumf %add3A_35, %max3A_43 : vector<256x128xf32>
    %mul3A_45 = vector.broadcast %rsqrt3A : vector<256x1xf32> to vector<256x128xf32>
    %mul3A_46 = arith.mulf %mul3A_45, %max3A_44 : vector<256x128xf32>
    %swap3A_47 = arith.constant 0 : index
    %swap3A_48 = arith.constant 0 : index
    %swap3A_49 = vector.load %arg9[%swap3A_47, %swap3A_48] : memref<256x128xf32, #tpu.memory_space<vmem>>, vector<256x128xf32>
    tpu.vector_store %arg9[%swap3A_47, %swap3A_48], %mul3A_46 {strides = array<i32>} : memref<256x128xf32, #tpu.memory_space<vmem>>, vector<256x128xf32>,
    return
  }
  func.func @transform_0(%arg0: i32) -> (i32, i32) {
    %c0_i32 = arith.constant 0 : i32
    %c0_i32_0 = arith.constant 0 : i32
    return %arg0, %c0_i32 : i32, i32
  }
  func.func @transform_1(%arg0: i32) -> (i32, i32) {
    %c0_i32 = arith.constant 0 : i32
    %c0_i32_0 = arith.constant 0 : i32
    return %arg0, %c0_i32 : i32, i32
  }
  func.func @transform_2(%arg0: i32) -> (i32, i32) {
    %c0_i32 = arith.constant 0 : i32
    %c0_i32_0 = arith.constant 0 : i32
    return %arg0, %c0_i32 : i32, i32
  }
  func.func @transform_3(%arg0: i32) -> (i32, i32) {
    %c0_i32 = arith.constant 0 : i32
    %c0_i32_0 = arith.constant 0 : i32
    return %arg0, %c0_i32 : i32, i32
  }
  func.func @transform_4(%arg0: i32) -> (i32, i32) {
    %c0_i32 = arith.constant 0 : i32
    %c0_i32_0 = arith.constant 0 : i32
    return %arg0, %c0_i32 : i32, i32
  }
  func.func @transform_5(%arg0: i32) -> (i32, i32) {
    %c0_i32 = arith.constant 0 : i32
    %c0_i32_0 = arith.constant 0 : i32
    return %arg0, %c0_i32 : i32, i32
  }
  func.func @transform_6(%arg0: i32) -> (i32, i32) {
    %c0_i32 = arith.constant 0 : i32
    %c0_i32_0 = arith.constant 0 : i32
    %c0_i32_1 = arith.constant 0 : i32
    return %c0_i32, %c0_i32_0 : i32, i32
  }
  func.func @transform_7(%arg0: i32) -> (i32, i32) {
    %c0_i32 = arith.constant 0 : i32
    %c0_i32_0 = arith.constant 0 : i32
    return %arg0, %c0_i32 : i32, i32
  }
  func.func @transform_8(%arg0: i32) -> (i32, i32) {
    %c0_i32 = arith.constant 0 : i32
    %c0_i32_0 = arith.constant 0 : i32
    return %arg0, %c0_i32 : i32, i32
  }
}

module attributes {stable_mosaic.version = 14 : i64} {
  func.func @_tc_final_body(%arg0: i32, %arg1: memref<256x128xf32, #tpu.memory_space<vmem>>, %arg2: memref<256x128xf32, #tpu.memory_space<vmem>>, %arg3: memref<256x128xf32, #tpu.memory_space<vmem>>, %arg4: memref<256x128xf32, #tpu.memory_space<vmem>>, %arg5: memref<256x128xf32, #tpu.memory_space<vmem>>, %arg6: memref<256x128xf32, #tpu.memory_space<vmem>>, %arg7: memref<256x128xf32, #tpu.memory_space<vmem>>, %arg8: memref<1x128xf32, #tpu.memory_space<vmem>>, %arg9: memref<256x128xf32, #tpu.memory_space<vmem>>, %arg10: memref<1x128xf32, #tpu.memory_space<vmem>>, %arg11: memref<256x128xf32, #tpu.memory_space<vmem>>, %arg12: memref<256x128xf32, #tpu.memory_space<vmem>>) attributes {dimension_semantics = [#tpu.dimension_semantics<arbitrary>], iteration_bounds = array<i64: 40>, scalar_prefetch = 0 : i64, scratch_operands = 0 : i64, tpu.core_type = #tpu.core_type<tc>, window_params = [{transform_indices = @transform_0, window_bounds = array<i64: 256, 128>}, {transform_indices = @transform_1, window_bounds = array<i64: 256, 128>}, {transform_indices = @transform_2, window_bounds = array<i64: 256, 128>}, {transform_indices = @transform_3, window_bounds = array<i64: 256, 128>}, {transform_indices = @transform_4, window_bounds = array<i64: 256, 128>}, {transform_indices = @transform_5, window_bounds = array<i64: 256, 128>}, {pipeline_mode = #tpu.pipeline_mode<synchronous>, transform_indices = @transform_6, window_bounds = array<i64: 256, 128>}, {pipeline_mode = #tpu.pipeline_mode<synchronous>, transform_indices = @transform_7, window_bounds = array<i64: 1, 128>}, {pipeline_mode = #tpu.pipeline_mode<synchronous>, transform_indices = @transform_8, window_bounds = array<i64: 256, 128>}, {pipeline_mode = #tpu.pipeline_mode<synchronous>, transform_indices = @transform_9, window_bounds = array<i64: 1, 128>}, {transform_indices = @transform_10, window_bounds = array<i64: 256, 128>}, {transform_indices = @transform_11, window_bounds = array<i64: 256, 128>}]} {
    %get3A = arith.constant 0 : index
    %get3A_0 = arith.constant 0 : index
    %get3A_1 = vector.load %arg5[%get3A, %get3A_0] : memref<256x128xf32, #tpu.memory_space<vmem>>, vector<256x128xf32>
    %get3A_2 = arith.constant 0 : index
    %get3A_3 = arith.constant 0 : index
    %get3A_4 = vector.load %arg6[%get3A_2, %get3A_3] : memref<256x128xf32, #tpu.memory_space<vmem>>, vector<256x128xf32>
    %slice3A = vector.extract_strided_slice %get3A_1 {offsets = [0, 0], sizes = [256, 1], strides = [1, 1]} : vector<256x128xf32> to vector<256x1xf32>
    %add3A = arith.constant 1.000000e+00 : f32
    %add3A_5 = vector.broadcast %add3A : f32 to vector<256x1xf32>
    %add3A_6 = arith.addf %add3A_5, %slice3A : vector<256x1xf32>
    %slice3A_7 = vector.extract_strided_slice %get3A_4 {offsets = [0, 0], sizes = [256, 1], strides = [1, 1]} : vector<256x128xf32> to vector<256x1xf32>
    %add3A_8 = arith.addf %add3A_6, %slice3A_7 : vector<256x1xf32>
    %rsqrt3A = math.rsqrt %add3A_8 : vector<256x1xf32>
    %get3A_9 = arith.constant 0 : index
    %get3A_10 = arith.constant 0 : index
    %get3A_11 = vector.load %arg1[%get3A_9, %get3A_10] : memref<256x128xf32, #tpu.memory_space<vmem>>, vector<256x128xf32>
    %get3A_12 = arith.constant 0 : index
    %get3A_13 = arith.constant 0 : index
    %get3A_14 = vector.load %arg3[%get3A_12, %get3A_13] : memref<256x128xf32, #tpu.memory_space<vmem>>, vector<256x128xf32>
    %add3A_15 = arith.addf %get3A_11, %get3A_14 : vector<256x128xf32>
    %mul3A = vector.broadcast %rsqrt3A : vector<256x1xf32> to vector<256x128xf32>
    %mul3A_16 = arith.mulf %mul3A, %add3A_15 : vector<256x128xf32>
    %get3A_17 = arith.constant 0 : index
    %get3A_18 = arith.constant 0 : index
    %get3A_19 = vector.load %arg2[%get3A_17, %get3A_18] : memref<256x128xf32, #tpu.memory_space<vmem>>, vector<256x128xf32>
    %get3A_20 = arith.constant 0 : index
    %get3A_21 = arith.constant 0 : index
    %get3A_22 = vector.load %arg4[%get3A_20, %get3A_21] : memref<256x128xf32, #tpu.memory_space<vmem>>, vector<256x128xf32>
    %add3A_23 = arith.addf %get3A_19, %get3A_22 : vector<256x128xf32>
    %mul3A_24 = vector.broadcast %rsqrt3A : vector<256x1xf32> to vector<256x128xf32>
    %mul3A_25 = arith.mulf %mul3A_24, %add3A_23 : vector<256x128xf32>
    %get3A_26 = arith.constant 0 : index
    %get3A_27 = arith.constant 0 : index
    %get3A_28 = vector.load %arg7[%get3A_26, %get3A_27] : memref<256x128xf32, #tpu.memory_space<vmem>>, vector<256x128xf32>
    %get3A_29 = arith.constant 0 : index
    %get3A_30 = arith.constant 0 : index
    %get3A_31 = vector.load %arg9[%get3A_29, %get3A_30] : memref<256x128xf32, #tpu.memory_space<vmem>>, vector<256x128xf32>
    %slice3A_32 = vector.extract_strided_slice %get3A_28 {offsets = [0, 0], sizes = [128, 128], strides = [1, 1]} : vector<256x128xf32> to vector<128x128xf32>
    %dot_general3A = arith.constant dense<0.000000e+00> : vector<256x128xf32>
    %dot_general3A_33 = tpu.matmul %mul3A_16, %slice3A_32, %dot_general3A {dimension_numbers = #tpu.dot_dimension_numbers<[1], [0], [0], [1], [0, 0, 1, 1], [], []>, transpose_lhs_hint = false} : vector<256x128xf32>, vector<128x128xf32>, vector<256x128xf32> -> vector<256x128xf32>
    %slice3A_34 = vector.extract_strided_slice %get3A_28 {offsets = [128, 0], sizes = [128, 128], strides = [1, 1]} : vector<256x128xf32> to vector<128x128xf32>
    %dot_general3A_35 = arith.constant dense<0.000000e+00> : vector<256x128xf32>
    %dot_general3A_36 = tpu.matmul %mul3A_25, %slice3A_34, %dot_general3A_35 {dimension_numbers = #tpu.dot_dimension_numbers<[1], [0], [0], [1], [0, 0, 1, 1], [], []>, transpose_lhs_hint = false} : vector<256x128xf32>, vector<128x128xf32>, vector<256x128xf32> -> vector<256x128xf32>
    %add3A_37 = arith.addf %dot_general3A_33, %dot_general3A_36 : vector<256x128xf32>
    %get3A_38 = arith.constant 0 : index
    %get3A_39 = arith.constant 0 : index
    %get3A_40 = vector.load %arg8[%get3A_38, %get3A_39] : memref<1x128xf32, #tpu.memory_space<vmem>>, vector<1x128xf32>
    %add3A_41 = vector.broadcast %get3A_40 : vector<1x128xf32> to vector<256x128xf32>
    %add3A_42 = arith.addf %add3A_37, %add3A_41 : vector<256x128xf32>
    %swap3A = arith.constant 0 : index
    %swap3A_43 = arith.constant 0 : index
    %swap3A_44 = vector.load %arg11[%swap3A, %swap3A_43] : memref<256x128xf32, #tpu.memory_space<vmem>>, vector<256x128xf32>
    tpu.vector_store %arg11[%swap3A, %swap3A_43], %add3A_42 {strides = array<i32>} : memref<256x128xf32, #tpu.memory_space<vmem>>, vector<256x128xf32>,
    %slice3A_45 = vector.extract_strided_slice %get3A_31 {offsets = [0, 0], sizes = [128, 128], strides = [1, 1]} : vector<256x128xf32> to vector<128x128xf32>
    %dot_general3A_46 = arith.constant dense<0.000000e+00> : vector<256x128xf32>
    %dot_general3A_47 = tpu.matmul %mul3A_16, %slice3A_45, %dot_general3A_46 {dimension_numbers = #tpu.dot_dimension_numbers<[1], [0], [0], [1], [0, 0, 1, 1], [], []>, transpose_lhs_hint = false} : vector<256x128xf32>, vector<128x128xf32>, vector<256x128xf32> -> vector<256x128xf32>
    %slice3A_48 = vector.extract_strided_slice %get3A_31 {offsets = [128, 0], sizes = [128, 128], strides = [1, 1]} : vector<256x128xf32> to vector<128x128xf32>
    %dot_general3A_49 = arith.constant dense<0.000000e+00> : vector<256x128xf32>
    %dot_general3A_50 = tpu.matmul %mul3A_25, %slice3A_48, %dot_general3A_49 {dimension_numbers = #tpu.dot_dimension_numbers<[1], [0], [0], [1], [0, 0, 1, 1], [], []>, transpose_lhs_hint = false} : vector<256x128xf32>, vector<128x128xf32>, vector<256x128xf32> -> vector<256x128xf32>
    %add3A_51 = arith.addf %dot_general3A_47, %dot_general3A_50 : vector<256x128xf32>
    %get3A_52 = arith.constant 0 : index
    %get3A_53 = arith.constant 0 : index
    %get3A_54 = vector.load %arg10[%get3A_52, %get3A_53] : memref<1x128xf32, #tpu.memory_space<vmem>>, vector<1x128xf32>
    %add3A_55 = vector.broadcast %get3A_54 : vector<1x128xf32> to vector<256x128xf32>
    %add3A_56 = arith.addf %add3A_51, %add3A_55 : vector<256x128xf32>
    %swap3A_57 = arith.constant 0 : index
    %swap3A_58 = arith.constant 0 : index
    %swap3A_59 = vector.load %arg12[%swap3A_57, %swap3A_58] : memref<256x128xf32, #tpu.memory_space<vmem>>, vector<256x128xf32>
    tpu.vector_store %arg12[%swap3A_57, %swap3A_58], %add3A_56 {strides = array<i32>} : memref<256x128xf32, #tpu.memory_space<vmem>>, vector<256x128xf32>,
    return
  }
  func.func @transform_0(%arg0: i32) -> (i32, i32) {
    %c0_i32 = arith.constant 0 : i32
    %c0_i32_0 = arith.constant 0 : i32
    return %arg0, %c0_i32 : i32, i32
  }
  func.func @transform_1(%arg0: i32) -> (i32, i32) {
    %c0_i32 = arith.constant 0 : i32
    %c0_i32_0 = arith.constant 0 : i32
    return %arg0, %c0_i32 : i32, i32
  }
  func.func @transform_2(%arg0: i32) -> (i32, i32) {
    %c0_i32 = arith.constant 0 : i32
    %c0_i32_0 = arith.constant 0 : i32
    return %arg0, %c0_i32 : i32, i32
  }
  func.func @transform_3(%arg0: i32) -> (i32, i32) {
    %c0_i32 = arith.constant 0 : i32
    %c0_i32_0 = arith.constant 0 : i32
    return %arg0, %c0_i32 : i32, i32
  }
  func.func @transform_4(%arg0: i32) -> (i32, i32) {
    %c0_i32 = arith.constant 0 : i32
    %c0_i32_0 = arith.constant 0 : i32
    return %arg0, %c0_i32 : i32, i32
  }
  func.func @transform_5(%arg0: i32) -> (i32, i32) {
    %c0_i32 = arith.constant 0 : i32
    %c0_i32_0 = arith.constant 0 : i32
    return %arg0, %c0_i32 : i32, i32
  }
  func.func @transform_6(%arg0: i32) -> (i32, i32) {
    %c0_i32 = arith.constant 0 : i32
    %c0_i32_0 = arith.constant 0 : i32
    %c0_i32_1 = arith.constant 0 : i32
    return %c0_i32, %c0_i32_0 : i32, i32
  }
  func.func @transform_7(%arg0: i32) -> (i32, i32) {
    %c0_i32 = arith.constant 0 : i32
    %c0_i32_0 = arith.constant 0 : i32
    %c0_i32_1 = arith.constant 0 : i32
    return %c0_i32, %c0_i32_0 : i32, i32
  }
  func.func @transform_8(%arg0: i32) -> (i32, i32) {
    %c0_i32 = arith.constant 0 : i32
    %c0_i32_0 = arith.constant 0 : i32
    %c0_i32_1 = arith.constant 0 : i32
    return %c0_i32, %c0_i32_0 : i32, i32
  }
  func.func @transform_9(%arg0: i32) -> (i32, i32) {
    %c0_i32 = arith.constant 0 : i32
    %c0_i32_0 = arith.constant 0 : i32
    %c0_i32_1 = arith.constant 0 : i32
    return %c0_i32, %c0_i32_0 : i32, i32
  }
  func.func @transform_10(%arg0: i32) -> (i32, i32) {
    %c0_i32 = arith.constant 0 : i32
    %c0_i32_0 = arith.constant 0 : i32
    return %arg0, %c0_i32 : i32, i32
  }
  func.func @transform_11(%arg0: i32) -> (i32, i32) {
    %c0_i32 = arith.constant 0 : i32
    %c0_i32_0 = arith.constant 0 : i32
    return %arg0, %c0_i32 : i32, i32
  }
}

</mosaic_0001>

<sc_bundles>
// kernel: kernel.11.cloned.1.call-start
scs
__scs_entry_jumppad:
0x0: {  	(pc) =	sbr.rel $0x88, $3  }
0x1: {  	(tag) =	ssettag $0x0;
	lr =	simm.s32 $0x1  }
0x2: {  	[smem:$0x3F99] =	sst lr;
	_ =	strace $0xD0000000  }
0x3: {  	_ = 	snop  }
0x4: {  	_ = 	snop  }
0x5: {  	_ = 	snop  }
0x6: {  	_ = 	snop  }
0x7: {  	_ = 	snop  }
__scs_overlays_trampoline_lowered:
0x8: {  	[smem:$0x3FA8] =	sst s0  }
0x9: {  	[smem:$0x3FA9] =	sst s1  }
0xa: {  	[smem:$0x3FAA] =	sst s2  }
0xb: {  	[smem:$0x3FAB] =	sst s3  }
0xc: {  	[smem:$0x3FAC] =	sst s4  }
0xd: {  	[smem:$0x3FAD] =	sst s5  }
0xe: {  	[smem:$0x3FAE] =	sst s6  }
0xf: {  	[smem:$0x3FAF] =	sst s7  }
0x10: {  	[smem:$0x3FB0] =	sst s8  }
0x11: {  	[smem:$0x3FB1] =	sst s9;
	s0 =	simm.s32 @!p0 $0x0  }
0x12: {  	s1 =	sld [smem:$0x3F97];
	s0 =	simm.s32 @p0 $0x1  }
0x13: {  	[smem:$0x3FB2] =	sst s0;
	s0 =	simm.s32 @!p1 $0x0  }
0x14: {  	s2 =	sld [smem:$0x3F96];
	s0 =	simm.s32 @p1 $0x1  }
0x15: {  	[smem:$0x3FB3] =	sst s0;
	s0 =	simm.s32 @!p2 $0x0  }
0x16: {  	s3 =	sld [smem:$0x3FDB];
	s0 =	simm.s32 @p2 $0x1  }
0x17: {  	s4 =	simm.s32 $0x1BF5;
	[smem:$0x3FB5] =	sst s0  }
0x18: {  	s0 =	sld [smem:$0x3F98];
	_ =	swait.ge [sflag:s4], $0x0  }
0x19: {  	s7 =	sld [smem:$0x3F99]  }
0x1a: {  	s8 =	sadd.s32 $0xFFFFE003, lr  }
0x1b: {  	s9 =	sadd.s32 $0xFFFFFEF7, lr;
	s5 =	simm.s32 $0xFFFFFFFF;
	p2 =	slt.u32 s8, $0xFFFFF086  }
0x1c: {  	p1 =	slt.u32 s9, $0xF7A;
	s5 =	simm.s32 @!p2 $0x0  }
0x1d: {  	s5 =	simm.s32 @p1 $0x1;
	p0 =	seq.s32 s7, s2  }
0x1e: {  	s7 =	smul.u32 @!p0 $0xF7A, s2;
	p2 =	seq.s32 @!p0 s5, $0x0  }
0x1f: {  	s9 =	smul.u32 $0xF7A, s1;
	s8 =	simm.s32 @!p0 $0x1BF5;
	p2 =	por !p2, p0  }
0x20: {  	[sflag:s8] =	ssyncset.s32 @!p0 $0xFFFFF086;
	s6 =	sadd.s32 @!p0 s3, s7;
	s7 =	simm.s32 @!p0 $0x108  }
0x21: {  	s3 =	sadd.s32 s3, s9;
	s6 =	sadd.s32 @!p0 $0x88, s6;
	s7 =	simm.s32 @p2 $0x1082  }
0x22: {  	[simem:s7], [sflag:s8] =	dma.local @!p0 [hbm:s6], $0xF7A  }
0x23: {  	s9 =	sor.u32 $0xD0000000, s2;
	s6 =	simm.s32 $0x108;
	_ =	swait.ge @!p0 [sflag:s8], $0x0  }
0x24: {  	s3 =	sadd.s32 $0x88, s3;
	s6 =	simm.s32 @!p1 $0x1082;
	[sflag:s4] =	ssyncset.s32 $0xFFFFF086  }
0x25: {  	[simem:s6], [sflag:s4] =	dma.local [hbm:s3], $0xF7A  }
0x26: {  	[smem:$0x3F99] =	sst s1;
	(tag) =	ssettag s2;
	_ =	strace s9  }
0x27: {  	s1 =	sld [smem:$0x3FA9]  }
0x28: {  	s2 =	sld [smem:$0x3FAA]  }
0x29: {  	s4 =	sld [smem:$0x3FAC]  }
0x2a: {  	p0 =	seq.s32 s5, $0x0;
	s5 =	sld [smem:$0x3FAD]  }
0x2b: {  	s6 =	sld [smem:$0x3FAE]  }
0x2c: {  	s7 =	sld [smem:$0x3FAF]  }
0x2d: {  	s3 =	simm.s32 $0x108;
	s8 =	sld [smem:$0x3FB0]  }
0x2e: {  	s3 =	simm.s32 @!p0 $0x1082;
	s9 =	sld [smem:$0x3FB1]  }
0x2f: {  	lr =	sadd.s32 s0, s3;
	s0 =	sld [smem:$0x3FA8]  }
0x30: {  	s3 =	sld [smem:$0x3FAB]  }
0x31: {  	[smem:$0x3FB4] =	sst s10  }
0x32: {  	s10 =	sld [smem:$0x3FB2];
	_ =	sdelay $0x3  }
0x33: {  	p0 =	seq.s32 s10, $0x1;
	s10 =	sld [smem:$0x3FB4];
	_ =	sdelay $0x3  }
0x34: {  	[smem:$0x3FB4] =	sst s10  }
0x35: {  	s10 =	sld [smem:$0x3FB3];
	_ =	sdelay $0x3  }
0x36: {  	p1 =	seq.s32 s10, $0x1;
	s10 =	sld [smem:$0x3FB4];
	_ =	sdelay $0x3  }
0x37: {  	[smem:$0x3FB4] =	sst s10  }
0x38: {  	s10 =	sld [smem:$0x3FB5]  }
0x39: {  	_ = 	snop;
	(pc) =	sbr.ind lr, $3  }
0x3a: {  	_ = 	snop  }
0x3b: {  	_ = 	snop  }
0x3c: {  	p2 =	seq.s32 s10, $0x1;
	s10 =	sld [smem:$0x3FB4]  }
0x3d: {  	_ =	shalt  }
0x3e: {  	_ =	shalt  }
0x3f: {  	_ =	shalt  }
0x40: {  	_ =	shalt  }
0x41: {  	_ =	shalt  }
0x42: {  	_ =	shalt  }
0x43: {  	_ =	shalt  }
0x44: {  	_ =	shalt  }
0x45: {  	_ =	shalt  }
0x46: {  	_ =	shalt  }
0x47: {  	_ =	shalt  }
0x48: {  	_ =	shalt  }
0x49: {  	_ =	shalt  }
0x4a: {  	_ =	shalt  }
0x4b: {  	_ =	shalt  }
0x4c: {  	_ =	shalt  }
0x4d: {  	_ =	shalt  }
0x4e: {  	_ =	shalt  }
0x4f: {  	_ =	shalt  }
0x50: {  	_ =	shalt  }
0x51: {  	_ =	shalt  }
0x52: {  	_ =	shalt  }
0x53: {  	_ =	shalt  }
0x54: {  	_ =	shalt  }
0x55: {  	_ =	shalt  }
0x56: {  	_ =	shalt  }
0x57: {  	_ =	shalt  }
0x58: {  	_ =	shalt  }
0x59: {  	_ =	shalt  }
0x5a: {  	_ =	shalt  }
0x5b: {  	_ =	shalt  }
0x5c: {  	_ =	shalt  }
0x5d: {  	_ =	shalt  }
0x5e: {  	_ =	shalt  }
0x5f: {  	_ =	shalt  }
0x60: {  	_ =	shalt  }
0x61: {  	_ =	shalt  }
0x62: {  	_ =	shalt  }
0x63: {  	_ =	shalt  }
0x64: {  	_ =	shalt  }
0x65: {  	_ =	shalt  }
0x66: {  	_ =	shalt  }
0x67: {  	_ =	shalt  }
0x68: {  	_ =	shalt  }
0x69: {  	_ =	shalt  }
0x6a: {  	_ =	shalt  }
0x6b: {  	_ =	shalt  }
0x6c: {  	_ =	shalt  }
0x6d: {  	_ =	shalt  }
0x6e: {  	_ =	shalt  }
0x6f: {  	_ =	shalt  }
0x70: {  	_ =	shalt  }
0x71: {  	_ =	shalt  }
0x72: {  	_ =	shalt  }
0x73: {  	_ =	shalt  }
0x74: {  	_ =	shalt  }
0x75: {  	_ =	shalt  }
0x76: {  	_ =	shalt  }
0x77: {  	_ =	shalt  }
0x78: {  	_ =	shalt  }
0x79: {  	_ =	shalt  }
0x7a: {  	_ =	shalt  }
0x7b: {  	_ =	shalt  }
0x7c: {  	_ =	shalt  }
0x7d: {  	_ =	shalt  }
0x7e: {  	_ =	shalt  }
0x7f: {  	_ =	shalt  }
0x80: {  	_ =	shalt  }
0x81: {  	_ =	shalt  }
0x82: {  	_ =	shalt  }
0x83: {  	_ =	shalt  }
0x84: {  	_ =	shalt  }
0x85: {  	_ =	shalt  }
0x86: {  	_ =	shalt  }
0x87: {  	_ =	shalt  }
.Lfunc_end0:
.L_simem_size_0:
called_computation.1_lowered:
.L_overlay_start_0:
0x88: {  	s2 =	sld [smem:$0x3FD9]  }
0x89: {  	s3 =	sld [smem:$0x3FFE];
	_ =	sdelay $0x1  }
0x8a: {  	s1 =	srdreg.scid  }
0x8b: {  	s0 =	sand.u32 $0x1, s1  }
0x8c: {  	s14 =	sshll.u32 s0, $0xA;
	s2 =	sadd.s32 s3, s2  }
0x8d: {  	s2 =	sadd.s32 s2, s14  }
0x8e: {  	[smem:$0x3FC0] =	sst s2  }
0x8f: {  	_ = 	snop  }
0x90: {  	s2 =	sld [smem:$0x3FD0];
	_ =	sdelay $0x2  }
0x91: {  	s15 =	simm.s32 $0xA;
	s4 =	simm.s32 $0x10  }
0x92: {  	[smem:s4], [sflag:s15] =	dma.local [hbm:s2], $0x1  }
0x93: {  	_ =	swait.eq [sflag:s15], $0x1  }
0x94: {  	[sflag:s15] =	ssyncset.done $0x0  }
0x95: {  	s16 =	sld [smem:$0x10];
	[sflag:s15] =	ssyncadd.s32 $0xFFFFFFFF  }
0x96: {  	s17 =	sld [smem:$0x11];
	(tm) =	ssettm $0x1  }
0x97: {  	s18 =	sld [smem:$0x3FFB];
	_ =	sdelay $0x3  }
0x98: {  	_ =	strace s18  }
0x99: {  	s4 =	sld [smem:$0x3FFC];
	_ =	sdelay $0x3  }
0x9a: {  	_ =	strace s4  }
0x9b: {  	s4 =	sld [smem:$0x3FFD];
	_ =	sdelay $0x3  }
0x9c: {  	_ =	strace s4  }
0x9d: {  	_ =	strace $0x8FFFFFFF  }
0x9e: {  	s19 =	sld [smem:$0x3FDB];
	_ =	sdelay $0x1  }
0x9f: {  	s5 =	simm.s32 $_scs_section_size  }
0xa0: {  	s6 =	simm.s32 $_size__tile_overlayer_lowered;
	s7 =	simm.s32 $_tile_overlayer_lowered  }
0xa1: {  	s22 =	simm.s32 $0x1BFF;
	s21 =	sshll.u32 s7, $0x1;
	s4 =	sadd.s32 s5, s19  }
0xa2: {  	s8 =	simm.s32 $0x0;
	s20 =	sshll.u32 s6, $0x1;
	s6 =	sadd.s32 s21, s4  }
0xa3: {  	[timem:s8], [sflag:s22] =	dma.local [hbm:s6], s20  }
0xa4: {  	_ =	swait.ge [sflag:s22], s20  }
0xa5: {  	s5 =	ssub.s32 $0x0, s20;
	[sflag:s22] =	ssyncset.done $0x0  }
0xa6: {  	[sflag:s22] =	ssyncadd.s32 s5;
	_ =	sdelay $0x1  }
0xa7: {  	s23 =	simm.s32 $0x1B8B  }
0xa8: {  	_ =	swait.ge [sflag:s23], $0x1  }
0xa9: {  	[sflag:s23] =	ssyncset.done $0x0  }
0xaa: {  	s25 =	simm.s32 $0x1B8E;
	s24 =	sld [smem:$0x3FFE];
	[sflag:s23] =	ssyncadd.s32 $0xFFFFFFFF  }
0xab: {  	s26 =	simm.s32 $execute0_lowered;
	[smem:$0x3FD2] =	sst s25  }
0xac: {  	s6 =	sshll.u32 s26, $0x1;
	_ =	strace $0x80000049;
	[dreg:$0x1] =	wrdreg $0xFFFFFFFF  }
0xad: {  	s28 =	simm.s32 $_size_execute0_lowered;
	s4 =	sadd.s32 s4, s6;
	[dreg:$0x0] =	wrdreg $0x0  }
0xae: {  	s6 =	sshll.u32 s28, $0x1;
	[dreg:$0x2] =	wrdreg s4  }
0xaf: {  	[dreg:$0x3] =	wrdreg s6  }
0xb0: {  	[dreg:$0x4] =	wrdreg $0xC0  }
0xb1: {  	_ =	task [dreg:s8], $0x5FFFF  }
0xb2: {  	[dreg:$0x1] =	wrdreg $0xFFFFFFFF  }
0xb3: {  	[dreg:$0x0] =	wrdreg $0x60  }
0xb4: {  	[dreg:$0x2] =	wrdreg s24  }
0xb5: {  	[dreg:$0x3] =	wrdreg s17  }
0xb6: {  	[dreg:$0x4] =	wrdreg s16  }
0xb7: {  	[dreg:$0x5] =	wrdreg $0xA8000  }
0xb8: {  	[dreg:$0x6] =	wrdreg $0x9  }
0xb9: {  	_ =	task.clear_ibuf [dreg:s8], $0x7FFFF;
	_ =	strace $0x90000049  }
0xba: {  	s29 =	simm.s32 $0x9;
	_ =	strace $0x8000004B  }
0xbb: {  	_ =	swait.ge [sflag:s29], $0x1  }
0xbc: {  	[sflag:s29] =	ssyncadd.s32 $0xFFFFFFFF  }
0xbd: {  	_ =	strace $0x9000004B  }
0xbe: {  	_ =	sfence  }
0xbf: {  	s30 =	sld [smem:$0x0];
	_ =	sdelay $0x2  }
0xc0: {  	s31 =	sshll.u32 s1, $0xD;
	s1 =	sshrl.u32 s1, $0x2  }
0xc1: {  	s3 =	sand.u32 $0x4000, s31;
	s1 =	sadd.s32 s1, s30  }
0xc2: {  	s0 =	sor.u32 s3, s0;
	s1 =	sshll.u32 s1, $0x11  }
0xc3: {  	s0 =	sor.u32 s1, s0  }
0xc4: {  	s0 =	sadd.s32 $0x8F2B, s0  }
0xc5: {  	[sflag:s0] =	ssyncadd.remote.s32 $0x1  }
0xc6: {  	_ =	sfence.sel $0xFFFF  }
0xc7: {  	[dreg:$0x0] =	wrdreg $0xFFFFFFFF;
	(pc) =	sbr.abs _section_cstart, $3  }
0xc8: {  	[dreg:$0x1] =	wrdreg $0xFFFFFFFF  }
0xc9: {  	_ =	task.clear_ibuf [dreg:s8], $0x2FFFF;
	_ =	strace $0x9FFFFFFF  }
0xca: {  	(tm) =	ssettm $0x7FFFFFFF  }
0xcb: {  	_ =	shalt  }
tec
execute0_lowered:
.L_overlay_start_1:
0x0: {  	(tag) =	ssettag $0x1  }
0x1: {  	s0 =	rddreg [dreg:$0x0]  }
0x2: {  	s3 =	rddreg [dreg:$0x1]  }
0x3: {  	s6 =	rddreg [dreg:$0x2]  }
0x4: {  	s1 =	rddreg [dreg:$0x3]  }
0x5: {  	s2 =	simm.s32 $0x0;
	s7 =	srdreg.scid;
	s14 =	stileid.u32  }
0x6: {  	s28 =	simm.s32 $0x80;
	s29 =	simm.s32 $0x6800;
	s30 =	simm.s32 $0x2  }
0x7: {  	s31 =	simm.s32 $0x2700;
	[smem:$0x7FF] =	sst s2;
	s4 =	sadd.s32 $0x53800, s0  }
0x8: {  	s5 =	sadd.s32 $0x7B800, s0;
	s7 =	sand.u32 $0x1, s7;
	s11 =	smul.u32 $0x280, s14  }
0x9: {  	s8 =	sadd.s32 $0xA3800, s0;
	s0 =	sadd.s32 $0xCB800, s0;
	s9 =	smul.u32 $0x50000, s14  }
0xa: {  	s15 =	smul.u32 $0x500, s14;
	_ =	strace $0x8000004A;
	[dreg:$0x5] =	wrdreg s8  }
0xb: {  	s23 =	ssub.s32 $0x2, s7;
	[dreg:$0x6] =	wrdreg s0;
	p0 =	sne.s32 s7, $0x0  }
0xc: {  	s24 =	sshrl.u32 s23, $0x1;
	s18 =	sadd.s32 $0x80, s11;
	s19 =	sadd.s32 $0x100, s11  }
0xd: {  	s25 =	sshrl.u32 s9, $0x2;
	s20 =	sadd.s32 $0x180, s11;
	s21 =	sadd.s32 $0x200, s11  }
0xe: {  	s11 =	smul.u32 $0x2800, s14;
	s14 =	sadd.s32 s3, s15;
	s15 =	sadd.s32 s6, s15  }
0xf: {  	s0 =	ssub.s32 s23, s24;
	s26 =	sshll.u32 s18, $0x7;
	s10 =	sshll.u32 s19, $0x7  }
0x10: {  	s8 =	sadd.s32 s25, s1;
	s12 =	sshll.u32 s20, $0x7;
	s13 =	sshll.u32 s21, $0x7  }
0x11: {  	[dreg:$0x7] =	wrdreg s14;
	s18 =	sshll.u32 s18, $0x4;
	s19 =	sshll.u32 s19, $0x4  }
0x12: {  	s20 =	sshll.u32 s20, $0x4;
	s21 =	sshll.u32 s21, $0x4;
	s23 =	simm.s32 $0x2800  }
.Ltmp0:
0x13: {  	s24 =	simm.s32 $0x1;
	s25 =	simm.s32 $0x3;
	(pc) =	sbr.rel .LBB2_1-.Ltmp0, $4  }
0x14: {  	s9 =	sadd.s32 s26, s1;
	s10 =	sadd.s32 s10, s1;
	s12 =	sadd.s32 s12, s1  }
0x15: {  	s13 =	sadd.s32 s13, s1;
	s16 =	sshrl.u32 s11, $0x3;
	s22 =	smax.u32 s0, $0x1  }
0x16: {  	s26 =	simm.s32 $0x1400;
	s0 =	simm.s32 $0x2780;
	s17 =	sadd.s32 $0x280, s16  }
0x17: {  	v0 =	vimm.f32 $0.0e+00;
	s16 =	sadd.s32 s3, s17;
	s17 =	sadd.s32 s6, s17;
	s3 =	simm.s32 $0x0  }
.LBB2_13:
0x18: {  	[tilespmem:s29], [sflag:$0x2] =	stream.indirect.gather [hbm4b:s5+s28], $0x80, s7, s28, $0xb8;
	[tilespmem:$0x1E800] =	vst v63  }
0x19: {  	s6 =	rddreg [dreg:$0x6]  }
.LBB2_14:
0x1a: {  	_ =	swait.ge [sflag:s24], $0x4000  }
0x1b: {  	[sflag:s24] =	ssyncset.done $0x0  }
0x1c: {  	[sflag:s24] =	ssyncadd.s32 $0xFFFFC000  }
0x1d: {  	[spmem:s1] =	stream.indirect.scatter.add.f32 [tilespmem:s23], [sflag:$0x3], $0x80, s31, s28, $0xb8;
	[tilespmem:$0x1E800] =	vst v63  }
0x1e: {  	_ =	swait.ge [sflag:s25], $0x4000  }
0x1f: {  	[sflag:s25] =	ssyncset.done $0x0  }
0x20: {  	[sflag:s25] =	ssyncadd.s32 $0xFFFFC000  }
0x21: {  	_ =	swait.ge [sflag:s30], $0x4000  }
0x22: {  	[sflag:s30] =	ssyncset.done $0x0  }
0x23: {  	[sflag:s30] =	ssyncadd.s32 $0xFFFFC000  }
0x24: {  	[spmem:s1] =	stream.indirect.scatter.add.f32 [tilespmem:s29], [sflag:$0x3], $0x80, s0, s28, $0xb8;
	[tilespmem:$0x1E800] =	vst v63  }
0x25: {  	_ =	swait.ge [sflag:s25], $0x4000  }
0x26: {  	[sflag:s25] =	ssyncset.done $0x0  }
0x27: {  	[sflag:s25] =	ssyncadd.s32 $0xFFFFC000  }
0x28: {  	[bflag:$0x0] =	sbarrier.arrive $0xFFFF  }
0x29: {  	[tilespmem:s23], [sflag:$0x1] =	stream.linear.gather [spmem:s8], $0x4000, $0x38;
	[tilespmem:$0x1E800] =	vst v63  }
0x2a: {  	_ = 	snop  }
0x2b: {  	[tilespmem:s29], [sflag:$0x2] =	stream.linear.gather [spmem:s9], $0x4000, $0x38;
	[tilespmem:$0x1E800] =	vst v63  }
0x2c: {  	_ =	swait.ge [sflag:s24], $0x4000  }
0x2d: {  	[sflag:s24] =	ssyncset.done $0x0  }
0x2e: {  	s7 =	sadd.s32 s6, s11;
	[sflag:s24] =	ssyncadd.s32 $0xFFFFC000  }
0x2f: {  	[hbm4b:s7+s2] =	stream.linear.scatter [tilespmem:s23], [sflag:$0x3], $0x4000, $0x38;
	[tilespmem:$0x1E800] =	vst v63  }
0x30: {  	_ =	swait.ge [sflag:s25], $0x4000  }
0x31: {  	[sflag:s25] =	ssyncset.done $0x0  }
0x32: {  	[sflag:s25] =	ssyncadd.s32 $0xFFFFC000  }
0x33: {  	[tilespmem:s23], [sflag:$0x1] =	stream.linear.gather [spmem:s10], $0x4000, $0x38;
	[tilespmem:$0x1E800] =	vst v63  }
0x34: {  	_ =	swait.ge [sflag:s30], $0x4000  }
0x35: {  	[sflag:s30] =	ssyncset.done $0x0  }
0x36: {  	s14 =	sadd.s32 s6, s18;
	[sflag:s30] =	ssyncadd.s32 $0xFFFFC000  }
0x37: {  	[hbm4b:s14+s2] =	stream.linear.scatter [tilespmem:s29], [sflag:$0x3], $0x4000, $0x38;
	[tilespmem:$0x1E800] =	vst v63  }
0x38: {  	_ =	swait.ge [sflag:s25], $0x4000  }
0x39: {  	[sflag:s25] =	ssyncset.done $0x0  }
0x3a: {  	[sflag:s25] =	ssyncadd.s32 $0xFFFFC000  }
0x3b: {  	[tilespmem:s29], [sflag:$0x2] =	stream.linear.gather [spmem:s12], $0x4000, $0x38;
	[tilespmem:$0x1E800] =	vst v63  }
0x3c: {  	_ =	swait.ge [sflag:s24], $0x4000  }
0x3d: {  	[sflag:s24] =	ssyncset.done $0x0  }
0x3e: {  	s14 =	sadd.s32 s6, s19;
	[sflag:s24] =	ssyncadd.s32 $0xFFFFC000  }
0x3f: {  	[hbm4b:s14+s2] =	stream.linear.scatter [tilespmem:s23], [sflag:$0x3], $0x4000, $0x38;
	[tilespmem:$0x1E800] =	vst v63  }
0x40: {  	_ =	swait.ge [sflag:s25], $0x4000  }
0x41: {  	[sflag:s25] =	ssyncset.done $0x0  }
0x42: {  	[sflag:s25] =	ssyncadd.s32 $0xFFFFC000  }
0x43: {  	[tilespmem:s23], [sflag:$0x1] =	stream.linear.gather [spmem:s13], $0x4000, $0x38;
	[tilespmem:$0x1E800] =	vst v63  }
0x44: {  	_ =	swait.ge [sflag:s30], $0x4000  }
0x45: {  	[sflag:s30] =	ssyncset.done $0x0  }
0x46: {  	s14 =	sadd.s32 s6, s20;
	[sflag:s30] =	ssyncadd.s32 $0xFFFFC000  }
0x47: {  	[hbm4b:s14+s2] =	stream.linear.scatter [tilespmem:s29], [sflag:$0x3], $0x4000, $0x38;
	[tilespmem:$0x1E800] =	vst v63  }
0x48: {  	_ =	swait.ge [sflag:s25], $0x4000  }
0x49: {  	[sflag:s25] =	ssyncset.done $0x0  }
0x4a: {  	[sflag:s25] =	ssyncadd.s32 $0xFFFFC000  }
0x4b: {  	s3 =	sadd.s32 $0x1, s3;
	_ =	swait.ge [sflag:s24], $0x4000  }
0x4c: {  	p1 =	sne.s32 s3, s22;
	[sflag:s24] =	ssyncset.done $0x0  }
.Ltmp1:
0x4d: {  	s14 =	sadd.s32 s6, s21;
	[sflag:s24] =	ssyncadd.s32 $0xFFFFC000;
	(pc) =	sbr.rel @!p1 .LBB2_15-.Ltmp1, $4  }
0x4e: {  	[hbm4b:s14+s2] =	stream.linear.scatter [tilespmem:s23], [sflag:$0x3], $0x4000, $0x38;
	[tilespmem:$0x1E800] =	vst v63  }
0x4f: {  	_ =	swait.ge [sflag:s25], $0x4000  }
0x50: {  	[sflag:s25] =	ssyncset.done $0x0  }
0x51: {  	[sflag:s25] =	ssyncadd.s32 $0xFFFFC000  }
.LBB2_1:
0x52: {  	s6 =	simm.s32 $0x0;
	s7 =	simm.s32 $0x200  }
.LBB2_2:
0x53: {  	p1 =	sne.s32 s7, $0xFE00;
	[tilespmem:s6+$0x2870] =	vst v0  }
0x54: {  	[tilespmem:s6+$0x2800] =	vst v0  }
0x55: {  	[tilespmem:s6+$0x2810] =	vst v0  }
.Ltmp2:
0x56: {  	[tilespmem:s6+$0x2820] =	vst v0;
	(pc) =	sbr.rel @p1 .LBB2_2-.Ltmp2, $4  }
0x57: {  	[tilespmem:s6+$0x2830] =	vst v0  }
0x58: {  	[tilespmem:s6+$0x2840] =	vst v0  }
0x59: {  	[tilespmem:s6+$0x2850] =	vst v0  }
0x5a: {  	[tilespmem:s6+$0x2860] =	vst v0;
	s6 =	sshra.s32 s7, $0x2;
	s7 =	sadd.s32 $0x200, s7  }
0x5b: {  	[tilespmem:s6+$0x2870] =	vst v0  }
0x5c: {  	[tilespmem:s6+$0x2800] =	vst v0  }
0x5d: {  	[tilespmem:s6+$0x2810] =	vst v0  }
0x5e: {  	[tilespmem:s6+$0x2820] =	vst v0  }
0x5f: {  	[tilespmem:s6+$0x2830] =	vst v0  }
0x60: {  	[tilespmem:s6+$0x2840] =	vst v0  }
0x61: {  	[tilespmem:s6+$0x2850] =	vst v0  }
0x62: {  	[tilespmem:s6+$0x2860] =	vst v0  }
0x63: {  	[spmem:s8] =	stream.linear.scatter [tilespmem:s23], [sflag:$0x1], $0x4000, $0x38;
	[tilespmem:$0x1E800] =	vst v63  }
0x64: {  	_ = 	snop  }
0x65: {  	[spmem:s9] =	stream.linear.scatter [tilespmem:s23], [sflag:$0x1], $0x4000, $0x38;
	[tilespmem:$0x1E800] =	vst v63  }
0x66: {  	_ = 	snop  }
0x67: {  	[spmem:s10] =	stream.linear.scatter [tilespmem:s23], [sflag:$0x1], $0x4000, $0x38;
	[tilespmem:$0x1E800] =	vst v63  }
0x68: {  	_ = 	snop  }
0x69: {  	[spmem:s12] =	stream.linear.scatter [tilespmem:s23], [sflag:$0x1], $0x4000, $0x38;
	[tilespmem:$0x1E800] =	vst v63  }
0x6a: {  	_ = 	snop  }
0x6b: {  	[spmem:s13] =	stream.linear.scatter [tilespmem:s23], [sflag:$0x1], $0x4000, $0x38;
	[tilespmem:$0x1E800] =	vst v63  }
0x6c: {  	_ =	swait.ge [sflag:s24], $0x4000  }
0x6d: {  	[sflag:s24] =	ssyncset.done $0x0  }
0x6e: {  	[sflag:s24] =	ssyncadd.s32 $0xFFFFC000  }
0x6f: {  	_ =	swait.ge [sflag:s24], $0x4000  }
0x70: {  	[sflag:s24] =	ssyncset.done $0x0  }
0x71: {  	[sflag:s24] =	ssyncadd.s32 $0xFFFFC000  }
0x72: {  	_ =	swait.ge [sflag:s24], $0x4000  }
0x73: {  	[sflag:s24] =	ssyncset.done $0x0  }
0x74: {  	[sflag:s24] =	ssyncadd.s32 $0xFFFFC000  }
0x75: {  	_ =	swait.ge [sflag:s24], $0x4000  }
0x76: {  	[sflag:s24] =	ssyncset.done $0x0  }
0x77: {  	[sflag:s24] =	ssyncadd.s32 $0xFFFFC000  }
0x78: {  	_ =	swait.ge [sflag:s24], $0x4000  }
0x79: {  	[sflag:s24] =	ssyncset.done $0x0  }
0x7a: {  	[sflag:s24] =	ssyncadd.s32 $0xFFFFC000  }
0x7b: {  	[bflag:$0x0] =	sbarrier.arrive $0xFFFF  }
0x7c: {  	s14 =	rddreg [dreg:$0x7]  }
0x7d: {  	[tilespmem:s2], [sflag:$0x3] =	stream.linear.gather [hbm4b:s14+s2], $0x1400, $0x38;
	[tilespmem:$0x1E800] =	vst v63  }
0x7e: {  	_ =	swait.ge [sflag:s25], $0x1400  }
0x7f: {  	[sflag:s25] =	ssyncset.done $0x0  }
.Ltmp3:
0x80: {  	[sflag:s25] =	ssyncadd.s32 $0xFFFFEC00;
	(pc) =	sbr.rel @p0 .LBB2_9-.Ltmp3, $4  }
0x81: {  	[tilespmem:s26], [sflag:$0x3] =	stream.linear.gather [hbm4b:s15+s2], $0x1400, $0x38;
	[tilespmem:$0x1E800] =	vst v63  }
0x82: {  	_ =	swait.ge [sflag:s25], $0x1400  }
0x83: {  	[sflag:s25] =	ssyncset.done $0x0  }
0x84: {  	s6 =	simm.s32 $0x0;
	[sflag:s25] =	ssyncadd.s32 $0xFFFFEC00  }
0x85: {  	[tilespmem:s23], [sflag:$0x1] =	stream.indirect.gather [hbm4b:s4+s28], $0x80, s6, s28, $0xb8;
	[tilespmem:$0x1E800] =	vst v63  }
0x86: {  	_ = 	snop  }
0x87: {  	[tilespmem:s29], [sflag:$0x2] =	stream.indirect.gather [hbm4b:s4+s28], $0x80, s28, s28, $0xb8;
	[tilespmem:$0x1E800] =	vst v63  }
0x88: {  	_ =	swait.ge [sflag:s24], $0x4000  }
0x89: {  	[sflag:s24] =	ssyncset.done $0x0  }
0x8a: {  	s14 =	simm.s32 $0x1400;
	[sflag:s24] =	ssyncadd.s32 $0xFFFFC000  }
0x8b: {  	[spmem:s1] =	stream.indirect.scatter.add.f32 [tilespmem:s23], [sflag:$0x3], $0x80, s14, s28, $0xb8;
	[tilespmem:$0x1E800] =	vst v63  }
0x8c: {  	_ =	swait.ge [sflag:s25], $0x4000  }
0x8d: {  	[sflag:s25] =	ssyncset.done $0x0  }
0x8e: {  	s7 =	simm.s32 $0x100;
	[sflag:s25] =	ssyncadd.s32 $0xFFFFC000  }
0x8f: {  	[tilespmem:s23], [sflag:$0x1] =	stream.indirect.gather [hbm4b:s4+s28], $0x80, s7, s28, $0xb8;
	[tilespmem:$0x1E800] =	vst v63  }
0x90: {  	_ =	swait.ge [sflag:s30], $0x4000  }
0x91: {  	[sflag:s30] =	ssyncset.done $0x0  }
0x92: {  	s14 =	simm.s32 $0x1480;
	[sflag:s30] =	ssyncadd.s32 $0xFFFFC000  }
0x93: {  	[spmem:s1] =	stream.indirect.scatter.add.f32 [tilespmem:s29], [sflag:$0x3], $0x80, s14, s28, $0xb8;
	[tilespmem:$0x1E800] =	vst v63  }
0x94: {  	_ =	swait.ge [sflag:s25], $0x4000  }
0x95: {  	[sflag:s25] =	ssyncset.done $0x0  }
0x96: {  	s6 =	simm.s32 $0x400;
	s7 =	simm.s32 $0x180;
	[sflag:s25] =	ssyncadd.s32 $0xFFFFC000  }
.LBB2_5:
0x97: {  	[tilespmem:s29], [sflag:$0x2] =	stream.indirect.gather [hbm4b:s4+s28], $0x80, s7, s28, $0xb8;
	[tilespmem:$0x1E800] =	vst v63  }
0x98: {  	s7 =	smov.u32 s6  }
0x99: {  	p1 =	sne.s32 s6, $0x4800;
	s6 =	sadd.s32 $0x400, s6;
	_ =	swait.ge [sflag:s24], $0x4000  }
0x9a: {  	s7 =	sshra.s32 s7, $0x2;
	[sflag:s24] =	ssyncset.done $0x0  }
0x9b: {  	s14 =	sadd.s32 $0x1400, s7;
	[sflag:s24] =	ssyncadd.s32 $0xFFFFC000  }
0x9c: {  	[spmem:s1] =	stream.indirect.scatter.add.f32 [tilespmem:s23], [sflag:$0x3], $0x80, s14, s28, $0xb8;
	[tilespmem:$0x1E800] =	vst v63  }
0x9d: {  	_ =	swait.ge [sflag:s25], $0x4000  }
0x9e: {  	[sflag:s25] =	ssyncset.done $0x0  }
0x9f: {  	s14 =	sadd.s32 $0x100, s7;
	[sflag:s25] =	ssyncadd.s32 $0xFFFFC000  }
0xa0: {  	[tilespmem:s23], [sflag:$0x1] =	stream.indirect.gather [hbm4b:s4+s28], $0x80, s14, s28, $0xb8;
	[tilespmem:$0x1E800] =	vst v63  }
0xa1: {  	_ =	swait.ge [sflag:s30], $0x4000  }
0xa2: {  	[sflag:s30] =	ssyncset.done $0x0  }
.Ltmp4:
0xa3: {  	s14 =	sadd.s32 $0x1480, s7;
	[sflag:s30] =	ssyncadd.s32 $0xFFFFC000;
	(pc) =	sbr.rel @p1 .LBB2_5-.Ltmp4, $4  }
0xa4: {  	[spmem:s1] =	stream.indirect.scatter.add.f32 [tilespmem:s29], [sflag:$0x3], $0x80, s14, s28, $0xb8;
	[tilespmem:$0x1E800] =	vst v63  }
0xa5: {  	_ =	swait.ge [sflag:s25], $0x4000  }
0xa6: {  	[sflag:s25] =	ssyncset.done $0x0  }
0xa7: {  	s7 =	sadd.s32 $0x180, s7;
	[sflag:s25] =	ssyncadd.s32 $0xFFFFC000  }
0xa8: {  	[tilespmem:s29], [sflag:$0x2] =	stream.indirect.gather [hbm4b:s4+s28], $0x80, s7, s28, $0xb8;
	[tilespmem:$0x1E800] =	vst v63  }
0xa9: {  	_ =	swait.ge [sflag:s24], $0x4000  }
0xaa: {  	[sflag:s24] =	ssyncset.done $0x0  }
0xab: {  	[sflag:s24] =	ssyncadd.s32 $0xFFFFC000  }
0xac: {  	[spmem:s1] =	stream.indirect.scatter.add.f32 [tilespmem:s23], [sflag:$0x3], $0x80, s31, s28, $0xb8;
	[tilespmem:$0x1E800] =	vst v63  }
0xad: {  	_ =	swait.ge [sflag:s25], $0x4000  }
0xae: {  	[sflag:s25] =	ssyncset.done $0x0  }
0xaf: {  	[sflag:s25] =	ssyncadd.s32 $0xFFFFC000  }
0xb0: {  	_ =	swait.ge [sflag:s30], $0x4000  }
0xb1: {  	[sflag:s30] =	ssyncset.done $0x0  }
0xb2: {  	[sflag:s30] =	ssyncadd.s32 $0xFFFFC000  }
0xb3: {  	[spmem:s1] =	stream.indirect.scatter.add.f32 [tilespmem:s29], [sflag:$0x3], $0x80, s0, s28, $0xb8;
	[tilespmem:$0x1E800] =	vst v63  }
0xb4: {  	_ =	swait.ge [sflag:s25], $0x4000  }
0xb5: {  	[sflag:s25] =	ssyncset.done $0x0  }
0xb6: {  	s6 =	simm.s32 $0x0;
	[sflag:s25] =	ssyncadd.s32 $0xFFFFC000  }
0xb7: {  	[tilespmem:s6], [sflag:$0x3] =	stream.linear.gather [hbm4b:s16+s6], $0x1400, $0x38;
	[tilespmem:$0x1E800] =	vst v63  }
0xb8: {  	_ =	swait.ge [sflag:s25], $0x1400  }
0xb9: {  	[sflag:s25] =	ssyncset.done $0x0  }
0xba: {  	[sflag:s25] =	ssyncadd.s32 $0xFFFFEC00  }
0xbb: {  	[tilespmem:s26], [sflag:$0x3] =	stream.linear.gather [hbm4b:s17+s6], $0x1400, $0x38;
	[tilespmem:$0x1E800] =	vst v63  }
0xbc: {  	_ =	swait.ge [sflag:s25], $0x1400  }
0xbd: {  	[sflag:s25] =	ssyncset.done $0x0  }
0xbe: {  	[sflag:s25] =	ssyncadd.s32 $0xFFFFEC00  }
0xbf: {  	[tilespmem:s23], [sflag:$0x1] =	stream.indirect.gather [hbm4b:s4+s28], $0x80, s6, s28, $0xb8;
	[tilespmem:$0x1E800] =	vst v63  }
0xc0: {  	_ = 	snop  }
0xc1: {  	[tilespmem:s29], [sflag:$0x2] =	stream.indirect.gather [hbm4b:s4+s28], $0x80, s28, s28, $0xb8;
	[tilespmem:$0x1E800] =	vst v63  }
0xc2: {  	_ =	swait.ge [sflag:s24], $0x4000  }
0xc3: {  	[sflag:s24] =	ssyncset.done $0x0  }
0xc4: {  	s14 =	simm.s32 $0x1400;
	[sflag:s24] =	ssyncadd.s32 $0xFFFFC000  }
0xc5: {  	[spmem:s1] =	stream.indirect.scatter.add.f32 [tilespmem:s23], [sflag:$0x3], $0x80, s14, s28, $0xb8;
	[tilespmem:$0x1E800] =	vst v63  }
0xc6: {  	_ =	swait.ge [sflag:s25], $0x4000  }
0xc7: {  	[sflag:s25] =	ssyncset.done $0x0  }
0xc8: {  	s7 =	simm.s32 $0x100;
	[sflag:s25] =	ssyncadd.s32 $0xFFFFC000  }
0xc9: {  	[tilespmem:s23], [sflag:$0x1] =	stream.indirect.gather [hbm4b:s4+s28], $0x80, s7, s28, $0xb8;
	[tilespmem:$0x1E800] =	vst v63  }
0xca: {  	_ =	swait.ge [sflag:s30], $0x4000  }
0xcb: {  	[sflag:s30] =	ssyncset.done $0x0  }
0xcc: {  	s14 =	simm.s32 $0x1480;
	[sflag:s30] =	ssyncadd.s32 $0xFFFFC000  }
0xcd: {  	[spmem:s1] =	stream.indirect.scatter.add.f32 [tilespmem:s29], [sflag:$0x3], $0x80, s14, s28, $0xb8;
	[tilespmem:$0x1E800] =	vst v63  }
0xce: {  	_ =	swait.ge [sflag:s25], $0x4000  }
0xcf: {  	[sflag:s25] =	ssyncset.done $0x0  }
0xd0: {  	s6 =	simm.s32 $0x400;
	s7 =	simm.s32 $0x180;
	[sflag:s25] =	ssyncadd.s32 $0xFFFFC000  }
.LBB2_7:
0xd1: {  	[tilespmem:s29], [sflag:$0x2] =	stream.indirect.gather [hbm4b:s4+s28], $0x80, s7, s28, $0xb8;
	[tilespmem:$0x1E800] =	vst v63  }
0xd2: {  	s7 =	smov.u32 s6  }
0xd3: {  	p1 =	seq.s32 s6, $0x4800;
	s6 =	sadd.s32 $0x400, s6;
	_ =	swait.ge [sflag:s24], $0x4000  }
0xd4: {  	s7 =	sshra.s32 s7, $0x2;
	[sflag:s24] =	ssyncset.done $0x0  }
0xd5: {  	s14 =	sadd.s32 $0x1400, s7;
	[sflag:s24] =	ssyncadd.s32 $0xFFFFC000  }
0xd6: {  	[spmem:s1] =	stream.indirect.scatter.add.f32 [tilespmem:s23], [sflag:$0x3], $0x80, s14, s28, $0xb8;
	[tilespmem:$0x1E800] =	vst v63  }
0xd7: {  	_ =	swait.ge [sflag:s25], $0x4000  }
0xd8: {  	[sflag:s25] =	ssyncset.done $0x0  }
0xd9: {  	s14 =	sadd.s32 $0x100, s7;
	[sflag:s25] =	ssyncadd.s32 $0xFFFFC000  }
0xda: {  	[tilespmem:s23], [sflag:$0x1] =	stream.indirect.gather [hbm4b:s4+s28], $0x80, s14, s28, $0xb8;
	[tilespmem:$0x1E800] =	vst v63  }
0xdb: {  	_ =	swait.ge [sflag:s30], $0x4000  }
0xdc: {  	[sflag:s30] =	ssyncset.done $0x0  }
.Ltmp5:
0xdd: {  	s14 =	sadd.s32 $0x1480, s7;
	[sflag:s30] =	ssyncadd.s32 $0xFFFFC000;
	(pc) =	sbr.rel @!p1 .LBB2_7-.Ltmp5, $4  }
0xde: {  	[spmem:s1] =	stream.indirect.scatter.add.f32 [tilespmem:s29], [sflag:$0x3], $0x80, s14, s28, $0xb8;
	[tilespmem:$0x1E800] =	vst v63  }
0xdf: {  	_ =	swait.ge [sflag:s25], $0x4000  }
0xe0: {  	[sflag:s25] =	ssyncset.done $0x0  }
0xe1: {  	s7 =	sadd.s32 $0x180, s7;
	[sflag:s25] =	ssyncadd.s32 $0xFFFFC000  }
.Ltmp6:
0xe2: {  	(pc) =	sbr.rel .LBB2_14-.Ltmp6, $3  }
0xe3: {  	_ =	sdelay $0x1  }
0xe4: {  	[tilespmem:s29], [sflag:$0x2] =	stream.indirect.gather [hbm4b:s4+s28], $0x80, s7, s28, $0xb8;
	[tilespmem:$0x1E800] =	vst v63  }
0xe5: {  	s6 =	rddreg [dreg:$0x5]  }
.LBB2_9:
0xe6: {  	[tilespmem:s23], [sflag:$0x1] =	stream.indirect.gather [hbm4b:s5+s28], $0x80, s6, s28, $0xb8;
	[tilespmem:$0x1E800] =	vst v63  }
0xe7: {  	_ = 	snop  }
0xe8: {  	[tilespmem:s29], [sflag:$0x2] =	stream.indirect.gather [hbm4b:s5+s28], $0x80, s28, s28, $0xb8;
	[tilespmem:$0x1E800] =	vst v63  }
0xe9: {  	_ =	swait.ge [sflag:s24], $0x4000  }
0xea: {  	[sflag:s24] =	ssyncset.done $0x0  }
0xeb: {  	s14 =	simm.s32 $0x1400;
	[sflag:s24] =	ssyncadd.s32 $0xFFFFC000  }
0xec: {  	[spmem:s1] =	stream.indirect.scatter.add.f32 [tilespmem:s23], [sflag:$0x3], $0x80, s14, s28, $0xb8;
	[tilespmem:$0x1E800] =	vst v63  }
0xed: {  	_ =	swait.ge [sflag:s25], $0x4000  }
0xee: {  	[sflag:s25] =	ssyncset.done $0x0  }
0xef: {  	s7 =	simm.s32 $0x100;
	[sflag:s25] =	ssyncadd.s32 $0xFFFFC000  }
0xf0: {  	[tilespmem:s23], [sflag:$0x1] =	stream.indirect.gather [hbm4b:s5+s28], $0x80, s7, s28, $0xb8;
	[tilespmem:$0x1E800] =	vst v63  }
0xf1: {  	_ =	swait.ge [sflag:s30], $0x4000  }
0xf2: {  	[sflag:s30] =	ssyncset.done $0x0  }
0xf3: {  	s14 =	simm.s32 $0x1480;
	[sflag:s30] =	ssyncadd.s32 $0xFFFFC000  }
0xf4: {  	[spmem:s1] =	stream.indirect.scatter.add.f32 [tilespmem:s29], [sflag:$0x3], $0x80, s14, s28, $0xb8;
	[tilespmem:$0x1E800] =	vst v63  }
0xf5: {  	_ =	swait.ge [sflag:s25], $0x4000  }
0xf6: {  	[sflag:s25] =	ssyncset.done $0x0  }
0xf7: {  	s6 =	simm.s32 $0x400;
	s7 =	simm.s32 $0x180;
	[sflag:s25] =	ssyncadd.s32 $0xFFFFC000  }
.LBB2_10:
0xf8: {  	[tilespmem:s29], [sflag:$0x2] =	stream.indirect.gather [hbm4b:s5+s28], $0x80, s7, s28, $0xb8;
	[tilespmem:$0x1E800] =	vst v63  }
0xf9: {  	s7 =	smov.u32 s6  }
0xfa: {  	p1 =	sne.s32 s6, $0x4800;
	s6 =	sadd.s32 $0x400, s6;
	_ =	swait.ge [sflag:s24], $0x4000  }
0xfb: {  	s7 =	sshra.s32 s7, $0x2;
	[sflag:s24] =	ssyncset.done $0x0  }
0xfc: {  	s14 =	sadd.s32 $0x1400, s7;
	[sflag:s24] =	ssyncadd.s32 $0xFFFFC000  }
0xfd: {  	[spmem:s1] =	stream.indirect.scatter.add.f32 [tilespmem:s23], [sflag:$0x3], $0x80, s14, s28, $0xb8;
	[tilespmem:$0x1E800] =	vst v63  }
0xfe: {  	_ =	swait.ge [sflag:s25], $0x4000  }
0xff: {  	[sflag:s25] =	ssyncset.done $0x0  }
0x100: {  	s14 =	sadd.s32 $0x100, s7;
	[sflag:s25] =	ssyncadd.s32 $0xFFFFC000  }
0x101: {  	[tilespmem:s23], [sflag:$0x1] =	stream.indirect.gather [hbm4b:s5+s28], $0x80, s14, s28, $0xb8;
	[tilespmem:$0x1E800] =	vst v63  }
0x102: {  	_ =	swait.ge [sflag:s30], $0x4000  }
0x103: {  	[sflag:s30] =	ssyncset.done $0x0  }
.Ltmp7:
0x104: {  	s14 =	sadd.s32 $0x1480, s7;
	[sflag:s30] =	ssyncadd.s32 $0xFFFFC000;
	(pc) =	sbr.rel @p1 .LBB2_10-.Ltmp7, $4  }
0x105: {  	[spmem:s1] =	stream.indirect.scatter.add.f32 [tilespmem:s29], [sflag:$0x3], $0x80, s14, s28, $0xb8;
	[tilespmem:$0x1E800] =	vst v63  }
0x106: {  	_ =	swait.ge [sflag:s25], $0x4000  }
0x107: {  	[sflag:s25] =	ssyncset.done $0x0  }
0x108: {  	s7 =	sadd.s32 $0x180, s7;
	[sflag:s25] =	ssyncadd.s32 $0xFFFFC000  }
0x109: {  	[tilespmem:s29], [sflag:$0x2] =	stream.indirect.gather [hbm4b:s5+s28], $0x80, s7, s28, $0xb8;
	[tilespmem:$0x1E800] =	vst v63  }
0x10a: {  	_ =	swait.ge [sflag:s24], $0x4000  }
0x10b: {  	[sflag:s24] =	ssyncset.done $0x0  }
0x10c: {  	[sflag:s24] =	ssyncadd.s32 $0xFFFFC000  }
0x10d: {  	[spmem:s1] =	stream.indirect.scatter.add.f32 [tilespmem:s23], [sflag:$0x3], $0x80, s31, s28, $0xb8;
	[tilespmem:$0x1E800] =	vst v63  }
0x10e: {  	_ =	swait.ge [sflag:s25], $0x4000  }
0x10f: {  	[sflag:s25] =	ssyncset.done $0x0  }
0x110: {  	[sflag:s25] =	ssyncadd.s32 $0xFFFFC000  }
0x111: {  	_ =	swait.ge [sflag:s30], $0x4000  }
0x112: {  	[sflag:s30] =	ssyncset.done $0x0  }
0x113: {  	[sflag:s30] =	ssyncadd.s32 $0xFFFFC000  }
0x114: {  	[spmem:s1] =	stream.indirect.scatter.add.f32 [tilespmem:s29], [sflag:$0x3], $0x80, s0, s28, $0xb8;
	[tilespmem:$0x1E800] =	vst v63  }
0x115: {  	_ =	swait.ge [sflag:s25], $0x4000  }
0x116: {  	[sflag:s25] =	ssyncset.done $0x0  }
0x117: {  	s6 =	simm.s32 $0x0;
	[sflag:s25] =	ssyncadd.s32 $0xFFFFC000  }
0x118: {  	[tilespmem:s6], [sflag:$0x3] =	stream.linear.gather [hbm4b:s16+s6], $0x1400, $0x38;
	[tilespmem:$0x1E800] =	vst v63  }
0x119: {  	_ =	swait.ge [sflag:s25], $0x1400  }
0x11a: {  	[sflag:s25] =	ssyncset.done $0x0  }
0x11b: {  	[sflag:s25] =	ssyncadd.s32 $0xFFFFEC00  }
0x11c: {  	[tilespmem:s26], [sflag:$0x3] =	stream.linear.gather [hbm4b:s17+s6], $0x1400, $0x38;
	[tilespmem:$0x1E800] =	vst v63  }
0x11d: {  	_ =	swait.ge [sflag:s25], $0x1400  }
0x11e: {  	[sflag:s25] =	ssyncset.done $0x0  }
0x11f: {  	[sflag:s25] =	ssyncadd.s32 $0xFFFFEC00  }
0x120: {  	[tilespmem:s23], [sflag:$0x1] =	stream.indirect.gather [hbm4b:s5+s28], $0x80, s6, s28, $0xb8;
	[tilespmem:$0x1E800] =	vst v63  }
0x121: {  	_ = 	snop  }
0x122: {  	[tilespmem:s29], [sflag:$0x2] =	stream.indirect.gather [hbm4b:s5+s28], $0x80, s28, s28, $0xb8;
	[tilespmem:$0x1E800] =	vst v63  }
0x123: {  	_ =	swait.ge [sflag:s24], $0x4000  }
0x124: {  	[sflag:s24] =	ssyncset.done $0x0  }
0x125: {  	s14 =	simm.s32 $0x1400;
	[sflag:s24] =	ssyncadd.s32 $0xFFFFC000  }
0x126: {  	[spmem:s1] =	stream.indirect.scatter.add.f32 [tilespmem:s23], [sflag:$0x3], $0x80, s14, s28, $0xb8;
	[tilespmem:$0x1E800] =	vst v63  }
0x127: {  	_ =	swait.ge [sflag:s25], $0x4000  }
0x128: {  	[sflag:s25] =	ssyncset.done $0x0  }
0x129: {  	s7 =	simm.s32 $0x100;
	[sflag:s25] =	ssyncadd.s32 $0xFFFFC000  }
0x12a: {  	[tilespmem:s23], [sflag:$0x1] =	stream.indirect.gather [hbm4b:s5+s28], $0x80, s7, s28, $0xb8;
	[tilespmem:$0x1E800] =	vst v63  }
0x12b: {  	_ =	swait.ge [sflag:s30], $0x4000  }
0x12c: {  	[sflag:s30] =	ssyncset.done $0x0  }
0x12d: {  	s14 =	simm.s32 $0x1480;
	[sflag:s30] =	ssyncadd.s32 $0xFFFFC000  }
0x12e: {  	[spmem:s1] =	stream.indirect.scatter.add.f32 [tilespmem:s29], [sflag:$0x3], $0x80, s14, s28, $0xb8;
	[tilespmem:$0x1E800] =	vst v63  }
0x12f: {  	_ =	swait.ge [sflag:s25], $0x4000  }
0x130: {  	[sflag:s25] =	ssyncset.done $0x0  }
0x131: {  	s6 =	simm.s32 $0x400;
	s7 =	simm.s32 $0x180;
	[sflag:s25] =	ssyncadd.s32 $0xFFFFC000  }
.LBB2_12:
0x132: {  	[tilespmem:s29], [sflag:$0x2] =	stream.indirect.gather [hbm4b:s5+s28], $0x80, s7, s28, $0xb8;
	[tilespmem:$0x1E800] =	vst v63  }
0x133: {  	s7 =	smov.u32 s6  }
0x134: {  	p1 =	sne.s32 s6, $0x4800;
	s6 =	sadd.s32 $0x400, s6;
	_ =	swait.ge [sflag:s24], $0x4000  }
0x135: {  	s7 =	sshra.s32 s7, $0x2;
	[sflag:s24] =	ssyncset.done $0x0  }
0x136: {  	s14 =	sadd.s32 $0x1400, s7;
	[sflag:s24] =	ssyncadd.s32 $0xFFFFC000  }
0x137: {  	[spmem:s1] =	stream.indirect.scatter.add.f32 [tilespmem:s23], [sflag:$0x3], $0x80, s14, s28, $0xb8;
	[tilespmem:$0x1E800] =	vst v63  }
0x138: {  	_ =	swait.ge [sflag:s25], $0x4000  }
0x139: {  	[sflag:s25] =	ssyncset.done $0x0  }
0x13a: {  	s14 =	sadd.s32 $0x100, s7;
	[sflag:s25] =	ssyncadd.s32 $0xFFFFC000  }
0x13b: {  	[tilespmem:s23], [sflag:$0x1] =	stream.indirect.gather [hbm4b:s5+s28], $0x80, s14, s28, $0xb8;
	[tilespmem:$0x1E800] =	vst v63  }
0x13c: {  	_ =	swait.ge [sflag:s30], $0x4000  }
0x13d: {  	[sflag:s30] =	ssyncset.done $0x0  }
.Ltmp8:
0x13e: {  	s14 =	sadd.s32 $0x1480, s7;
	[sflag:s30] =	ssyncadd.s32 $0xFFFFC000;
	(pc) =	sbr.rel @p1 .LBB2_12-.Ltmp8, $4  }
0x13f: {  	[spmem:s1] =	stream.indirect.scatter.add.f32 [tilespmem:s29], [sflag:$0x3], $0x80, s14, s28, $0xb8;
	[tilespmem:$0x1E800] =	vst v63  }
0x140: {  	_ =	swait.ge [sflag:s25], $0x4000  }
0x141: {  	[sflag:s25] =	ssyncset.done $0x0  }
0x142: {  	s7 =	sadd.s32 $0x180, s7;
	[sflag:s25] =	ssyncadd.s32 $0xFFFFC000  }
.Ltmp9:
0x143: {  	_ = 	snop;
	(pc) =	sbr.rel .LBB2_13-.Ltmp9, $1  }
0x144: {  	_ =	sdelay $0x3  }
.LBB2_15:
0x145: {  	_ =	sfence.sel $0x180000  }
0x146: {  	[bflag:$0x0] =	sbarrier.arrive $0xFFFF  }
0x147: {  	_ =	strace $0x9000004A  }
0x148: {  	s0 =	stileid.u32;
	[bflag:$0x2] =	sbarrier.arrive $0xFFFF  }
0x149: {  	p0 =	sne.s32 s0, $0x0;
	s0 =	rddreg [dreg:$0x4]  }
0x14a: {  	s0 =	sadd.s32 @!p0 $0x100000, s0  }
0x14b: {  	[sflag:s0] =	ssyncadd.tile.s32 @!p0 $0x1;
	_ =	shalt  }
.Lfunc_end2:
_tile_overlayer_lowered:
.L_overlay_start_2:
0x14c: {  	(tag) =	ssettag $0x2  }
0x14d: {  	s0 =	rddreg [dreg:$0x0];
	s2 =	stileid.u32  }
0x14e: {  	s1 =	rddreg [dreg:$0x1];
	p0 =	sne.s32 s2, $0x0  }
0x14f: {  	s3 =	rddreg [dreg:$0x2];
	[bflag:$0x3] =	sbarrier.arrive $0xFFFF;
	s2 =	simm.s32 @!p0 $0x1C03  }
0x150: {  	[timem:s3], [sflag:s2] =	dma.local @!p0 [hbm:s0], s1  }
0x151: {  	s0 =	simm.s32 @!p0 $0x3  }
0x152: {  	_ =	swait.ge @!p0 [sflag:s0], s1  }
0x153: {  	s1 =	ssub.s32 @!p0 $0x0, s1;
	[sflag:s0] =	ssyncset.done @!p0 $0x0  }
0x154: {  	[sflag:s0] =	ssyncadd.s32 @!p0 s1  }
0x155: {  	[bflag:$0x3] =	sbarrier.arrive $0xFFFF  }
0x156: {  	_ =	shalt  }

// kernel: kernel.14.cloned.1.call-start
scs
__scs_entry_jumppad:
0x0: {  	(pc) =	sbr.rel $0x88, $3  }
0x1: {  	(tag) =	ssettag $0x0;
	lr =	simm.s32 $0x1  }
0x2: {  	[smem:$0x3F99] =	sst lr;
	_ =	strace $0xD0000000  }
0x3: {  	_ = 	snop  }
0x4: {  	_ = 	snop  }
0x5: {  	_ = 	snop  }
0x6: {  	_ = 	snop  }
0x7: {  	_ = 	snop  }
__scs_overlays_trampoline_lowered:
0x8: {  	[smem:$0x3FA8] =	sst s0  }
0x9: {  	[smem:$0x3FA9] =	sst s1  }
0xa: {  	[smem:$0x3FAA] =	sst s2  }
0xb: {  	[smem:$0x3FAB] =	sst s3  }
0xc: {  	[smem:$0x3FAC] =	sst s4  }
0xd: {  	[smem:$0x3FAD] =	sst s5  }
0xe: {  	[smem:$0x3FAE] =	sst s6  }
0xf: {  	[smem:$0x3FAF] =	sst s7  }
0x10: {  	[smem:$0x3FB0] =	sst s8  }
0x11: {  	[smem:$0x3FB1] =	sst s9;
	s0 =	simm.s32 @!p0 $0x0  }
0x12: {  	s1 =	sld [smem:$0x3F97];
	s0 =	simm.s32 @p0 $0x1  }
0x13: {  	[smem:$0x3FB2] =	sst s0;
	s0 =	simm.s32 @!p1 $0x0  }
0x14: {  	s2 =	sld [smem:$0x3F96];
	s0 =	simm.s32 @p1 $0x1  }
0x15: {  	[smem:$0x3FB3] =	sst s0;
	s0 =	simm.s32 @!p2 $0x0  }
0x16: {  	s3 =	sld [smem:$0x3FDB];
	s0 =	simm.s32 @p2 $0x1  }
0x17: {  	s4 =	simm.s32 $0x1BF5;
	[smem:$0x3FB5] =	sst s0  }
0x18: {  	s0 =	sld [smem:$0x3F98];
	_ =	swait.ge [sflag:s4], $0x0  }
0x19: {  	s7 =	sld [smem:$0x3F99]  }
0x1a: {  	s8 =	sadd.s32 $0xFFFFE003, lr  }
0x1b: {  	s9 =	sadd.s32 $0xFFFFFEF7, lr;
	s5 =	simm.s32 $0xFFFFFFFF;
	p2 =	slt.u32 s8, $0xFFFFF086  }
0x1c: {  	p1 =	slt.u32 s9, $0xF7A;
	s5 =	simm.s32 @!p2 $0x0  }
0x1d: {  	s5 =	simm.s32 @p1 $0x1;
	p0 =	seq.s32 s7, s2  }
0x1e: {  	s7 =	smul.u32 @!p0 $0xF7A, s2;
	p2 =	seq.s32 @!p0 s5, $0x0  }
0x1f: {  	s9 =	smul.u32 $0xF7A, s1;
	s8 =	simm.s32 @!p0 $0x1BF5;
	p2 =	por !p2, p0  }
0x20: {  	[sflag:s8] =	ssyncset.s32 @!p0 $0xFFFFF086;
	s6 =	sadd.s32 @!p0 s3, s7;
	s7 =	simm.s32 @!p0 $0x108  }
0x21: {  	s3 =	sadd.s32 s3, s9;
	s6 =	sadd.s32 @!p0 $0x88, s6;
	s7 =	simm.s32 @p2 $0x1082  }
0x22: {  	[simem:s7], [sflag:s8] =	dma.local @!p0 [hbm:s6], $0xF7A  }
0x23: {  	s9 =	sor.u32 $0xD0000000, s2;
	s6 =	simm.s32 $0x108;
	_ =	swait.ge @!p0 [sflag:s8], $0x0  }
0x24: {  	s3 =	sadd.s32 $0x88, s3;
	s6 =	simm.s32 @!p1 $0x1082;
	[sflag:s4] =	ssyncset.s32 $0xFFFFF086  }
0x25: {  	[simem:s6], [sflag:s4] =	dma.local [hbm:s3], $0xF7A  }
0x26: {  	[smem:$0x3F99] =	sst s1;
	(tag) =	ssettag s2;
	_ =	strace s9  }
0x27: {  	s1 =	sld [smem:$0x3FA9]  }
0x28: {  	s2 =	sld [smem:$0x3FAA]  }
0x29: {  	s4 =	sld [smem:$0x3FAC]  }
0x2a: {  	p0 =	seq.s32 s5, $0x0;
	s5 =	sld [smem:$0x3FAD]  }
0x2b: {  	s6 =	sld [smem:$0x3FAE]  }
0x2c: {  	s7 =	sld [smem:$0x3FAF]  }
0x2d: {  	s3 =	simm.s32 $0x108;
	s8 =	sld [smem:$0x3FB0]  }
0x2e: {  	s3 =	simm.s32 @!p0 $0x1082;
	s9 =	sld [smem:$0x3FB1]  }
0x2f: {  	lr =	sadd.s32 s0, s3;
	s0 =	sld [smem:$0x3FA8]  }
0x30: {  	s3 =	sld [smem:$0x3FAB]  }
0x31: {  	[smem:$0x3FB4] =	sst s10  }
0x32: {  	s10 =	sld [smem:$0x3FB2];
	_ =	sdelay $0x3  }
0x33: {  	p0 =	seq.s32 s10, $0x1;
	s10 =	sld [smem:$0x3FB4];
	_ =	sdelay $0x3  }
0x34: {  	[smem:$0x3FB4] =	sst s10  }
0x35: {  	s10 =	sld [smem:$0x3FB3];
	_ =	sdelay $0x3  }
0x36: {  	p1 =	seq.s32 s10, $0x1;
	s10 =	sld [smem:$0x3FB4];
	_ =	sdelay $0x3  }
0x37: {  	[smem:$0x3FB4] =	sst s10  }
0x38: {  	s10 =	sld [smem:$0x3FB5]  }
0x39: {  	_ = 	snop;
	(pc) =	sbr.ind lr, $3  }
0x3a: {  	_ = 	snop  }
0x3b: {  	_ = 	snop  }
0x3c: {  	p2 =	seq.s32 s10, $0x1;
	s10 =	sld [smem:$0x3FB4]  }
0x3d: {  	_ =	shalt  }
0x3e: {  	_ =	shalt  }
0x3f: {  	_ =	shalt  }
0x40: {  	_ =	shalt  }
0x41: {  	_ =	shalt  }
0x42: {  	_ =	shalt  }
0x43: {  	_ =	shalt  }
0x44: {  	_ =	shalt  }
0x45: {  	_ =	shalt  }
0x46: {  	_ =	shalt  }
0x47: {  	_ =	shalt  }
0x48: {  	_ =	shalt  }
0x49: {  	_ =	shalt  }
0x4a: {  	_ =	shalt  }
0x4b: {  	_ =	shalt  }
0x4c: {  	_ =	shalt  }
0x4d: {  	_ =	shalt  }
0x4e: {  	_ =	shalt  }
0x4f: {  	_ =	shalt  }
0x50: {  	_ =	shalt  }
0x51: {  	_ =	shalt  }
0x52: {  	_ =	shalt  }
0x53: {  	_ =	shalt  }
0x54: {  	_ =	shalt  }
0x55: {  	_ =	shalt  }
0x56: {  	_ =	shalt  }
0x57: {  	_ =	shalt  }
0x58: {  	_ =	shalt  }
0x59: {  	_ =	shalt  }
0x5a: {  	_ =	shalt  }
0x5b: {  	_ =	shalt  }
0x5c: {  	_ =	shalt  }
0x5d: {  	_ =	shalt  }
0x5e: {  	_ =	shalt  }
0x5f: {  	_ =	shalt  }
0x60: {  	_ =	shalt  }
0x61: {  	_ =	shalt  }
0x62: {  	_ =	shalt  }
0x63: {  	_ =	shalt  }
0x64: {  	_ =	shalt  }
0x65: {  	_ =	shalt  }
0x66: {  	_ =	shalt  }
0x67: {  	_ =	shalt  }
0x68: {  	_ =	shalt  }
0x69: {  	_ =	shalt  }
0x6a: {  	_ =	shalt  }
0x6b: {  	_ =	shalt  }
0x6c: {  	_ =	shalt  }
0x6d: {  	_ =	shalt  }
0x6e: {  	_ =	shalt  }
0x6f: {  	_ =	shalt  }
0x70: {  	_ =	shalt  }
0x71: {  	_ =	shalt  }
0x72: {  	_ =	shalt  }
0x73: {  	_ =	shalt  }
0x74: {  	_ =	shalt  }
0x75: {  	_ =	shalt  }
0x76: {  	_ =	shalt  }
0x77: {  	_ =	shalt  }
0x78: {  	_ =	shalt  }
0x79: {  	_ =	shalt  }
0x7a: {  	_ =	shalt  }
0x7b: {  	_ =	shalt  }
0x7c: {  	_ =	shalt  }
0x7d: {  	_ =	shalt  }
0x7e: {  	_ =	shalt  }
0x7f: {  	_ =	shalt  }
0x80: {  	_ =	shalt  }
0x81: {  	_ =	shalt  }
0x82: {  	_ =	shalt  }
0x83: {  	_ =	shalt  }
0x84: {  	_ =	shalt  }
0x85: {  	_ =	shalt  }
0x86: {  	_ =	shalt  }
0x87: {  	_ =	shalt  }
.Lfunc_end0:
.L_simem_size_0:
called_computation.2_lowered:
.L_overlay_start_0:
0x88: {  	s2 =	sld [smem:$0x3FD9]  }
0x89: {  	s3 =	sld [smem:$0x3FFE];
	_ =	sdelay $0x1  }
0x8a: {  	s1 =	srdreg.scid  }
0x8b: {  	s0 =	sand.u32 $0x1, s1  }
0x8c: {  	s14 =	sshll.u32 s0, $0xA;
	s2 =	sadd.s32 s3, s2  }
0x8d: {  	s2 =	sadd.s32 s2, s14  }
0x8e: {  	[smem:$0x3FC0] =	sst s2  }
0x8f: {  	_ = 	snop  }
0x90: {  	s2 =	sld [smem:$0x3FD0];
	_ =	sdelay $0x2  }
0x91: {  	s15 =	simm.s32 $0xA;
	s4 =	simm.s32 $0x10  }
0x92: {  	[smem:s4], [sflag:s15] =	dma.local [hbm:s2], $0x1  }
0x93: {  	_ =	swait.eq [sflag:s15], $0x1  }
0x94: {  	[sflag:s15] =	ssyncset.done $0x0  }
0x95: {  	s16 =	sld [smem:$0x10];
	[sflag:s15] =	ssyncadd.s32 $0xFFFFFFFF  }
0x96: {  	s17 =	sld [smem:$0x11];
	(tm) =	ssettm $0x1  }
0x97: {  	s18 =	sld [smem:$0x3FFB];
	_ =	sdelay $0x3  }
0x98: {  	_ =	strace s18  }
0x99: {  	s4 =	sld [smem:$0x3FFC];
	_ =	sdelay $0x3  }
0x9a: {  	_ =	strace s4  }
0x9b: {  	s4 =	sld [smem:$0x3FFD];
	_ =	sdelay $0x3  }
0x9c: {  	_ =	strace s4  }
0x9d: {  	_ =	strace $0x8FFFFFFF  }
0x9e: {  	s19 =	sld [smem:$0x3FDB];
	_ =	sdelay $0x1  }
0x9f: {  	s5 =	simm.s32 $_scs_section_size  }
0xa0: {  	s6 =	simm.s32 $_size__tile_overlayer_lowered;
	s7 =	simm.s32 $_tile_overlayer_lowered  }
0xa1: {  	s22 =	simm.s32 $0x1BFF;
	s21 =	sshll.u32 s7, $0x1;
	s4 =	sadd.s32 s5, s19  }
0xa2: {  	s8 =	simm.s32 $0x0;
	s20 =	sshll.u32 s6, $0x1;
	s6 =	sadd.s32 s21, s4  }
0xa3: {  	[timem:s8], [sflag:s22] =	dma.local [hbm:s6], s20  }
0xa4: {  	_ =	swait.ge [sflag:s22], s20  }
0xa5: {  	s5 =	ssub.s32 $0x0, s20;
	[sflag:s22] =	ssyncset.done $0x0  }
0xa6: {  	[sflag:s22] =	ssyncadd.s32 s5;
	_ =	sdelay $0x1  }
0xa7: {  	s23 =	simm.s32 $0x1B8B  }
0xa8: {  	_ =	swait.ge [sflag:s23], $0x1  }
0xa9: {  	[sflag:s23] =	ssyncset.done $0x0  }
0xaa: {  	s25 =	simm.s32 $0x1B8E;
	s24 =	sld [smem:$0x3FFE];
	[sflag:s23] =	ssyncadd.s32 $0xFFFFFFFF  }
0xab: {  	s26 =	simm.s32 $execute0_lowered;
	[smem:$0x3FD2] =	sst s25  }
0xac: {  	s6 =	sshll.u32 s26, $0x1;
	_ =	strace $0x8000004C;
	[dreg:$0x1] =	wrdreg $0xFFFFFFFF  }
0xad: {  	s28 =	simm.s32 $_size_execute0_lowered;
	s4 =	sadd.s32 s4, s6;
	[dreg:$0x0] =	wrdreg $0x0  }
0xae: {  	s6 =	sshll.u32 s28, $0x1;
	[dreg:$0x2] =	wrdreg s4  }
0xaf: {  	[dreg:$0x3] =	wrdreg s6  }
0xb0: {  	[dreg:$0x4] =	wrdreg $0xC0  }
0xb1: {  	_ =	task [dreg:s8], $0x5FFFF  }
0xb2: {  	[dreg:$0x1] =	wrdreg $0xFFFFFFFF  }
0xb3: {  	[dreg:$0x0] =	wrdreg $0x60  }
0xb4: {  	[dreg:$0x2] =	wrdreg s24  }
0xb5: {  	[dreg:$0x3] =	wrdreg s17  }
0xb6: {  	[dreg:$0x4] =	wrdreg s16  }
0xb7: {  	[dreg:$0x5] =	wrdreg $0xA8000  }
0xb8: {  	[dreg:$0x6] =	wrdreg $0x9  }
0xb9: {  	_ =	task.clear_ibuf [dreg:s8], $0x7FFFF;
	_ =	strace $0x9000004C  }
0xba: {  	s29 =	simm.s32 $0x9;
	_ =	strace $0x8000004E  }
0xbb: {  	_ =	swait.ge [sflag:s29], $0x1  }
0xbc: {  	[sflag:s29] =	ssyncadd.s32 $0xFFFFFFFF  }
0xbd: {  	_ =	strace $0x9000004E  }
0xbe: {  	_ =	sfence  }
0xbf: {  	s30 =	sld [smem:$0x0];
	_ =	sdelay $0x2  }
0xc0: {  	s31 =	sshll.u32 s1, $0xD;
	s1 =	sshrl.u32 s1, $0x2  }
0xc1: {  	s3 =	sand.u32 $0x4000, s31;
	s1 =	sadd.s32 s1, s30  }
0xc2: {  	s0 =	sor.u32 s3, s0;
	s1 =	sshll.u32 s1, $0x11  }
0xc3: {  	s0 =	sor.u32 s1, s0  }
0xc4: {  	s0 =	sadd.s32 $0x8F2B, s0  }
0xc5: {  	[sflag:s0] =	ssyncadd.remote.s32 $0x1  }
0xc6: {  	_ =	sfence.sel $0xFFFF  }
0xc7: {  	[dreg:$0x0] =	wrdreg $0xFFFFFFFF;
	(pc) =	sbr.abs _section_cstart, $3  }
0xc8: {  	[dreg:$0x1] =	wrdreg $0xFFFFFFFF  }
0xc9: {  	_ =	task.clear_ibuf [dreg:s8], $0x2FFFF;
	_ =	strace $0x9FFFFFFF  }
0xca: {  	(tm) =	ssettm $0x7FFFFFFF  }
0xcb: {  	_ =	shalt  }
tec
execute0_lowered:
.L_overlay_start_1:
0x0: {  	(tag) =	ssettag $0x1  }
0x1: {  	s0 =	rddreg [dreg:$0x0]  }
0x2: {  	s3 =	rddreg [dreg:$0x1]  }
0x3: {  	s6 =	rddreg [dreg:$0x2]  }
0x4: {  	s1 =	rddreg [dreg:$0x3]  }
0x5: {  	s2 =	simm.s32 $0x0;
	s7 =	srdreg.scid;
	s14 =	stileid.u32  }
0x6: {  	s28 =	simm.s32 $0x80;
	s29 =	simm.s32 $0x6800;
	s30 =	simm.s32 $0x2  }
0x7: {  	s31 =	simm.s32 $0x2700;
	[smem:$0x7FF] =	sst s2;
	s4 =	sadd.s32 $0x53800, s0  }
0x8: {  	s5 =	sadd.s32 $0x7B800, s0;
	s7 =	sand.u32 $0x1, s7;
	s11 =	smul.u32 $0x280, s14  }
0x9: {  	s8 =	sadd.s32 $0xA3800, s0;
	s0 =	sadd.s32 $0xCB800, s0;
	s9 =	smul.u32 $0x50000, s14  }
0xa: {  	s15 =	smul.u32 $0x500, s14;
	_ =	strace $0x8000004D;
	[dreg:$0x5] =	wrdreg s8  }
0xb: {  	s23 =	ssub.s32 $0x2, s7;
	[dreg:$0x6] =	wrdreg s0;
	p0 =	sne.s32 s7, $0x0  }
0xc: {  	s24 =	sshrl.u32 s23, $0x1;
	s18 =	sadd.s32 $0x80, s11;
	s19 =	sadd.s32 $0x100, s11  }
0xd: {  	s25 =	sshrl.u32 s9, $0x2;
	s20 =	sadd.s32 $0x180, s11;
	s21 =	sadd.s32 $0x200, s11  }
0xe: {  	s11 =	smul.u32 $0x2800, s14;
	s14 =	sadd.s32 s3, s15;
	s15 =	sadd.s32 s6, s15  }
0xf: {  	s0 =	ssub.s32 s23, s24;
	s26 =	sshll.u32 s18, $0x7;
	s10 =	sshll.u32 s19, $0x7  }
0x10: {  	s8 =	sadd.s32 s25, s1;
	s12 =	sshll.u32 s20, $0x7;
	s13 =	sshll.u32 s21, $0x7  }
0x11: {  	[dreg:$0x7] =	wrdreg s14;
	s18 =	sshll.u32 s18, $0x4;
	s19 =	sshll.u32 s19, $0x4  }
0x12: {  	s20 =	sshll.u32 s20, $0x4;
	s21 =	sshll.u32 s21, $0x4;
	s23 =	simm.s32 $0x2800  }
.Ltmp0:
0x13: {  	s24 =	simm.s32 $0x1;
	s25 =	simm.s32 $0x3;
	(pc) =	sbr.rel .LBB2_1-.Ltmp0, $4  }
0x14: {  	s9 =	sadd.s32 s26, s1;
	s10 =	sadd.s32 s10, s1;
	s12 =	sadd.s32 s12, s1  }
0x15: {  	s13 =	sadd.s32 s13, s1;
	s16 =	sshrl.u32 s11, $0x3;
	s22 =	smax.u32 s0, $0x1  }
0x16: {  	s26 =	simm.s32 $0x1400;
	s0 =	simm.s32 $0x2780;
	s17 =	sadd.s32 $0x280, s16  }
0x17: {  	v0 =	vimm.f32 $0.0e+00;
	s16 =	sadd.s32 s3, s17;
	s17 =	sadd.s32 s6, s17;
	s3 =	simm.s32 $0x0  }
.LBB2_13:
0x18: {  	[tilespmem:s29], [sflag:$0x2] =	stream.indirect.gather [hbm4b:s5+s28], $0x80, s7, s28, $0xb8;
	[tilespmem:$0x1E800] =	vst v63  }
0x19: {  	s6 =	rddreg [dreg:$0x6]  }
.LBB2_14:
0x1a: {  	_ =	swait.ge [sflag:s24], $0x4000  }
0x1b: {  	[sflag:s24] =	ssyncset.done $0x0  }
0x1c: {  	[sflag:s24] =	ssyncadd.s32 $0xFFFFC000  }
0x1d: {  	[spmem:s1] =	stream.indirect.scatter.add.f32 [tilespmem:s23], [sflag:$0x3], $0x80, s31, s28, $0xb8;
	[tilespmem:$0x1E800] =	vst v63  }
0x1e: {  	_ =	swait.ge [sflag:s25], $0x4000  }
0x1f: {  	[sflag:s25] =	ssyncset.done $0x0  }
0x20: {  	[sflag:s25] =	ssyncadd.s32 $0xFFFFC000  }
0x21: {  	_ =	swait.ge [sflag:s30], $0x4000  }
0x22: {  	[sflag:s30] =	ssyncset.done $0x0  }
0x23: {  	[sflag:s30] =	ssyncadd.s32 $0xFFFFC000  }
0x24: {  	[spmem:s1] =	stream.indirect.scatter.add.f32 [tilespmem:s29], [sflag:$0x3], $0x80, s0, s28, $0xb8;
	[tilespmem:$0x1E800] =	vst v63  }
0x25: {  	_ =	swait.ge [sflag:s25], $0x4000  }
0x26: {  	[sflag:s25] =	ssyncset.done $0x0  }
0x27: {  	[sflag:s25] =	ssyncadd.s32 $0xFFFFC000  }
0x28: {  	[bflag:$0x0] =	sbarrier.arrive $0xFFFF  }
0x29: {  	[tilespmem:s23], [sflag:$0x1] =	stream.linear.gather [spmem:s8], $0x4000, $0x38;
	[tilespmem:$0x1E800] =	vst v63  }
0x2a: {  	_ = 	snop  }
0x2b: {  	[tilespmem:s29], [sflag:$0x2] =	stream.linear.gather [spmem:s9], $0x4000, $0x38;
	[tilespmem:$0x1E800] =	vst v63  }
0x2c: {  	_ =	swait.ge [sflag:s24], $0x4000  }
0x2d: {  	[sflag:s24] =	ssyncset.done $0x0  }
0x2e: {  	s7 =	sadd.s32 s6, s11;
	[sflag:s24] =	ssyncadd.s32 $0xFFFFC000  }
0x2f: {  	[hbm4b:s7+s2] =	stream.linear.scatter [tilespmem:s23], [sflag:$0x3], $0x4000, $0x38;
	[tilespmem:$0x1E800] =	vst v63  }
0x30: {  	_ =	swait.ge [sflag:s25], $0x4000  }
0x31: {  	[sflag:s25] =	ssyncset.done $0x0  }
0x32: {  	[sflag:s25] =	ssyncadd.s32 $0xFFFFC000  }
0x33: {  	[tilespmem:s23], [sflag:$0x1] =	stream.linear.gather [spmem:s10], $0x4000, $0x38;
	[tilespmem:$0x1E800] =	vst v63  }
0x34: {  	_ =	swait.ge [sflag:s30], $0x4000  }
0x35: {  	[sflag:s30] =	ssyncset.done $0x0  }
0x36: {  	s14 =	sadd.s32 s6, s18;
	[sflag:s30] =	ssyncadd.s32 $0xFFFFC000  }
0x37: {  	[hbm4b:s14+s2] =	stream.linear.scatter [tilespmem:s29], [sflag:$0x3], $0x4000, $0x38;
	[tilespmem:$0x1E800] =	vst v63  }
0x38: {  	_ =	swait.ge [sflag:s25], $0x4000  }
0x39: {  	[sflag:s25] =	ssyncset.done $0x0  }
0x3a: {  	[sflag:s25] =	ssyncadd.s32 $0xFFFFC000  }
0x3b: {  	[tilespmem:s29], [sflag:$0x2] =	stream.linear.gather [spmem:s12], $0x4000, $0x38;
	[tilespmem:$0x1E800] =	vst v63  }
0x3c: {  	_ =	swait.ge [sflag:s24], $0x4000  }
0x3d: {  	[sflag:s24] =	ssyncset.done $0x0  }
0x3e: {  	s14 =	sadd.s32 s6, s19;
	[sflag:s24] =	ssyncadd.s32 $0xFFFFC000  }
0x3f: {  	[hbm4b:s14+s2] =	stream.linear.scatter [tilespmem:s23], [sflag:$0x3], $0x4000, $0x38;
	[tilespmem:$0x1E800] =	vst v63  }
0x40: {  	_ =	swait.ge [sflag:s25], $0x4000  }
0x41: {  	[sflag:s25] =	ssyncset.done $0x0  }
0x42: {  	[sflag:s25] =	ssyncadd.s32 $0xFFFFC000  }
0x43: {  	[tilespmem:s23], [sflag:$0x1] =	stream.linear.gather [spmem:s13], $0x4000, $0x38;
	[tilespmem:$0x1E800] =	vst v63  }
0x44: {  	_ =	swait.ge [sflag:s30], $0x4000  }
0x45: {  	[sflag:s30] =	ssyncset.done $0x0  }
0x46: {  	s14 =	sadd.s32 s6, s20;
	[sflag:s30] =	ssyncadd.s32 $0xFFFFC000  }
0x47: {  	[hbm4b:s14+s2] =	stream.linear.scatter [tilespmem:s29], [sflag:$0x3], $0x4000, $0x38;
	[tilespmem:$0x1E800] =	vst v63  }
0x48: {  	_ =	swait.ge [sflag:s25], $0x4000  }
0x49: {  	[sflag:s25] =	ssyncset.done $0x0  }
0x4a: {  	[sflag:s25] =	ssyncadd.s32 $0xFFFFC000  }
0x4b: {  	s3 =	sadd.s32 $0x1, s3;
	_ =	swait.ge [sflag:s24], $0x4000  }
0x4c: {  	p1 =	sne.s32 s3, s22;
	[sflag:s24] =	ssyncset.done $0x0  }
.Ltmp1:
0x4d: {  	s14 =	sadd.s32 s6, s21;
	[sflag:s24] =	ssyncadd.s32 $0xFFFFC000;
	(pc) =	sbr.rel @!p1 .LBB2_15-.Ltmp1, $4  }
0x4e: {  	[hbm4b:s14+s2] =	stream.linear.scatter [tilespmem:s23], [sflag:$0x3], $0x4000, $0x38;
	[tilespmem:$0x1E800] =	vst v63  }
0x4f: {  	_ =	swait.ge [sflag:s25], $0x4000  }
0x50: {  	[sflag:s25] =	ssyncset.done $0x0  }
0x51: {  	[sflag:s25] =	ssyncadd.s32 $0xFFFFC000  }
.LBB2_1:
0x52: {  	s6 =	simm.s32 $0x0;
	s7 =	simm.s32 $0x200  }
.LBB2_2:
0x53: {  	p1 =	sne.s32 s7, $0xFE00;
	[tilespmem:s6+$0x2870] =	vst v0  }
0x54: {  	[tilespmem:s6+$0x2800] =	vst v0  }
0x55: {  	[tilespmem:s6+$0x2810] =	vst v0  }
.Ltmp2:
0x56: {  	[tilespmem:s6+$0x2820] =	vst v0;
	(pc) =	sbr.rel @p1 .LBB2_2-.Ltmp2, $4  }
0x57: {  	[tilespmem:s6+$0x2830] =	vst v0  }
0x58: {  	[tilespmem:s6+$0x2840] =	vst v0  }
0x59: {  	[tilespmem:s6+$0x2850] =	vst v0  }
0x5a: {  	[tilespmem:s6+$0x2860] =	vst v0;
	s6 =	sshra.s32 s7, $0x2;
	s7 =	sadd.s32 $0x200, s7  }
0x5b: {  	[tilespmem:s6+$0x2870] =	vst v0  }
0x5c: {  	[tilespmem:s6+$0x2800] =	vst v0  }
0x5d: {  	[tilespmem:s6+$0x2810] =	vst v0  }
0x5e: {  	[tilespmem:s6+$0x2820] =	vst v0  }
0x5f: {  	[tilespmem:s6+$0x2830] =	vst v0  }
0x60: {  	[tilespmem:s6+$0x2840] =	vst v0  }
0x61: {  	[tilespmem:s6+$0x2850] =	vst v0  }
0x62: {  	[tilespmem:s6+$0x2860] =	vst v0  }
0x63: {  	[spmem:s8] =	stream.linear.scatter [tilespmem:s23], [sflag:$0x1], $0x4000, $0x38;
	[tilespmem:$0x1E800] =	vst v63  }
0x64: {  	_ = 	snop  }
0x65: {  	[spmem:s9] =	stream.linear.scatter [tilespmem:s23], [sflag:$0x1], $0x4000, $0x38;
	[tilespmem:$0x1E800] =	vst v63  }
0x66: {  	_ = 	snop  }
0x67: {  	[spmem:s10] =	stream.linear.scatter [tilespmem:s23], [sflag:$0x1], $0x4000, $0x38;
	[tilespmem:$0x1E800] =	vst v63  }
0x68: {  	_ = 	snop  }
0x69: {  	[spmem:s12] =	stream.linear.scatter [tilespmem:s23], [sflag:$0x1], $0x4000, $0x38;
	[tilespmem:$0x1E800] =	vst v63  }
0x6a: {  	_ = 	snop  }
0x6b: {  	[spmem:s13] =	stream.linear.scatter [tilespmem:s23], [sflag:$0x1], $0x4000, $0x38;
	[tilespmem:$0x1E800] =	vst v63  }
0x6c: {  	_ =	swait.ge [sflag:s24], $0x4000  }
0x6d: {  	[sflag:s24] =	ssyncset.done $0x0  }
0x6e: {  	[sflag:s24] =	ssyncadd.s32 $0xFFFFC000  }
0x6f: {  	_ =	swait.ge [sflag:s24], $0x4000  }
0x70: {  	[sflag:s24] =	ssyncset.done $0x0  }
0x71: {  	[sflag:s24] =	ssyncadd.s32 $0xFFFFC000  }
0x72: {  	_ =	swait.ge [sflag:s24], $0x4000  }
0x73: {  	[sflag:s24] =	ssyncset.done $0x0  }
0x74: {  	[sflag:s24] =	ssyncadd.s32 $0xFFFFC000  }
0x75: {  	_ =	swait.ge [sflag:s24], $0x4000  }
0x76: {  	[sflag:s24] =	ssyncset.done $0x0  }
0x77: {  	[sflag:s24] =	ssyncadd.s32 $0xFFFFC000  }
0x78: {  	_ =	swait.ge [sflag:s24], $0x4000  }
0x79: {  	[sflag:s24] =	ssyncset.done $0x0  }
0x7a: {  	[sflag:s24] =	ssyncadd.s32 $0xFFFFC000  }
0x7b: {  	[bflag:$0x0] =	sbarrier.arrive $0xFFFF  }
0x7c: {  	s14 =	rddreg [dreg:$0x7]  }
0x7d: {  	[tilespmem:s2], [sflag:$0x3] =	stream.linear.gather [hbm4b:s14+s2], $0x1400, $0x38;
	[tilespmem:$0x1E800] =	vst v63  }
0x7e: {  	_ =	swait.ge [sflag:s25], $0x1400  }
0x7f: {  	[sflag:s25] =	ssyncset.done $0x0  }
.Ltmp3:
0x80: {  	[sflag:s25] =	ssyncadd.s32 $0xFFFFEC00;
	(pc) =	sbr.rel @p0 .LBB2_9-.Ltmp3, $4  }
0x81: {  	[tilespmem:s26], [sflag:$0x3] =	stream.linear.gather [hbm4b:s15+s2], $0x1400, $0x38;
	[tilespmem:$0x1E800] =	vst v63  }
0x82: {  	_ =	swait.ge [sflag:s25], $0x1400  }
0x83: {  	[sflag:s25] =	ssyncset.done $0x0  }
0x84: {  	s6 =	simm.s32 $0x0;
	[sflag:s25] =	ssyncadd.s32 $0xFFFFEC00  }
0x85: {  	[tilespmem:s23], [sflag:$0x1] =	stream.indirect.gather [hbm4b:s4+s28], $0x80, s6, s28, $0xb8;
	[tilespmem:$0x1E800] =	vst v63  }
0x86: {  	_ = 	snop  }
0x87: {  	[tilespmem:s29], [sflag:$0x2] =	stream.indirect.gather [hbm4b:s4+s28], $0x80, s28, s28, $0xb8;
	[tilespmem:$0x1E800] =	vst v63  }
0x88: {  	_ =	swait.ge [sflag:s24], $0x4000  }
0x89: {  	[sflag:s24] =	ssyncset.done $0x0  }
0x8a: {  	s14 =	simm.s32 $0x1400;
	[sflag:s24] =	ssyncadd.s32 $0xFFFFC000  }
0x8b: {  	[spmem:s1] =	stream.indirect.scatter.add.f32 [tilespmem:s23], [sflag:$0x3], $0x80, s14, s28, $0xb8;
	[tilespmem:$0x1E800] =	vst v63  }
0x8c: {  	_ =	swait.ge [sflag:s25], $0x4000  }
0x8d: {  	[sflag:s25] =	ssyncset.done $0x0  }
0x8e: {  	s7 =	simm.s32 $0x100;
	[sflag:s25] =	ssyncadd.s32 $0xFFFFC000  }
0x8f: {  	[tilespmem:s23], [sflag:$0x1] =	stream.indirect.gather [hbm4b:s4+s28], $0x80, s7, s28, $0xb8;
	[tilespmem:$0x1E800] =	vst v63  }
0x90: {  	_ =	swait.ge [sflag:s30], $0x4000  }
0x91: {  	[sflag:s30] =	ssyncset.done $0x0  }
0x92: {  	s14 =	simm.s32 $0x1480;
	[sflag:s30] =	ssyncadd.s32 $0xFFFFC000  }
0x93: {  	[spmem:s1] =	stream.indirect.scatter.add.f32 [tilespmem:s29], [sflag:$0x3], $0x80, s14, s28, $0xb8;
	[tilespmem:$0x1E800] =	vst v63  }
0x94: {  	_ =	swait.ge [sflag:s25], $0x4000  }
0x95: {  	[sflag:s25] =	ssyncset.done $0x0  }
0x96: {  	s6 =	simm.s32 $0x400;
	s7 =	simm.s32 $0x180;
	[sflag:s25] =	ssyncadd.s32 $0xFFFFC000  }
.LBB2_5:
0x97: {  	[tilespmem:s29], [sflag:$0x2] =	stream.indirect.gather [hbm4b:s4+s28], $0x80, s7, s28, $0xb8;
	[tilespmem:$0x1E800] =	vst v63  }
0x98: {  	s7 =	smov.u32 s6  }
0x99: {  	p1 =	sne.s32 s6, $0x4800;
	s6 =	sadd.s32 $0x400, s6;
	_ =	swait.ge [sflag:s24], $0x4000  }
0x9a: {  	s7 =	sshra.s32 s7, $0x2;
	[sflag:s24] =	ssyncset.done $0x0  }
0x9b: {  	s14 =	sadd.s32 $0x1400, s7;
	[sflag:s24] =	ssyncadd.s32 $0xFFFFC000  }
0x9c: {  	[spmem:s1] =	stream.indirect.scatter.add.f32 [tilespmem:s23], [sflag:$0x3], $0x80, s14, s28, $0xb8;
	[tilespmem:$0x1E800] =	vst v63  }
0x9d: {  	_ =	swait.ge [sflag:s25], $0x4000  }
0x9e: {  	[sflag:s25] =	ssyncset.done $0x0  }
0x9f: {  	s14 =	sadd.s32 $0x100, s7;
	[sflag:s25] =	ssyncadd.s32 $0xFFFFC000  }
0xa0: {  	[tilespmem:s23], [sflag:$0x1] =	stream.indirect.gather [hbm4b:s4+s28], $0x80, s14, s28, $0xb8;
	[tilespmem:$0x1E800] =	vst v63  }
0xa1: {  	_ =	swait.ge [sflag:s30], $0x4000  }
0xa2: {  	[sflag:s30] =	ssyncset.done $0x0  }
.Ltmp4:
0xa3: {  	s14 =	sadd.s32 $0x1480, s7;
	[sflag:s30] =	ssyncadd.s32 $0xFFFFC000;
	(pc) =	sbr.rel @p1 .LBB2_5-.Ltmp4, $4  }
0xa4: {  	[spmem:s1] =	stream.indirect.scatter.add.f32 [tilespmem:s29], [sflag:$0x3], $0x80, s14, s28, $0xb8;
	[tilespmem:$0x1E800] =	vst v63  }
0xa5: {  	_ =	swait.ge [sflag:s25], $0x4000  }
0xa6: {  	[sflag:s25] =	ssyncset.done $0x0  }
0xa7: {  	s7 =	sadd.s32 $0x180, s7;
	[sflag:s25] =	ssyncadd.s32 $0xFFFFC000  }
0xa8: {  	[tilespmem:s29], [sflag:$0x2] =	stream.indirect.gather [hbm4b:s4+s28], $0x80, s7, s28, $0xb8;
	[tilespmem:$0x1E800] =	vst v63  }
0xa9: {  	_ =	swait.ge [sflag:s24], $0x4000  }
0xaa: {  	[sflag:s24] =	ssyncset.done $0x0  }
0xab: {  	[sflag:s24] =	ssyncadd.s32 $0xFFFFC000  }
0xac: {  	[spmem:s1] =	stream.indirect.scatter.add.f32 [tilespmem:s23], [sflag:$0x3], $0x80, s31, s28, $0xb8;
	[tilespmem:$0x1E800] =	vst v63  }
0xad: {  	_ =	swait.ge [sflag:s25], $0x4000  }
0xae: {  	[sflag:s25] =	ssyncset.done $0x0  }
0xaf: {  	[sflag:s25] =	ssyncadd.s32 $0xFFFFC000  }
0xb0: {  	_ =	swait.ge [sflag:s30], $0x4000  }
0xb1: {  	[sflag:s30] =	ssyncset.done $0x0  }
0xb2: {  	[sflag:s30] =	ssyncadd.s32 $0xFFFFC000  }
0xb3: {  	[spmem:s1] =	stream.indirect.scatter.add.f32 [tilespmem:s29], [sflag:$0x3], $0x80, s0, s28, $0xb8;
	[tilespmem:$0x1E800] =	vst v63  }
0xb4: {  	_ =	swait.ge [sflag:s25], $0x4000  }
0xb5: {  	[sflag:s25] =	ssyncset.done $0x0  }
0xb6: {  	s6 =	simm.s32 $0x0;
	[sflag:s25] =	ssyncadd.s32 $0xFFFFC000  }
0xb7: {  	[tilespmem:s6], [sflag:$0x3] =	stream.linear.gather [hbm4b:s16+s6], $0x1400, $0x38;
	[tilespmem:$0x1E800] =	vst v63  }
0xb8: {  	_ =	swait.ge [sflag:s25], $0x1400  }
0xb9: {  	[sflag:s25] =	ssyncset.done $0x0  }
0xba: {  	[sflag:s25] =	ssyncadd.s32 $0xFFFFEC00  }
0xbb: {  	[tilespmem:s26], [sflag:$0x3] =	stream.linear.gather [hbm4b:s17+s6], $0x1400, $0x38;
	[tilespmem:$0x1E800] =	vst v63  }
0xbc: {  	_ =	swait.ge [sflag:s25], $0x1400  }
0xbd: {  	[sflag:s25] =	ssyncset.done $0x0  }
0xbe: {  	[sflag:s25] =	ssyncadd.s32 $0xFFFFEC00  }
0xbf: {  	[tilespmem:s23], [sflag:$0x1] =	stream.indirect.gather [hbm4b:s4+s28], $0x80, s6, s28, $0xb8;
	[tilespmem:$0x1E800] =	vst v63  }
0xc0: {  	_ = 	snop  }
0xc1: {  	[tilespmem:s29], [sflag:$0x2] =	stream.indirect.gather [hbm4b:s4+s28], $0x80, s28, s28, $0xb8;
	[tilespmem:$0x1E800] =	vst v63  }
0xc2: {  	_ =	swait.ge [sflag:s24], $0x4000  }
0xc3: {  	[sflag:s24] =	ssyncset.done $0x0  }
0xc4: {  	s14 =	simm.s32 $0x1400;
	[sflag:s24] =	ssyncadd.s32 $0xFFFFC000  }
0xc5: {  	[spmem:s1] =	stream.indirect.scatter.add.f32 [tilespmem:s23], [sflag:$0x3], $0x80, s14, s28, $0xb8;
	[tilespmem:$0x1E800] =	vst v63  }
0xc6: {  	_ =	swait.ge [sflag:s25], $0x4000  }
0xc7: {  	[sflag:s25] =	ssyncset.done $0x0  }
0xc8: {  	s7 =	simm.s32 $0x100;
	[sflag:s25] =	ssyncadd.s32 $0xFFFFC000  }
0xc9: {  	[tilespmem:s23], [sflag:$0x1] =	stream.indirect.gather [hbm4b:s4+s28], $0x80, s7, s28, $0xb8;
	[tilespmem:$0x1E800] =	vst v63  }
0xca: {  	_ =	swait.ge [sflag:s30], $0x4000  }
0xcb: {  	[sflag:s30] =	ssyncset.done $0x0  }
0xcc: {  	s14 =	simm.s32 $0x1480;
	[sflag:s30] =	ssyncadd.s32 $0xFFFFC000  }
0xcd: {  	[spmem:s1] =	stream.indirect.scatter.add.f32 [tilespmem:s29], [sflag:$0x3], $0x80, s14, s28, $0xb8;
	[tilespmem:$0x1E800] =	vst v63  }
0xce: {  	_ =	swait.ge [sflag:s25], $0x4000  }
0xcf: {  	[sflag:s25] =	ssyncset.done $0x0  }
0xd0: {  	s6 =	simm.s32 $0x400;
	s7 =	simm.s32 $0x180;
	[sflag:s25] =	ssyncadd.s32 $0xFFFFC000  }
.LBB2_7:
0xd1: {  	[tilespmem:s29], [sflag:$0x2] =	stream.indirect.gather [hbm4b:s4+s28], $0x80, s7, s28, $0xb8;
	[tilespmem:$0x1E800] =	vst v63  }
0xd2: {  	s7 =	smov.u32 s6  }
0xd3: {  	p1 =	seq.s32 s6, $0x4800;
	s6 =	sadd.s32 $0x400, s6;
	_ =	swait.ge [sflag:s24], $0x4000  }
0xd4: {  	s7 =	sshra.s32 s7, $0x2;
	[sflag:s24] =	ssyncset.done $0x0  }
0xd5: {  	s14 =	sadd.s32 $0x1400, s7;
	[sflag:s24] =	ssyncadd.s32 $0xFFFFC000  }
0xd6: {  	[spmem:s1] =	stream.indirect.scatter.add.f32 [tilespmem:s23], [sflag:$0x3], $0x80, s14, s28, $0xb8;
	[tilespmem:$0x1E800] =	vst v63  }
0xd7: {  	_ =	swait.ge [sflag:s25], $0x4000  }
0xd8: {  	[sflag:s25] =	ssyncset.done $0x0  }
0xd9: {  	s14 =	sadd.s32 $0x100, s7;
	[sflag:s25] =	ssyncadd.s32 $0xFFFFC000  }
0xda: {  	[tilespmem:s23], [sflag:$0x1] =	stream.indirect.gather [hbm4b:s4+s28], $0x80, s14, s28, $0xb8;
	[tilespmem:$0x1E800] =	vst v63  }
0xdb: {  	_ =	swait.ge [sflag:s30], $0x4000  }
0xdc: {  	[sflag:s30] =	ssyncset.done $0x0  }
.Ltmp5:
0xdd: {  	s14 =	sadd.s32 $0x1480, s7;
	[sflag:s30] =	ssyncadd.s32 $0xFFFFC000;
	(pc) =	sbr.rel @!p1 .LBB2_7-.Ltmp5, $4  }
0xde: {  	[spmem:s1] =	stream.indirect.scatter.add.f32 [tilespmem:s29], [sflag:$0x3], $0x80, s14, s28, $0xb8;
	[tilespmem:$0x1E800] =	vst v63  }
0xdf: {  	_ =	swait.ge [sflag:s25], $0x4000  }
0xe0: {  	[sflag:s25] =	ssyncset.done $0x0  }
0xe1: {  	s7 =	sadd.s32 $0x180, s7;
	[sflag:s25] =	ssyncadd.s32 $0xFFFFC000  }
.Ltmp6:
0xe2: {  	(pc) =	sbr.rel .LBB2_14-.Ltmp6, $3  }
0xe3: {  	_ =	sdelay $0x1  }
0xe4: {  	[tilespmem:s29], [sflag:$0x2] =	stream.indirect.gather [hbm4b:s4+s28], $0x80, s7, s28, $0xb8;
	[tilespmem:$0x1E800] =	vst v63  }
0xe5: {  	s6 =	rddreg [dreg:$0x5]  }
.LBB2_9:
0xe6: {  	[tilespmem:s23], [sflag:$0x1] =	stream.indirect.gather [hbm4b:s5+s28], $0x80, s6, s28, $0xb8;
	[tilespmem:$0x1E800] =	vst v63  }
0xe7: {  	_ = 	snop  }
0xe8: {  	[tilespmem:s29], [sflag:$0x2] =	stream.indirect.gather [hbm4b:s5+s28], $0x80, s28, s28, $0xb8;
	[tilespmem:$0x1E800] =	vst v63  }
0xe9: {  	_ =	swait.ge [sflag:s24], $0x4000  }
0xea: {  	[sflag:s24] =	ssyncset.done $0x0  }
0xeb: {  	s14 =	simm.s32 $0x1400;
	[sflag:s24] =	ssyncadd.s32 $0xFFFFC000  }
0xec: {  	[spmem:s1] =	stream.indirect.scatter.add.f32 [tilespmem:s23], [sflag:$0x3], $0x80, s14, s28, $0xb8;
	[tilespmem:$0x1E800] =	vst v63  }
0xed: {  	_ =	swait.ge [sflag:s25], $0x4000  }
0xee: {  	[sflag:s25] =	ssyncset.done $0x0  }
0xef: {  	s7 =	simm.s32 $0x100;
	[sflag:s25] =	ssyncadd.s32 $0xFFFFC000  }
0xf0: {  	[tilespmem:s23], [sflag:$0x1] =	stream.indirect.gather [hbm4b:s5+s28], $0x80, s7, s28, $0xb8;
	[tilespmem:$0x1E800] =	vst v63  }
0xf1: {  	_ =	swait.ge [sflag:s30], $0x4000  }
0xf2: {  	[sflag:s30] =	ssyncset.done $0x0  }
0xf3: {  	s14 =	simm.s32 $0x1480;
	[sflag:s30] =	ssyncadd.s32 $0xFFFFC000  }
0xf4: {  	[spmem:s1] =	stream.indirect.scatter.add.f32 [tilespmem:s29], [sflag:$0x3], $0x80, s14, s28, $0xb8;
	[tilespmem:$0x1E800] =	vst v63  }
0xf5: {  	_ =	swait.ge [sflag:s25], $0x4000  }
0xf6: {  	[sflag:s25] =	ssyncset.done $0x0  }
0xf7: {  	s6 =	simm.s32 $0x400;
	s7 =	simm.s32 $0x180;
	[sflag:s25] =	ssyncadd.s32 $0xFFFFC000  }
.LBB2_10:
0xf8: {  	[tilespmem:s29], [sflag:$0x2] =	stream.indirect.gather [hbm4b:s5+s28], $0x80, s7, s28, $0xb8;
	[tilespmem:$0x1E800] =	vst v63  }
0xf9: {  	s7 =	smov.u32 s6  }
0xfa: {  	p1 =	sne.s32 s6, $0x4800;
	s6 =	sadd.s32 $0x400, s6;
	_ =	swait.ge [sflag:s24], $0x4000  }
0xfb: {  	s7 =	sshra.s32 s7, $0x2;
	[sflag:s24] =	ssyncset.done $0x0  }
0xfc: {  	s14 =	sadd.s32 $0x1400, s7;
	[sflag:s24] =	ssyncadd.s32 $0xFFFFC000  }
0xfd: {  	[spmem:s1] =	stream.indirect.scatter.add.f32 [tilespmem:s23], [sflag:$0x3], $0x80, s14, s28, $0xb8;
	[tilespmem:$0x1E800] =	vst v63  }
0xfe: {  	_ =	swait.ge [sflag:s25], $0x4000  }
0xff: {  	[sflag:s25] =	ssyncset.done $0x0  }
0x100: {  	s14 =	sadd.s32 $0x100, s7;
	[sflag:s25] =	ssyncadd.s32 $0xFFFFC000  }
0x101: {  	[tilespmem:s23], [sflag:$0x1] =	stream.indirect.gather [hbm4b:s5+s28], $0x80, s14, s28, $0xb8;
	[tilespmem:$0x1E800] =	vst v63  }
0x102: {  	_ =	swait.ge [sflag:s30], $0x4000  }
0x103: {  	[sflag:s30] =	ssyncset.done $0x0  }
.Ltmp7:
0x104: {  	s14 =	sadd.s32 $0x1480, s7;
	[sflag:s30] =	ssyncadd.s32 $0xFFFFC000;
	(pc) =	sbr.rel @p1 .LBB2_10-.Ltmp7, $4  }
0x105: {  	[spmem:s1] =	stream.indirect.scatter.add.f32 [tilespmem:s29], [sflag:$0x3], $0x80, s14, s28, $0xb8;
	[tilespmem:$0x1E800] =	vst v63  }
0x106: {  	_ =	swait.ge [sflag:s25], $0x4000  }
0x107: {  	[sflag:s25] =	ssyncset.done $0x0  }
0x108: {  	s7 =	sadd.s32 $0x180, s7;
	[sflag:s25] =	ssyncadd.s32 $0xFFFFC000  }
0x109: {  	[tilespmem:s29], [sflag:$0x2] =	stream.indirect.gather [hbm4b:s5+s28], $0x80, s7, s28, $0xb8;
	[tilespmem:$0x1E800] =	vst v63  }
0x10a: {  	_ =	swait.ge [sflag:s24], $0x4000  }
0x10b: {  	[sflag:s24] =	ssyncset.done $0x0  }
0x10c: {  	[sflag:s24] =	ssyncadd.s32 $0xFFFFC000  }
0x10d: {  	[spmem:s1] =	stream.indirect.scatter.add.f32 [tilespmem:s23], [sflag:$0x3], $0x80, s31, s28, $0xb8;
	[tilespmem:$0x1E800] =	vst v63  }
0x10e: {  	_ =	swait.ge [sflag:s25], $0x4000  }
0x10f: {  	[sflag:s25] =	ssyncset.done $0x0  }
0x110: {  	[sflag:s25] =	ssyncadd.s32 $0xFFFFC000  }
0x111: {  	_ =	swait.ge [sflag:s30], $0x4000  }
0x112: {  	[sflag:s30] =	ssyncset.done $0x0  }
0x113: {  	[sflag:s30] =	ssyncadd.s32 $0xFFFFC000  }
0x114: {  	[spmem:s1] =	stream.indirect.scatter.add.f32 [tilespmem:s29], [sflag:$0x3], $0x80, s0, s28, $0xb8;
	[tilespmem:$0x1E800] =	vst v63  }
0x115: {  	_ =	swait.ge [sflag:s25], $0x4000  }
0x116: {  	[sflag:s25] =	ssyncset.done $0x0  }
0x117: {  	s6 =	simm.s32 $0x0;
	[sflag:s25] =	ssyncadd.s32 $0xFFFFC000  }
0x118: {  	[tilespmem:s6], [sflag:$0x3] =	stream.linear.gather [hbm4b:s16+s6], $0x1400, $0x38;
	[tilespmem:$0x1E800] =	vst v63  }
0x119: {  	_ =	swait.ge [sflag:s25], $0x1400  }
0x11a: {  	[sflag:s25] =	ssyncset.done $0x0  }
0x11b: {  	[sflag:s25] =	ssyncadd.s32 $0xFFFFEC00  }
0x11c: {  	[tilespmem:s26], [sflag:$0x3] =	stream.linear.gather [hbm4b:s17+s6], $0x1400, $0x38;
	[tilespmem:$0x1E800] =	vst v63  }
0x11d: {  	_ =	swait.ge [sflag:s25], $0x1400  }
0x11e: {  	[sflag:s25] =	ssyncset.done $0x0  }
0x11f: {  	[sflag:s25] =	ssyncadd.s32 $0xFFFFEC00  }
0x120: {  	[tilespmem:s23], [sflag:$0x1] =	stream.indirect.gather [hbm4b:s5+s28], $0x80, s6, s28, $0xb8;
	[tilespmem:$0x1E800] =	vst v63  }
0x121: {  	_ = 	snop  }
0x122: {  	[tilespmem:s29], [sflag:$0x2] =	stream.indirect.gather [hbm4b:s5+s28], $0x80, s28, s28, $0xb8;
	[tilespmem:$0x1E800] =	vst v63  }
0x123: {  	_ =	swait.ge [sflag:s24], $0x4000  }
0x124: {  	[sflag:s24] =	ssyncset.done $0x0  }
0x125: {  	s14 =	simm.s32 $0x1400;
	[sflag:s24] =	ssyncadd.s32 $0xFFFFC000  }
0x126: {  	[spmem:s1] =	stream.indirect.scatter.add.f32 [tilespmem:s23], [sflag:$0x3], $0x80, s14, s28, $0xb8;
	[tilespmem:$0x1E800] =	vst v63  }
0x127: {  	_ =	swait.ge [sflag:s25], $0x4000  }
0x128: {  	[sflag:s25] =	ssyncset.done $0x0  }
0x129: {  	s7 =	simm.s32 $0x100;
	[sflag:s25] =	ssyncadd.s32 $0xFFFFC000  }
0x12a: {  	[tilespmem:s23], [sflag:$0x1] =	stream.indirect.gather [hbm4b:s5+s28], $0x80, s7, s28, $0xb8;
	[tilespmem:$0x1E800] =	vst v63  }
0x12b: {  	_ =	swait.ge [sflag:s30], $0x4000  }
0x12c: {  	[sflag:s30] =	ssyncset.done $0x0  }
0x12d: {  	s14 =	simm.s32 $0x1480;
	[sflag:s30] =	ssyncadd.s32 $0xFFFFC000  }
0x12e: {  	[spmem:s1] =	stream.indirect.scatter.add.f32 [tilespmem:s29], [sflag:$0x3], $0x80, s14, s28, $0xb8;
	[tilespmem:$0x1E800] =	vst v63  }
0x12f: {  	_ =	swait.ge [sflag:s25], $0x4000  }
0x130: {  	[sflag:s25] =	ssyncset.done $0x0  }
0x131: {  	s6 =	simm.s32 $0x400;
	s7 =	simm.s32 $0x180;
	[sflag:s25] =	ssyncadd.s32 $0xFFFFC000  }
.LBB2_12:
0x132: {  	[tilespmem:s29], [sflag:$0x2] =	stream.indirect.gather [hbm4b:s5+s28], $0x80, s7, s28, $0xb8;
	[tilespmem:$0x1E800] =	vst v63  }
0x133: {  	s7 =	smov.u32 s6  }
0x134: {  	p1 =	sne.s32 s6, $0x4800;
	s6 =	sadd.s32 $0x400, s6;
	_ =	swait.ge [sflag:s24], $0x4000  }
0x135: {  	s7 =	sshra.s32 s7, $0x2;
	[sflag:s24] =	ssyncset.done $0x0  }
0x136: {  	s14 =	sadd.s32 $0x1400, s7;
	[sflag:s24] =	ssyncadd.s32 $0xFFFFC000  }
0x137: {  	[spmem:s1] =	stream.indirect.scatter.add.f32 [tilespmem:s23], [sflag:$0x3], $0x80, s14, s28, $0xb8;
	[tilespmem:$0x1E800] =	vst v63  }
0x138: {  	_ =	swait.ge [sflag:s25], $0x4000  }
0x139: {  	[sflag:s25] =	ssyncset.done $0x0  }
0x13a: {  	s14 =	sadd.s32 $0x100, s7;
	[sflag:s25] =	ssyncadd.s32 $0xFFFFC000  }
0x13b: {  	[tilespmem:s23], [sflag:$0x1] =	stream.indirect.gather [hbm4b:s5+s28], $0x80, s14, s28, $0xb8;
	[tilespmem:$0x1E800] =	vst v63  }
0x13c: {  	_ =	swait.ge [sflag:s30], $0x4000  }
0x13d: {  	[sflag:s30] =	ssyncset.done $0x0  }
.Ltmp8:
0x13e: {  	s14 =	sadd.s32 $0x1480, s7;
	[sflag:s30] =	ssyncadd.s32 $0xFFFFC000;
	(pc) =	sbr.rel @p1 .LBB2_12-.Ltmp8, $4  }
0x13f: {  	[spmem:s1] =	stream.indirect.scatter.add.f32 [tilespmem:s29], [sflag:$0x3], $0x80, s14, s28, $0xb8;
	[tilespmem:$0x1E800] =	vst v63  }
0x140: {  	_ =	swait.ge [sflag:s25], $0x4000  }
0x141: {  	[sflag:s25] =	ssyncset.done $0x0  }
0x142: {  	s7 =	sadd.s32 $0x180, s7;
	[sflag:s25] =	ssyncadd.s32 $0xFFFFC000  }
.Ltmp9:
0x143: {  	_ = 	snop;
	(pc) =	sbr.rel .LBB2_13-.Ltmp9, $1  }
0x144: {  	_ =	sdelay $0x3  }
.LBB2_15:
0x145: {  	_ =	sfence.sel $0x180000  }
0x146: {  	[bflag:$0x0] =	sbarrier.arrive $0xFFFF  }
0x147: {  	_ =	strace $0x9000004D  }
0x148: {  	s0 =	stileid.u32;
	[bflag:$0x2] =	sbarrier.arrive $0xFFFF  }
0x149: {  	p0 =	sne.s32 s0, $0x0;
	s0 =	rddreg [dreg:$0x4]  }
0x14a: {  	s0 =	sadd.s32 @!p0 $0x100000, s0  }
0x14b: {  	[sflag:s0] =	ssyncadd.tile.s32 @!p0 $0x1;
	_ =	shalt  }
.Lfunc_end2:
_tile_overlayer_lowered:
.L_overlay_start_2:
0x14c: {  	(tag) =	ssettag $0x2  }
0x14d: {  	s0 =	rddreg [dreg:$0x0];
	s2 =	stileid.u32  }
0x14e: {  	s1 =	rddreg [dreg:$0x1];
	p0 =	sne.s32 s2, $0x0  }
0x14f: {  	s3 =	rddreg [dreg:$0x2];
	[bflag:$0x3] =	sbarrier.arrive $0xFFFF;
	s2 =	simm.s32 @!p0 $0x1C03  }
0x150: {  	[timem:s3], [sflag:s2] =	dma.local @!p0 [hbm:s0], s1  }
0x151: {  	s0 =	simm.s32 @!p0 $0x3  }
0x152: {  	_ =	swait.ge @!p0 [sflag:s0], s1  }
0x153: {  	s1 =	ssub.s32 @!p0 $0x0, s1;
	[sflag:s0] =	ssyncset.done @!p0 $0x0  }
0x154: {  	[sflag:s0] =	ssyncadd.s32 @!p0 s1  }
0x155: {  	[bflag:$0x3] =	sbarrier.arrive $0xFFFF  }
0x156: {  	_ =	shalt  }

// kernel: kernel.8.cloned.1.call-start
scs
__scs_entry_jumppad:
0x0: {  	(pc) =	sbr.rel $0x88, $3  }
0x1: {  	(tag) =	ssettag $0x0;
	lr =	simm.s32 $0x1  }
0x2: {  	[smem:$0x3F99] =	sst lr;
	_ =	strace $0xD0000000  }
0x3: {  	_ = 	snop  }
0x4: {  	_ = 	snop  }
0x5: {  	_ = 	snop  }
0x6: {  	_ = 	snop  }
0x7: {  	_ = 	snop  }
__scs_overlays_trampoline_lowered:
0x8: {  	[smem:$0x3FA8] =	sst s0  }
0x9: {  	[smem:$0x3FA9] =	sst s1  }
0xa: {  	[smem:$0x3FAA] =	sst s2  }
0xb: {  	[smem:$0x3FAB] =	sst s3  }
0xc: {  	[smem:$0x3FAC] =	sst s4  }
0xd: {  	[smem:$0x3FAD] =	sst s5  }
0xe: {  	[smem:$0x3FAE] =	sst s6  }
0xf: {  	[smem:$0x3FAF] =	sst s7  }
0x10: {  	[smem:$0x3FB0] =	sst s8  }
0x11: {  	[smem:$0x3FB1] =	sst s9;
	s0 =	simm.s32 @!p0 $0x0  }
0x12: {  	s1 =	sld [smem:$0x3F97];
	s0 =	simm.s32 @p0 $0x1  }
0x13: {  	[smem:$0x3FB2] =	sst s0;
	s0 =	simm.s32 @!p1 $0x0  }
0x14: {  	s2 =	sld [smem:$0x3F96];
	s0 =	simm.s32 @p1 $0x1  }
0x15: {  	[smem:$0x3FB3] =	sst s0;
	s0 =	simm.s32 @!p2 $0x0  }
0x16: {  	s3 =	sld [smem:$0x3FDB];
	s0 =	simm.s32 @p2 $0x1  }
0x17: {  	s4 =	simm.s32 $0x1BF5;
	[smem:$0x3FB5] =	sst s0  }
0x18: {  	s0 =	sld [smem:$0x3F98];
	_ =	swait.ge [sflag:s4], $0x0  }
0x19: {  	s7 =	sld [smem:$0x3F99]  }
0x1a: {  	s8 =	sadd.s32 $0xFFFFE003, lr  }
0x1b: {  	s9 =	sadd.s32 $0xFFFFFEF7, lr;
	s5 =	simm.s32 $0xFFFFFFFF;
	p2 =	slt.u32 s8, $0xFFFFF086  }
0x1c: {  	p1 =	slt.u32 s9, $0xF7A;
	s5 =	simm.s32 @!p2 $0x0  }
0x1d: {  	s5 =	simm.s32 @p1 $0x1;
	p0 =	seq.s32 s7, s2  }
0x1e: {  	s7 =	smul.u32 @!p0 $0xF7A, s2;
	p2 =	seq.s32 @!p0 s5, $0x0  }
0x1f: {  	s9 =	smul.u32 $0xF7A, s1;
	s8 =	simm.s32 @!p0 $0x1BF5;
	p2 =	por !p2, p0  }
0x20: {  	[sflag:s8] =	ssyncset.s32 @!p0 $0xFFFFF086;
	s6 =	sadd.s32 @!p0 s3, s7;
	s7 =	simm.s32 @!p0 $0x108  }
0x21: {  	s3 =	sadd.s32 s3, s9;
	s6 =	sadd.s32 @!p0 $0x88, s6;
	s7 =	simm.s32 @p2 $0x1082  }
0x22: {  	[simem:s7], [sflag:s8] =	dma.local @!p0 [hbm:s6], $0xF7A  }
0x23: {  	s9 =	sor.u32 $0xD0000000, s2;
	s6 =	simm.s32 $0x108;
	_ =	swait.ge @!p0 [sflag:s8], $0x0  }
0x24: {  	s3 =	sadd.s32 $0x88, s3;
	s6 =	simm.s32 @!p1 $0x1082;
	[sflag:s4] =	ssyncset.s32 $0xFFFFF086  }
0x25: {  	[simem:s6], [sflag:s4] =	dma.local [hbm:s3], $0xF7A  }
0x26: {  	[smem:$0x3F99] =	sst s1;
	(tag) =	ssettag s2;
	_ =	strace s9  }
0x27: {  	s1 =	sld [smem:$0x3FA9]  }
0x28: {  	s2 =	sld [smem:$0x3FAA]  }
0x29: {  	s4 =	sld [smem:$0x3FAC]  }
0x2a: {  	p0 =	seq.s32 s5, $0x0;
	s5 =	sld [smem:$0x3FAD]  }
0x2b: {  	s6 =	sld [smem:$0x3FAE]  }
0x2c: {  	s7 =	sld [smem:$0x3FAF]  }
0x2d: {  	s3 =	simm.s32 $0x108;
	s8 =	sld [smem:$0x3FB0]  }
0x2e: {  	s3 =	simm.s32 @!p0 $0x1082;
	s9 =	sld [smem:$0x3FB1]  }
0x2f: {  	lr =	sadd.s32 s0, s3;
	s0 =	sld [smem:$0x3FA8]  }
0x30: {  	s3 =	sld [smem:$0x3FAB]  }
0x31: {  	[smem:$0x3FB4] =	sst s10  }
0x32: {  	s10 =	sld [smem:$0x3FB2];
	_ =	sdelay $0x3  }
0x33: {  	p0 =	seq.s32 s10, $0x1;
	s10 =	sld [smem:$0x3FB4];
	_ =	sdelay $0x3  }
0x34: {  	[smem:$0x3FB4] =	sst s10  }
0x35: {  	s10 =	sld [smem:$0x3FB3];
	_ =	sdelay $0x3  }
0x36: {  	p1 =	seq.s32 s10, $0x1;
	s10 =	sld [smem:$0x3FB4];
	_ =	sdelay $0x3  }
0x37: {  	[smem:$0x3FB4] =	sst s10  }
0x38: {  	s10 =	sld [smem:$0x3FB5]  }
0x39: {  	_ = 	snop;
	(pc) =	sbr.ind lr, $3  }
0x3a: {  	_ = 	snop  }
0x3b: {  	_ = 	snop  }
0x3c: {  	p2 =	seq.s32 s10, $0x1;
	s10 =	sld [smem:$0x3FB4]  }
0x3d: {  	_ =	shalt  }
0x3e: {  	_ =	shalt  }
0x3f: {  	_ =	shalt  }
0x40: {  	_ =	shalt  }
0x41: {  	_ =	shalt  }
0x42: {  	_ =	shalt  }
0x43: {  	_ =	shalt  }
0x44: {  	_ =	shalt  }
0x45: {  	_ =	shalt  }
0x46: {  	_ =	shalt  }
0x47: {  	_ =	shalt  }
0x48: {  	_ =	shalt  }
0x49: {  	_ =	shalt  }
0x4a: {  	_ =	shalt  }
0x4b: {  	_ =	shalt  }
0x4c: {  	_ =	shalt  }
0x4d: {  	_ =	shalt  }
0x4e: {  	_ =	shalt  }
0x4f: {  	_ =	shalt  }
0x50: {  	_ =	shalt  }
0x51: {  	_ =	shalt  }
0x52: {  	_ =	shalt  }
0x53: {  	_ =	shalt  }
0x54: {  	_ =	shalt  }
0x55: {  	_ =	shalt  }
0x56: {  	_ =	shalt  }
0x57: {  	_ =	shalt  }
0x58: {  	_ =	shalt  }
0x59: {  	_ =	shalt  }
0x5a: {  	_ =	shalt  }
0x5b: {  	_ =	shalt  }
0x5c: {  	_ =	shalt  }
0x5d: {  	_ =	shalt  }
0x5e: {  	_ =	shalt  }
0x5f: {  	_ =	shalt  }
0x60: {  	_ =	shalt  }
0x61: {  	_ =	shalt  }
0x62: {  	_ =	shalt  }
0x63: {  	_ =	shalt  }
0x64: {  	_ =	shalt  }
0x65: {  	_ =	shalt  }
0x66: {  	_ =	shalt  }
0x67: {  	_ =	shalt  }
0x68: {  	_ =	shalt  }
0x69: {  	_ =	shalt  }
0x6a: {  	_ =	shalt  }
0x6b: {  	_ =	shalt  }
0x6c: {  	_ =	shalt  }
0x6d: {  	_ =	shalt  }
0x6e: {  	_ =	shalt  }
0x6f: {  	_ =	shalt  }
0x70: {  	_ =	shalt  }
0x71: {  	_ =	shalt  }
0x72: {  	_ =	shalt  }
0x73: {  	_ =	shalt  }
0x74: {  	_ =	shalt  }
0x75: {  	_ =	shalt  }
0x76: {  	_ =	shalt  }
0x77: {  	_ =	shalt  }
0x78: {  	_ =	shalt  }
0x79: {  	_ =	shalt  }
0x7a: {  	_ =	shalt  }
0x7b: {  	_ =	shalt  }
0x7c: {  	_ =	shalt  }
0x7d: {  	_ =	shalt  }
0x7e: {  	_ =	shalt  }
0x7f: {  	_ =	shalt  }
0x80: {  	_ =	shalt  }
0x81: {  	_ =	shalt  }
0x82: {  	_ =	shalt  }
0x83: {  	_ =	shalt  }
0x84: {  	_ =	shalt  }
0x85: {  	_ =	shalt  }
0x86: {  	_ =	shalt  }
0x87: {  	_ =	shalt  }
.Lfunc_end0:
.L_simem_size_0:
called_computation_lowered:
.L_overlay_start_0:
0x88: {  	s2 =	sld [smem:$0x3FD9]  }
0x89: {  	s3 =	sld [smem:$0x3FFE];
	_ =	sdelay $0x1  }
0x8a: {  	s1 =	srdreg.scid  }
0x8b: {  	s0 =	sand.u32 $0x1, s1  }
0x8c: {  	s14 =	sshll.u32 s0, $0xA;
	s2 =	sadd.s32 s3, s2  }
0x8d: {  	s2 =	sadd.s32 s2, s14  }
0x8e: {  	[smem:$0x3FC0] =	sst s2  }
0x8f: {  	_ = 	snop  }
0x90: {  	s2 =	sld [smem:$0x3FD0];
	_ =	sdelay $0x2  }
0x91: {  	s15 =	simm.s32 $0xA;
	s4 =	simm.s32 $0x10  }
0x92: {  	[smem:s4], [sflag:s15] =	dma.local [hbm:s2], $0x1  }
0x93: {  	_ =	swait.eq [sflag:s15], $0x1  }
0x94: {  	[sflag:s15] =	ssyncset.done $0x0  }
0x95: {  	[sflag:s15] =	ssyncadd.s32 $0xFFFFFFFF  }
0x96: {  	s16 =	sld [smem:$0x10];
	(tm) =	ssettm $0x1  }
0x97: {  	s17 =	sld [smem:$0x3FFB];
	_ =	sdelay $0x3  }
0x98: {  	_ =	strace s17  }
0x99: {  	s3 =	sld [smem:$0x3FFC];
	_ =	sdelay $0x3  }
0x9a: {  	_ =	strace s3  }
0x9b: {  	s3 =	sld [smem:$0x3FFD];
	_ =	sdelay $0x3  }
0x9c: {  	_ =	strace s3  }
0x9d: {  	_ =	strace $0x8FFFFFFF  }
0x9e: {  	s18 =	sld [smem:$0x3FDB];
	_ =	sdelay $0x1  }
0x9f: {  	s19 =	simm.s32 $_scs_section_size  }
0xa0: {  	s5 =	simm.s32 $_size__tile_overlayer_lowered;
	s6 =	simm.s32 $_tile_overlayer_lowered  }
0xa1: {  	s22 =	simm.s32 $0x1BFF;
	s21 =	sshll.u32 s6, $0x1;
	s3 =	sadd.s32 s19, s18  }
0xa2: {  	s7 =	simm.s32 $0x0;
	s20 =	sshll.u32 s5, $0x1;
	s5 =	sadd.s32 s21, s3  }
0xa3: {  	[timem:s7], [sflag:s22] =	dma.local [hbm:s5], s20  }
0xa4: {  	_ =	swait.ge [sflag:s22], s20  }
0xa5: {  	s4 =	ssub.s32 $0x0, s20;
	[sflag:s22] =	ssyncset.done $0x0  }
0xa6: {  	[sflag:s22] =	ssyncadd.s32 s4;
	_ =	sdelay $0x1  }
0xa7: {  	s23 =	simm.s32 $0x1B8B  }
0xa8: {  	_ =	swait.ge [sflag:s23], $0x1  }
0xa9: {  	[sflag:s23] =	ssyncset.done $0x0  }
0xaa: {  	s25 =	simm.s32 $0x1B8E;
	s24 =	sld [smem:$0x3FFE];
	[sflag:s23] =	ssyncadd.s32 $0xFFFFFFFF  }
0xab: {  	s26 =	simm.s32 $execute0_lowered;
	[smem:$0x3FD2] =	sst s25  }
0xac: {  	s5 =	sshll.u32 s26, $0x1;
	_ =	strace $0x80000046;
	[dreg:$0x1] =	wrdreg $0xFFFFFFFF  }
0xad: {  	s28 =	simm.s32 $_size_execute0_lowered;
	s3 =	sadd.s32 s3, s5;
	[dreg:$0x0] =	wrdreg $0x0  }
0xae: {  	s5 =	sshll.u32 s28, $0x1;
	[dreg:$0x2] =	wrdreg s3  }
0xaf: {  	[dreg:$0x3] =	wrdreg s5  }
0xb0: {  	[dreg:$0x4] =	wrdreg $0xC0  }
0xb1: {  	_ =	task [dreg:s7], $0x5FFFF  }
0xb2: {  	[dreg:$0x1] =	wrdreg $0xFFFFFFFF  }
0xb3: {  	[dreg:$0x0] =	wrdreg $0x60  }
0xb4: {  	[dreg:$0x2] =	wrdreg s16  }
0xb5: {  	[dreg:$0x3] =	wrdreg s24  }
0xb6: {  	[dreg:$0x4] =	wrdreg $0x94000  }
0xb7: {  	[dreg:$0x5] =	wrdreg $0x9  }
0xb8: {  	_ =	task.clear_ibuf [dreg:s7], $0x6FFFF;
	_ =	strace $0x90000046  }
0xb9: {  	s29 =	simm.s32 $0x9;
	_ =	strace $0x80000048  }
0xba: {  	_ =	swait.ge [sflag:s29], $0x1  }
0xbb: {  	[sflag:s29] =	ssyncadd.s32 $0xFFFFFFFF  }
0xbc: {  	_ =	strace $0x90000048  }
0xbd: {  	_ =	sfence  }
0xbe: {  	s30 =	sld [smem:$0x0];
	_ =	sdelay $0x2  }
0xbf: {  	s31 =	sshll.u32 s1, $0xD;
	s1 =	sshrl.u32 s1, $0x2  }
0xc0: {  	s3 =	sand.u32 $0x4000, s31;
	s1 =	sadd.s32 s1, s30  }
0xc1: {  	s0 =	sor.u32 s3, s0;
	s1 =	sshll.u32 s1, $0x11  }
0xc2: {  	s0 =	sor.u32 s1, s0  }
0xc3: {  	s0 =	sadd.s32 $0x8F2B, s0  }
0xc4: {  	[sflag:s0] =	ssyncadd.remote.s32 $0x1  }
0xc5: {  	_ =	sfence.sel $0xFFFF  }
0xc6: {  	[dreg:$0x0] =	wrdreg $0xFFFFFFFF;
	(pc) =	sbr.abs _section_cstart, $3  }
0xc7: {  	[dreg:$0x1] =	wrdreg $0xFFFFFFFF  }
0xc8: {  	_ =	task.clear_ibuf [dreg:s7], $0x2FFFF;
	_ =	strace $0x9FFFFFFF  }
0xc9: {  	(tm) =	ssettm $0x7FFFFFFF  }
tec
execute0_lowered:
.L_overlay_start_1:
0x0: {  	(tag) =	ssettag $0x1  }
0x1: {  	s0 =	rddreg [dreg:$0x0]  }
0x2: {  	s2 =	rddreg [dreg:$0x1]  }
0x3: {  	s1 =	rddreg [dreg:$0x2]  }
0x4: {  	s3 =	srdreg.scid;
	s12 =	stileid.u32  }
0x5: {  	s16 =	simm.s32 $0x2B800;
	s20 =	simm.s32 $0x2;
	s21 =	simm.s32 $0x5400  }
0x6: {  	s22 =	simm.s32 $0x80;
	s31 =	simm.s32 $0x1180;
	s6 =	smul.u32 $0x50000, s12  }
0x7: {  	s28 =	simm.s32 $0x0;
	s10 =	sand.u32 $0x1, s3;
	s24 =	smul.u32 $0x280, s12  }
0x8: {  	s3 =	simm.s32 $0x0;
	s25 =	smul.u32 $0x2800, s12;
	s4 =	sshll.u32 s10, $0x4  }
0x9: {  	s5 =	ssub.s32 $0x2, s10;
	[smem:$0x7FF] =	sst s3;
	p0 =	seq.s32 s10, $0x1  }
0xa: {  	s4 =	sor.u32 s12, s4;
	s7 =	sshrl.u32 s5, $0x1;
	_ =	strace $0x80000047  }
0xb: {  	s23 =	sshrl.u32 s6, $0x2;
	s26 =	sadd.s32 $0x80, s24;
	s13 =	sadd.s32 $0x100, s24  }
0xc: {  	s17 =	sadd.s32 $0x180, s24;
	s16 =	simm.s32 @!p0 $0x3800;
	s4 =	smul.u32 $0x280, s4  }
0xd: {  	s11 =	ssub.s32 s5, s7;
	s5 =	sadd.s32 s23, s1;
	s14 =	sshll.u32 s26, $0x4  }
0xe: {  	s15 =	sshll.u32 s13, $0x4;
	s18 =	sshll.u32 s17, $0x4;
	s2 =	sadd.s32 s16, s2  }
0xf: {  	s12 =	sshll.u32 s26, $0x7;
	s29 =	sshll.u32 s13, $0x7;
	s30 =	sshll.u32 s17, $0x7  }
0x10: {  	s23 =	simm.s32 $0x1400;
	s26 =	simm.s32 $0x1;
	s6 =	sadd.s32 $0x4000, s5  }
0x11: {  	s7 =	sadd.s32 $0x8000, s5;
	s8 =	sadd.s32 $0xC000, s5;
	s9 =	sadd.s32 $0x10000, s5  }
0x12: {  	s10 =	smax.u32 s11, $0x1;
	s11 =	sadd.s32 s2, s25;
	s12 =	sadd.s32 s12, s1  }
0x13: {  	s13 =	sadd.s32 s2, s14;
	s14 =	sadd.s32 s29, s1;
	s15 =	sadd.s32 s2, s15  }
0x14: {  	s16 =	sadd.s32 s30, s1;
	s4 =	sadd.s32 s0, s4;
	s0 =	sadd.s32 $0x200, s24  }
0x15: {  	s17 =	sadd.s32 s2, s18;
	s19 =	sshll.u32 s0, $0x4;
	s0 =	sshll.u32 s0, $0x7  }
0x16: {  	s25 =	simm.s32 $0x1380;
	s24 =	simm.s32 $0x1300;
	s18 =	sadd.s32 s0, s1  }
0x17: {  	v0 =	vimm.f32 $1.000000000e+00;
	v1 =	vimm.f32 $0.0e+00;
	s19 =	sadd.s32 s2, s19;
	s0 =	simm.s32 $0x1200;
	s2 =	simm.s32 $0x1280  }
.LBB2_1:
0x18: {  	[tilespmem:s3], [sflag:$0x2] =	stream.linear.gather [hbm4b:s4+s3], $0x1400, $0x38;
	[tilespmem:$0x1D400] =	vst v63  }
0x19: {  	_ =	swait.ge [sflag:s20], $0x1400  }
0x1a: {  	[sflag:s20] =	ssyncset.done $0x0  }
0x1b: {  	s29 =	simm.s32 $0x0;
	s30 =	simm.s32 $0x200;
	[sflag:s20] =	ssyncadd.s32 $0xFFFFEC00  }
.LBB2_2:
0x1c: {  	p0 =	sne.s32 s30, $0xFE00;
	[tilespmem:s29+$0x5470] =	vst v1  }
0x1d: {  	[tilespmem:s29+$0x1400] =	vst v0  }
0x1e: {  	[tilespmem:s29+$0x5400] =	vst v1  }
0x1f: {  	[tilespmem:s29+$0x1410] =	vst v0  }
0x20: {  	[tilespmem:s29+$0x5410] =	vst v1  }
0x21: {  	[tilespmem:s29+$0x1420] =	vst v0  }
0x22: {  	[tilespmem:s29+$0x5420] =	vst v1  }
0x23: {  	[tilespmem:s29+$0x1430] =	vst v0  }
0x24: {  	[tilespmem:s29+$0x5430] =	vst v1  }
0x25: {  	[tilespmem:s29+$0x1440] =	vst v0  }
0x26: {  	[tilespmem:s29+$0x5440] =	vst v1  }
.Ltmp0:
0x27: {  	[tilespmem:s29+$0x1450] =	vst v0;
	(pc) =	sbr.rel @p0 .LBB2_2-.Ltmp0, $4  }
0x28: {  	[tilespmem:s29+$0x5450] =	vst v1  }
0x29: {  	[tilespmem:s29+$0x1460] =	vst v0  }
0x2a: {  	[tilespmem:s29+$0x5460] =	vst v1  }
0x2b: {  	[tilespmem:s29+$0x1470] =	vst v0;
	s29 =	sshra.s32 s30, $0x2;
	s30 =	sadd.s32 $0x200, s30  }
0x2c: {  	[tilespmem:s29+$0x5470] =	vst v1  }
0x2d: {  	[tilespmem:s29+$0x1400] =	vst v0  }
0x2e: {  	[tilespmem:s29+$0x5400] =	vst v1  }
0x2f: {  	[tilespmem:s29+$0x1410] =	vst v0  }
0x30: {  	[tilespmem:s29+$0x5410] =	vst v1  }
0x31: {  	[tilespmem:s29+$0x1420] =	vst v0  }
0x32: {  	[tilespmem:s29+$0x5420] =	vst v1  }
0x33: {  	[tilespmem:s29+$0x1430] =	vst v0  }
0x34: {  	[tilespmem:s29+$0x5430] =	vst v1  }
0x35: {  	[tilespmem:s29+$0x1440] =	vst v0  }
0x36: {  	[tilespmem:s29+$0x5440] =	vst v1  }
0x37: {  	[tilespmem:s29+$0x1450] =	vst v0  }
0x38: {  	[tilespmem:s29+$0x5450] =	vst v1  }
0x39: {  	[tilespmem:s29+$0x1460] =	vst v0  }
0x3a: {  	[tilespmem:s29+$0x5460] =	vst v1  }
0x3b: {  	[tilespmem:s29+$0x1470] =	vst v0  }
0x3c: {  	[spmem:s5] =	stream.linear.scatter [tilespmem:s21], [sflag:$0x2], $0x4000, $0x38;
	[tilespmem:$0x1D400] =	vst v63  }
0x3d: {  	_ =	swait.ge [sflag:s20], $0x4000  }
0x3e: {  	[sflag:s20] =	ssyncset.done $0x0  }
0x3f: {  	[sflag:s20] =	ssyncadd.s32 $0xFFFFC000  }
0x40: {  	[spmem:s6] =	stream.linear.scatter [tilespmem:s21], [sflag:$0x2], $0x4000, $0x38;
	[tilespmem:$0x1D400] =	vst v63  }
0x41: {  	_ =	swait.ge [sflag:s20], $0x4000  }
0x42: {  	[sflag:s20] =	ssyncset.done $0x0  }
0x43: {  	[sflag:s20] =	ssyncadd.s32 $0xFFFFC000  }
0x44: {  	[spmem:s7] =	stream.linear.scatter [tilespmem:s21], [sflag:$0x2], $0x4000, $0x38;
	[tilespmem:$0x1D400] =	vst v63  }
0x45: {  	_ =	swait.ge [sflag:s20], $0x4000  }
0x46: {  	[sflag:s20] =	ssyncset.done $0x0  }
0x47: {  	[sflag:s20] =	ssyncadd.s32 $0xFFFFC000  }
0x48: {  	[spmem:s8] =	stream.linear.scatter [tilespmem:s21], [sflag:$0x2], $0x4000, $0x38;
	[tilespmem:$0x1D400] =	vst v63  }
0x49: {  	_ =	swait.ge [sflag:s20], $0x4000  }
0x4a: {  	[sflag:s20] =	ssyncset.done $0x0  }
0x4b: {  	[sflag:s20] =	ssyncadd.s32 $0xFFFFC000  }
0x4c: {  	[spmem:s9] =	stream.linear.scatter [tilespmem:s21], [sflag:$0x2], $0x4000, $0x38;
	[tilespmem:$0x1D400] =	vst v63  }
0x4d: {  	_ =	swait.ge [sflag:s20], $0x4000  }
0x4e: {  	[sflag:s20] =	ssyncset.done $0x0  }
0x4f: {  	[sflag:s20] =	ssyncadd.s32 $0xFFFFC000  }
0x50: {  	[bflag:$0x0] =	sbarrier.arrive $0xFFFF  }
0x51: {  	[spmem:s1] =	stream.indirect.scatter.add.f32 [tilespmem:s23], [sflag:$0x1], $0x80, s3, s22, $0xb8;
	[tilespmem:$0x1D400] =	vst v63  }
0x52: {  	_ = 	snop  }
0x53: {  	[spmem:s1] =	stream.indirect.scatter.add.f32 [tilespmem:s23], [sflag:$0x1], $0x80, s22, s22, $0xb8;
	[tilespmem:$0x1D400] =	vst v63  }
0x54: {  	s29 =	simm.s32 $0x100  }
0x55: {  	[spmem:s1] =	stream.indirect.scatter.add.f32 [tilespmem:s23], [sflag:$0x1], $0x80, s29, s22, $0xb8;
	[tilespmem:$0x1D400] =	vst v63  }
0x56: {  	s29 =	simm.s32 $0x180  }
0x57: {  	[spmem:s1] =	stream.indirect.scatter.add.f32 [tilespmem:s23], [sflag:$0x1], $0x80, s29, s22, $0xb8;
	[tilespmem:$0x1D400] =	vst v63  }
0x58: {  	s29 =	simm.s32 $0x200  }
0x59: {  	[spmem:s1] =	stream.indirect.scatter.add.f32 [tilespmem:s23], [sflag:$0x1], $0x80, s29, s22, $0xb8;
	[tilespmem:$0x1D400] =	vst v63  }
0x5a: {  	s29 =	simm.s32 $0x280  }
0x5b: {  	[spmem:s1] =	stream.indirect.scatter.add.f32 [tilespmem:s23], [sflag:$0x1], $0x80, s29, s22, $0xb8;
	[tilespmem:$0x1D400] =	vst v63  }
0x5c: {  	s29 =	simm.s32 $0x300  }
0x5d: {  	[spmem:s1] =	stream.indirect.scatter.add.f32 [tilespmem:s23], [sflag:$0x1], $0x80, s29, s22, $0xb8;
	[tilespmem:$0x1D400] =	vst v63  }
0x5e: {  	s29 =	simm.s32 $0x380  }
0x5f: {  	[spmem:s1] =	stream.indirect.scatter.add.f32 [tilespmem:s23], [sflag:$0x1], $0x80, s29, s22, $0xb8;
	[tilespmem:$0x1D400] =	vst v63  }
0x60: {  	s29 =	simm.s32 $0x400  }
0x61: {  	[spmem:s1] =	stream.indirect.scatter.add.f32 [tilespmem:s23], [sflag:$0x1], $0x80, s29, s22, $0xb8;
	[tilespmem:$0x1D400] =	vst v63  }
0x62: {  	s29 =	simm.s32 $0x480  }
0x63: {  	[spmem:s1] =	stream.indirect.scatter.add.f32 [tilespmem:s23], [sflag:$0x1], $0x80, s29, s22, $0xb8;
	[tilespmem:$0x1D400] =	vst v63  }
0x64: {  	s29 =	simm.s32 $0x500  }
0x65: {  	[spmem:s1] =	stream.indirect.scatter.add.f32 [tilespmem:s23], [sflag:$0x1], $0x80, s29, s22, $0xb8;
	[tilespmem:$0x1D400] =	vst v63  }
0x66: {  	s29 =	simm.s32 $0x580  }
0x67: {  	[spmem:s1] =	stream.indirect.scatter.add.f32 [tilespmem:s23], [sflag:$0x1], $0x80, s29, s22, $0xb8;
	[tilespmem:$0x1D400] =	vst v63  }
0x68: {  	s29 =	simm.s32 $0x600  }
0x69: {  	[spmem:s1] =	stream.indirect.scatter.add.f32 [tilespmem:s23], [sflag:$0x1], $0x80, s29, s22, $0xb8;
	[tilespmem:$0x1D400] =	vst v63  }
0x6a: {  	s29 =	simm.s32 $0x680  }
0x6b: {  	[spmem:s1] =	stream.indirect.scatter.add.f32 [tilespmem:s23], [sflag:$0x1], $0x80, s29, s22, $0xb8;
	[tilespmem:$0x1D400] =	vst v63  }
0x6c: {  	s29 =	simm.s32 $0x700  }
0x6d: {  	[spmem:s1] =	stream.indirect.scatter.add.f32 [tilespmem:s23], [sflag:$0x1], $0x80, s29, s22, $0xb8;
	[tilespmem:$0x1D400] =	vst v63  }
0x6e: {  	s29 =	simm.s32 $0x780  }
0x6f: {  	[spmem:s1] =	stream.indirect.scatter.add.f32 [tilespmem:s23], [sflag:$0x1], $0x80, s29, s22, $0xb8;
	[tilespmem:$0x1D400] =	vst v63  }
0x70: {  	s29 =	simm.s32 $0x800  }
0x71: {  	[spmem:s1] =	stream.indirect.scatter.add.f32 [tilespmem:s23], [sflag:$0x1], $0x80, s29, s22, $0xb8;
	[tilespmem:$0x1D400] =	vst v63  }
0x72: {  	s29 =	simm.s32 $0x880  }
0x73: {  	[spmem:s1] =	stream.indirect.scatter.add.f32 [tilespmem:s23], [sflag:$0x1], $0x80, s29, s22, $0xb8;
	[tilespmem:$0x1D400] =	vst v63  }
0x74: {  	s29 =	simm.s32 $0x900  }
0x75: {  	[spmem:s1] =	stream.indirect.scatter.add.f32 [tilespmem:s23], [sflag:$0x1], $0x80, s29, s22, $0xb8;
	[tilespmem:$0x1D400] =	vst v63  }
0x76: {  	s29 =	simm.s32 $0x980  }
0x77: {  	[spmem:s1] =	stream.indirect.scatter.add.f32 [tilespmem:s23], [sflag:$0x1], $0x80, s29, s22, $0xb8;
	[tilespmem:$0x1D400] =	vst v63  }
0x78: {  	s29 =	simm.s32 $0xA00  }
0x79: {  	[spmem:s1] =	stream.indirect.scatter.add.f32 [tilespmem:s23], [sflag:$0x1], $0x80, s29, s22, $0xb8;
	[tilespmem:$0x1D400] =	vst v63  }
0x7a: {  	s29 =	simm.s32 $0xA80  }
0x7b: {  	[spmem:s1] =	stream.indirect.scatter.add.f32 [tilespmem:s23], [sflag:$0x1], $0x80, s29, s22, $0xb8;
	[tilespmem:$0x1D400] =	vst v63  }
0x7c: {  	s29 =	simm.s32 $0xB00  }
0x7d: {  	[spmem:s1] =	stream.indirect.scatter.add.f32 [tilespmem:s23], [sflag:$0x1], $0x80, s29, s22, $0xb8;
	[tilespmem:$0x1D400] =	vst v63  }
0x7e: {  	s29 =	simm.s32 $0xB80  }
0x7f: {  	[spmem:s1] =	stream.indirect.scatter.add.f32 [tilespmem:s23], [sflag:$0x1], $0x80, s29, s22, $0xb8;
	[tilespmem:$0x1D400] =	vst v63  }
0x80: {  	s29 =	simm.s32 $0xC00  }
0x81: {  	[spmem:s1] =	stream.indirect.scatter.add.f32 [tilespmem:s23], [sflag:$0x1], $0x80, s29, s22, $0xb8;
	[tilespmem:$0x1D400] =	vst v63  }
0x82: {  	s29 =	simm.s32 $0xC80  }
0x83: {  	[spmem:s1] =	stream.indirect.scatter.add.f32 [tilespmem:s23], [sflag:$0x1], $0x80, s29, s22, $0xb8;
	[tilespmem:$0x1D400] =	vst v63  }
0x84: {  	s29 =	simm.s32 $0xD00  }
0x85: {  	[spmem:s1] =	stream.indirect.scatter.add.f32 [tilespmem:s23], [sflag:$0x1], $0x80, s29, s22, $0xb8;
	[tilespmem:$0x1D400] =	vst v63  }
0x86: {  	s29 =	simm.s32 $0xD80  }
0x87: {  	[spmem:s1] =	stream.indirect.scatter.add.f32 [tilespmem:s23], [sflag:$0x1], $0x80, s29, s22, $0xb8;
	[tilespmem:$0x1D400] =	vst v63  }
0x88: {  	s29 =	simm.s32 $0xE00  }
0x89: {  	[spmem:s1] =	stream.indirect.scatter.add.f32 [tilespmem:s23], [sflag:$0x1], $0x80, s29, s22, $0xb8;
	[tilespmem:$0x1D400] =	vst v63  }
0x8a: {  	s29 =	simm.s32 $0xE80  }
0x8b: {  	[spmem:s1] =	stream.indirect.scatter.add.f32 [tilespmem:s23], [sflag:$0x1], $0x80, s29, s22, $0xb8;
	[tilespmem:$0x1D400] =	vst v63  }
0x8c: {  	s29 =	simm.s32 $0xF00  }
0x8d: {  	[spmem:s1] =	stream.indirect.scatter.add.f32 [tilespmem:s23], [sflag:$0x1], $0x80, s29, s22, $0xb8;
	[tilespmem:$0x1D400] =	vst v63  }
0x8e: {  	s29 =	simm.s32 $0xF80  }
0x8f: {  	[spmem:s1] =	stream.indirect.scatter.add.f32 [tilespmem:s23], [sflag:$0x1], $0x80, s29, s22, $0xb8;
	[tilespmem:$0x1D400] =	vst v63  }
0x90: {  	s29 =	simm.s32 $0x1000  }
0x91: {  	[spmem:s1] =	stream.indirect.scatter.add.f32 [tilespmem:s23], [sflag:$0x1], $0x80, s29, s22, $0xb8;
	[tilespmem:$0x1D400] =	vst v63  }
0x92: {  	s29 =	simm.s32 $0x1080  }
0x93: {  	[spmem:s1] =	stream.indirect.scatter.add.f32 [tilespmem:s23], [sflag:$0x1], $0x80, s29, s22, $0xb8;
	[tilespmem:$0x1D400] =	vst v63  }
0x94: {  	s29 =	simm.s32 $0x1100  }
0x95: {  	[spmem:s1] =	stream.indirect.scatter.add.f32 [tilespmem:s23], [sflag:$0x1], $0x80, s29, s22, $0xb8;
	[tilespmem:$0x1D400] =	vst v63  }
0x96: {  	_ = 	snop  }
0x97: {  	[spmem:s1] =	stream.indirect.scatter.add.f32 [tilespmem:s23], [sflag:$0x1], $0x80, s31, s22, $0xb8;
	[tilespmem:$0x1D400] =	vst v63  }
0x98: {  	_ = 	snop  }
0x99: {  	[spmem:s1] =	stream.indirect.scatter.add.f32 [tilespmem:s23], [sflag:$0x1], $0x80, s0, s22, $0xb8;
	[tilespmem:$0x1D400] =	vst v63  }
0x9a: {  	_ = 	snop  }
0x9b: {  	[spmem:s1] =	stream.indirect.scatter.add.f32 [tilespmem:s23], [sflag:$0x1], $0x80, s2, s22, $0xb8;
	[tilespmem:$0x1D400] =	vst v63  }
0x9c: {  	_ = 	snop  }
0x9d: {  	[spmem:s1] =	stream.indirect.scatter.add.f32 [tilespmem:s23], [sflag:$0x1], $0x80, s24, s22, $0xb8;
	[tilespmem:$0x1D400] =	vst v63  }
0x9e: {  	_ = 	snop  }
0x9f: {  	[spmem:s1] =	stream.indirect.scatter.add.f32 [tilespmem:s23], [sflag:$0x1], $0x80, s25, s22, $0xb8;
	[tilespmem:$0x1D400] =	vst v63  }
0xa0: {  	_ =	swait.ge [sflag:s26], $0x4000  }
0xa1: {  	s29 =	simm.s32 $0x27;
	[sflag:s26] =	ssyncset.done $0x0  }
.LBB2_4:
0xa2: {  	p0 =	sne.s32 s29, $0x1;
	s29 =	sadd.s32 $0xFFFFFFFF, s29;
	[sflag:s26] =	ssyncadd.s32 $0xFFFFC000  }
.Ltmp1:
0xa3: {  	(pc) =	sbr.rel @p0 .LBB2_4-.Ltmp1, $3  }
0xa4: {  	_ =	sdelay $0x1  }
0xa5: {  	_ =	swait.ge [sflag:s26], $0x4000  }
0xa6: {  	[sflag:s26] =	ssyncset.done $0x0  }
0xa7: {  	[sflag:s26] =	ssyncadd.s32 $0xFFFFC000  }
0xa8: {  	[bflag:$0x0] =	sbarrier.arrive $0xFFFF  }
0xa9: {  	[tilespmem:s21], [sflag:$0x2] =	stream.linear.gather [spmem:s5], $0x4000, $0x38;
	[tilespmem:$0x1D400] =	vst v63  }
0xaa: {  	_ =	swait.ge [sflag:s20], $0x4000  }
0xab: {  	[sflag:s20] =	ssyncset.done $0x0  }
0xac: {  	[sflag:s20] =	ssyncadd.s32 $0xFFFFC000  }
0xad: {  	[hbm4b:s11+s3] =	stream.linear.scatter [tilespmem:s21], [sflag:$0x2], $0x4000, $0x38;
	[tilespmem:$0x1D400] =	vst v63  }
0xae: {  	_ =	swait.ge [sflag:s20], $0x4000  }
0xaf: {  	[sflag:s20] =	ssyncset.done $0x0  }
0xb0: {  	[sflag:s20] =	ssyncadd.s32 $0xFFFFC000  }
0xb1: {  	[tilespmem:s21], [sflag:$0x2] =	stream.linear.gather [spmem:s12], $0x4000, $0x38;
	[tilespmem:$0x1D400] =	vst v63  }
0xb2: {  	_ =	swait.ge [sflag:s20], $0x4000  }
0xb3: {  	[sflag:s20] =	ssyncset.done $0x0  }
0xb4: {  	[sflag:s20] =	ssyncadd.s32 $0xFFFFC000  }
0xb5: {  	[hbm4b:s13+s3] =	stream.linear.scatter [tilespmem:s21], [sflag:$0x2], $0x4000, $0x38;
	[tilespmem:$0x1D400] =	vst v63  }
0xb6: {  	_ =	swait.ge [sflag:s20], $0x4000  }
0xb7: {  	[sflag:s20] =	ssyncset.done $0x0  }
0xb8: {  	[sflag:s20] =	ssyncadd.s32 $0xFFFFC000  }
0xb9: {  	[tilespmem:s21], [sflag:$0x2] =	stream.linear.gather [spmem:s14], $0x4000, $0x38;
	[tilespmem:$0x1D400] =	vst v63  }
0xba: {  	_ =	swait.ge [sflag:s20], $0x4000  }
0xbb: {  	[sflag:s20] =	ssyncset.done $0x0  }
0xbc: {  	[sflag:s20] =	ssyncadd.s32 $0xFFFFC000  }
0xbd: {  	[hbm4b:s15+s3] =	stream.linear.scatter [tilespmem:s21], [sflag:$0x2], $0x4000, $0x38;
	[tilespmem:$0x1D400] =	vst v63  }
0xbe: {  	_ =	swait.ge [sflag:s20], $0x4000  }
0xbf: {  	[sflag:s20] =	ssyncset.done $0x0  }
0xc0: {  	[sflag:s20] =	ssyncadd.s32 $0xFFFFC000  }
0xc1: {  	[tilespmem:s21], [sflag:$0x2] =	stream.linear.gather [spmem:s16], $0x4000, $0x38;
	[tilespmem:$0x1D400] =	vst v63  }
0xc2: {  	_ =	swait.ge [sflag:s20], $0x4000  }
0xc3: {  	[sflag:s20] =	ssyncset.done $0x0  }
0xc4: {  	[sflag:s20] =	ssyncadd.s32 $0xFFFFC000  }
0xc5: {  	[hbm4b:s17+s3] =	stream.linear.scatter [tilespmem:s21], [sflag:$0x2], $0x4000, $0x38;
	[tilespmem:$0x1D400] =	vst v63  }
0xc6: {  	_ =	swait.ge [sflag:s20], $0x4000  }
0xc7: {  	[sflag:s20] =	ssyncset.done $0x0  }
0xc8: {  	[sflag:s20] =	ssyncadd.s32 $0xFFFFC000  }
0xc9: {  	[tilespmem:s21], [sflag:$0x2] =	stream.linear.gather [spmem:s18], $0x4000, $0x38;
	[tilespmem:$0x1D400] =	vst v63  }
0xca: {  	s28 =	sadd.s32 $0x1, s28;
	_ =	swait.ge [sflag:s20], $0x4000  }
0xcb: {  	p0 =	sne.s32 s28, s10;
	[sflag:s20] =	ssyncset.done $0x0  }
.Ltmp2:
0xcc: {  	[sflag:s20] =	ssyncadd.s32 $0xFFFFC000;
	(pc) =	sbr.rel @p0 .LBB2_1-.Ltmp2, $4  }
0xcd: {  	[hbm4b:s19+s3] =	stream.linear.scatter [tilespmem:s21], [sflag:$0x2], $0x4000, $0x38;
	[tilespmem:$0x1D400] =	vst v63  }
0xce: {  	_ =	swait.ge [sflag:s20], $0x4000  }
0xcf: {  	[sflag:s20] =	ssyncset.done $0x0  }
0xd0: {  	[sflag:s20] =	ssyncadd.s32 $0xFFFFC000  }
0xd1: {  	_ =	sfence.sel $0x180000  }
0xd2: {  	[bflag:$0x0] =	sbarrier.arrive $0xFFFF  }
0xd3: {  	_ =	strace $0x90000047  }
0xd4: {  	s0 =	stileid.u32;
	[bflag:$0x2] =	sbarrier.arrive $0xFFFF  }
0xd5: {  	p0 =	sne.s32 s0, $0x0;
	s0 =	rddreg [dreg:$0x3]  }
0xd6: {  	s0 =	sadd.s32 @!p0 $0x100000, s0  }
0xd7: {  	[sflag:s0] =	ssyncadd.tile.s32 @!p0 $0x1;
	_ =	shalt  }
.Lfunc_end2:
_tile_overlayer_lowered:
.L_overlay_start_2:
0xd8: {  	(tag) =	ssettag $0x2  }
0xd9: {  	s0 =	rddreg [dreg:$0x0];
	s2 =	stileid.u32  }
0xda: {  	s1 =	rddreg [dreg:$0x1];
	p0 =	sne.s32 s2, $0x0  }
0xdb: {  	s3 =	rddreg [dreg:$0x2];
	[bflag:$0x3] =	sbarrier.arrive $0xFFFF;
	s2 =	simm.s32 @!p0 $0x1C02  }
0xdc: {  	[timem:s3], [sflag:s2] =	dma.local @!p0 [hbm:s0], s1  }
0xdd: {  	s0 =	simm.s32 @!p0 $0x2  }
0xde: {  	_ =	swait.ge @!p0 [sflag:s0], s1  }
0xdf: {  	s1 =	ssub.s32 @!p0 $0x0, s1;
	[sflag:s0] =	ssyncset.done @!p0 $0x0  }
0xe0: {  	[sflag:s0] =	ssyncadd.s32 @!p0 s1  }
0xe1: {  	[bflag:$0x3] =	sbarrier.arrive $0xFFFF  }
0xe2: {  	_ =	shalt  }

</sc_bundles>
